<compile_context>
chip_gen: v7x
topology: tpu7x:2x2x1
jax: 0.10.2.dev20260603
libtpu: 0.0.44.dev20260713+nightly
codegen_flags: <defaults>
</compile_context>

<pallas_src>
import functools

import jax
import jax.numpy as jnp
from jax import lax
from jax.experimental import pallas as pl
from jax.experimental.pallas import tpu as pltpu
from jax.experimental.pallas import tpu_sc as plsc

N_NODES = 10000
N_EDGES = 320000
D = 128

NC = 2
NS = 16
NW = NC * NS
EPT = N_EDGES // NW
CHUNK = 112
NCH = 89
TAIL = EPT - NCH * CHUNK
NPAD = 10240
RPS = NPAD // NS

_MESH = plsc.VectorSubcoreMesh(
    core_axis_name="c", subcore_axis_name="s", num_cores=NC, num_subcores=NS
)
_SC_PARAMS = pltpu.CompilerParams(needs_layout_passes=False)

def _z16():
    return jnp.zeros((16,), jnp.float32)


@functools.partial(
    pl.kernel,
    out_type=jax.ShapeDtypeStruct((NC, NPAD), jnp.float32),
    mesh=_MESH,
    compiler_params=_SC_PARAMS,
    scratch_types=[
        pltpu.VMEM((EPT,), jnp.int32),
        pltpu.VMEM((NPAD,), jnp.float32),
        pltpu.VMEM((NS, RPS), jnp.float32),
        pltpu.VMEM((RPS,), jnp.float32),
        pltpu.VMEM_SHARED((NS, NPAD), jnp.float32),
    ],
)
def _sc_deg(dst_hbm, out_hbm, dstv, hist, stage, degl, shared):
    c = lax.axis_index("c")
    s = lax.axis_index("s")
    wid = c * NS + s
    pltpu.sync_copy(dst_hbm.at[wid], dstv)

    def zero_hist(i, carry):
        hist[pl.ds(i * 16, 16)] = _z16()
        return carry

    lax.fori_loop(0, NPAD // 16, zero_hist, 0)

    def count(i, carry):
        idx = dstv[pl.ds(i * 16, 16)]
        plsc.addupdate_scatter(hist, [idx], _z16() + 1.0)
        return carry

    lax.fori_loop(0, EPT // 16, count, 0)

    pltpu.sync_copy(hist, shared.at[s])
    plsc.subcore_barrier()
    pltpu.sync_copy(shared.at[:, pl.ds(s * RPS, RPS)], stage)

    def reduce_cols(k, carry):
        acc = stage[0, pl.ds(k * 16, 16)]
        for r in range(1, NS):
            acc = acc + stage[r, pl.ds(k * 16, 16)]
        degl[pl.ds(k * 16, 16)] = acc
        return carry

    lax.fori_loop(0, RPS // 16, reduce_cols, 0)
    pltpu.sync_copy(degl, out_hbm.at[c, pl.ds(s * RPS, RPS)])


@functools.partial(
    pl.kernel,
    out_type=jax.ShapeDtypeStruct((NC, NPAD, D), jnp.float32),
    mesh=_MESH,
    compiler_params=_SC_PARAMS,
    scratch_types=[
        pltpu.VMEM((EPT,), jnp.int32),
        pltpu.VMEM((2, CHUNK), jnp.int32),
        pltpu.VMEM((1, CHUNK), jnp.int32),
        pltpu.VMEM((1, TAIL), jnp.int32),
        pltpu.VMEM((1, TAIL), jnp.int32),
        [pltpu.VMEM((CHUNK, D), jnp.float32) for _ in range(2)],
        pltpu.VMEM_SHARED((NPAD, D), jnp.float32),
        [pltpu.SemaphoreType.DMA for _ in range(2)],
    ],
)
def _sc_agg(y_hbm, pk_hbm, out_hbm, pkv, srcb2, dstb2, srcbt, dstbt, bufs, acc, gsems):
    c = lax.axis_index("c")
    s = lax.axis_index("s")
    wid = c * NS + s
    pltpu.sync_copy(pk_hbm.at[wid], pkv)

    def unpack(base, n, ref, shift):
        for k in range(n // 16):
            p = pkv[pl.ds(base + k * 16, 16)]
            if shift:
                ref[0, pl.ds(k * 16, 16)] = lax.shift_right_logical(p, 16)
            else:
                ref[0, pl.ds(k * 16, 16)] = lax.bitwise_and(p, 0xFFFF)

    def unpack_src(cidx, b):
        for k in range(CHUNK // 16):
            p = pkv[pl.ds(cidx * CHUNK + k * 16, 16)]
            srcb2[b, pl.ds(k * 16, 16)] = lax.bitwise_and(p, 0xFFFF)

    def unpack_dst(cidx):
        for k in range(CHUNK // 16):
            p = pkv[pl.ds(cidx * CHUNK + k * 16, 16)]
            dstb2[0, pl.ds(k * 16, 16)] = lax.shift_right_logical(p, 16)

    def fill_zero(i, carry):
        for k in range(D // 16):
            bufs[0][i, pl.ds(k * 16, 16)] = _z16()
        return carry

    lax.fori_loop(0, 80, fill_zero, 0)
    for r in range(RPS // 80):
        pltpu.sync_copy(bufs[0].at[pl.ds(0, 80)],
                        acc.at[pl.ds(s * RPS + r * 80, 80)])
    plsc.subcore_barrier()

    def wait_gather(b):
        pltpu.make_async_copy(y_hbm.at[srcb2.at[b]], bufs[b], gsems[b]).wait()

    unpack_src(0, 0)
    pltpu.async_copy(y_hbm.at[srcb2.at[0]], bufs[0], gsems[0])
    unpack_src(1, 1)
    pltpu.async_copy(y_hbm.at[srcb2.at[1]], bufs[1], gsems[1])

    def body(j, carry):
        for b in range(2):
            cidx = 2 * j + b
            wait_gather(b)
            unpack_dst(cidx)
            pltpu.sync_copy(bufs[b], acc.at[dstb2.at[0]], add=True)

            @pl.when(j < (NCH - 1) // 2 - 1)
            def _start_next():
                unpack_src(cidx + 2, b)
                pltpu.async_copy(y_hbm.at[srcb2.at[b]], bufs[b], gsems[b])

        return carry

    lax.fori_loop(0, (NCH - 1) // 2, body, 0)
    unpack_src(NCH - 1, 0)
    pltpu.async_copy(y_hbm.at[srcb2.at[0]], bufs[0], gsems[0]).wait()
    unpack_dst(NCH - 1)
    pltpu.sync_copy(bufs[0], acc.at[dstb2.at[0]], add=True)

    unpack(NCH * CHUNK, TAIL, srcbt, False)
    pltpu.async_copy(y_hbm.at[srcbt.at[0]], bufs[1].at[pl.ds(0, TAIL)], gsems[1]).wait()
    unpack(NCH * CHUNK, TAIL, dstbt, True)
    pltpu.sync_copy(bufs[1].at[pl.ds(0, TAIL)], acc.at[dstbt.at[0]], add=True)

    plsc.subcore_barrier()
    pltpu.sync_copy(acc.at[pl.ds(s * RPS, RPS)], out_hbm.at[c, pl.ds(s * RPS, RPS)])


BLK = 2000


def _dis_from(dt):
    deg = dt[:, 0:1] + dt[:, 1:2] + 1.0
    return lax.rsqrt(deg)


def _tc_first_body(x_ref, w_ref, dt_ref, y_ref):
    dis = _dis_from(dt_ref[...])
    xw = jnp.dot(x_ref[...], w_ref[...], preferred_element_type=jnp.float32)
    y_ref[...] = dis * xw


def _tc_mid_body(agg_ref, y1_ref, dt_ref, b_ref, w_ref, y2_ref):
    dis = _dis_from(dt_ref[...])
    a = agg_ref[...]
    h = jnp.maximum(dis * (a[0] + a[1] + y1_ref[...]) + b_ref[...], 0.0)
    y2_ref[...] = dis * jnp.dot(h, w_ref[...], preferred_element_type=jnp.float32)


def _tc_last_body(agg_ref, y2_ref, dt_ref, b_ref, out_ref):
    dis = _dis_from(dt_ref[...])
    a = agg_ref[...]
    out_ref[...] = dis * (a[0] + a[1] + y2_ref[...]) + b_ref[...]


def _row_spec(width):
    return pl.BlockSpec((BLK, width), lambda i: (i, 0))


def _pair_spec(width):
    return pl.BlockSpec((2, BLK, width), lambda i: (0, i, 0))


def _full_spec(shape):
    return pl.BlockSpec(shape, lambda i: tuple(0 for _ in shape))


def _tc_first(x, w, dt):
    return pl.pallas_call(
        _tc_first_body,
        grid=(N_NODES // BLK,),
        in_specs=[_row_spec(D), _full_spec((D, D)), _row_spec(2)],
        out_specs=_row_spec(D),
        out_shape=jax.ShapeDtypeStruct((N_NODES, D), jnp.float32),
    )(x, w, dt)


def _tc_mid(agg, y1, dt, b, w):
    return pl.pallas_call(
        _tc_mid_body,
        grid=(N_NODES // BLK,),
        in_specs=[
            _pair_spec(D),
            _row_spec(D),
            _row_spec(2),
            _full_spec((1, D)),
            _full_spec((D, D)),
        ],
        out_specs=_row_spec(D),
        out_shape=jax.ShapeDtypeStruct((N_NODES, D), jnp.float32),
    )(agg, y1, dt, b, w)


def _tc_last(agg, y2, dt, b):
    return pl.pallas_call(
        _tc_last_body,
        grid=(N_NODES // BLK,),
        in_specs=[_pair_spec(D), _row_spec(D), _row_spec(2), _full_spec((1, D))],
        out_specs=_row_spec(D),
        out_shape=jax.ShapeDtypeStruct((N_NODES, D), jnp.float32),
    )(agg, y2, dt, b)


def kernel(x, edge_index, W1, b1, W2, b2):
    src = edge_index[0].astype(jnp.int32)
    dst = edge_index[1].astype(jnp.int32)
    dst_flat = dst.reshape(NW, EPT)
    packed = (src | (dst << 16)).reshape(NW, EPT)
    b1r = b1.reshape(1, D)
    b2r = b2.reshape(1, D)

    dp = _sc_deg(dst_flat)
    dt = dp.T
    y1 = _tc_first(x, W1, dt)
    agg1 = _sc_agg(y1, packed)
    y2 = _tc_mid(agg1, y1, dt, b1r, W2)
    agg2 = _sc_agg(y2, packed)
    return _tc_last(agg2, y2, dt, b2r)

# --- scband reference (transcript-rebuilt; emitter-appended) ---
"""Pipeline reference for scband-gnnmodel-20907900797394 (READ-ONLY COPY).

The authoritative reference and input builder live on the scoring server;
editing this copy changes nothing except your own understanding.
"""

import jax, jax.numpy as jnp
import numpy as np

N_NODES = 10000
N_EDGES = 320000
D_IN = 128
D_HID = 128
D_OUT = 128


def setup_inputs(seed: int = 0) -> dict:
    key = jax.random.key(seed)
    k1, k2, k3, k4, k5, k6 = jax.random.split(key, 6)
    x = jax.random.normal(k1, (N_NODES, D_IN), dtype=jnp.float32)
    edge_index = jax.random.randint(k2, (2, N_EDGES), 0, N_NODES, dtype=jnp.int64)
    # GCNConv layer 1: weight (in, out) glorot, bias zeros (PyG default init)
    lim1 = float(np.sqrt(6.0 / (D_IN + D_HID)))
    W1 = jax.random.uniform(k3, (D_IN, D_HID), dtype=jnp.float32, minval=-lim1, maxval=lim1)
    b1 = jnp.zeros((D_HID,), dtype=jnp.float32)
    # GCNConv layer 2
    lim2 = float(np.sqrt(6.0 / (D_HID + D_OUT)))
    W2 = jax.random.uniform(k4, (D_HID, D_OUT), dtype=jnp.float32, minval=-lim2, maxval=lim2)
    b2 = jnp.zeros((D_OUT,), dtype=jnp.float32)
    return {"x": x, "edge_index": edge_index, "W1": W1, "b1": b1, "W2": W2, "b2": b2}


def _gcn_conv(x, src, dst, W, b, num_nodes):
    # PyG GCNConv with add_self_loops=True, normalize=True, edge_weight=None
    loop = jnp.arange(num_nodes, dtype=src.dtype)
    src_f = jnp.concatenate([src, loop])
    dst_f = jnp.concatenate([dst, loop])
    # gcn_norm: degree computed on dst (col) with unit edge weights
    deg = jnp.zeros((num_nodes,), dtype=x.dtype).at[dst_f].add(1.0)
    deg_inv_sqrt = jnp.where(deg > 0, 1.0 / jnp.sqrt(deg), 0.0)
    norm = deg_inv_sqrt[src_f] * deg_inv_sqrt[dst_f]
    xw = x @ W
    msgs = xw[src_f] * norm[:, None]
    out = jnp.zeros((num_nodes, xw.shape[1]), dtype=x.dtype).at[dst_f].add(msgs)
    return out + b


def reference(x, edge_index, W1, b1, W2, b2):
    num_nodes = x.shape[0]
    src, dst = edge_index[0], edge_index[1]
    # layer 1: GCNConv -> ReLU -> Dropout (identity in eval/inference)
    h = _gcn_conv(x, src, dst, W1, b1, num_nodes)
    h = jax.nn.relu(h)
    # layer 2: GCNConv (output layer)
    out = _gcn_conv(h, src, dst, W2, b2, num_nodes)
    return out

if __name__ == "__main__":
    import jax
    _d = setup_inputs()
    print(jax.jit(kernel)(*tuple(_d.values())))

</pallas_src>

<mosaic_0001>
#map = affine_map<(d0, d1) -> (0, 0)>
module attributes {stable_mosaic.version = 14 : i64} {
  func.func @_sc_deg(%arg0: i32, %arg1: i32, %arg2: memref<32x10000xi32, #tpu.memory_space<hbm>>, %arg3: memref<2x10240xf32, #tpu.memory_space<hbm>>, %arg4: memref<10000xi32, #tpu.memory_space<vmem>>, %arg5: memref<10240xf32, #tpu.memory_space<vmem>>, %arg6: memref<16x640xf32, #tpu.memory_space<vmem>>, %arg7: memref<640xf32, #tpu.memory_space<vmem>>, %arg8: memref<16x10240xf32, #tpu.memory_space<vmem_shared>>) attributes {dimension_semantics = [#tpu.dimension_semantics<core_parallel>, #tpu.dimension_semantics<subcore_parallel>], iteration_bounds = array<i64: 2, 16>, scalar_prefetch = 0 : i64, scratch_operands = 5 : i64, tpu.core_type = #tpu.core_type<sc_vector_subcore>, window_params = [{transform_indices = #map}, {transform_indices = #map}]} {
    %mul3A = arith.constant 16 : i32
    %mul3A_0 = arith.muli %arg0, %mul3A : i32
    %add3A = arith.addi %mul3A_0, %arg1 : i32
    "tpu.region"() ({
      %run_scoped3A = tpu.sem_alloc : memref<!tpu.dma_semaphore, #tpu.memory_space<semaphore_mem>>
      %dma_start3A = arith.constant 0 : i32
      %dma_start3A_22 = tpu.memref_slice %arg2[%add3A, %dma_start3A] : memref<32x10000xi32, #tpu.memory_space<hbm>> -> memref<1x10000xi32, #tpu.memory_space<hbm>>
      %dma_start3A_23 = tpu.memref_squeeze %dma_start3A_22 : memref<1x10000xi32, #tpu.memory_space<hbm>> -> memref<10000xi32, #tpu.memory_space<hbm>>
      %dma_start3A_24 = arith.constant 0 : i32
      %dma_start3A_25 = tpu.memref_slice %arg2[%add3A, %dma_start3A_24] : memref<32x10000xi32, #tpu.memory_space<hbm>> -> memref<1x10000xi32, #tpu.memory_space<hbm>>
      %dma_start3A_26 = tpu.memref_squeeze %dma_start3A_25 : memref<1x10000xi32, #tpu.memory_space<hbm>> -> memref<10000xi32, #tpu.memory_space<hbm>>
      tpu.enqueue_dma source(%dma_start3A_26 : memref<10000xi32, #tpu.memory_space<hbm>>) target(%arg4 : memref<10000xi32, #tpu.memory_space<vmem>>) target_semaphore(%run_scoped3A : memref<!tpu.dma_semaphore, #tpu.memory_space<semaphore_mem>>)
      %dma_wait3A = arith.constant 0 : i32
      %dma_wait3A_27 = tpu.memref_slice %arg2[%add3A, %dma_wait3A] : memref<32x10000xi32, #tpu.memory_space<hbm>> -> memref<1x10000xi32, #tpu.memory_space<hbm>>
      %dma_wait3A_28 = tpu.memref_squeeze %dma_wait3A_27 : memref<1x10000xi32, #tpu.memory_space<hbm>> -> memref<10000xi32, #tpu.memory_space<hbm>>
      %dma_wait3A_29 = arith.constant 0 : i32
      %dma_wait3A_30 = tpu.memref_slice %arg2[%add3A, %dma_wait3A_29] : memref<32x10000xi32, #tpu.memory_space<hbm>> -> memref<1x10000xi32, #tpu.memory_space<hbm>>
      %dma_wait3A_31 = tpu.memref_squeeze %dma_wait3A_30 : memref<1x10000xi32, #tpu.memory_space<hbm>> -> memref<10000xi32, #tpu.memory_space<hbm>>
      tpu.wait_dma2 semaphore(%run_scoped3A : memref<!tpu.dma_semaphore, #tpu.memory_space<semaphore_mem>>) src(%dma_wait3A_31 : memref<10000xi32, #tpu.memory_space<hbm>>) dst(%arg4 : memref<10000xi32, #tpu.memory_space<vmem>>)
      tpu.yield
    }) : () -> ()
    %scan3A = arith.constant 0 : i32
    %scan3A_1 = arith.constant 0 : i32
    %scan3A_2 = arith.constant 640 : i32
    %scan3A_3 = arith.addi %scan3A_1, %scan3A_2 : i32
    %scan3A_4 = arith.constant 1 : i32
    scf.for %scan3A_22 = %scan3A_1 to %scan3A_3 step %scan3A_4  : i32 {
      %broadcast_in_dim3A = arith.constant 0.000000e+00 : f32
      %broadcast_in_dim3A_23 = vector.broadcast %broadcast_in_dim3A : f32 to vector<16xf32>
      %mul3A_24 = arith.constant 16 : i32
      %mul3A_25 = arith.muli %scan3A_22, %mul3A_24 : i32
      %swap3A = arith.index_cast %mul3A_25 : i32 to index
      %swap3A_26 = tpu.vector_load %arg5[%swap3A] {strides = array<i32>} : memref<10240xf32, #tpu.memory_space<vmem>>, vector<16xf32>,
      tpu.vector_store %arg5[%swap3A], %broadcast_in_dim3A_23 {strides = array<i32>} : memref<10240xf32, #tpu.memory_space<vmem>>, vector<16xf32>,
    }
    %scan3A_5 = arith.constant 640 : i32
    %scan3A_6 = arith.constant 0 : i32
    %scan3A_7 = arith.constant 0 : i32
    %scan3A_8 = arith.constant 625 : i32
    %scan3A_9 = arith.addi %scan3A_7, %scan3A_8 : i32
    %scan3A_10 = arith.constant 1 : i32
    scf.for %scan3A_22 = %scan3A_7 to %scan3A_9 step %scan3A_10  : i32 {
      %mul3A_23 = arith.constant 16 : i32
      %mul3A_24 = arith.muli %scan3A_22, %mul3A_23 : i32
      %get3A = arith.index_cast %mul3A_24 : i32 to index
      %get3A_25 = tpu.vector_load %arg4[%get3A] {strides = array<i32>} : memref<10000xi32, #tpu.memory_space<vmem>>, vector<16xi32>,
      %broadcast_in_dim3A = arith.constant 0.000000e+00 : f32
      %broadcast_in_dim3A_26 = vector.broadcast %broadcast_in_dim3A : f32 to vector<16xf32>
      %add3A_27 = arith.constant 1.000000e+00 : f32
      %add3A_28 = vector.broadcast %add3A_27 : f32 to vector<16xf32>
      %add3A_29 = arith.addf %broadcast_in_dim3A_26, %add3A_28 : vector<16xf32>
      tpu.vector_store_idx %arg5[%get3A_25], %add3A_29 {add = true} : memref<10240xf32, #tpu.memory_space<vmem>>[vector<16xi32>], vector<16xf32>,
    }
    %scan3A_11 = arith.constant 625 : i32
    "tpu.region"() ({
      %run_scoped3A = tpu.sem_alloc : memref<!tpu.dma_semaphore, #tpu.memory_space<semaphore_mem>>
      %dma_start3A = arith.constant 0 : i32
      %dma_start3A_22 = tpu.memref_slice %arg8[%arg1, %dma_start3A] : memref<16x10240xf32, #tpu.memory_space<vmem_shared>> -> memref<1x10240xf32, #tpu.memory_space<vmem_shared>>
      %dma_start3A_23 = tpu.memref_squeeze %dma_start3A_22 : memref<1x10240xf32, #tpu.memory_space<vmem_shared>> -> memref<10240xf32, #tpu.memory_space<vmem_shared>>
      %dma_start3A_24 = arith.constant 0 : i32
      %dma_start3A_25 = tpu.memref_slice %arg8[%arg1, %dma_start3A_24] : memref<16x10240xf32, #tpu.memory_space<vmem_shared>> -> memref<1x10240xf32, #tpu.memory_space<vmem_shared>>
      %dma_start3A_26 = tpu.memref_squeeze %dma_start3A_25 : memref<1x10240xf32, #tpu.memory_space<vmem_shared>> -> memref<10240xf32, #tpu.memory_space<vmem_shared>>
      tpu.enqueue_dma source(%arg5 : memref<10240xf32, #tpu.memory_space<vmem>>) target(%dma_start3A_26 : memref<10240xf32, #tpu.memory_space<vmem_shared>>) target_semaphore(%run_scoped3A : memref<!tpu.dma_semaphore, #tpu.memory_space<semaphore_mem>>)
      %dma_wait3A = arith.constant 0 : i32
      %dma_wait3A_27 = tpu.memref_slice %arg8[%arg1, %dma_wait3A] : memref<16x10240xf32, #tpu.memory_space<vmem_shared>> -> memref<1x10240xf32, #tpu.memory_space<vmem_shared>>
      %dma_wait3A_28 = tpu.memref_squeeze %dma_wait3A_27 : memref<1x10240xf32, #tpu.memory_space<vmem_shared>> -> memref<10240xf32, #tpu.memory_space<vmem_shared>>
      %dma_wait3A_29 = arith.constant 0 : i32
      %dma_wait3A_30 = tpu.memref_slice %arg8[%arg1, %dma_wait3A_29] : memref<16x10240xf32, #tpu.memory_space<vmem_shared>> -> memref<1x10240xf32, #tpu.memory_space<vmem_shared>>
      %dma_wait3A_31 = tpu.memref_squeeze %dma_wait3A_30 : memref<1x10240xf32, #tpu.memory_space<vmem_shared>> -> memref<10240xf32, #tpu.memory_space<vmem_shared>>
      tpu.wait_dma2 semaphore(%run_scoped3A : memref<!tpu.dma_semaphore, #tpu.memory_space<semaphore_mem>>) src(%arg5 : memref<10240xf32, #tpu.memory_space<vmem>>) dst(%dma_wait3A_31 : memref<10240xf32, #tpu.memory_space<vmem_shared>>)
      tpu.yield
    }) : () -> ()
    %barrier3A = arith.constant 0 : index
    tpu.barrier barrier_id(%barrier3A)
    %mul3A_12 = arith.constant 640 : i32
    %mul3A_13 = arith.muli %arg1, %mul3A_12 : i32
    "tpu.region"() ({
      %run_scoped3A = tpu.sem_alloc : memref<!tpu.dma_semaphore, #tpu.memory_space<semaphore_mem>>
      %dma_start3A = arith.constant 0 : i32
      %dma_start3A_22 = tpu.memref_slice %arg8[%dma_start3A, %mul3A_13] : memref<16x10240xf32, #tpu.memory_space<vmem_shared>> -> memref<16x640xf32, #tpu.memory_space<vmem_shared>>
      %dma_start3A_23 = arith.constant 0 : i32
      %dma_start3A_24 = tpu.memref_slice %arg8[%dma_start3A_23, %mul3A_13] : memref<16x10240xf32, #tpu.memory_space<vmem_shared>> -> memref<16x640xf32, #tpu.memory_space<vmem_shared>>
      tpu.enqueue_dma source(%dma_start3A_24 : memref<16x640xf32, #tpu.memory_space<vmem_shared>>) target(%arg6 : memref<16x640xf32, #tpu.memory_space<vmem>>) target_semaphore(%run_scoped3A : memref<!tpu.dma_semaphore, #tpu.memory_space<semaphore_mem>>)
      %dma_wait3A = arith.constant 0 : i32
      %dma_wait3A_25 = tpu.memref_slice %arg8[%dma_wait3A, %mul3A_13] : memref<16x10240xf32, #tpu.memory_space<vmem_shared>> -> memref<16x640xf32, #tpu.memory_space<vmem_shared>>
      %dma_wait3A_26 = arith.constant 0 : i32
      %dma_wait3A_27 = tpu.memref_slice %arg8[%dma_wait3A_26, %mul3A_13] : memref<16x10240xf32, #tpu.memory_space<vmem_shared>> -> memref<16x640xf32, #tpu.memory_space<vmem_shared>>
      tpu.wait_dma2 semaphore(%run_scoped3A : memref<!tpu.dma_semaphore, #tpu.memory_space<semaphore_mem>>) src(%dma_wait3A_27 : memref<16x640xf32, #tpu.memory_space<vmem_shared>>) dst(%arg6 : memref<16x640xf32, #tpu.memory_space<vmem>>)
      tpu.yield
    }) : () -> ()
    %scan3A_14 = arith.constant 0 : i32
    %scan3A_15 = arith.constant 0 : i32
    %scan3A_16 = arith.constant 40 : i32
    %scan3A_17 = arith.addi %scan3A_15, %scan3A_16 : i32
    %scan3A_18 = arith.constant 1 : i32
    scf.for %scan3A_22 = %scan3A_15 to %scan3A_17 step %scan3A_18  : i32 {
      %mul3A_23 = arith.constant 16 : i32
      %mul3A_24 = arith.muli %scan3A_22, %mul3A_23 : i32
      %get3A = arith.constant 0 : i32
      %get3A_25 = arith.index_cast %get3A : i32 to index
      %get3A_26 = arith.index_cast %mul3A_24 : i32 to index
      %get3A_27 = tpu.vector_load %arg6[%get3A_25, %get3A_26] {strides = array<i32>} : memref<16x640xf32, #tpu.memory_space<vmem>>, vector<16xf32>,
      %mul3A_28 = arith.constant 16 : i32
      %mul3A_29 = arith.muli %scan3A_22, %mul3A_28 : i32
      %get3A_30 = arith.constant 1 : i32
      %get3A_31 = arith.index_cast %get3A_30 : i32 to index
      %get3A_32 = arith.index_cast %mul3A_29 : i32 to index
      %get3A_33 = tpu.vector_load %arg6[%get3A_31, %get3A_32] {strides = array<i32>} : memref<16x640xf32, #tpu.memory_space<vmem>>, vector<16xf32>,
      %add3A_34 = arith.addf %get3A_27, %get3A_33 : vector<16xf32>
      %mul3A_35 = arith.constant 16 : i32
      %mul3A_36 = arith.muli %scan3A_22, %mul3A_35 : i32
      %get3A_37 = arith.constant 2 : i32
      %get3A_38 = arith.index_cast %get3A_37 : i32 to index
      %get3A_39 = arith.index_cast %mul3A_36 : i32 to index
      %get3A_40 = tpu.vector_load %arg6[%get3A_38, %get3A_39] {strides = array<i32>} : memref<16x640xf32, #tpu.memory_space<vmem>>, vector<16xf32>,
      %add3A_41 = arith.addf %add3A_34, %get3A_40 : vector<16xf32>
      %mul3A_42 = arith.constant 16 : i32
      %mul3A_43 = arith.muli %scan3A_22, %mul3A_42 : i32
      %get3A_44 = arith.constant 3 : i32
      %get3A_45 = arith.index_cast %get3A_44 : i32 to index
      %get3A_46 = arith.index_cast %mul3A_43 : i32 to index
      %get3A_47 = tpu.vector_load %arg6[%get3A_45, %get3A_46] {strides = array<i32>} : memref<16x640xf32, #tpu.memory_space<vmem>>, vector<16xf32>,
      %add3A_48 = arith.addf %add3A_41, %get3A_47 : vector<16xf32>
      %mul3A_49 = arith.constant 16 : i32
      %mul3A_50 = arith.muli %scan3A_22, %mul3A_49 : i32
      %get3A_51 = arith.constant 4 : i32
      %get3A_52 = arith.index_cast %get3A_51 : i32 to index
      %get3A_53 = arith.index_cast %mul3A_50 : i32 to index
      %get3A_54 = tpu.vector_load %arg6[%get3A_52, %get3A_53] {strides = array<i32>} : memref<16x640xf32, #tpu.memory_space<vmem>>, vector<16xf32>,
      %add3A_55 = arith.addf %add3A_48, %get3A_54 : vector<16xf32>
      %mul3A_56 = arith.constant 16 : i32
      %mul3A_57 = arith.muli %scan3A_22, %mul3A_56 : i32
      %get3A_58 = arith.constant 5 : i32
      %get3A_59 = arith.index_cast %get3A_58 : i32 to index
      %get3A_60 = arith.index_cast %mul3A_57 : i32 to index
      %get3A_61 = tpu.vector_load %arg6[%get3A_59, %get3A_60] {strides = array<i32>} : memref<16x640xf32, #tpu.memory_space<vmem>>, vector<16xf32>,
      %add3A_62 = arith.addf %add3A_55, %get3A_61 : vector<16xf32>
      %mul3A_63 = arith.constant 16 : i32
      %mul3A_64 = arith.muli %scan3A_22, %mul3A_63 : i32
      %get3A_65 = arith.constant 6 : i32
      %get3A_66 = arith.index_cast %get3A_65 : i32 to index
      %get3A_67 = arith.index_cast %mul3A_64 : i32 to index
      %get3A_68 = tpu.vector_load %arg6[%get3A_66, %get3A_67] {strides = array<i32>} : memref<16x640xf32, #tpu.memory_space<vmem>>, vector<16xf32>,
      %add3A_69 = arith.addf %add3A_62, %get3A_68 : vector<16xf32>
      %mul3A_70 = arith.constant 16 : i32
      %mul3A_71 = arith.muli %scan3A_22, %mul3A_70 : i32
      %get3A_72 = arith.constant 7 : i32
      %get3A_73 = arith.index_cast %get3A_72 : i32 to index
      %get3A_74 = arith.index_cast %mul3A_71 : i32 to index
      %get3A_75 = tpu.vector_load %arg6[%get3A_73, %get3A_74] {strides = array<i32>} : memref<16x640xf32, #tpu.memory_space<vmem>>, vector<16xf32>,
      %add3A_76 = arith.addf %add3A_69, %get3A_75 : vector<16xf32>
      %mul3A_77 = arith.constant 16 : i32
      %mul3A_78 = arith.muli %scan3A_22, %mul3A_77 : i32
      %get3A_79 = arith.constant 8 : i32
      %get3A_80 = arith.index_cast %get3A_79 : i32 to index
      %get3A_81 = arith.index_cast %mul3A_78 : i32 to index
      %get3A_82 = tpu.vector_load %arg6[%get3A_80, %get3A_81] {strides = array<i32>} : memref<16x640xf32, #tpu.memory_space<vmem>>, vector<16xf32>,
      %add3A_83 = arith.addf %add3A_76, %get3A_82 : vector<16xf32>
      %mul3A_84 = arith.constant 16 : i32
      %mul3A_85 = arith.muli %scan3A_22, %mul3A_84 : i32
      %get3A_86 = arith.constant 9 : i32
      %get3A_87 = arith.index_cast %get3A_86 : i32 to index
      %get3A_88 = arith.index_cast %mul3A_85 : i32 to index
      %get3A_89 = tpu.vector_load %arg6[%get3A_87, %get3A_88] {strides = array<i32>} : memref<16x640xf32, #tpu.memory_space<vmem>>, vector<16xf32>,
      %add3A_90 = arith.addf %add3A_83, %get3A_89 : vector<16xf32>
      %mul3A_91 = arith.constant 16 : i32
      %mul3A_92 = arith.muli %scan3A_22, %mul3A_91 : i32
      %get3A_93 = arith.constant 10 : i32
      %get3A_94 = arith.index_cast %get3A_93 : i32 to index
      %get3A_95 = arith.index_cast %mul3A_92 : i32 to index
      %get3A_96 = tpu.vector_load %arg6[%get3A_94, %get3A_95] {strides = array<i32>} : memref<16x640xf32, #tpu.memory_space<vmem>>, vector<16xf32>,
      %add3A_97 = arith.addf %add3A_90, %get3A_96 : vector<16xf32>
      %mul3A_98 = arith.constant 16 : i32
      %mul3A_99 = arith.muli %scan3A_22, %mul3A_98 : i32
      %get3A_100 = arith.constant 11 : i32
      %get3A_101 = arith.index_cast %get3A_100 : i32 to index
      %get3A_102 = arith.index_cast %mul3A_99 : i32 to index
      %get3A_103 = tpu.vector_load %arg6[%get3A_101, %get3A_102] {strides = array<i32>} : memref<16x640xf32, #tpu.memory_space<vmem>>, vector<16xf32>,
      %add3A_104 = arith.addf %add3A_97, %get3A_103 : vector<16xf32>
      %mul3A_105 = arith.constant 16 : i32
      %mul3A_106 = arith.muli %scan3A_22, %mul3A_105 : i32
      %get3A_107 = arith.constant 12 : i32
      %get3A_108 = arith.index_cast %get3A_107 : i32 to index
      %get3A_109 = arith.index_cast %mul3A_106 : i32 to index
      %get3A_110 = tpu.vector_load %arg6[%get3A_108, %get3A_109] {strides = array<i32>} : memref<16x640xf32, #tpu.memory_space<vmem>>, vector<16xf32>,
      %add3A_111 = arith.addf %add3A_104, %get3A_110 : vector<16xf32>
      %mul3A_112 = arith.constant 16 : i32
      %mul3A_113 = arith.muli %scan3A_22, %mul3A_112 : i32
      %get3A_114 = arith.constant 13 : i32
      %get3A_115 = arith.index_cast %get3A_114 : i32 to index
      %get3A_116 = arith.index_cast %mul3A_113 : i32 to index
      %get3A_117 = tpu.vector_load %arg6[%get3A_115, %get3A_116] {strides = array<i32>} : memref<16x640xf32, #tpu.memory_space<vmem>>, vector<16xf32>,
      %add3A_118 = arith.addf %add3A_111, %get3A_117 : vector<16xf32>
      %mul3A_119 = arith.constant 16 : i32
      %mul3A_120 = arith.muli %scan3A_22, %mul3A_119 : i32
      %get3A_121 = arith.constant 14 : i32
      %get3A_122 = arith.index_cast %get3A_121 : i32 to index
      %get3A_123 = arith.index_cast %mul3A_120 : i32 to index
      %get3A_124 = tpu.vector_load %arg6[%get3A_122, %get3A_123] {strides = array<i32>} : memref<16x640xf32, #tpu.memory_space<vmem>>, vector<16xf32>,
      %add3A_125 = arith.addf %add3A_118, %get3A_124 : vector<16xf32>
      %mul3A_126 = arith.constant 16 : i32
      %mul3A_127 = arith.muli %scan3A_22, %mul3A_126 : i32
      %get3A_128 = arith.constant 15 : i32
      %get3A_129 = arith.index_cast %get3A_128 : i32 to index
      %get3A_130 = arith.index_cast %mul3A_127 : i32 to index
      %get3A_131 = tpu.vector_load %arg6[%get3A_129, %get3A_130] {strides = array<i32>} : memref<16x640xf32, #tpu.memory_space<vmem>>, vector<16xf32>,
      %add3A_132 = arith.addf %add3A_125, %get3A_131 : vector<16xf32>
      %mul3A_133 = arith.constant 16 : i32
      %mul3A_134 = arith.muli %scan3A_22, %mul3A_133 : i32
      %swap3A = arith.index_cast %mul3A_134 : i32 to index
      %swap3A_135 = tpu.vector_load %arg7[%swap3A] {strides = array<i32>} : memref<640xf32, #tpu.memory_space<vmem>>, vector<16xf32>,
      tpu.vector_store %arg7[%swap3A], %add3A_132 {strides = array<i32>} : memref<640xf32, #tpu.memory_space<vmem>>, vector<16xf32>,
    }
    %scan3A_19 = arith.constant 40 : i32
    %mul3A_20 = arith.constant 640 : i32
    %mul3A_21 = arith.muli %arg1, %mul3A_20 : i32
    "tpu.region"() ({
      %run_scoped3A = tpu.sem_alloc : memref<!tpu.dma_semaphore, #tpu.memory_space<semaphore_mem>>
      %dma_start3A = tpu.memref_slice %arg3[%arg0, %mul3A_21] : memref<2x10240xf32, #tpu.memory_space<hbm>> -> memref<1x640xf32, #tpu.memory_space<hbm>>
      %dma_start3A_22 = tpu.memref_squeeze %dma_start3A : memref<1x640xf32, #tpu.memory_space<hbm>> -> memref<640xf32, #tpu.memory_space<hbm>>
      %dma_start3A_23 = tpu.memref_slice %arg3[%arg0, %mul3A_21] : memref<2x10240xf32, #tpu.memory_space<hbm>> -> memref<1x640xf32, #tpu.memory_space<hbm>>
      %dma_start3A_24 = tpu.memref_squeeze %dma_start3A_23 : memref<1x640xf32, #tpu.memory_space<hbm>> -> memref<640xf32, #tpu.memory_space<hbm>>
      tpu.enqueue_dma source(%arg7 : memref<640xf32, #tpu.memory_space<vmem>>) target(%dma_start3A_24 : memref<640xf32, #tpu.memory_space<hbm>>) target_semaphore(%run_scoped3A : memref<!tpu.dma_semaphore, #tpu.memory_space<semaphore_mem>>)
      %dma_wait3A = tpu.memref_slice %arg3[%arg0, %mul3A_21] : memref<2x10240xf32, #tpu.memory_space<hbm>> -> memref<1x640xf32, #tpu.memory_space<hbm>>
      %dma_wait3A_25 = tpu.memref_squeeze %dma_wait3A : memref<1x640xf32, #tpu.memory_space<hbm>> -> memref<640xf32, #tpu.memory_space<hbm>>
      %dma_wait3A_26 = tpu.memref_slice %arg3[%arg0, %mul3A_21] : memref<2x10240xf32, #tpu.memory_space<hbm>> -> memref<1x640xf32, #tpu.memory_space<hbm>>
      %dma_wait3A_27 = tpu.memref_squeeze %dma_wait3A_26 : memref<1x640xf32, #tpu.memory_space<hbm>> -> memref<640xf32, #tpu.memory_space<hbm>>
      tpu.wait_dma2 semaphore(%run_scoped3A : memref<!tpu.dma_semaphore, #tpu.memory_space<semaphore_mem>>) src(%arg7 : memref<640xf32, #tpu.memory_space<vmem>>) dst(%dma_wait3A_27 : memref<640xf32, #tpu.memory_space<hbm>>)
      tpu.yield
    }) : () -> ()
    return
  }
}

#map = affine_map<(d0, d1) -> (0, 0)>
#map1 = affine_map<(d0, d1) -> (0, 0, 0)>
module attributes {stable_mosaic.version = 14 : i64} {
  func.func @_sc_agg(%arg0: i32, %arg1: i32, %arg2: memref<10000x128xf32, #tpu.memory_space<hbm>>, %arg3: memref<32x10000xi32, #tpu.memory_space<hbm>>, %arg4: memref<2x10240x128xf32, #tpu.memory_space<hbm>>, %arg5: memref<10000xi32, #tpu.memory_space<vmem>>, %arg6: memref<2x112xi32, #tpu.memory_space<vmem>>, %arg7: memref<1x112xi32, #tpu.memory_space<vmem>>, %arg8: memref<1x32xi32, #tpu.memory_space<vmem>>, %arg9: memref<1x32xi32, #tpu.memory_space<vmem>>, %arg10: memref<112x128xf32, #tpu.memory_space<vmem>>, %arg11: memref<112x128xf32, #tpu.memory_space<vmem>>, %arg12: memref<10240x128xf32, #tpu.memory_space<vmem_shared>>, %arg13: memref<!tpu.dma_semaphore, #tpu.memory_space<semaphore_mem>>, %arg14: memref<!tpu.dma_semaphore, #tpu.memory_space<semaphore_mem>>) attributes {dimension_semantics = [#tpu.dimension_semantics<core_parallel>, #tpu.dimension_semantics<subcore_parallel>], iteration_bounds = array<i64: 2, 16>, scalar_prefetch = 0 : i64, scratch_operands = 10 : i64, tpu.core_type = #tpu.core_type<sc_vector_subcore>, window_params = [{transform_indices = #map}, {transform_indices = #map}, {transform_indices = #map1}]} {
    %mul3A = arith.constant 16 : i32
    %mul3A_0 = arith.muli %arg0, %mul3A : i32
    %add3A = arith.addi %mul3A_0, %arg1 : i32
    "tpu.region"() ({
      %run_scoped3A_380 = tpu.sem_alloc : memref<!tpu.dma_semaphore, #tpu.memory_space<semaphore_mem>>
      %dma_start3A_381 = arith.constant 0 : i32
      %dma_start3A_382 = tpu.memref_slice %arg3[%add3A, %dma_start3A_381] : memref<32x10000xi32, #tpu.memory_space<hbm>> -> memref<1x10000xi32, #tpu.memory_space<hbm>>
      %dma_start3A_383 = tpu.memref_squeeze %dma_start3A_382 : memref<1x10000xi32, #tpu.memory_space<hbm>> -> memref<10000xi32, #tpu.memory_space<hbm>>
      %dma_start3A_384 = arith.constant 0 : i32
      %dma_start3A_385 = tpu.memref_slice %arg3[%add3A, %dma_start3A_384] : memref<32x10000xi32, #tpu.memory_space<hbm>> -> memref<1x10000xi32, #tpu.memory_space<hbm>>
      %dma_start3A_386 = tpu.memref_squeeze %dma_start3A_385 : memref<1x10000xi32, #tpu.memory_space<hbm>> -> memref<10000xi32, #tpu.memory_space<hbm>>
      tpu.enqueue_dma source(%dma_start3A_386 : memref<10000xi32, #tpu.memory_space<hbm>>) target(%arg5 : memref<10000xi32, #tpu.memory_space<vmem>>) target_semaphore(%run_scoped3A_380 : memref<!tpu.dma_semaphore, #tpu.memory_space<semaphore_mem>>)
      %dma_wait3A_387 = arith.constant 0 : i32
      %dma_wait3A_388 = tpu.memref_slice %arg3[%add3A, %dma_wait3A_387] : memref<32x10000xi32, #tpu.memory_space<hbm>> -> memref<1x10000xi32, #tpu.memory_space<hbm>>
      %dma_wait3A_389 = tpu.memref_squeeze %dma_wait3A_388 : memref<1x10000xi32, #tpu.memory_space<hbm>> -> memref<10000xi32, #tpu.memory_space<hbm>>
      %dma_wait3A_390 = arith.constant 0 : i32
      %dma_wait3A_391 = tpu.memref_slice %arg3[%add3A, %dma_wait3A_390] : memref<32x10000xi32, #tpu.memory_space<hbm>> -> memref<1x10000xi32, #tpu.memory_space<hbm>>
      %dma_wait3A_392 = tpu.memref_squeeze %dma_wait3A_391 : memref<1x10000xi32, #tpu.memory_space<hbm>> -> memref<10000xi32, #tpu.memory_space<hbm>>
      tpu.wait_dma2 semaphore(%run_scoped3A_380 : memref<!tpu.dma_semaphore, #tpu.memory_space<semaphore_mem>>) src(%dma_wait3A_392 : memref<10000xi32, #tpu.memory_space<hbm>>) dst(%arg5 : memref<10000xi32, #tpu.memory_space<vmem>>)
      tpu.yield
    }) : () -> ()
    %scan3A = arith.constant 0 : i32
    %scan3A_1 = arith.constant 0 : i32
    %scan3A_2 = arith.constant 80 : i32
    %scan3A_3 = arith.addi %scan3A_1, %scan3A_2 : i32
    %scan3A_4 = arith.constant 1 : i32
    scf.for %scan3A_380 = %scan3A_1 to %scan3A_3 step %scan3A_4  : i32 {
      %broadcast_in_dim3A = arith.constant 0.000000e+00 : f32
      %broadcast_in_dim3A_381 = vector.broadcast %broadcast_in_dim3A : f32 to vector<16xf32>
      %swap3A_382 = arith.index_cast %scan3A_380 : i32 to index
      %swap3A_383 = arith.constant 0 : index
      %swap3A_384 = tpu.vector_load %arg10[%swap3A_382, %swap3A_383] {strides = array<i32>} : memref<112x128xf32, #tpu.memory_space<vmem>>, vector<16xf32>,
      tpu.vector_store %arg10[%swap3A_382, %swap3A_383], %broadcast_in_dim3A_381 {strides = array<i32>} : memref<112x128xf32, #tpu.memory_space<vmem>>, vector<16xf32>,
      %broadcast_in_dim3A_385 = arith.constant 0.000000e+00 : f32
      %broadcast_in_dim3A_386 = vector.broadcast %broadcast_in_dim3A_385 : f32 to vector<16xf32>
      %swap3A_387 = arith.index_cast %scan3A_380 : i32 to index
      %swap3A_388 = arith.constant 16 : index
      %swap3A_389 = tpu.vector_load %arg10[%swap3A_387, %swap3A_388] {strides = array<i32>} : memref<112x128xf32, #tpu.memory_space<vmem>>, vector<16xf32>,
      tpu.vector_store %arg10[%swap3A_387, %swap3A_388], %broadcast_in_dim3A_386 {strides = array<i32>} : memref<112x128xf32, #tpu.memory_space<vmem>>, vector<16xf32>,
      %broadcast_in_dim3A_390 = arith.constant 0.000000e+00 : f32
      %broadcast_in_dim3A_391 = vector.broadcast %broadcast_in_dim3A_390 : f32 to vector<16xf32>
      %swap3A_392 = arith.index_cast %scan3A_380 : i32 to index
      %swap3A_393 = arith.constant 32 : index
      %swap3A_394 = tpu.vector_load %arg10[%swap3A_392, %swap3A_393] {strides = array<i32>} : memref<112x128xf32, #tpu.memory_space<vmem>>, vector<16xf32>,
      tpu.vector_store %arg10[%swap3A_392, %swap3A_393], %broadcast_in_dim3A_391 {strides = array<i32>} : memref<112x128xf32, #tpu.memory_space<vmem>>, vector<16xf32>,
      %broadcast_in_dim3A_395 = arith.constant 0.000000e+00 : f32
      %broadcast_in_dim3A_396 = vector.broadcast %broadcast_in_dim3A_395 : f32 to vector<16xf32>
      %swap3A_397 = arith.index_cast %scan3A_380 : i32 to index
      %swap3A_398 = arith.constant 48 : index
      %swap3A_399 = tpu.vector_load %arg10[%swap3A_397, %swap3A_398] {strides = array<i32>} : memref<112x128xf32, #tpu.memory_space<vmem>>, vector<16xf32>,
      tpu.vector_store %arg10[%swap3A_397, %swap3A_398], %broadcast_in_dim3A_396 {strides = array<i32>} : memref<112x128xf32, #tpu.memory_space<vmem>>, vector<16xf32>,
      %broadcast_in_dim3A_400 = arith.constant 0.000000e+00 : f32
      %broadcast_in_dim3A_401 = vector.broadcast %broadcast_in_dim3A_400 : f32 to vector<16xf32>
      %swap3A_402 = arith.index_cast %scan3A_380 : i32 to index
      %swap3A_403 = arith.constant 64 : index
      %swap3A_404 = tpu.vector_load %arg10[%swap3A_402, %swap3A_403] {strides = array<i32>} : memref<112x128xf32, #tpu.memory_space<vmem>>, vector<16xf32>,
      tpu.vector_store %arg10[%swap3A_402, %swap3A_403], %broadcast_in_dim3A_401 {strides = array<i32>} : memref<112x128xf32, #tpu.memory_space<vmem>>, vector<16xf32>,
      %broadcast_in_dim3A_405 = arith.constant 0.000000e+00 : f32
      %broadcast_in_dim3A_406 = vector.broadcast %broadcast_in_dim3A_405 : f32 to vector<16xf32>
      %swap3A_407 = arith.index_cast %scan3A_380 : i32 to index
      %swap3A_408 = arith.constant 80 : index
      %swap3A_409 = tpu.vector_load %arg10[%swap3A_407, %swap3A_408] {strides = array<i32>} : memref<112x128xf32, #tpu.memory_space<vmem>>, vector<16xf32>,
      tpu.vector_store %arg10[%swap3A_407, %swap3A_408], %broadcast_in_dim3A_406 {strides = array<i32>} : memref<112x128xf32, #tpu.memory_space<vmem>>, vector<16xf32>,
      %broadcast_in_dim3A_410 = arith.constant 0.000000e+00 : f32
      %broadcast_in_dim3A_411 = vector.broadcast %broadcast_in_dim3A_410 : f32 to vector<16xf32>
      %swap3A_412 = arith.index_cast %scan3A_380 : i32 to index
      %swap3A_413 = arith.constant 96 : index
      %swap3A_414 = tpu.vector_load %arg10[%swap3A_412, %swap3A_413] {strides = array<i32>} : memref<112x128xf32, #tpu.memory_space<vmem>>, vector<16xf32>,
      tpu.vector_store %arg10[%swap3A_412, %swap3A_413], %broadcast_in_dim3A_411 {strides = array<i32>} : memref<112x128xf32, #tpu.memory_space<vmem>>, vector<16xf32>,
      %broadcast_in_dim3A_415 = arith.constant 0.000000e+00 : f32
      %broadcast_in_dim3A_416 = vector.broadcast %broadcast_in_dim3A_415 : f32 to vector<16xf32>
      %swap3A_417 = arith.index_cast %scan3A_380 : i32 to index
      %swap3A_418 = arith.constant 112 : index
      %swap3A_419 = tpu.vector_load %arg10[%swap3A_417, %swap3A_418] {strides = array<i32>} : memref<112x128xf32, #tpu.memory_space<vmem>>, vector<16xf32>,
      tpu.vector_store %arg10[%swap3A_417, %swap3A_418], %broadcast_in_dim3A_416 {strides = array<i32>} : memref<112x128xf32, #tpu.memory_space<vmem>>, vector<16xf32>,
    }
    %scan3A_5 = arith.constant 80 : i32
    %mul3A_6 = arith.constant 640 : i32
    %mul3A_7 = arith.muli %arg1, %mul3A_6 : i32
    %add3A_8 = arith.constant 0 : i32
    %add3A_9 = arith.addi %mul3A_7, %add3A_8 : i32
    "tpu.region"() ({
      %run_scoped3A_380 = tpu.sem_alloc : memref<!tpu.dma_semaphore, #tpu.memory_space<semaphore_mem>>
      %dma_start3A_381 = arith.constant 0 : i32
      %dma_start3A_382 = arith.constant 0 : i32
      %dma_start3A_383 = tpu.memref_slice %arg10[%dma_start3A_381, %dma_start3A_382] : memref<112x128xf32, #tpu.memory_space<vmem>> -> memref<80x128xf32, #tpu.memory_space<vmem>>
      %dma_start3A_384 = arith.constant 0 : i32
      %dma_start3A_385 = tpu.memref_slice %arg12[%add3A_9, %dma_start3A_384] : memref<10240x128xf32, #tpu.memory_space<vmem_shared>> -> memref<80x128xf32, #tpu.memory_space<vmem_shared>>
      %dma_start3A_386 = arith.constant 0 : i32
      %dma_start3A_387 = tpu.memref_slice %arg12[%add3A_9, %dma_start3A_386] : memref<10240x128xf32, #tpu.memory_space<vmem_shared>> -> memref<80x128xf32, #tpu.memory_space<vmem_shared>>
      %dma_start3A_388 = arith.constant 0 : i32
      %dma_start3A_389 = arith.constant 0 : i32
      %dma_start3A_390 = tpu.memref_slice %arg10[%dma_start3A_388, %dma_start3A_389] : memref<112x128xf32, #tpu.memory_space<vmem>> -> memref<80x128xf32, #tpu.memory_space<vmem>>
      tpu.enqueue_dma source(%dma_start3A_390 : memref<80x128xf32, #tpu.memory_space<vmem>>) target(%dma_start3A_387 : memref<80x128xf32, #tpu.memory_space<vmem_shared>>) target_semaphore(%run_scoped3A_380 : memref<!tpu.dma_semaphore, #tpu.memory_space<semaphore_mem>>)
      %dma_wait3A_391 = arith.constant 0 : i32
      %dma_wait3A_392 = arith.constant 0 : i32
      %dma_wait3A_393 = tpu.memref_slice %arg10[%dma_wait3A_391, %dma_wait3A_392] : memref<112x128xf32, #tpu.memory_space<vmem>> -> memref<80x128xf32, #tpu.memory_space<vmem>>
      %dma_wait3A_394 = arith.constant 0 : i32
      %dma_wait3A_395 = tpu.memref_slice %arg12[%add3A_9, %dma_wait3A_394] : memref<10240x128xf32, #tpu.memory_space<vmem_shared>> -> memref<80x128xf32, #tpu.memory_space<vmem_shared>>
      %dma_wait3A_396 = arith.constant 0 : i32
      %dma_wait3A_397 = tpu.memref_slice %arg12[%add3A_9, %dma_wait3A_396] : memref<10240x128xf32, #tpu.memory_space<vmem_shared>> -> memref<80x128xf32, #tpu.memory_space<vmem_shared>>
      %dma_wait3A_398 = arith.constant 0 : i32
      %dma_wait3A_399 = arith.constant 0 : i32
      %dma_wait3A_400 = tpu.memref_slice %arg10[%dma_wait3A_398, %dma_wait3A_399] : memref<112x128xf32, #tpu.memory_space<vmem>> -> memref<80x128xf32, #tpu.memory_space<vmem>>
      tpu.wait_dma2 semaphore(%run_scoped3A_380 : memref<!tpu.dma_semaphore, #tpu.memory_space<semaphore_mem>>) src(%dma_wait3A_400 : memref<80x128xf32, #tpu.memory_space<vmem>>) dst(%dma_wait3A_397 : memref<80x128xf32, #tpu.memory_space<vmem_shared>>)
      tpu.yield
    }) : () -> ()
    %mul3A_10 = arith.constant 640 : i32
    %mul3A_11 = arith.muli %arg1, %mul3A_10 : i32
    %add3A_12 = arith.constant 80 : i32
    %add3A_13 = arith.addi %mul3A_11, %add3A_12 : i32
    "tpu.region"() ({
      %run_scoped3A_380 = tpu.sem_alloc : memref<!tpu.dma_semaphore, #tpu.memory_space<semaphore_mem>>
      %dma_start3A_381 = arith.constant 0 : i32
      %dma_start3A_382 = arith.constant 0 : i32
      %dma_start3A_383 = tpu.memref_slice %arg10[%dma_start3A_381, %dma_start3A_382] : memref<112x128xf32, #tpu.memory_space<vmem>> -> memref<80x128xf32, #tpu.memory_space<vmem>>
      %dma_start3A_384 = arith.constant 0 : i32
      %dma_start3A_385 = tpu.memref_slice %arg12[%add3A_13, %dma_start3A_384] : memref<10240x128xf32, #tpu.memory_space<vmem_shared>> -> memref<80x128xf32, #tpu.memory_space<vmem_shared>>
      %dma_start3A_386 = arith.constant 0 : i32
      %dma_start3A_387 = tpu.memref_slice %arg12[%add3A_13, %dma_start3A_386] : memref<10240x128xf32, #tpu.memory_space<vmem_shared>> -> memref<80x128xf32, #tpu.memory_space<vmem_shared>>
      %dma_start3A_388 = arith.constant 0 : i32
      %dma_start3A_389 = arith.constant 0 : i32
      %dma_start3A_390 = tpu.memref_slice %arg10[%dma_start3A_388, %dma_start3A_389] : memref<112x128xf32, #tpu.memory_space<vmem>> -> memref<80x128xf32, #tpu.memory_space<vmem>>
      tpu.enqueue_dma source(%dma_start3A_390 : memref<80x128xf32, #tpu.memory_space<vmem>>) target(%dma_start3A_387 : memref<80x128xf32, #tpu.memory_space<vmem_shared>>) target_semaphore(%run_scoped3A_380 : memref<!tpu.dma_semaphore, #tpu.memory_space<semaphore_mem>>)
      %dma_wait3A_391 = arith.constant 0 : i32
      %dma_wait3A_392 = arith.constant 0 : i32
      %dma_wait3A_393 = tpu.memref_slice %arg10[%dma_wait3A_391, %dma_wait3A_392] : memref<112x128xf32, #tpu.memory_space<vmem>> -> memref<80x128xf32, #tpu.memory_space<vmem>>
      %dma_wait3A_394 = arith.constant 0 : i32
      %dma_wait3A_395 = tpu.memref_slice %arg12[%add3A_13, %dma_wait3A_394] : memref<10240x128xf32, #tpu.memory_space<vmem_shared>> -> memref<80x128xf32, #tpu.memory_space<vmem_shared>>
      %dma_wait3A_396 = arith.constant 0 : i32
      %dma_wait3A_397 = tpu.memref_slice %arg12[%add3A_13, %dma_wait3A_396] : memref<10240x128xf32, #tpu.memory_space<vmem_shared>> -> memref<80x128xf32, #tpu.memory_space<vmem_shared>>
      %dma_wait3A_398 = arith.constant 0 : i32
      %dma_wait3A_399 = arith.constant 0 : i32
      %dma_wait3A_400 = tpu.memref_slice %arg10[%dma_wait3A_398, %dma_wait3A_399] : memref<112x128xf32, #tpu.memory_space<vmem>> -> memref<80x128xf32, #tpu.memory_space<vmem>>
      tpu.wait_dma2 semaphore(%run_scoped3A_380 : memref<!tpu.dma_semaphore, #tpu.memory_space<semaphore_mem>>) src(%dma_wait3A_400 : memref<80x128xf32, #tpu.memory_space<vmem>>) dst(%dma_wait3A_397 : memref<80x128xf32, #tpu.memory_space<vmem_shared>>)
      tpu.yield
    }) : () -> ()
    %mul3A_14 = arith.constant 640 : i32
    %mul3A_15 = arith.muli %arg1, %mul3A_14 : i32
    %add3A_16 = arith.constant 160 : i32
    %add3A_17 = arith.addi %mul3A_15, %add3A_16 : i32
    "tpu.region"() ({
      %run_scoped3A_380 = tpu.sem_alloc : memref<!tpu.dma_semaphore, #tpu.memory_space<semaphore_mem>>
      %dma_start3A_381 = arith.constant 0 : i32
      %dma_start3A_382 = arith.constant 0 : i32
      %dma_start3A_383 = tpu.memref_slice %arg10[%dma_start3A_381, %dma_start3A_382] : memref<112x128xf32, #tpu.memory_space<vmem>> -> memref<80x128xf32, #tpu.memory_space<vmem>>
      %dma_start3A_384 = arith.constant 0 : i32
      %dma_start3A_385 = tpu.memref_slice %arg12[%add3A_17, %dma_start3A_384] : memref<10240x128xf32, #tpu.memory_space<vmem_shared>> -> memref<80x128xf32, #tpu.memory_space<vmem_shared>>
      %dma_start3A_386 = arith.constant 0 : i32
      %dma_start3A_387 = tpu.memref_slice %arg12[%add3A_17, %dma_start3A_386] : memref<10240x128xf32, #tpu.memory_space<vmem_shared>> -> memref<80x128xf32, #tpu.memory_space<vmem_shared>>
      %dma_start3A_388 = arith.constant 0 : i32
      %dma_start3A_389 = arith.constant 0 : i32
      %dma_start3A_390 = tpu.memref_slice %arg10[%dma_start3A_388, %dma_start3A_389] : memref<112x128xf32, #tpu.memory_space<vmem>> -> memref<80x128xf32, #tpu.memory_space<vmem>>
      tpu.enqueue_dma source(%dma_start3A_390 : memref<80x128xf32, #tpu.memory_space<vmem>>) target(%dma_start3A_387 : memref<80x128xf32, #tpu.memory_space<vmem_shared>>) target_semaphore(%run_scoped3A_380 : memref<!tpu.dma_semaphore, #tpu.memory_space<semaphore_mem>>)
      %dma_wait3A_391 = arith.constant 0 : i32
      %dma_wait3A_392 = arith.constant 0 : i32
      %dma_wait3A_393 = tpu.memref_slice %arg10[%dma_wait3A_391, %dma_wait3A_392] : memref<112x128xf32, #tpu.memory_space<vmem>> -> memref<80x128xf32, #tpu.memory_space<vmem>>
      %dma_wait3A_394 = arith.constant 0 : i32
      %dma_wait3A_395 = tpu.memref_slice %arg12[%add3A_17, %dma_wait3A_394] : memref<10240x128xf32, #tpu.memory_space<vmem_shared>> -> memref<80x128xf32, #tpu.memory_space<vmem_shared>>
      %dma_wait3A_396 = arith.constant 0 : i32
      %dma_wait3A_397 = tpu.memref_slice %arg12[%add3A_17, %dma_wait3A_396] : memref<10240x128xf32, #tpu.memory_space<vmem_shared>> -> memref<80x128xf32, #tpu.memory_space<vmem_shared>>
      %dma_wait3A_398 = arith.constant 0 : i32
      %dma_wait3A_399 = arith.constant 0 : i32
      %dma_wait3A_400 = tpu.memref_slice %arg10[%dma_wait3A_398, %dma_wait3A_399] : memref<112x128xf32, #tpu.memory_space<vmem>> -> memref<80x128xf32, #tpu.memory_space<vmem>>
      tpu.wait_dma2 semaphore(%run_scoped3A_380 : memref<!tpu.dma_semaphore, #tpu.memory_space<semaphore_mem>>) src(%dma_wait3A_400 : memref<80x128xf32, #tpu.memory_space<vmem>>) dst(%dma_wait3A_397 : memref<80x128xf32, #tpu.memory_space<vmem_shared>>)
      tpu.yield
    }) : () -> ()
    %mul3A_18 = arith.constant 640 : i32
    %mul3A_19 = arith.muli %arg1, %mul3A_18 : i32
    %add3A_20 = arith.constant 240 : i32
    %add3A_21 = arith.addi %mul3A_19, %add3A_20 : i32
    "tpu.region"() ({
      %run_scoped3A_380 = tpu.sem_alloc : memref<!tpu.dma_semaphore, #tpu.memory_space<semaphore_mem>>
      %dma_start3A_381 = arith.constant 0 : i32
      %dma_start3A_382 = arith.constant 0 : i32
      %dma_start3A_383 = tpu.memref_slice %arg10[%dma_start3A_381, %dma_start3A_382] : memref<112x128xf32, #tpu.memory_space<vmem>> -> memref<80x128xf32, #tpu.memory_space<vmem>>
      %dma_start3A_384 = arith.constant 0 : i32
      %dma_start3A_385 = tpu.memref_slice %arg12[%add3A_21, %dma_start3A_384] : memref<10240x128xf32, #tpu.memory_space<vmem_shared>> -> memref<80x128xf32, #tpu.memory_space<vmem_shared>>
      %dma_start3A_386 = arith.constant 0 : i32
      %dma_start3A_387 = tpu.memref_slice %arg12[%add3A_21, %dma_start3A_386] : memref<10240x128xf32, #tpu.memory_space<vmem_shared>> -> memref<80x128xf32, #tpu.memory_space<vmem_shared>>
      %dma_start3A_388 = arith.constant 0 : i32
      %dma_start3A_389 = arith.constant 0 : i32
      %dma_start3A_390 = tpu.memref_slice %arg10[%dma_start3A_388, %dma_start3A_389] : memref<112x128xf32, #tpu.memory_space<vmem>> -> memref<80x128xf32, #tpu.memory_space<vmem>>
      tpu.enqueue_dma source(%dma_start3A_390 : memref<80x128xf32, #tpu.memory_space<vmem>>) target(%dma_start3A_387 : memref<80x128xf32, #tpu.memory_space<vmem_shared>>) target_semaphore(%run_scoped3A_380 : memref<!tpu.dma_semaphore, #tpu.memory_space<semaphore_mem>>)
      %dma_wait3A_391 = arith.constant 0 : i32
      %dma_wait3A_392 = arith.constant 0 : i32
      %dma_wait3A_393 = tpu.memref_slice %arg10[%dma_wait3A_391, %dma_wait3A_392] : memref<112x128xf32, #tpu.memory_space<vmem>> -> memref<80x128xf32, #tpu.memory_space<vmem>>
      %dma_wait3A_394 = arith.constant 0 : i32
      %dma_wait3A_395 = tpu.memref_slice %arg12[%add3A_21, %dma_wait3A_394] : memref<10240x128xf32, #tpu.memory_space<vmem_shared>> -> memref<80x128xf32, #tpu.memory_space<vmem_shared>>
      %dma_wait3A_396 = arith.constant 0 : i32
      %dma_wait3A_397 = tpu.memref_slice %arg12[%add3A_21, %dma_wait3A_396] : memref<10240x128xf32, #tpu.memory_space<vmem_shared>> -> memref<80x128xf32, #tpu.memory_space<vmem_shared>>
      %dma_wait3A_398 = arith.constant 0 : i32
      %dma_wait3A_399 = arith.constant 0 : i32
      %dma_wait3A_400 = tpu.memref_slice %arg10[%dma_wait3A_398, %dma_wait3A_399] : memref<112x128xf32, #tpu.memory_space<vmem>> -> memref<80x128xf32, #tpu.memory_space<vmem>>
      tpu.wait_dma2 semaphore(%run_scoped3A_380 : memref<!tpu.dma_semaphore, #tpu.memory_space<semaphore_mem>>) src(%dma_wait3A_400 : memref<80x128xf32, #tpu.memory_space<vmem>>) dst(%dma_wait3A_397 : memref<80x128xf32, #tpu.memory_space<vmem_shared>>)
      tpu.yield
    }) : () -> ()
    %mul3A_22 = arith.constant 640 : i32
    %mul3A_23 = arith.muli %arg1, %mul3A_22 : i32
    %add3A_24 = arith.constant 320 : i32
    %add3A_25 = arith.addi %mul3A_23, %add3A_24 : i32
    "tpu.region"() ({
      %run_scoped3A_380 = tpu.sem_alloc : memref<!tpu.dma_semaphore, #tpu.memory_space<semaphore_mem>>
      %dma_start3A_381 = arith.constant 0 : i32
      %dma_start3A_382 = arith.constant 0 : i32
      %dma_start3A_383 = tpu.memref_slice %arg10[%dma_start3A_381, %dma_start3A_382] : memref<112x128xf32, #tpu.memory_space<vmem>> -> memref<80x128xf32, #tpu.memory_space<vmem>>
      %dma_start3A_384 = arith.constant 0 : i32
      %dma_start3A_385 = tpu.memref_slice %arg12[%add3A_25, %dma_start3A_384] : memref<10240x128xf32, #tpu.memory_space<vmem_shared>> -> memref<80x128xf32, #tpu.memory_space<vmem_shared>>
      %dma_start3A_386 = arith.constant 0 : i32
      %dma_start3A_387 = tpu.memref_slice %arg12[%add3A_25, %dma_start3A_386] : memref<10240x128xf32, #tpu.memory_space<vmem_shared>> -> memref<80x128xf32, #tpu.memory_space<vmem_shared>>
      %dma_start3A_388 = arith.constant 0 : i32
      %dma_start3A_389 = arith.constant 0 : i32
      %dma_start3A_390 = tpu.memref_slice %arg10[%dma_start3A_388, %dma_start3A_389] : memref<112x128xf32, #tpu.memory_space<vmem>> -> memref<80x128xf32, #tpu.memory_space<vmem>>
      tpu.enqueue_dma source(%dma_start3A_390 : memref<80x128xf32, #tpu.memory_space<vmem>>) target(%dma_start3A_387 : memref<80x128xf32, #tpu.memory_space<vmem_shared>>) target_semaphore(%run_scoped3A_380 : memref<!tpu.dma_semaphore, #tpu.memory_space<semaphore_mem>>)
      %dma_wait3A_391 = arith.constant 0 : i32
      %dma_wait3A_392 = arith.constant 0 : i32
      %dma_wait3A_393 = tpu.memref_slice %arg10[%dma_wait3A_391, %dma_wait3A_392] : memref<112x128xf32, #tpu.memory_space<vmem>> -> memref<80x128xf32, #tpu.memory_space<vmem>>
      %dma_wait3A_394 = arith.constant 0 : i32
      %dma_wait3A_395 = tpu.memref_slice %arg12[%add3A_25, %dma_wait3A_394] : memref<10240x128xf32, #tpu.memory_space<vmem_shared>> -> memref<80x128xf32, #tpu.memory_space<vmem_shared>>
      %dma_wait3A_396 = arith.constant 0 : i32
      %dma_wait3A_397 = tpu.memref_slice %arg12[%add3A_25, %dma_wait3A_396] : memref<10240x128xf32, #tpu.memory_space<vmem_shared>> -> memref<80x128xf32, #tpu.memory_space<vmem_shared>>
      %dma_wait3A_398 = arith.constant 0 : i32
      %dma_wait3A_399 = arith.constant 0 : i32
      %dma_wait3A_400 = tpu.memref_slice %arg10[%dma_wait3A_398, %dma_wait3A_399] : memref<112x128xf32, #tpu.memory_space<vmem>> -> memref<80x128xf32, #tpu.memory_space<vmem>>
      tpu.wait_dma2 semaphore(%run_scoped3A_380 : memref<!tpu.dma_semaphore, #tpu.memory_space<semaphore_mem>>) src(%dma_wait3A_400 : memref<80x128xf32, #tpu.memory_space<vmem>>) dst(%dma_wait3A_397 : memref<80x128xf32, #tpu.memory_space<vmem_shared>>)
      tpu.yield
    }) : () -> ()
    %mul3A_26 = arith.constant 640 : i32
    %mul3A_27 = arith.muli %arg1, %mul3A_26 : i32
    %add3A_28 = arith.constant 400 : i32
    %add3A_29 = arith.addi %mul3A_27, %add3A_28 : i32
    "tpu.region"() ({
      %run_scoped3A_380 = tpu.sem_alloc : memref<!tpu.dma_semaphore, #tpu.memory_space<semaphore_mem>>
      %dma_start3A_381 = arith.constant 0 : i32
      %dma_start3A_382 = arith.constant 0 : i32
      %dma_start3A_383 = tpu.memref_slice %arg10[%dma_start3A_381, %dma_start3A_382] : memref<112x128xf32, #tpu.memory_space<vmem>> -> memref<80x128xf32, #tpu.memory_space<vmem>>
      %dma_start3A_384 = arith.constant 0 : i32
      %dma_start3A_385 = tpu.memref_slice %arg12[%add3A_29, %dma_start3A_384] : memref<10240x128xf32, #tpu.memory_space<vmem_shared>> -> memref<80x128xf32, #tpu.memory_space<vmem_shared>>
      %dma_start3A_386 = arith.constant 0 : i32
      %dma_start3A_387 = tpu.memref_slice %arg12[%add3A_29, %dma_start3A_386] : memref<10240x128xf32, #tpu.memory_space<vmem_shared>> -> memref<80x128xf32, #tpu.memory_space<vmem_shared>>
      %dma_start3A_388 = arith.constant 0 : i32
      %dma_start3A_389 = arith.constant 0 : i32
      %dma_start3A_390 = tpu.memref_slice %arg10[%dma_start3A_388, %dma_start3A_389] : memref<112x128xf32, #tpu.memory_space<vmem>> -> memref<80x128xf32, #tpu.memory_space<vmem>>
      tpu.enqueue_dma source(%dma_start3A_390 : memref<80x128xf32, #tpu.memory_space<vmem>>) target(%dma_start3A_387 : memref<80x128xf32, #tpu.memory_space<vmem_shared>>) target_semaphore(%run_scoped3A_380 : memref<!tpu.dma_semaphore, #tpu.memory_space<semaphore_mem>>)
      %dma_wait3A_391 = arith.constant 0 : i32
      %dma_wait3A_392 = arith.constant 0 : i32
      %dma_wait3A_393 = tpu.memref_slice %arg10[%dma_wait3A_391, %dma_wait3A_392] : memref<112x128xf32, #tpu.memory_space<vmem>> -> memref<80x128xf32, #tpu.memory_space<vmem>>
      %dma_wait3A_394 = arith.constant 0 : i32
      %dma_wait3A_395 = tpu.memref_slice %arg12[%add3A_29, %dma_wait3A_394] : memref<10240x128xf32, #tpu.memory_space<vmem_shared>> -> memref<80x128xf32, #tpu.memory_space<vmem_shared>>
      %dma_wait3A_396 = arith.constant 0 : i32
      %dma_wait3A_397 = tpu.memref_slice %arg12[%add3A_29, %dma_wait3A_396] : memref<10240x128xf32, #tpu.memory_space<vmem_shared>> -> memref<80x128xf32, #tpu.memory_space<vmem_shared>>
      %dma_wait3A_398 = arith.constant 0 : i32
      %dma_wait3A_399 = arith.constant 0 : i32
      %dma_wait3A_400 = tpu.memref_slice %arg10[%dma_wait3A_398, %dma_wait3A_399] : memref<112x128xf32, #tpu.memory_space<vmem>> -> memref<80x128xf32, #tpu.memory_space<vmem>>
      tpu.wait_dma2 semaphore(%run_scoped3A_380 : memref<!tpu.dma_semaphore, #tpu.memory_space<semaphore_mem>>) src(%dma_wait3A_400 : memref<80x128xf32, #tpu.memory_space<vmem>>) dst(%dma_wait3A_397 : memref<80x128xf32, #tpu.memory_space<vmem_shared>>)
      tpu.yield
    }) : () -> ()
    %mul3A_30 = arith.constant 640 : i32
    %mul3A_31 = arith.muli %arg1, %mul3A_30 : i32
    %add3A_32 = arith.constant 480 : i32
    %add3A_33 = arith.addi %mul3A_31, %add3A_32 : i32
    "tpu.region"() ({
      %run_scoped3A_380 = tpu.sem_alloc : memref<!tpu.dma_semaphore, #tpu.memory_space<semaphore_mem>>
      %dma_start3A_381 = arith.constant 0 : i32
      %dma_start3A_382 = arith.constant 0 : i32
      %dma_start3A_383 = tpu.memref_slice %arg10[%dma_start3A_381, %dma_start3A_382] : memref<112x128xf32, #tpu.memory_space<vmem>> -> memref<80x128xf32, #tpu.memory_space<vmem>>
      %dma_start3A_384 = arith.constant 0 : i32
      %dma_start3A_385 = tpu.memref_slice %arg12[%add3A_33, %dma_start3A_384] : memref<10240x128xf32, #tpu.memory_space<vmem_shared>> -> memref<80x128xf32, #tpu.memory_space<vmem_shared>>
      %dma_start3A_386 = arith.constant 0 : i32
      %dma_start3A_387 = tpu.memref_slice %arg12[%add3A_33, %dma_start3A_386] : memref<10240x128xf32, #tpu.memory_space<vmem_shared>> -> memref<80x128xf32, #tpu.memory_space<vmem_shared>>
      %dma_start3A_388 = arith.constant 0 : i32
      %dma_start3A_389 = arith.constant 0 : i32
      %dma_start3A_390 = tpu.memref_slice %arg10[%dma_start3A_388, %dma_start3A_389] : memref<112x128xf32, #tpu.memory_space<vmem>> -> memref<80x128xf32, #tpu.memory_space<vmem>>
      tpu.enqueue_dma source(%dma_start3A_390 : memref<80x128xf32, #tpu.memory_space<vmem>>) target(%dma_start3A_387 : memref<80x128xf32, #tpu.memory_space<vmem_shared>>) target_semaphore(%run_scoped3A_380 : memref<!tpu.dma_semaphore, #tpu.memory_space<semaphore_mem>>)
      %dma_wait3A_391 = arith.constant 0 : i32
      %dma_wait3A_392 = arith.constant 0 : i32
      %dma_wait3A_393 = tpu.memref_slice %arg10[%dma_wait3A_391, %dma_wait3A_392] : memref<112x128xf32, #tpu.memory_space<vmem>> -> memref<80x128xf32, #tpu.memory_space<vmem>>
      %dma_wait3A_394 = arith.constant 0 : i32
      %dma_wait3A_395 = tpu.memref_slice %arg12[%add3A_33, %dma_wait3A_394] : memref<10240x128xf32, #tpu.memory_space<vmem_shared>> -> memref<80x128xf32, #tpu.memory_space<vmem_shared>>
      %dma_wait3A_396 = arith.constant 0 : i32
      %dma_wait3A_397 = tpu.memref_slice %arg12[%add3A_33, %dma_wait3A_396] : memref<10240x128xf32, #tpu.memory_space<vmem_shared>> -> memref<80x128xf32, #tpu.memory_space<vmem_shared>>
      %dma_wait3A_398 = arith.constant 0 : i32
      %dma_wait3A_399 = arith.constant 0 : i32
      %dma_wait3A_400 = tpu.memref_slice %arg10[%dma_wait3A_398, %dma_wait3A_399] : memref<112x128xf32, #tpu.memory_space<vmem>> -> memref<80x128xf32, #tpu.memory_space<vmem>>
      tpu.wait_dma2 semaphore(%run_scoped3A_380 : memref<!tpu.dma_semaphore, #tpu.memory_space<semaphore_mem>>) src(%dma_wait3A_400 : memref<80x128xf32, #tpu.memory_space<vmem>>) dst(%dma_wait3A_397 : memref<80x128xf32, #tpu.memory_space<vmem_shared>>)
      tpu.yield
    }) : () -> ()
    %mul3A_34 = arith.constant 640 : i32
    %mul3A_35 = arith.muli %arg1, %mul3A_34 : i32
    %add3A_36 = arith.constant 560 : i32
    %add3A_37 = arith.addi %mul3A_35, %add3A_36 : i32
    "tpu.region"() ({
      %run_scoped3A_380 = tpu.sem_alloc : memref<!tpu.dma_semaphore, #tpu.memory_space<semaphore_mem>>
      %dma_start3A_381 = arith.constant 0 : i32
      %dma_start3A_382 = arith.constant 0 : i32
      %dma_start3A_383 = tpu.memref_slice %arg10[%dma_start3A_381, %dma_start3A_382] : memref<112x128xf32, #tpu.memory_space<vmem>> -> memref<80x128xf32, #tpu.memory_space<vmem>>
      %dma_start3A_384 = arith.constant 0 : i32
      %dma_start3A_385 = tpu.memref_slice %arg12[%add3A_37, %dma_start3A_384] : memref<10240x128xf32, #tpu.memory_space<vmem_shared>> -> memref<80x128xf32, #tpu.memory_space<vmem_shared>>
      %dma_start3A_386 = arith.constant 0 : i32
      %dma_start3A_387 = tpu.memref_slice %arg12[%add3A_37, %dma_start3A_386] : memref<10240x128xf32, #tpu.memory_space<vmem_shared>> -> memref<80x128xf32, #tpu.memory_space<vmem_shared>>
      %dma_start3A_388 = arith.constant 0 : i32
      %dma_start3A_389 = arith.constant 0 : i32
      %dma_start3A_390 = tpu.memref_slice %arg10[%dma_start3A_388, %dma_start3A_389] : memref<112x128xf32, #tpu.memory_space<vmem>> -> memref<80x128xf32, #tpu.memory_space<vmem>>
      tpu.enqueue_dma source(%dma_start3A_390 : memref<80x128xf32, #tpu.memory_space<vmem>>) target(%dma_start3A_387 : memref<80x128xf32, #tpu.memory_space<vmem_shared>>) target_semaphore(%run_scoped3A_380 : memref<!tpu.dma_semaphore, #tpu.memory_space<semaphore_mem>>)
      %dma_wait3A_391 = arith.constant 0 : i32
      %dma_wait3A_392 = arith.constant 0 : i32
      %dma_wait3A_393 = tpu.memref_slice %arg10[%dma_wait3A_391, %dma_wait3A_392] : memref<112x128xf32, #tpu.memory_space<vmem>> -> memref<80x128xf32, #tpu.memory_space<vmem>>
      %dma_wait3A_394 = arith.constant 0 : i32
      %dma_wait3A_395 = tpu.memref_slice %arg12[%add3A_37, %dma_wait3A_394] : memref<10240x128xf32, #tpu.memory_space<vmem_shared>> -> memref<80x128xf32, #tpu.memory_space<vmem_shared>>
      %dma_wait3A_396 = arith.constant 0 : i32
      %dma_wait3A_397 = tpu.memref_slice %arg12[%add3A_37, %dma_wait3A_396] : memref<10240x128xf32, #tpu.memory_space<vmem_shared>> -> memref<80x128xf32, #tpu.memory_space<vmem_shared>>
      %dma_wait3A_398 = arith.constant 0 : i32
      %dma_wait3A_399 = arith.constant 0 : i32
      %dma_wait3A_400 = tpu.memref_slice %arg10[%dma_wait3A_398, %dma_wait3A_399] : memref<112x128xf32, #tpu.memory_space<vmem>> -> memref<80x128xf32, #tpu.memory_space<vmem>>
      tpu.wait_dma2 semaphore(%run_scoped3A_380 : memref<!tpu.dma_semaphore, #tpu.memory_space<semaphore_mem>>) src(%dma_wait3A_400 : memref<80x128xf32, #tpu.memory_space<vmem>>) dst(%dma_wait3A_397 : memref<80x128xf32, #tpu.memory_space<vmem_shared>>)
      tpu.yield
    }) : () -> ()
    %barrier3A = arith.constant 0 : index
    tpu.barrier barrier_id(%barrier3A)
    %get3A = arith.constant 0 : index
    %get3A_38 = tpu.vector_load %arg5[%get3A] {strides = array<i32>} : memref<10000xi32, #tpu.memory_space<vmem>>, vector<16xi32>,
    %and3A = arith.constant 65535 : i32
    %and3A_39 = vector.broadcast %and3A : i32 to vector<16xi32>
    %and3A_40 = arith.andi %get3A_38, %and3A_39 : vector<16xi32>
    %swap3A = arith.constant 0 : i32
    %swap3A_41 = arith.index_cast %swap3A : i32 to index
    %swap3A_42 = arith.constant 0 : index
    %swap3A_43 = tpu.vector_load %arg6[%swap3A_41, %swap3A_42] {strides = array<i32>} : memref<2x112xi32, #tpu.memory_space<vmem>>, vector<16xi32>,
    tpu.vector_store %arg6[%swap3A_41, %swap3A_42], %and3A_40 {strides = array<i32>} : memref<2x112xi32, #tpu.memory_space<vmem>>, vector<16xi32>,
    %get3A_44 = arith.constant 16 : index
    %get3A_45 = tpu.vector_load %arg5[%get3A_44] {strides = array<i32>} : memref<10000xi32, #tpu.memory_space<vmem>>, vector<16xi32>,
    %and3A_46 = arith.constant 65535 : i32
    %and3A_47 = vector.broadcast %and3A_46 : i32 to vector<16xi32>
    %and3A_48 = arith.andi %get3A_45, %and3A_47 : vector<16xi32>
    %swap3A_49 = arith.constant 0 : i32
    %swap3A_50 = arith.index_cast %swap3A_49 : i32 to index
    %swap3A_51 = arith.constant 16 : index
    %swap3A_52 = tpu.vector_load %arg6[%swap3A_50, %swap3A_51] {strides = array<i32>} : memref<2x112xi32, #tpu.memory_space<vmem>>, vector<16xi32>,
    tpu.vector_store %arg6[%swap3A_50, %swap3A_51], %and3A_48 {strides = array<i32>} : memref<2x112xi32, #tpu.memory_space<vmem>>, vector<16xi32>,
    %get3A_53 = arith.constant 32 : index
    %get3A_54 = tpu.vector_load %arg5[%get3A_53] {strides = array<i32>} : memref<10000xi32, #tpu.memory_space<vmem>>, vector<16xi32>,
    %and3A_55 = arith.constant 65535 : i32
    %and3A_56 = vector.broadcast %and3A_55 : i32 to vector<16xi32>
    %and3A_57 = arith.andi %get3A_54, %and3A_56 : vector<16xi32>
    %swap3A_58 = arith.constant 0 : i32
    %swap3A_59 = arith.index_cast %swap3A_58 : i32 to index
    %swap3A_60 = arith.constant 32 : index
    %swap3A_61 = tpu.vector_load %arg6[%swap3A_59, %swap3A_60] {strides = array<i32>} : memref<2x112xi32, #tpu.memory_space<vmem>>, vector<16xi32>,
    tpu.vector_store %arg6[%swap3A_59, %swap3A_60], %and3A_57 {strides = array<i32>} : memref<2x112xi32, #tpu.memory_space<vmem>>, vector<16xi32>,
    %get3A_62 = arith.constant 48 : index
    %get3A_63 = tpu.vector_load %arg5[%get3A_62] {strides = array<i32>} : memref<10000xi32, #tpu.memory_space<vmem>>, vector<16xi32>,
    %and3A_64 = arith.constant 65535 : i32
    %and3A_65 = vector.broadcast %and3A_64 : i32 to vector<16xi32>
    %and3A_66 = arith.andi %get3A_63, %and3A_65 : vector<16xi32>
    %swap3A_67 = arith.constant 0 : i32
    %swap3A_68 = arith.index_cast %swap3A_67 : i32 to index
    %swap3A_69 = arith.constant 48 : index
    %swap3A_70 = tpu.vector_load %arg6[%swap3A_68, %swap3A_69] {strides = array<i32>} : memref<2x112xi32, #tpu.memory_space<vmem>>, vector<16xi32>,
    tpu.vector_store %arg6[%swap3A_68, %swap3A_69], %and3A_66 {strides = array<i32>} : memref<2x112xi32, #tpu.memory_space<vmem>>, vector<16xi32>,
    %get3A_71 = arith.constant 64 : index
    %get3A_72 = tpu.vector_load %arg5[%get3A_71] {strides = array<i32>} : memref<10000xi32, #tpu.memory_space<vmem>>, vector<16xi32>,
    %and3A_73 = arith.constant 65535 : i32
    %and3A_74 = vector.broadcast %and3A_73 : i32 to vector<16xi32>
    %and3A_75 = arith.andi %get3A_72, %and3A_74 : vector<16xi32>
    %swap3A_76 = arith.constant 0 : i32
    %swap3A_77 = arith.index_cast %swap3A_76 : i32 to index
    %swap3A_78 = arith.constant 64 : index
    %swap3A_79 = tpu.vector_load %arg6[%swap3A_77, %swap3A_78] {strides = array<i32>} : memref<2x112xi32, #tpu.memory_space<vmem>>, vector<16xi32>,
    tpu.vector_store %arg6[%swap3A_77, %swap3A_78], %and3A_75 {strides = array<i32>} : memref<2x112xi32, #tpu.memory_space<vmem>>, vector<16xi32>,
    %get3A_80 = arith.constant 80 : index
    %get3A_81 = tpu.vector_load %arg5[%get3A_80] {strides = array<i32>} : memref<10000xi32, #tpu.memory_space<vmem>>, vector<16xi32>,
    %and3A_82 = arith.constant 65535 : i32
    %and3A_83 = vector.broadcast %and3A_82 : i32 to vector<16xi32>
    %and3A_84 = arith.andi %get3A_81, %and3A_83 : vector<16xi32>
    %swap3A_85 = arith.constant 0 : i32
    %swap3A_86 = arith.index_cast %swap3A_85 : i32 to index
    %swap3A_87 = arith.constant 80 : index
    %swap3A_88 = tpu.vector_load %arg6[%swap3A_86, %swap3A_87] {strides = array<i32>} : memref<2x112xi32, #tpu.memory_space<vmem>>, vector<16xi32>,
    tpu.vector_store %arg6[%swap3A_86, %swap3A_87], %and3A_84 {strides = array<i32>} : memref<2x112xi32, #tpu.memory_space<vmem>>, vector<16xi32>,
    %get3A_89 = arith.constant 96 : index
    %get3A_90 = tpu.vector_load %arg5[%get3A_89] {strides = array<i32>} : memref<10000xi32, #tpu.memory_space<vmem>>, vector<16xi32>,
    %and3A_91 = arith.constant 65535 : i32
    %and3A_92 = vector.broadcast %and3A_91 : i32 to vector<16xi32>
    %and3A_93 = arith.andi %get3A_90, %and3A_92 : vector<16xi32>
    %swap3A_94 = arith.constant 0 : i32
    %swap3A_95 = arith.index_cast %swap3A_94 : i32 to index
    %swap3A_96 = arith.constant 96 : index
    %swap3A_97 = tpu.vector_load %arg6[%swap3A_95, %swap3A_96] {strides = array<i32>} : memref<2x112xi32, #tpu.memory_space<vmem>>, vector<16xi32>,
    tpu.vector_store %arg6[%swap3A_95, %swap3A_96], %and3A_93 {strides = array<i32>} : memref<2x112xi32, #tpu.memory_space<vmem>>, vector<16xi32>,
    %dma_start3A = arith.constant 0 : i32
    %dma_start3A_98 = arith.constant 0 : i32
    %dma_start3A_99 = tpu.memref_slice %arg6[%dma_start3A, %dma_start3A_98] : memref<2x112xi32, #tpu.memory_space<vmem>> -> memref<1x112xi32, #tpu.memory_space<vmem>>
    %dma_start3A_100 = tpu.memref_squeeze %dma_start3A_99 : memref<1x112xi32, #tpu.memory_space<vmem>> -> memref<112xi32, #tpu.memory_space<vmem>>
    %dma_start3A_101 = arith.constant 0 : i32
    %dma_start3A_102 = arith.constant 0 : i32
    %dma_start3A_103 = tpu.memref_slice %arg2[%dma_start3A_101, %dma_start3A_102] : memref<10000x128xf32, #tpu.memory_space<hbm>> -> memref<10000x128xf32, #tpu.memory_space<hbm>>
    tpu.enqueue_indirect_dma source(%dma_start3A_103 : memref<10000x128xf32, #tpu.memory_space<hbm>>) target(%arg10 : memref<112x128xf32, #tpu.memory_space<vmem>>) offsets(%dma_start3A_100 : memref<112xi32, #tpu.memory_space<vmem>>) semaphore(%arg13 : memref<!tpu.dma_semaphore, #tpu.memory_space<semaphore_mem>>)
    %get3A_104 = arith.constant 112 : index
    %get3A_105 = tpu.vector_load %arg5[%get3A_104] {strides = array<i32>} : memref<10000xi32, #tpu.memory_space<vmem>>, vector<16xi32>,
    %and3A_106 = arith.constant 65535 : i32
    %and3A_107 = vector.broadcast %and3A_106 : i32 to vector<16xi32>
    %and3A_108 = arith.andi %get3A_105, %and3A_107 : vector<16xi32>
    %swap3A_109 = arith.constant 1 : i32
    %swap3A_110 = arith.index_cast %swap3A_109 : i32 to index
    %swap3A_111 = arith.constant 0 : index
    %swap3A_112 = tpu.vector_load %arg6[%swap3A_110, %swap3A_111] {strides = array<i32>} : memref<2x112xi32, #tpu.memory_space<vmem>>, vector<16xi32>,
    tpu.vector_store %arg6[%swap3A_110, %swap3A_111], %and3A_108 {strides = array<i32>} : memref<2x112xi32, #tpu.memory_space<vmem>>, vector<16xi32>,
    %get3A_113 = arith.constant 128 : index
    %get3A_114 = tpu.vector_load %arg5[%get3A_113] {strides = array<i32>} : memref<10000xi32, #tpu.memory_space<vmem>>, vector<16xi32>,
    %and3A_115 = arith.constant 65535 : i32
    %and3A_116 = vector.broadcast %and3A_115 : i32 to vector<16xi32>
    %and3A_117 = arith.andi %get3A_114, %and3A_116 : vector<16xi32>
    %swap3A_118 = arith.constant 1 : i32
    %swap3A_119 = arith.index_cast %swap3A_118 : i32 to index
    %swap3A_120 = arith.constant 16 : index
    %swap3A_121 = tpu.vector_load %arg6[%swap3A_119, %swap3A_120] {strides = array<i32>} : memref<2x112xi32, #tpu.memory_space<vmem>>, vector<16xi32>,
    tpu.vector_store %arg6[%swap3A_119, %swap3A_120], %and3A_117 {strides = array<i32>} : memref<2x112xi32, #tpu.memory_space<vmem>>, vector<16xi32>,
    %get3A_122 = arith.constant 144 : index
    %get3A_123 = tpu.vector_load %arg5[%get3A_122] {strides = array<i32>} : memref<10000xi32, #tpu.memory_space<vmem>>, vector<16xi32>,
    %and3A_124 = arith.constant 65535 : i32
    %and3A_125 = vector.broadcast %and3A_124 : i32 to vector<16xi32>
    %and3A_126 = arith.andi %get3A_123, %and3A_125 : vector<16xi32>
    %swap3A_127 = arith.constant 1 : i32
    %swap3A_128 = arith.index_cast %swap3A_127 : i32 to index
    %swap3A_129 = arith.constant 32 : index
    %swap3A_130 = tpu.vector_load %arg6[%swap3A_128, %swap3A_129] {strides = array<i32>} : memref<2x112xi32, #tpu.memory_space<vmem>>, vector<16xi32>,
    tpu.vector_store %arg6[%swap3A_128, %swap3A_129], %and3A_126 {strides = array<i32>} : memref<2x112xi32, #tpu.memory_space<vmem>>, vector<16xi32>,
    %get3A_131 = arith.constant 160 : index
    %get3A_132 = tpu.vector_load %arg5[%get3A_131] {strides = array<i32>} : memref<10000xi32, #tpu.memory_space<vmem>>, vector<16xi32>,
    %and3A_133 = arith.constant 65535 : i32
    %and3A_134 = vector.broadcast %and3A_133 : i32 to vector<16xi32>
    %and3A_135 = arith.andi %get3A_132, %and3A_134 : vector<16xi32>
    %swap3A_136 = arith.constant 1 : i32
    %swap3A_137 = arith.index_cast %swap3A_136 : i32 to index
    %swap3A_138 = arith.constant 48 : index
    %swap3A_139 = tpu.vector_load %arg6[%swap3A_137, %swap3A_138] {strides = array<i32>} : memref<2x112xi32, #tpu.memory_space<vmem>>, vector<16xi32>,
    tpu.vector_store %arg6[%swap3A_137, %swap3A_138], %and3A_135 {strides = array<i32>} : memref<2x112xi32, #tpu.memory_space<vmem>>, vector<16xi32>,
    %get3A_140 = arith.constant 176 : index
    %get3A_141 = tpu.vector_load %arg5[%get3A_140] {strides = array<i32>} : memref<10000xi32, #tpu.memory_space<vmem>>, vector<16xi32>,
    %and3A_142 = arith.constant 65535 : i32
    %and3A_143 = vector.broadcast %and3A_142 : i32 to vector<16xi32>
    %and3A_144 = arith.andi %get3A_141, %and3A_143 : vector<16xi32>
    %swap3A_145 = arith.constant 1 : i32
    %swap3A_146 = arith.index_cast %swap3A_145 : i32 to index
    %swap3A_147 = arith.constant 64 : index
    %swap3A_148 = tpu.vector_load %arg6[%swap3A_146, %swap3A_147] {strides = array<i32>} : memref<2x112xi32, #tpu.memory_space<vmem>>, vector<16xi32>,
    tpu.vector_store %arg6[%swap3A_146, %swap3A_147], %and3A_144 {strides = array<i32>} : memref<2x112xi32, #tpu.memory_space<vmem>>, vector<16xi32>,
    %get3A_149 = arith.constant 192 : index
    %get3A_150 = tpu.vector_load %arg5[%get3A_149] {strides = array<i32>} : memref<10000xi32, #tpu.memory_space<vmem>>, vector<16xi32>,
    %and3A_151 = arith.constant 65535 : i32
    %and3A_152 = vector.broadcast %and3A_151 : i32 to vector<16xi32>
    %and3A_153 = arith.andi %get3A_150, %and3A_152 : vector<16xi32>
    %swap3A_154 = arith.constant 1 : i32
    %swap3A_155 = arith.index_cast %swap3A_154 : i32 to index
    %swap3A_156 = arith.constant 80 : index
    %swap3A_157 = tpu.vector_load %arg6[%swap3A_155, %swap3A_156] {strides = array<i32>} : memref<2x112xi32, #tpu.memory_space<vmem>>, vector<16xi32>,
    tpu.vector_store %arg6[%swap3A_155, %swap3A_156], %and3A_153 {strides = array<i32>} : memref<2x112xi32, #tpu.memory_space<vmem>>, vector<16xi32>,
    %get3A_158 = arith.constant 208 : index
    %get3A_159 = tpu.vector_load %arg5[%get3A_158] {strides = array<i32>} : memref<10000xi32, #tpu.memory_space<vmem>>, vector<16xi32>,
    %and3A_160 = arith.constant 65535 : i32
    %and3A_161 = vector.broadcast %and3A_160 : i32 to vector<16xi32>
    %and3A_162 = arith.andi %get3A_159, %and3A_161 : vector<16xi32>
    %swap3A_163 = arith.constant 1 : i32
    %swap3A_164 = arith.index_cast %swap3A_163 : i32 to index
    %swap3A_165 = arith.constant 96 : index
    %swap3A_166 = tpu.vector_load %arg6[%swap3A_164, %swap3A_165] {strides = array<i32>} : memref<2x112xi32, #tpu.memory_space<vmem>>, vector<16xi32>,
    tpu.vector_store %arg6[%swap3A_164, %swap3A_165], %and3A_162 {strides = array<i32>} : memref<2x112xi32, #tpu.memory_space<vmem>>, vector<16xi32>,
    %dma_start3A_167 = arith.constant 1 : i32
    %dma_start3A_168 = arith.constant 0 : i32
    %dma_start3A_169 = tpu.memref_slice %arg6[%dma_start3A_167, %dma_start3A_168] : memref<2x112xi32, #tpu.memory_space<vmem>> -> memref<1x112xi32, #tpu.memory_space<vmem>>
    %dma_start3A_170 = tpu.memref_squeeze %dma_start3A_169 : memref<1x112xi32, #tpu.memory_space<vmem>> -> memref<112xi32, #tpu.memory_space<vmem>>
    %dma_start3A_171 = arith.constant 0 : i32
    %dma_start3A_172 = arith.constant 0 : i32
    %dma_start3A_173 = tpu.memref_slice %arg2[%dma_start3A_171, %dma_start3A_172] : memref<10000x128xf32, #tpu.memory_space<hbm>> -> memref<10000x128xf32, #tpu.memory_space<hbm>>
    tpu.enqueue_indirect_dma source(%dma_start3A_173 : memref<10000x128xf32, #tpu.memory_space<hbm>>) target(%arg11 : memref<112x128xf32, #tpu.memory_space<vmem>>) offsets(%dma_start3A_170 : memref<112xi32, #tpu.memory_space<vmem>>) semaphore(%arg14 : memref<!tpu.dma_semaphore, #tpu.memory_space<semaphore_mem>>)
    %scan3A_174 = arith.constant 0 : i32
    %scan3A_175 = arith.constant 0 : i32
    %scan3A_176 = arith.constant 44 : i32
    %scan3A_177 = arith.addi %scan3A_175, %scan3A_176 : i32
    %scan3A_178 = arith.constant 1 : i32
    scf.for %scan3A_380 = %scan3A_175 to %scan3A_177 step %scan3A_178  : i32 {
      %mul3A_381 = arith.constant 2 : i32
      %mul3A_382 = arith.muli %mul3A_381, %scan3A_380 : i32
      %add3A_383 = arith.constant 0 : i32
      %add3A_384 = arith.addi %mul3A_382, %add3A_383 : i32
      %dma_wait3A_385 = arith.constant 0 : i32
      %dma_wait3A_386 = arith.constant 0 : i32
      %dma_wait3A_387 = tpu.memref_slice %arg6[%dma_wait3A_385, %dma_wait3A_386] : memref<2x112xi32, #tpu.memory_space<vmem>> -> memref<1x112xi32, #tpu.memory_space<vmem>>
      %dma_wait3A_388 = tpu.memref_squeeze %dma_wait3A_387 : memref<1x112xi32, #tpu.memory_space<vmem>> -> memref<112xi32, #tpu.memory_space<vmem>>
      %dma_wait3A_389 = arith.constant 0 : i32
      %dma_wait3A_390 = arith.constant 0 : i32
      %dma_wait3A_391 = tpu.memref_slice %arg2[%dma_wait3A_389, %dma_wait3A_390] : memref<10000x128xf32, #tpu.memory_space<hbm>> -> memref<10000x128xf32, #tpu.memory_space<hbm>>
      tpu.wait_indirect_dma semaphore(%arg13 : memref<!tpu.dma_semaphore, #tpu.memory_space<semaphore_mem>>) src(%dma_wait3A_391 : memref<10000x128xf32, #tpu.memory_space<hbm>>) dst(%arg10 : memref<112x128xf32, #tpu.memory_space<vmem>>)
      %mul3A_392 = arith.constant 112 : i32
      %mul3A_393 = arith.muli %add3A_384, %mul3A_392 : i32
      %add3A_394 = arith.constant 0 : i32
      %add3A_395 = arith.addi %mul3A_393, %add3A_394 : i32
      %get3A_396 = arith.index_cast %add3A_395 : i32 to index
      %get3A_397 = tpu.vector_load %arg5[%get3A_396] {strides = array<i32>} : memref<10000xi32, #tpu.memory_space<vmem>>, vector<16xi32>,
      %shift_right_logical3A_398 = arith.constant 16 : i32
      %shift_right_logical3A_399 = vector.broadcast %shift_right_logical3A_398 : i32 to vector<16xi32>
      %shift_right_logical3A_400 = arith.shrui %get3A_397, %shift_right_logical3A_399 : vector<16xi32>
      %swap3A_401 = arith.constant 0 : i32
      %swap3A_402 = arith.index_cast %swap3A_401 : i32 to index
      %swap3A_403 = arith.constant 0 : index
      %swap3A_404 = tpu.vector_load %arg7[%swap3A_402, %swap3A_403] {strides = array<i32>} : memref<1x112xi32, #tpu.memory_space<vmem>>, vector<16xi32>,
      tpu.vector_store %arg7[%swap3A_402, %swap3A_403], %shift_right_logical3A_400 {strides = array<i32>} : memref<1x112xi32, #tpu.memory_space<vmem>>, vector<16xi32>,
      %mul3A_405 = arith.constant 112 : i32
      %mul3A_406 = arith.muli %add3A_384, %mul3A_405 : i32
      %add3A_407 = arith.constant 16 : i32
      %add3A_408 = arith.addi %mul3A_406, %add3A_407 : i32
      %get3A_409 = arith.index_cast %add3A_408 : i32 to index
      %get3A_410 = tpu.vector_load %arg5[%get3A_409] {strides = array<i32>} : memref<10000xi32, #tpu.memory_space<vmem>>, vector<16xi32>,
      %shift_right_logical3A_411 = arith.constant 16 : i32
      %shift_right_logical3A_412 = vector.broadcast %shift_right_logical3A_411 : i32 to vector<16xi32>
      %shift_right_logical3A_413 = arith.shrui %get3A_410, %shift_right_logical3A_412 : vector<16xi32>
      %swap3A_414 = arith.constant 0 : i32
      %swap3A_415 = arith.index_cast %swap3A_414 : i32 to index
      %swap3A_416 = arith.constant 16 : index
      %swap3A_417 = tpu.vector_load %arg7[%swap3A_415, %swap3A_416] {strides = array<i32>} : memref<1x112xi32, #tpu.memory_space<vmem>>, vector<16xi32>,
      tpu.vector_store %arg7[%swap3A_415, %swap3A_416], %shift_right_logical3A_413 {strides = array<i32>} : memref<1x112xi32, #tpu.memory_space<vmem>>, vector<16xi32>,
      %mul3A_418 = arith.constant 112 : i32
      %mul3A_419 = arith.muli %add3A_384, %mul3A_418 : i32
      %add3A_420 = arith.constant 32 : i32
      %add3A_421 = arith.addi %mul3A_419, %add3A_420 : i32
      %get3A_422 = arith.index_cast %add3A_421 : i32 to index
      %get3A_423 = tpu.vector_load %arg5[%get3A_422] {strides = array<i32>} : memref<10000xi32, #tpu.memory_space<vmem>>, vector<16xi32>,
      %shift_right_logical3A_424 = arith.constant 16 : i32
      %shift_right_logical3A_425 = vector.broadcast %shift_right_logical3A_424 : i32 to vector<16xi32>
      %shift_right_logical3A_426 = arith.shrui %get3A_423, %shift_right_logical3A_425 : vector<16xi32>
      %swap3A_427 = arith.constant 0 : i32
      %swap3A_428 = arith.index_cast %swap3A_427 : i32 to index
      %swap3A_429 = arith.constant 32 : index
      %swap3A_430 = tpu.vector_load %arg7[%swap3A_428, %swap3A_429] {strides = array<i32>} : memref<1x112xi32, #tpu.memory_space<vmem>>, vector<16xi32>,
      tpu.vector_store %arg7[%swap3A_428, %swap3A_429], %shift_right_logical3A_426 {strides = array<i32>} : memref<1x112xi32, #tpu.memory_space<vmem>>, vector<16xi32>,
      %mul3A_431 = arith.constant 112 : i32
      %mul3A_432 = arith.muli %add3A_384, %mul3A_431 : i32
      %add3A_433 = arith.constant 48 : i32
      %add3A_434 = arith.addi %mul3A_432, %add3A_433 : i32
      %get3A_435 = arith.index_cast %add3A_434 : i32 to index
      %get3A_436 = tpu.vector_load %arg5[%get3A_435] {strides = array<i32>} : memref<10000xi32, #tpu.memory_space<vmem>>, vector<16xi32>,
      %shift_right_logical3A_437 = arith.constant 16 : i32
      %shift_right_logical3A_438 = vector.broadcast %shift_right_logical3A_437 : i32 to vector<16xi32>
      %shift_right_logical3A_439 = arith.shrui %get3A_436, %shift_right_logical3A_438 : vector<16xi32>
      %swap3A_440 = arith.constant 0 : i32
      %swap3A_441 = arith.index_cast %swap3A_440 : i32 to index
      %swap3A_442 = arith.constant 48 : index
      %swap3A_443 = tpu.vector_load %arg7[%swap3A_441, %swap3A_442] {strides = array<i32>} : memref<1x112xi32, #tpu.memory_space<vmem>>, vector<16xi32>,
      tpu.vector_store %arg7[%swap3A_441, %swap3A_442], %shift_right_logical3A_439 {strides = array<i32>} : memref<1x112xi32, #tpu.memory_space<vmem>>, vector<16xi32>,
      %mul3A_444 = arith.constant 112 : i32
      %mul3A_445 = arith.muli %add3A_384, %mul3A_444 : i32
      %add3A_446 = arith.constant 64 : i32
      %add3A_447 = arith.addi %mul3A_445, %add3A_446 : i32
      %get3A_448 = arith.index_cast %add3A_447 : i32 to index
      %get3A_449 = tpu.vector_load %arg5[%get3A_448] {strides = array<i32>} : memref<10000xi32, #tpu.memory_space<vmem>>, vector<16xi32>,
      %shift_right_logical3A_450 = arith.constant 16 : i32
      %shift_right_logical3A_451 = vector.broadcast %shift_right_logical3A_450 : i32 to vector<16xi32>
      %shift_right_logical3A_452 = arith.shrui %get3A_449, %shift_right_logical3A_451 : vector<16xi32>
      %swap3A_453 = arith.constant 0 : i32
      %swap3A_454 = arith.index_cast %swap3A_453 : i32 to index
      %swap3A_455 = arith.constant 64 : index
      %swap3A_456 = tpu.vector_load %arg7[%swap3A_454, %swap3A_455] {strides = array<i32>} : memref<1x112xi32, #tpu.memory_space<vmem>>, vector<16xi32>,
      tpu.vector_store %arg7[%swap3A_454, %swap3A_455], %shift_right_logical3A_452 {strides = array<i32>} : memref<1x112xi32, #tpu.memory_space<vmem>>, vector<16xi32>,
      %mul3A_457 = arith.constant 112 : i32
      %mul3A_458 = arith.muli %add3A_384, %mul3A_457 : i32
      %add3A_459 = arith.constant 80 : i32
      %add3A_460 = arith.addi %mul3A_458, %add3A_459 : i32
      %get3A_461 = arith.index_cast %add3A_460 : i32 to index
      %get3A_462 = tpu.vector_load %arg5[%get3A_461] {strides = array<i32>} : memref<10000xi32, #tpu.memory_space<vmem>>, vector<16xi32>,
      %shift_right_logical3A_463 = arith.constant 16 : i32
      %shift_right_logical3A_464 = vector.broadcast %shift_right_logical3A_463 : i32 to vector<16xi32>
      %shift_right_logical3A_465 = arith.shrui %get3A_462, %shift_right_logical3A_464 : vector<16xi32>
      %swap3A_466 = arith.constant 0 : i32
      %swap3A_467 = arith.index_cast %swap3A_466 : i32 to index
      %swap3A_468 = arith.constant 80 : index
      %swap3A_469 = tpu.vector_load %arg7[%swap3A_467, %swap3A_468] {strides = array<i32>} : memref<1x112xi32, #tpu.memory_space<vmem>>, vector<16xi32>,
      tpu.vector_store %arg7[%swap3A_467, %swap3A_468], %shift_right_logical3A_465 {strides = array<i32>} : memref<1x112xi32, #tpu.memory_space<vmem>>, vector<16xi32>,
      %mul3A_470 = arith.constant 112 : i32
      %mul3A_471 = arith.muli %add3A_384, %mul3A_470 : i32
      %add3A_472 = arith.constant 96 : i32
      %add3A_473 = arith.addi %mul3A_471, %add3A_472 : i32
      %get3A_474 = arith.index_cast %add3A_473 : i32 to index
      %get3A_475 = tpu.vector_load %arg5[%get3A_474] {strides = array<i32>} : memref<10000xi32, #tpu.memory_space<vmem>>, vector<16xi32>,
      %shift_right_logical3A_476 = arith.constant 16 : i32
      %shift_right_logical3A_477 = vector.broadcast %shift_right_logical3A_476 : i32 to vector<16xi32>
      %shift_right_logical3A_478 = arith.shrui %get3A_475, %shift_right_logical3A_477 : vector<16xi32>
      %swap3A_479 = arith.constant 0 : i32
      %swap3A_480 = arith.index_cast %swap3A_479 : i32 to index
      %swap3A_481 = arith.constant 96 : index
      %swap3A_482 = tpu.vector_load %arg7[%swap3A_480, %swap3A_481] {strides = array<i32>} : memref<1x112xi32, #tpu.memory_space<vmem>>, vector<16xi32>,
      tpu.vector_store %arg7[%swap3A_480, %swap3A_481], %shift_right_logical3A_478 {strides = array<i32>} : memref<1x112xi32, #tpu.memory_space<vmem>>, vector<16xi32>,
      %run_scoped3A_483 = arith.constant 0 : i32
      "tpu.region"() ({
        %run_scoped3A_594 = tpu.sem_alloc : memref<!tpu.dma_semaphore, #tpu.memory_space<semaphore_mem>>
        %dma_start3A_595 = arith.constant 0 : i32
        %dma_start3A_596 = tpu.memref_slice %arg7[%run_scoped3A_483, %dma_start3A_595] : memref<1x112xi32, #tpu.memory_space<vmem>> -> memref<1x112xi32, #tpu.memory_space<vmem>>
        %dma_start3A_597 = tpu.memref_squeeze %dma_start3A_596 : memref<1x112xi32, #tpu.memory_space<vmem>> -> memref<112xi32, #tpu.memory_space<vmem>>
        %dma_start3A_598 = arith.constant 0 : i32
        %dma_start3A_599 = arith.constant 0 : i32
        %dma_start3A_600 = tpu.memref_slice %arg12[%dma_start3A_598, %dma_start3A_599] : memref<10240x128xf32, #tpu.memory_space<vmem_shared>> -> memref<10240x128xf32, #tpu.memory_space<vmem_shared>>
        tpu.enqueue_indirect_dma source(%arg10 : memref<112x128xf32, #tpu.memory_space<vmem>>) target(%dma_start3A_600 : memref<10240x128xf32, #tpu.memory_space<vmem_shared>>) offsets(%dma_start3A_597 : memref<112xi32, #tpu.memory_space<vmem>>) semaphore(%run_scoped3A_594 : memref<!tpu.dma_semaphore, #tpu.memory_space<semaphore_mem>>) {add = true}
        %dma_wait3A_601 = arith.constant 0 : i32
        %dma_wait3A_602 = tpu.memref_slice %arg7[%run_scoped3A_483, %dma_wait3A_601] : memref<1x112xi32, #tpu.memory_space<vmem>> -> memref<1x112xi32, #tpu.memory_space<vmem>>
        %dma_wait3A_603 = tpu.memref_squeeze %dma_wait3A_602 : memref<1x112xi32, #tpu.memory_space<vmem>> -> memref<112xi32, #tpu.memory_space<vmem>>
        %dma_wait3A_604 = arith.constant 0 : i32
        %dma_wait3A_605 = arith.constant 0 : i32
        %dma_wait3A_606 = tpu.memref_slice %arg12[%dma_wait3A_604, %dma_wait3A_605] : memref<10240x128xf32, #tpu.memory_space<vmem_shared>> -> memref<10240x128xf32, #tpu.memory_space<vmem_shared>>
        tpu.wait_indirect_dma semaphore(%run_scoped3A_594 : memref<!tpu.dma_semaphore, #tpu.memory_space<semaphore_mem>>) src(%arg10 : memref<112x128xf32, #tpu.memory_space<vmem>>) dst(%dma_wait3A_606 : memref<10240x128xf32, #tpu.memory_space<vmem_shared>>)
        tpu.yield
      }) : () -> ()
      %lt3A = arith.constant 43 : i32
      %lt3A_484 = arith.cmpi slt, %scan3A_380, %lt3A : i32
      %convert_element_type3A = arith.extui %lt3A_484 : i1 to i32
      %cond3A = arith.constant 0 : i32
      %cond3A_485 = arith.cmpi ne, %convert_element_type3A, %cond3A : i32
      scf.if %cond3A_485 {
        %add3A_594 = arith.constant 2 : i32
        %add3A_595 = arith.addi %add3A_384, %add3A_594 : i32
        %mul3A_596 = arith.constant 112 : i32
        %mul3A_597 = arith.muli %add3A_595, %mul3A_596 : i32
        %add3A_598 = arith.constant 0 : i32
        %add3A_599 = arith.addi %mul3A_597, %add3A_598 : i32
        %get3A_600 = arith.index_cast %add3A_599 : i32 to index
        %get3A_601 = tpu.vector_load %arg5[%get3A_600] {strides = array<i32>} : memref<10000xi32, #tpu.memory_space<vmem>>, vector<16xi32>,
        %and3A_602 = arith.constant 65535 : i32
        %and3A_603 = vector.broadcast %and3A_602 : i32 to vector<16xi32>
        %and3A_604 = arith.andi %get3A_601, %and3A_603 : vector<16xi32>
        %swap3A_605 = arith.constant 0 : i32
        %swap3A_606 = arith.index_cast %swap3A_605 : i32 to index
        %swap3A_607 = arith.constant 0 : index
        %swap3A_608 = tpu.vector_load %arg6[%swap3A_606, %swap3A_607] {strides = array<i32>} : memref<2x112xi32, #tpu.memory_space<vmem>>, vector<16xi32>,
        tpu.vector_store %arg6[%swap3A_606, %swap3A_607], %and3A_604 {strides = array<i32>} : memref<2x112xi32, #tpu.memory_space<vmem>>, vector<16xi32>,
        %mul3A_609 = arith.constant 112 : i32
        %mul3A_610 = arith.muli %add3A_595, %mul3A_609 : i32
        %add3A_611 = arith.constant 16 : i32
        %add3A_612 = arith.addi %mul3A_610, %add3A_611 : i32
        %get3A_613 = arith.index_cast %add3A_612 : i32 to index
        %get3A_614 = tpu.vector_load %arg5[%get3A_613] {strides = array<i32>} : memref<10000xi32, #tpu.memory_space<vmem>>, vector<16xi32>,
        %and3A_615 = arith.constant 65535 : i32
        %and3A_616 = vector.broadcast %and3A_615 : i32 to vector<16xi32>
        %and3A_617 = arith.andi %get3A_614, %and3A_616 : vector<16xi32>
        %swap3A_618 = arith.constant 0 : i32
        %swap3A_619 = arith.index_cast %swap3A_618 : i32 to index
        %swap3A_620 = arith.constant 16 : index
        %swap3A_621 = tpu.vector_load %arg6[%swap3A_619, %swap3A_620] {strides = array<i32>} : memref<2x112xi32, #tpu.memory_space<vmem>>, vector<16xi32>,
        tpu.vector_store %arg6[%swap3A_619, %swap3A_620], %and3A_617 {strides = array<i32>} : memref<2x112xi32, #tpu.memory_space<vmem>>, vector<16xi32>,
        %mul3A_622 = arith.constant 112 : i32
        %mul3A_623 = arith.muli %add3A_595, %mul3A_622 : i32
        %add3A_624 = arith.constant 32 : i32
        %add3A_625 = arith.addi %mul3A_623, %add3A_624 : i32
        %get3A_626 = arith.index_cast %add3A_625 : i32 to index
        %get3A_627 = tpu.vector_load %arg5[%get3A_626] {strides = array<i32>} : memref<10000xi32, #tpu.memory_space<vmem>>, vector<16xi32>,
        %and3A_628 = arith.constant 65535 : i32
        %and3A_629 = vector.broadcast %and3A_628 : i32 to vector<16xi32>
        %and3A_630 = arith.andi %get3A_627, %and3A_629 : vector<16xi32>
        %swap3A_631 = arith.constant 0 : i32
        %swap3A_632 = arith.index_cast %swap3A_631 : i32 to index
        %swap3A_633 = arith.constant 32 : index
        %swap3A_634 = tpu.vector_load %arg6[%swap3A_632, %swap3A_633] {strides = array<i32>} : memref<2x112xi32, #tpu.memory_space<vmem>>, vector<16xi32>,
        tpu.vector_store %arg6[%swap3A_632, %swap3A_633], %and3A_630 {strides = array<i32>} : memref<2x112xi32, #tpu.memory_space<vmem>>, vector<16xi32>,
        %mul3A_635 = arith.constant 112 : i32
        %mul3A_636 = arith.muli %add3A_595, %mul3A_635 : i32
        %add3A_637 = arith.constant 48 : i32
        %add3A_638 = arith.addi %mul3A_636, %add3A_637 : i32
        %get3A_639 = arith.index_cast %add3A_638 : i32 to index
        %get3A_640 = tpu.vector_load %arg5[%get3A_639] {strides = array<i32>} : memref<10000xi32, #tpu.memory_space<vmem>>, vector<16xi32>,
        %and3A_641 = arith.constant 65535 : i32
        %and3A_642 = vector.broadcast %and3A_641 : i32 to vector<16xi32>
        %and3A_643 = arith.andi %get3A_640, %and3A_642 : vector<16xi32>
        %swap3A_644 = arith.constant 0 : i32
        %swap3A_645 = arith.index_cast %swap3A_644 : i32 to index
        %swap3A_646 = arith.constant 48 : index
        %swap3A_647 = tpu.vector_load %arg6[%swap3A_645, %swap3A_646] {strides = array<i32>} : memref<2x112xi32, #tpu.memory_space<vmem>>, vector<16xi32>,
        tpu.vector_store %arg6[%swap3A_645, %swap3A_646], %and3A_643 {strides = array<i32>} : memref<2x112xi32, #tpu.memory_space<vmem>>, vector<16xi32>,
        %mul3A_648 = arith.constant 112 : i32
        %mul3A_649 = arith.muli %add3A_595, %mul3A_648 : i32
        %add3A_650 = arith.constant 64 : i32
        %add3A_651 = arith.addi %mul3A_649, %add3A_650 : i32
        %get3A_652 = arith.index_cast %add3A_651 : i32 to index
        %get3A_653 = tpu.vector_load %arg5[%get3A_652] {strides = array<i32>} : memref<10000xi32, #tpu.memory_space<vmem>>, vector<16xi32>,
        %and3A_654 = arith.constant 65535 : i32
        %and3A_655 = vector.broadcast %and3A_654 : i32 to vector<16xi32>
        %and3A_656 = arith.andi %get3A_653, %and3A_655 : vector<16xi32>
        %swap3A_657 = arith.constant 0 : i32
        %swap3A_658 = arith.index_cast %swap3A_657 : i32 to index
        %swap3A_659 = arith.constant 64 : index
        %swap3A_660 = tpu.vector_load %arg6[%swap3A_658, %swap3A_659] {strides = array<i32>} : memref<2x112xi32, #tpu.memory_space<vmem>>, vector<16xi32>,
        tpu.vector_store %arg6[%swap3A_658, %swap3A_659], %and3A_656 {strides = array<i32>} : memref<2x112xi32, #tpu.memory_space<vmem>>, vector<16xi32>,
        %mul3A_661 = arith.constant 112 : i32
        %mul3A_662 = arith.muli %add3A_595, %mul3A_661 : i32
        %add3A_663 = arith.constant 80 : i32
        %add3A_664 = arith.addi %mul3A_662, %add3A_663 : i32
        %get3A_665 = arith.index_cast %add3A_664 : i32 to index
        %get3A_666 = tpu.vector_load %arg5[%get3A_665] {strides = array<i32>} : memref<10000xi32, #tpu.memory_space<vmem>>, vector<16xi32>,
        %and3A_667 = arith.constant 65535 : i32
        %and3A_668 = vector.broadcast %and3A_667 : i32 to vector<16xi32>
        %and3A_669 = arith.andi %get3A_666, %and3A_668 : vector<16xi32>
        %swap3A_670 = arith.constant 0 : i32
        %swap3A_671 = arith.index_cast %swap3A_670 : i32 to index
        %swap3A_672 = arith.constant 80 : index
        %swap3A_673 = tpu.vector_load %arg6[%swap3A_671, %swap3A_672] {strides = array<i32>} : memref<2x112xi32, #tpu.memory_space<vmem>>, vector<16xi32>,
        tpu.vector_store %arg6[%swap3A_671, %swap3A_672], %and3A_669 {strides = array<i32>} : memref<2x112xi32, #tpu.memory_space<vmem>>, vector<16xi32>,
        %mul3A_674 = arith.constant 112 : i32
        %mul3A_675 = arith.muli %add3A_595, %mul3A_674 : i32
        %add3A_676 = arith.constant 96 : i32
        %add3A_677 = arith.addi %mul3A_675, %add3A_676 : i32
        %get3A_678 = arith.index_cast %add3A_677 : i32 to index
        %get3A_679 = tpu.vector_load %arg5[%get3A_678] {strides = array<i32>} : memref<10000xi32, #tpu.memory_space<vmem>>, vector<16xi32>,
        %and3A_680 = arith.constant 65535 : i32
        %and3A_681 = vector.broadcast %and3A_680 : i32 to vector<16xi32>
        %and3A_682 = arith.andi %get3A_679, %and3A_681 : vector<16xi32>
        %swap3A_683 = arith.constant 0 : i32
        %swap3A_684 = arith.index_cast %swap3A_683 : i32 to index
        %swap3A_685 = arith.constant 96 : index
        %swap3A_686 = tpu.vector_load %arg6[%swap3A_684, %swap3A_685] {strides = array<i32>} : memref<2x112xi32, #tpu.memory_space<vmem>>, vector<16xi32>,
        tpu.vector_store %arg6[%swap3A_684, %swap3A_685], %and3A_682 {strides = array<i32>} : memref<2x112xi32, #tpu.memory_space<vmem>>, vector<16xi32>,
        %dma_start3A_687 = arith.constant 0 : i32
        %dma_start3A_688 = arith.constant 0 : i32
        %dma_start3A_689 = tpu.memref_slice %arg6[%dma_start3A_687, %dma_start3A_688] : memref<2x112xi32, #tpu.memory_space<vmem>> -> memref<1x112xi32, #tpu.memory_space<vmem>>
        %dma_start3A_690 = tpu.memref_squeeze %dma_start3A_689 : memref<1x112xi32, #tpu.memory_space<vmem>> -> memref<112xi32, #tpu.memory_space<vmem>>
        %dma_start3A_691 = arith.constant 0 : i32
        %dma_start3A_692 = arith.constant 0 : i32
        %dma_start3A_693 = tpu.memref_slice %arg2[%dma_start3A_691, %dma_start3A_692] : memref<10000x128xf32, #tpu.memory_space<hbm>> -> memref<10000x128xf32, #tpu.memory_space<hbm>>
        tpu.enqueue_indirect_dma source(%dma_start3A_693 : memref<10000x128xf32, #tpu.memory_space<hbm>>) target(%arg10 : memref<112x128xf32, #tpu.memory_space<vmem>>) offsets(%dma_start3A_690 : memref<112xi32, #tpu.memory_space<vmem>>) semaphore(%arg13 : memref<!tpu.dma_semaphore, #tpu.memory_space<semaphore_mem>>)
      } else {
      }
      %mul3A_486 = arith.constant 2 : i32
      %mul3A_487 = arith.muli %mul3A_486, %scan3A_380 : i32
      %add3A_488 = arith.constant 1 : i32
      %add3A_489 = arith.addi %mul3A_487, %add3A_488 : i32
      %dma_wait3A_490 = arith.constant 1 : i32
      %dma_wait3A_491 = arith.constant 0 : i32
      %dma_wait3A_492 = tpu.memref_slice %arg6[%dma_wait3A_490, %dma_wait3A_491] : memref<2x112xi32, #tpu.memory_space<vmem>> -> memref<1x112xi32, #tpu.memory_space<vmem>>
      %dma_wait3A_493 = tpu.memref_squeeze %dma_wait3A_492 : memref<1x112xi32, #tpu.memory_space<vmem>> -> memref<112xi32, #tpu.memory_space<vmem>>
      %dma_wait3A_494 = arith.constant 0 : i32
      %dma_wait3A_495 = arith.constant 0 : i32
      %dma_wait3A_496 = tpu.memref_slice %arg2[%dma_wait3A_494, %dma_wait3A_495] : memref<10000x128xf32, #tpu.memory_space<hbm>> -> memref<10000x128xf32, #tpu.memory_space<hbm>>
      tpu.wait_indirect_dma semaphore(%arg14 : memref<!tpu.dma_semaphore, #tpu.memory_space<semaphore_mem>>) src(%dma_wait3A_496 : memref<10000x128xf32, #tpu.memory_space<hbm>>) dst(%arg11 : memref<112x128xf32, #tpu.memory_space<vmem>>)
      %mul3A_497 = arith.constant 112 : i32
      %mul3A_498 = arith.muli %add3A_489, %mul3A_497 : i32
      %add3A_499 = arith.constant 0 : i32
      %add3A_500 = arith.addi %mul3A_498, %add3A_499 : i32
      %get3A_501 = arith.index_cast %add3A_500 : i32 to index
      %get3A_502 = tpu.vector_load %arg5[%get3A_501] {strides = array<i32>} : memref<10000xi32, #tpu.memory_space<vmem>>, vector<16xi32>,
      %shift_right_logical3A_503 = arith.constant 16 : i32
      %shift_right_logical3A_504 = vector.broadcast %shift_right_logical3A_503 : i32 to vector<16xi32>
      %shift_right_logical3A_505 = arith.shrui %get3A_502, %shift_right_logical3A_504 : vector<16xi32>
      %swap3A_506 = arith.constant 0 : i32
      %swap3A_507 = arith.index_cast %swap3A_506 : i32 to index
      %swap3A_508 = arith.constant 0 : index
      %swap3A_509 = tpu.vector_load %arg7[%swap3A_507, %swap3A_508] {strides = array<i32>} : memref<1x112xi32, #tpu.memory_space<vmem>>, vector<16xi32>,
      tpu.vector_store %arg7[%swap3A_507, %swap3A_508], %shift_right_logical3A_505 {strides = array<i32>} : memref<1x112xi32, #tpu.memory_space<vmem>>, vector<16xi32>,
      %mul3A_510 = arith.constant 112 : i32
      %mul3A_511 = arith.muli %add3A_489, %mul3A_510 : i32
      %add3A_512 = arith.constant 16 : i32
      %add3A_513 = arith.addi %mul3A_511, %add3A_512 : i32
      %get3A_514 = arith.index_cast %add3A_513 : i32 to index
      %get3A_515 = tpu.vector_load %arg5[%get3A_514] {strides = array<i32>} : memref<10000xi32, #tpu.memory_space<vmem>>, vector<16xi32>,
      %shift_right_logical3A_516 = arith.constant 16 : i32
      %shift_right_logical3A_517 = vector.broadcast %shift_right_logical3A_516 : i32 to vector<16xi32>
      %shift_right_logical3A_518 = arith.shrui %get3A_515, %shift_right_logical3A_517 : vector<16xi32>
      %swap3A_519 = arith.constant 0 : i32
      %swap3A_520 = arith.index_cast %swap3A_519 : i32 to index
      %swap3A_521 = arith.constant 16 : index
      %swap3A_522 = tpu.vector_load %arg7[%swap3A_520, %swap3A_521] {strides = array<i32>} : memref<1x112xi32, #tpu.memory_space<vmem>>, vector<16xi32>,
      tpu.vector_store %arg7[%swap3A_520, %swap3A_521], %shift_right_logical3A_518 {strides = array<i32>} : memref<1x112xi32, #tpu.memory_space<vmem>>, vector<16xi32>,
      %mul3A_523 = arith.constant 112 : i32
      %mul3A_524 = arith.muli %add3A_489, %mul3A_523 : i32
      %add3A_525 = arith.constant 32 : i32
      %add3A_526 = arith.addi %mul3A_524, %add3A_525 : i32
      %get3A_527 = arith.index_cast %add3A_526 : i32 to index
      %get3A_528 = tpu.vector_load %arg5[%get3A_527] {strides = array<i32>} : memref<10000xi32, #tpu.memory_space<vmem>>, vector<16xi32>,
      %shift_right_logical3A_529 = arith.constant 16 : i32
      %shift_right_logical3A_530 = vector.broadcast %shift_right_logical3A_529 : i32 to vector<16xi32>
      %shift_right_logical3A_531 = arith.shrui %get3A_528, %shift_right_logical3A_530 : vector<16xi32>
      %swap3A_532 = arith.constant 0 : i32
      %swap3A_533 = arith.index_cast %swap3A_532 : i32 to index
      %swap3A_534 = arith.constant 32 : index
      %swap3A_535 = tpu.vector_load %arg7[%swap3A_533, %swap3A_534] {strides = array<i32>} : memref<1x112xi32, #tpu.memory_space<vmem>>, vector<16xi32>,
      tpu.vector_store %arg7[%swap3A_533, %swap3A_534], %shift_right_logical3A_531 {strides = array<i32>} : memref<1x112xi32, #tpu.memory_space<vmem>>, vector<16xi32>,
      %mul3A_536 = arith.constant 112 : i32
      %mul3A_537 = arith.muli %add3A_489, %mul3A_536 : i32
      %add3A_538 = arith.constant 48 : i32
      %add3A_539 = arith.addi %mul3A_537, %add3A_538 : i32
      %get3A_540 = arith.index_cast %add3A_539 : i32 to index
      %get3A_541 = tpu.vector_load %arg5[%get3A_540] {strides = array<i32>} : memref<10000xi32, #tpu.memory_space<vmem>>, vector<16xi32>,
      %shift_right_logical3A_542 = arith.constant 16 : i32
      %shift_right_logical3A_543 = vector.broadcast %shift_right_logical3A_542 : i32 to vector<16xi32>
      %shift_right_logical3A_544 = arith.shrui %get3A_541, %shift_right_logical3A_543 : vector<16xi32>
      %swap3A_545 = arith.constant 0 : i32
      %swap3A_546 = arith.index_cast %swap3A_545 : i32 to index
      %swap3A_547 = arith.constant 48 : index
      %swap3A_548 = tpu.vector_load %arg7[%swap3A_546, %swap3A_547] {strides = array<i32>} : memref<1x112xi32, #tpu.memory_space<vmem>>, vector<16xi32>,
      tpu.vector_store %arg7[%swap3A_546, %swap3A_547], %shift_right_logical3A_544 {strides = array<i32>} : memref<1x112xi32, #tpu.memory_space<vmem>>, vector<16xi32>,
      %mul3A_549 = arith.constant 112 : i32
      %mul3A_550 = arith.muli %add3A_489, %mul3A_549 : i32
      %add3A_551 = arith.constant 64 : i32
      %add3A_552 = arith.addi %mul3A_550, %add3A_551 : i32
      %get3A_553 = arith.index_cast %add3A_552 : i32 to index
      %get3A_554 = tpu.vector_load %arg5[%get3A_553] {strides = array<i32>} : memref<10000xi32, #tpu.memory_space<vmem>>, vector<16xi32>,
      %shift_right_logical3A_555 = arith.constant 16 : i32
      %shift_right_logical3A_556 = vector.broadcast %shift_right_logical3A_555 : i32 to vector<16xi32>
      %shift_right_logical3A_557 = arith.shrui %get3A_554, %shift_right_logical3A_556 : vector<16xi32>
      %swap3A_558 = arith.constant 0 : i32
      %swap3A_559 = arith.index_cast %swap3A_558 : i32 to index
      %swap3A_560 = arith.constant 64 : index
      %swap3A_561 = tpu.vector_load %arg7[%swap3A_559, %swap3A_560] {strides = array<i32>} : memref<1x112xi32, #tpu.memory_space<vmem>>, vector<16xi32>,
      tpu.vector_store %arg7[%swap3A_559, %swap3A_560], %shift_right_logical3A_557 {strides = array<i32>} : memref<1x112xi32, #tpu.memory_space<vmem>>, vector<16xi32>,
      %mul3A_562 = arith.constant 112 : i32
      %mul3A_563 = arith.muli %add3A_489, %mul3A_562 : i32
      %add3A_564 = arith.constant 80 : i32
      %add3A_565 = arith.addi %mul3A_563, %add3A_564 : i32
      %get3A_566 = arith.index_cast %add3A_565 : i32 to index
      %get3A_567 = tpu.vector_load %arg5[%get3A_566] {strides = array<i32>} : memref<10000xi32, #tpu.memory_space<vmem>>, vector<16xi32>,
      %shift_right_logical3A_568 = arith.constant 16 : i32
      %shift_right_logical3A_569 = vector.broadcast %shift_right_logical3A_568 : i32 to vector<16xi32>
      %shift_right_logical3A_570 = arith.shrui %get3A_567, %shift_right_logical3A_569 : vector<16xi32>
      %swap3A_571 = arith.constant 0 : i32
      %swap3A_572 = arith.index_cast %swap3A_571 : i32 to index
      %swap3A_573 = arith.constant 80 : index
      %swap3A_574 = tpu.vector_load %arg7[%swap3A_572, %swap3A_573] {strides = array<i32>} : memref<1x112xi32, #tpu.memory_space<vmem>>, vector<16xi32>,
      tpu.vector_store %arg7[%swap3A_572, %swap3A_573], %shift_right_logical3A_570 {strides = array<i32>} : memref<1x112xi32, #tpu.memory_space<vmem>>, vector<16xi32>,
      %mul3A_575 = arith.constant 112 : i32
      %mul3A_576 = arith.muli %add3A_489, %mul3A_575 : i32
      %add3A_577 = arith.constant 96 : i32
      %add3A_578 = arith.addi %mul3A_576, %add3A_577 : i32
      %get3A_579 = arith.index_cast %add3A_578 : i32 to index
      %get3A_580 = tpu.vector_load %arg5[%get3A_579] {strides = array<i32>} : memref<10000xi32, #tpu.memory_space<vmem>>, vector<16xi32>,
      %shift_right_logical3A_581 = arith.constant 16 : i32
      %shift_right_logical3A_582 = vector.broadcast %shift_right_logical3A_581 : i32 to vector<16xi32>
      %shift_right_logical3A_583 = arith.shrui %get3A_580, %shift_right_logical3A_582 : vector<16xi32>
      %swap3A_584 = arith.constant 0 : i32
      %swap3A_585 = arith.index_cast %swap3A_584 : i32 to index
      %swap3A_586 = arith.constant 96 : index
      %swap3A_587 = tpu.vector_load %arg7[%swap3A_585, %swap3A_586] {strides = array<i32>} : memref<1x112xi32, #tpu.memory_space<vmem>>, vector<16xi32>,
      tpu.vector_store %arg7[%swap3A_585, %swap3A_586], %shift_right_logical3A_583 {strides = array<i32>} : memref<1x112xi32, #tpu.memory_space<vmem>>, vector<16xi32>,
      %run_scoped3A_588 = arith.constant 0 : i32
      "tpu.region"() ({
        %run_scoped3A_594 = tpu.sem_alloc : memref<!tpu.dma_semaphore, #tpu.memory_space<semaphore_mem>>
        %dma_start3A_595 = arith.constant 0 : i32
        %dma_start3A_596 = tpu.memref_slice %arg7[%run_scoped3A_588, %dma_start3A_595] : memref<1x112xi32, #tpu.memory_space<vmem>> -> memref<1x112xi32, #tpu.memory_space<vmem>>
        %dma_start3A_597 = tpu.memref_squeeze %dma_start3A_596 : memref<1x112xi32, #tpu.memory_space<vmem>> -> memref<112xi32, #tpu.memory_space<vmem>>
        %dma_start3A_598 = arith.constant 0 : i32
        %dma_start3A_599 = arith.constant 0 : i32
        %dma_start3A_600 = tpu.memref_slice %arg12[%dma_start3A_598, %dma_start3A_599] : memref<10240x128xf32, #tpu.memory_space<vmem_shared>> -> memref<10240x128xf32, #tpu.memory_space<vmem_shared>>
        tpu.enqueue_indirect_dma source(%arg11 : memref<112x128xf32, #tpu.memory_space<vmem>>) target(%dma_start3A_600 : memref<10240x128xf32, #tpu.memory_space<vmem_shared>>) offsets(%dma_start3A_597 : memref<112xi32, #tpu.memory_space<vmem>>) semaphore(%run_scoped3A_594 : memref<!tpu.dma_semaphore, #tpu.memory_space<semaphore_mem>>) {add = true}
        %dma_wait3A_601 = arith.constant 0 : i32
        %dma_wait3A_602 = tpu.memref_slice %arg7[%run_scoped3A_588, %dma_wait3A_601] : memref<1x112xi32, #tpu.memory_space<vmem>> -> memref<1x112xi32, #tpu.memory_space<vmem>>
        %dma_wait3A_603 = tpu.memref_squeeze %dma_wait3A_602 : memref<1x112xi32, #tpu.memory_space<vmem>> -> memref<112xi32, #tpu.memory_space<vmem>>
        %dma_wait3A_604 = arith.constant 0 : i32
        %dma_wait3A_605 = arith.constant 0 : i32
        %dma_wait3A_606 = tpu.memref_slice %arg12[%dma_wait3A_604, %dma_wait3A_605] : memref<10240x128xf32, #tpu.memory_space<vmem_shared>> -> memref<10240x128xf32, #tpu.memory_space<vmem_shared>>
        tpu.wait_indirect_dma semaphore(%run_scoped3A_594 : memref<!tpu.dma_semaphore, #tpu.memory_space<semaphore_mem>>) src(%arg11 : memref<112x128xf32, #tpu.memory_space<vmem>>) dst(%dma_wait3A_606 : memref<10240x128xf32, #tpu.memory_space<vmem_shared>>)
        tpu.yield
      }) : () -> ()
      %lt3A_589 = arith.constant 43 : i32
      %lt3A_590 = arith.cmpi slt, %scan3A_380, %lt3A_589 : i32
      %convert_element_type3A_591 = arith.extui %lt3A_590 : i1 to i32
      %cond3A_592 = arith.constant 0 : i32
      %cond3A_593 = arith.cmpi ne, %convert_element_type3A_591, %cond3A_592 : i32
      scf.if %cond3A_593 {
        %add3A_594 = arith.constant 2 : i32
        %add3A_595 = arith.addi %add3A_489, %add3A_594 : i32
        %mul3A_596 = arith.constant 112 : i32
        %mul3A_597 = arith.muli %add3A_595, %mul3A_596 : i32
        %add3A_598 = arith.constant 0 : i32
        %add3A_599 = arith.addi %mul3A_597, %add3A_598 : i32
        %get3A_600 = arith.index_cast %add3A_599 : i32 to index
        %get3A_601 = tpu.vector_load %arg5[%get3A_600] {strides = array<i32>} : memref<10000xi32, #tpu.memory_space<vmem>>, vector<16xi32>,
        %and3A_602 = arith.constant 65535 : i32
        %and3A_603 = vector.broadcast %and3A_602 : i32 to vector<16xi32>
        %and3A_604 = arith.andi %get3A_601, %and3A_603 : vector<16xi32>
        %swap3A_605 = arith.constant 1 : i32
        %swap3A_606 = arith.index_cast %swap3A_605 : i32 to index
        %swap3A_607 = arith.constant 0 : index
        %swap3A_608 = tpu.vector_load %arg6[%swap3A_606, %swap3A_607] {strides = array<i32>} : memref<2x112xi32, #tpu.memory_space<vmem>>, vector<16xi32>,
        tpu.vector_store %arg6[%swap3A_606, %swap3A_607], %and3A_604 {strides = array<i32>} : memref<2x112xi32, #tpu.memory_space<vmem>>, vector<16xi32>,
        %mul3A_609 = arith.constant 112 : i32
        %mul3A_610 = arith.muli %add3A_595, %mul3A_609 : i32
        %add3A_611 = arith.constant 16 : i32
        %add3A_612 = arith.addi %mul3A_610, %add3A_611 : i32
        %get3A_613 = arith.index_cast %add3A_612 : i32 to index
        %get3A_614 = tpu.vector_load %arg5[%get3A_613] {strides = array<i32>} : memref<10000xi32, #tpu.memory_space<vmem>>, vector<16xi32>,
        %and3A_615 = arith.constant 65535 : i32
        %and3A_616 = vector.broadcast %and3A_615 : i32 to vector<16xi32>
        %and3A_617 = arith.andi %get3A_614, %and3A_616 : vector<16xi32>
        %swap3A_618 = arith.constant 1 : i32
        %swap3A_619 = arith.index_cast %swap3A_618 : i32 to index
        %swap3A_620 = arith.constant 16 : index
        %swap3A_621 = tpu.vector_load %arg6[%swap3A_619, %swap3A_620] {strides = array<i32>} : memref<2x112xi32, #tpu.memory_space<vmem>>, vector<16xi32>,
        tpu.vector_store %arg6[%swap3A_619, %swap3A_620], %and3A_617 {strides = array<i32>} : memref<2x112xi32, #tpu.memory_space<vmem>>, vector<16xi32>,
        %mul3A_622 = arith.constant 112 : i32
        %mul3A_623 = arith.muli %add3A_595, %mul3A_622 : i32
        %add3A_624 = arith.constant 32 : i32
        %add3A_625 = arith.addi %mul3A_623, %add3A_624 : i32
        %get3A_626 = arith.index_cast %add3A_625 : i32 to index
        %get3A_627 = tpu.vector_load %arg5[%get3A_626] {strides = array<i32>} : memref<10000xi32, #tpu.memory_space<vmem>>, vector<16xi32>,
        %and3A_628 = arith.constant 65535 : i32
        %and3A_629 = vector.broadcast %and3A_628 : i32 to vector<16xi32>
        %and3A_630 = arith.andi %get3A_627, %and3A_629 : vector<16xi32>
        %swap3A_631 = arith.constant 1 : i32
        %swap3A_632 = arith.index_cast %swap3A_631 : i32 to index
        %swap3A_633 = arith.constant 32 : index
        %swap3A_634 = tpu.vector_load %arg6[%swap3A_632, %swap3A_633] {strides = array<i32>} : memref<2x112xi32, #tpu.memory_space<vmem>>, vector<16xi32>,
        tpu.vector_store %arg6[%swap3A_632, %swap3A_633], %and3A_630 {strides = array<i32>} : memref<2x112xi32, #tpu.memory_space<vmem>>, vector<16xi32>,
        %mul3A_635 = arith.constant 112 : i32
        %mul3A_636 = arith.muli %add3A_595, %mul3A_635 : i32
        %add3A_637 = arith.constant 48 : i32
        %add3A_638 = arith.addi %mul3A_636, %add3A_637 : i32
        %get3A_639 = arith.index_cast %add3A_638 : i32 to index
        %get3A_640 = tpu.vector_load %arg5[%get3A_639] {strides = array<i32>} : memref<10000xi32, #tpu.memory_space<vmem>>, vector<16xi32>,
        %and3A_641 = arith.constant 65535 : i32
        %and3A_642 = vector.broadcast %and3A_641 : i32 to vector<16xi32>
        %and3A_643 = arith.andi %get3A_640, %and3A_642 : vector<16xi32>
        %swap3A_644 = arith.constant 1 : i32
        %swap3A_645 = arith.index_cast %swap3A_644 : i32 to index
        %swap3A_646 = arith.constant 48 : index
        %swap3A_647 = tpu.vector_load %arg6[%swap3A_645, %swap3A_646] {strides = array<i32>} : memref<2x112xi32, #tpu.memory_space<vmem>>, vector<16xi32>,
        tpu.vector_store %arg6[%swap3A_645, %swap3A_646], %and3A_643 {strides = array<i32>} : memref<2x112xi32, #tpu.memory_space<vmem>>, vector<16xi32>,
        %mul3A_648 = arith.constant 112 : i32
        %mul3A_649 = arith.muli %add3A_595, %mul3A_648 : i32
        %add3A_650 = arith.constant 64 : i32
        %add3A_651 = arith.addi %mul3A_649, %add3A_650 : i32
        %get3A_652 = arith.index_cast %add3A_651 : i32 to index
        %get3A_653 = tpu.vector_load %arg5[%get3A_652] {strides = array<i32>} : memref<10000xi32, #tpu.memory_space<vmem>>, vector<16xi32>,
        %and3A_654 = arith.constant 65535 : i32
        %and3A_655 = vector.broadcast %and3A_654 : i32 to vector<16xi32>
        %and3A_656 = arith.andi %get3A_653, %and3A_655 : vector<16xi32>
        %swap3A_657 = arith.constant 1 : i32
        %swap3A_658 = arith.index_cast %swap3A_657 : i32 to index
        %swap3A_659 = arith.constant 64 : index
        %swap3A_660 = tpu.vector_load %arg6[%swap3A_658, %swap3A_659] {strides = array<i32>} : memref<2x112xi32, #tpu.memory_space<vmem>>, vector<16xi32>,
        tpu.vector_store %arg6[%swap3A_658, %swap3A_659], %and3A_656 {strides = array<i32>} : memref<2x112xi32, #tpu.memory_space<vmem>>, vector<16xi32>,
        %mul3A_661 = arith.constant 112 : i32
        %mul3A_662 = arith.muli %add3A_595, %mul3A_661 : i32
        %add3A_663 = arith.constant 80 : i32
        %add3A_664 = arith.addi %mul3A_662, %add3A_663 : i32
        %get3A_665 = arith.index_cast %add3A_664 : i32 to index
        %get3A_666 = tpu.vector_load %arg5[%get3A_665] {strides = array<i32>} : memref<10000xi32, #tpu.memory_space<vmem>>, vector<16xi32>,
        %and3A_667 = arith.constant 65535 : i32
        %and3A_668 = vector.broadcast %and3A_667 : i32 to vector<16xi32>
        %and3A_669 = arith.andi %get3A_666, %and3A_668 : vector<16xi32>
        %swap3A_670 = arith.constant 1 : i32
        %swap3A_671 = arith.index_cast %swap3A_670 : i32 to index
        %swap3A_672 = arith.constant 80 : index
        %swap3A_673 = tpu.vector_load %arg6[%swap3A_671, %swap3A_672] {strides = array<i32>} : memref<2x112xi32, #tpu.memory_space<vmem>>, vector<16xi32>,
        tpu.vector_store %arg6[%swap3A_671, %swap3A_672], %and3A_669 {strides = array<i32>} : memref<2x112xi32, #tpu.memory_space<vmem>>, vector<16xi32>,
        %mul3A_674 = arith.constant 112 : i32
        %mul3A_675 = arith.muli %add3A_595, %mul3A_674 : i32
        %add3A_676 = arith.constant 96 : i32
        %add3A_677 = arith.addi %mul3A_675, %add3A_676 : i32
        %get3A_678 = arith.index_cast %add3A_677 : i32 to index
        %get3A_679 = tpu.vector_load %arg5[%get3A_678] {strides = array<i32>} : memref<10000xi32, #tpu.memory_space<vmem>>, vector<16xi32>,
        %and3A_680 = arith.constant 65535 : i32
        %and3A_681 = vector.broadcast %and3A_680 : i32 to vector<16xi32>
        %and3A_682 = arith.andi %get3A_679, %and3A_681 : vector<16xi32>
        %swap3A_683 = arith.constant 1 : i32
        %swap3A_684 = arith.index_cast %swap3A_683 : i32 to index
        %swap3A_685 = arith.constant 96 : index
        %swap3A_686 = tpu.vector_load %arg6[%swap3A_684, %swap3A_685] {strides = array<i32>} : memref<2x112xi32, #tpu.memory_space<vmem>>, vector<16xi32>,
        tpu.vector_store %arg6[%swap3A_684, %swap3A_685], %and3A_682 {strides = array<i32>} : memref<2x112xi32, #tpu.memory_space<vmem>>, vector<16xi32>,
        %dma_start3A_687 = arith.constant 1 : i32
        %dma_start3A_688 = arith.constant 0 : i32
        %dma_start3A_689 = tpu.memref_slice %arg6[%dma_start3A_687, %dma_start3A_688] : memref<2x112xi32, #tpu.memory_space<vmem>> -> memref<1x112xi32, #tpu.memory_space<vmem>>
        %dma_start3A_690 = tpu.memref_squeeze %dma_start3A_689 : memref<1x112xi32, #tpu.memory_space<vmem>> -> memref<112xi32, #tpu.memory_space<vmem>>
        %dma_start3A_691 = arith.constant 0 : i32
        %dma_start3A_692 = arith.constant 0 : i32
        %dma_start3A_693 = tpu.memref_slice %arg2[%dma_start3A_691, %dma_start3A_692] : memref<10000x128xf32, #tpu.memory_space<hbm>> -> memref<10000x128xf32, #tpu.memory_space<hbm>>
        tpu.enqueue_indirect_dma source(%dma_start3A_693 : memref<10000x128xf32, #tpu.memory_space<hbm>>) target(%arg11 : memref<112x128xf32, #tpu.memory_space<vmem>>) offsets(%dma_start3A_690 : memref<112xi32, #tpu.memory_space<vmem>>) semaphore(%arg14 : memref<!tpu.dma_semaphore, #tpu.memory_space<semaphore_mem>>)
      } else {
      }
    }
    %scan3A_179 = arith.constant 44 : i32
    %get3A_180 = arith.constant 9856 : index
    %get3A_181 = tpu.vector_load %arg5[%get3A_180] {strides = array<i32>} : memref<10000xi32, #tpu.memory_space<vmem>>, vector<16xi32>,
    %and3A_182 = arith.constant 65535 : i32
    %and3A_183 = vector.broadcast %and3A_182 : i32 to vector<16xi32>
    %and3A_184 = arith.andi %get3A_181, %and3A_183 : vector<16xi32>
    %swap3A_185 = arith.constant 0 : i32
    %swap3A_186 = arith.index_cast %swap3A_185 : i32 to index
    %swap3A_187 = arith.constant 0 : index
    %swap3A_188 = tpu.vector_load %arg6[%swap3A_186, %swap3A_187] {strides = array<i32>} : memref<2x112xi32, #tpu.memory_space<vmem>>, vector<16xi32>,
    tpu.vector_store %arg6[%swap3A_186, %swap3A_187], %and3A_184 {strides = array<i32>} : memref<2x112xi32, #tpu.memory_space<vmem>>, vector<16xi32>,
    %get3A_189 = arith.constant 9872 : index
    %get3A_190 = tpu.vector_load %arg5[%get3A_189] {strides = array<i32>} : memref<10000xi32, #tpu.memory_space<vmem>>, vector<16xi32>,
    %and3A_191 = arith.constant 65535 : i32
    %and3A_192 = vector.broadcast %and3A_191 : i32 to vector<16xi32>
    %and3A_193 = arith.andi %get3A_190, %and3A_192 : vector<16xi32>
    %swap3A_194 = arith.constant 0 : i32
    %swap3A_195 = arith.index_cast %swap3A_194 : i32 to index
    %swap3A_196 = arith.constant 16 : index
    %swap3A_197 = tpu.vector_load %arg6[%swap3A_195, %swap3A_196] {strides = array<i32>} : memref<2x112xi32, #tpu.memory_space<vmem>>, vector<16xi32>,
    tpu.vector_store %arg6[%swap3A_195, %swap3A_196], %and3A_193 {strides = array<i32>} : memref<2x112xi32, #tpu.memory_space<vmem>>, vector<16xi32>,
    %get3A_198 = arith.constant 9888 : index
    %get3A_199 = tpu.vector_load %arg5[%get3A_198] {strides = array<i32>} : memref<10000xi32, #tpu.memory_space<vmem>>, vector<16xi32>,
    %and3A_200 = arith.constant 65535 : i32
    %and3A_201 = vector.broadcast %and3A_200 : i32 to vector<16xi32>
    %and3A_202 = arith.andi %get3A_199, %and3A_201 : vector<16xi32>
    %swap3A_203 = arith.constant 0 : i32
    %swap3A_204 = arith.index_cast %swap3A_203 : i32 to index
    %swap3A_205 = arith.constant 32 : index
    %swap3A_206 = tpu.vector_load %arg6[%swap3A_204, %swap3A_205] {strides = array<i32>} : memref<2x112xi32, #tpu.memory_space<vmem>>, vector<16xi32>,
    tpu.vector_store %arg6[%swap3A_204, %swap3A_205], %and3A_202 {strides = array<i32>} : memref<2x112xi32, #tpu.memory_space<vmem>>, vector<16xi32>,
    %get3A_207 = arith.constant 9904 : index
    %get3A_208 = tpu.vector_load %arg5[%get3A_207] {strides = array<i32>} : memref<10000xi32, #tpu.memory_space<vmem>>, vector<16xi32>,
    %and3A_209 = arith.constant 65535 : i32
    %and3A_210 = vector.broadcast %and3A_209 : i32 to vector<16xi32>
    %and3A_211 = arith.andi %get3A_208, %and3A_210 : vector<16xi32>
    %swap3A_212 = arith.constant 0 : i32
    %swap3A_213 = arith.index_cast %swap3A_212 : i32 to index
    %swap3A_214 = arith.constant 48 : index
    %swap3A_215 = tpu.vector_load %arg6[%swap3A_213, %swap3A_214] {strides = array<i32>} : memref<2x112xi32, #tpu.memory_space<vmem>>, vector<16xi32>,
    tpu.vector_store %arg6[%swap3A_213, %swap3A_214], %and3A_211 {strides = array<i32>} : memref<2x112xi32, #tpu.memory_space<vmem>>, vector<16xi32>,
    %get3A_216 = arith.constant 9920 : index
    %get3A_217 = tpu.vector_load %arg5[%get3A_216] {strides = array<i32>} : memref<10000xi32, #tpu.memory_space<vmem>>, vector<16xi32>,
    %and3A_218 = arith.constant 65535 : i32
    %and3A_219 = vector.broadcast %and3A_218 : i32 to vector<16xi32>
    %and3A_220 = arith.andi %get3A_217, %and3A_219 : vector<16xi32>
    %swap3A_221 = arith.constant 0 : i32
    %swap3A_222 = arith.index_cast %swap3A_221 : i32 to index
    %swap3A_223 = arith.constant 64 : index
    %swap3A_224 = tpu.vector_load %arg6[%swap3A_222, %swap3A_223] {strides = array<i32>} : memref<2x112xi32, #tpu.memory_space<vmem>>, vector<16xi32>,
    tpu.vector_store %arg6[%swap3A_222, %swap3A_223], %and3A_220 {strides = array<i32>} : memref<2x112xi32, #tpu.memory_space<vmem>>, vector<16xi32>,
    %get3A_225 = arith.constant 9936 : index
    %get3A_226 = tpu.vector_load %arg5[%get3A_225] {strides = array<i32>} : memref<10000xi32, #tpu.memory_space<vmem>>, vector<16xi32>,
    %and3A_227 = arith.constant 65535 : i32
    %and3A_228 = vector.broadcast %and3A_227 : i32 to vector<16xi32>
    %and3A_229 = arith.andi %get3A_226, %and3A_228 : vector<16xi32>
    %swap3A_230 = arith.constant 0 : i32
    %swap3A_231 = arith.index_cast %swap3A_230 : i32 to index
    %swap3A_232 = arith.constant 80 : index
    %swap3A_233 = tpu.vector_load %arg6[%swap3A_231, %swap3A_232] {strides = array<i32>} : memref<2x112xi32, #tpu.memory_space<vmem>>, vector<16xi32>,
    tpu.vector_store %arg6[%swap3A_231, %swap3A_232], %and3A_229 {strides = array<i32>} : memref<2x112xi32, #tpu.memory_space<vmem>>, vector<16xi32>,
    %get3A_234 = arith.constant 9952 : index
    %get3A_235 = tpu.vector_load %arg5[%get3A_234] {strides = array<i32>} : memref<10000xi32, #tpu.memory_space<vmem>>, vector<16xi32>,
    %and3A_236 = arith.constant 65535 : i32
    %and3A_237 = vector.broadcast %and3A_236 : i32 to vector<16xi32>
    %and3A_238 = arith.andi %get3A_235, %and3A_237 : vector<16xi32>
    %swap3A_239 = arith.constant 0 : i32
    %swap3A_240 = arith.index_cast %swap3A_239 : i32 to index
    %swap3A_241 = arith.constant 96 : index
    %swap3A_242 = tpu.vector_load %arg6[%swap3A_240, %swap3A_241] {strides = array<i32>} : memref<2x112xi32, #tpu.memory_space<vmem>>, vector<16xi32>,
    tpu.vector_store %arg6[%swap3A_240, %swap3A_241], %and3A_238 {strides = array<i32>} : memref<2x112xi32, #tpu.memory_space<vmem>>, vector<16xi32>,
    %dma_start3A_243 = arith.constant 0 : i32
    %dma_start3A_244 = arith.constant 0 : i32
    %dma_start3A_245 = tpu.memref_slice %arg6[%dma_start3A_243, %dma_start3A_244] : memref<2x112xi32, #tpu.memory_space<vmem>> -> memref<1x112xi32, #tpu.memory_space<vmem>>
    %dma_start3A_246 = tpu.memref_squeeze %dma_start3A_245 : memref<1x112xi32, #tpu.memory_space<vmem>> -> memref<112xi32, #tpu.memory_space<vmem>>
    %dma_start3A_247 = arith.constant 0 : i32
    %dma_start3A_248 = arith.constant 0 : i32
    %dma_start3A_249 = tpu.memref_slice %arg2[%dma_start3A_247, %dma_start3A_248] : memref<10000x128xf32, #tpu.memory_space<hbm>> -> memref<10000x128xf32, #tpu.memory_space<hbm>>
    tpu.enqueue_indirect_dma source(%dma_start3A_249 : memref<10000x128xf32, #tpu.memory_space<hbm>>) target(%arg10 : memref<112x128xf32, #tpu.memory_space<vmem>>) offsets(%dma_start3A_246 : memref<112xi32, #tpu.memory_space<vmem>>) semaphore(%arg13 : memref<!tpu.dma_semaphore, #tpu.memory_space<semaphore_mem>>)
    %dma_wait3A = arith.constant 0 : i32
    %dma_wait3A_250 = arith.constant 0 : i32
    %dma_wait3A_251 = tpu.memref_slice %arg6[%dma_wait3A, %dma_wait3A_250] : memref<2x112xi32, #tpu.memory_space<vmem>> -> memref<1x112xi32, #tpu.memory_space<vmem>>
    %dma_wait3A_252 = tpu.memref_squeeze %dma_wait3A_251 : memref<1x112xi32, #tpu.memory_space<vmem>> -> memref<112xi32, #tpu.memory_space<vmem>>
    %dma_wait3A_253 = arith.constant 0 : i32
    %dma_wait3A_254 = arith.constant 0 : i32
    %dma_wait3A_255 = tpu.memref_slice %arg2[%dma_wait3A_253, %dma_wait3A_254] : memref<10000x128xf32, #tpu.memory_space<hbm>> -> memref<10000x128xf32, #tpu.memory_space<hbm>>
    tpu.wait_indirect_dma semaphore(%arg13 : memref<!tpu.dma_semaphore, #tpu.memory_space<semaphore_mem>>) src(%dma_wait3A_255 : memref<10000x128xf32, #tpu.memory_space<hbm>>) dst(%arg10 : memref<112x128xf32, #tpu.memory_space<vmem>>)
    %get3A_256 = arith.constant 9856 : index
    %get3A_257 = tpu.vector_load %arg5[%get3A_256] {strides = array<i32>} : memref<10000xi32, #tpu.memory_space<vmem>>, vector<16xi32>,
    %shift_right_logical3A = arith.constant 16 : i32
    %shift_right_logical3A_258 = vector.broadcast %shift_right_logical3A : i32 to vector<16xi32>
    %shift_right_logical3A_259 = arith.shrui %get3A_257, %shift_right_logical3A_258 : vector<16xi32>
    %swap3A_260 = arith.constant 0 : i32
    %swap3A_261 = arith.index_cast %swap3A_260 : i32 to index
    %swap3A_262 = arith.constant 0 : index
    %swap3A_263 = tpu.vector_load %arg7[%swap3A_261, %swap3A_262] {strides = array<i32>} : memref<1x112xi32, #tpu.memory_space<vmem>>, vector<16xi32>,
    tpu.vector_store %arg7[%swap3A_261, %swap3A_262], %shift_right_logical3A_259 {strides = array<i32>} : memref<1x112xi32, #tpu.memory_space<vmem>>, vector<16xi32>,
    %get3A_264 = arith.constant 9872 : index
    %get3A_265 = tpu.vector_load %arg5[%get3A_264] {strides = array<i32>} : memref<10000xi32, #tpu.memory_space<vmem>>, vector<16xi32>,
    %shift_right_logical3A_266 = arith.constant 16 : i32
    %shift_right_logical3A_267 = vector.broadcast %shift_right_logical3A_266 : i32 to vector<16xi32>
    %shift_right_logical3A_268 = arith.shrui %get3A_265, %shift_right_logical3A_267 : vector<16xi32>
    %swap3A_269 = arith.constant 0 : i32
    %swap3A_270 = arith.index_cast %swap3A_269 : i32 to index
    %swap3A_271 = arith.constant 16 : index
    %swap3A_272 = tpu.vector_load %arg7[%swap3A_270, %swap3A_271] {strides = array<i32>} : memref<1x112xi32, #tpu.memory_space<vmem>>, vector<16xi32>,
    tpu.vector_store %arg7[%swap3A_270, %swap3A_271], %shift_right_logical3A_268 {strides = array<i32>} : memref<1x112xi32, #tpu.memory_space<vmem>>, vector<16xi32>,
    %get3A_273 = arith.constant 9888 : index
    %get3A_274 = tpu.vector_load %arg5[%get3A_273] {strides = array<i32>} : memref<10000xi32, #tpu.memory_space<vmem>>, vector<16xi32>,
    %shift_right_logical3A_275 = arith.constant 16 : i32
    %shift_right_logical3A_276 = vector.broadcast %shift_right_logical3A_275 : i32 to vector<16xi32>
    %shift_right_logical3A_277 = arith.shrui %get3A_274, %shift_right_logical3A_276 : vector<16xi32>
    %swap3A_278 = arith.constant 0 : i32
    %swap3A_279 = arith.index_cast %swap3A_278 : i32 to index
    %swap3A_280 = arith.constant 32 : index
    %swap3A_281 = tpu.vector_load %arg7[%swap3A_279, %swap3A_280] {strides = array<i32>} : memref<1x112xi32, #tpu.memory_space<vmem>>, vector<16xi32>,
    tpu.vector_store %arg7[%swap3A_279, %swap3A_280], %shift_right_logical3A_277 {strides = array<i32>} : memref<1x112xi32, #tpu.memory_space<vmem>>, vector<16xi32>,
    %get3A_282 = arith.constant 9904 : index
    %get3A_283 = tpu.vector_load %arg5[%get3A_282] {strides = array<i32>} : memref<10000xi32, #tpu.memory_space<vmem>>, vector<16xi32>,
    %shift_right_logical3A_284 = arith.constant 16 : i32
    %shift_right_logical3A_285 = vector.broadcast %shift_right_logical3A_284 : i32 to vector<16xi32>
    %shift_right_logical3A_286 = arith.shrui %get3A_283, %shift_right_logical3A_285 : vector<16xi32>
    %swap3A_287 = arith.constant 0 : i32
    %swap3A_288 = arith.index_cast %swap3A_287 : i32 to index
    %swap3A_289 = arith.constant 48 : index
    %swap3A_290 = tpu.vector_load %arg7[%swap3A_288, %swap3A_289] {strides = array<i32>} : memref<1x112xi32, #tpu.memory_space<vmem>>, vector<16xi32>,
    tpu.vector_store %arg7[%swap3A_288, %swap3A_289], %shift_right_logical3A_286 {strides = array<i32>} : memref<1x112xi32, #tpu.memory_space<vmem>>, vector<16xi32>,
    %get3A_291 = arith.constant 9920 : index
    %get3A_292 = tpu.vector_load %arg5[%get3A_291] {strides = array<i32>} : memref<10000xi32, #tpu.memory_space<vmem>>, vector<16xi32>,
    %shift_right_logical3A_293 = arith.constant 16 : i32
    %shift_right_logical3A_294 = vector.broadcast %shift_right_logical3A_293 : i32 to vector<16xi32>
    %shift_right_logical3A_295 = arith.shrui %get3A_292, %shift_right_logical3A_294 : vector<16xi32>
    %swap3A_296 = arith.constant 0 : i32
    %swap3A_297 = arith.index_cast %swap3A_296 : i32 to index
    %swap3A_298 = arith.constant 64 : index
    %swap3A_299 = tpu.vector_load %arg7[%swap3A_297, %swap3A_298] {strides = array<i32>} : memref<1x112xi32, #tpu.memory_space<vmem>>, vector<16xi32>,
    tpu.vector_store %arg7[%swap3A_297, %swap3A_298], %shift_right_logical3A_295 {strides = array<i32>} : memref<1x112xi32, #tpu.memory_space<vmem>>, vector<16xi32>,
    %get3A_300 = arith.constant 9936 : index
    %get3A_301 = tpu.vector_load %arg5[%get3A_300] {strides = array<i32>} : memref<10000xi32, #tpu.memory_space<vmem>>, vector<16xi32>,
    %shift_right_logical3A_302 = arith.constant 16 : i32
    %shift_right_logical3A_303 = vector.broadcast %shift_right_logical3A_302 : i32 to vector<16xi32>
    %shift_right_logical3A_304 = arith.shrui %get3A_301, %shift_right_logical3A_303 : vector<16xi32>
    %swap3A_305 = arith.constant 0 : i32
    %swap3A_306 = arith.index_cast %swap3A_305 : i32 to index
    %swap3A_307 = arith.constant 80 : index
    %swap3A_308 = tpu.vector_load %arg7[%swap3A_306, %swap3A_307] {strides = array<i32>} : memref<1x112xi32, #tpu.memory_space<vmem>>, vector<16xi32>,
    tpu.vector_store %arg7[%swap3A_306, %swap3A_307], %shift_right_logical3A_304 {strides = array<i32>} : memref<1x112xi32, #tpu.memory_space<vmem>>, vector<16xi32>,
    %get3A_309 = arith.constant 9952 : index
    %get3A_310 = tpu.vector_load %arg5[%get3A_309] {strides = array<i32>} : memref<10000xi32, #tpu.memory_space<vmem>>, vector<16xi32>,
    %shift_right_logical3A_311 = arith.constant 16 : i32
    %shift_right_logical3A_312 = vector.broadcast %shift_right_logical3A_311 : i32 to vector<16xi32>
    %shift_right_logical3A_313 = arith.shrui %get3A_310, %shift_right_logical3A_312 : vector<16xi32>
    %swap3A_314 = arith.constant 0 : i32
    %swap3A_315 = arith.index_cast %swap3A_314 : i32 to index
    %swap3A_316 = arith.constant 96 : index
    %swap3A_317 = tpu.vector_load %arg7[%swap3A_315, %swap3A_316] {strides = array<i32>} : memref<1x112xi32, #tpu.memory_space<vmem>>, vector<16xi32>,
    tpu.vector_store %arg7[%swap3A_315, %swap3A_316], %shift_right_logical3A_313 {strides = array<i32>} : memref<1x112xi32, #tpu.memory_space<vmem>>, vector<16xi32>,
    %run_scoped3A = arith.constant 0 : i32
    "tpu.region"() ({
      %run_scoped3A_380 = tpu.sem_alloc : memref<!tpu.dma_semaphore, #tpu.memory_space<semaphore_mem>>
      %dma_start3A_381 = arith.constant 0 : i32
      %dma_start3A_382 = tpu.memref_slice %arg7[%run_scoped3A, %dma_start3A_381] : memref<1x112xi32, #tpu.memory_space<vmem>> -> memref<1x112xi32, #tpu.memory_space<vmem>>
      %dma_start3A_383 = tpu.memref_squeeze %dma_start3A_382 : memref<1x112xi32, #tpu.memory_space<vmem>> -> memref<112xi32, #tpu.memory_space<vmem>>
      %dma_start3A_384 = arith.constant 0 : i32
      %dma_start3A_385 = arith.constant 0 : i32
      %dma_start3A_386 = tpu.memref_slice %arg12[%dma_start3A_384, %dma_start3A_385] : memref<10240x128xf32, #tpu.memory_space<vmem_shared>> -> memref<10240x128xf32, #tpu.memory_space<vmem_shared>>
      tpu.enqueue_indirect_dma source(%arg10 : memref<112x128xf32, #tpu.memory_space<vmem>>) target(%dma_start3A_386 : memref<10240x128xf32, #tpu.memory_space<vmem_shared>>) offsets(%dma_start3A_383 : memref<112xi32, #tpu.memory_space<vmem>>) semaphore(%run_scoped3A_380 : memref<!tpu.dma_semaphore, #tpu.memory_space<semaphore_mem>>) {add = true}
      %dma_wait3A_387 = arith.constant 0 : i32
      %dma_wait3A_388 = tpu.memref_slice %arg7[%run_scoped3A, %dma_wait3A_387] : memref<1x112xi32, #tpu.memory_space<vmem>> -> memref<1x112xi32, #tpu.memory_space<vmem>>
      %dma_wait3A_389 = tpu.memref_squeeze %dma_wait3A_388 : memref<1x112xi32, #tpu.memory_space<vmem>> -> memref<112xi32, #tpu.memory_space<vmem>>
      %dma_wait3A_390 = arith.constant 0 : i32
      %dma_wait3A_391 = arith.constant 0 : i32
      %dma_wait3A_392 = tpu.memref_slice %arg12[%dma_wait3A_390, %dma_wait3A_391] : memref<10240x128xf32, #tpu.memory_space<vmem_shared>> -> memref<10240x128xf32, #tpu.memory_space<vmem_shared>>
      tpu.wait_indirect_dma semaphore(%run_scoped3A_380 : memref<!tpu.dma_semaphore, #tpu.memory_space<semaphore_mem>>) src(%arg10 : memref<112x128xf32, #tpu.memory_space<vmem>>) dst(%dma_wait3A_392 : memref<10240x128xf32, #tpu.memory_space<vmem_shared>>)
      tpu.yield
    }) : () -> ()
    %get3A_318 = arith.constant 9968 : index
    %get3A_319 = tpu.vector_load %arg5[%get3A_318] {strides = array<i32>} : memref<10000xi32, #tpu.memory_space<vmem>>, vector<16xi32>,
    %and3A_320 = arith.constant 65535 : i32
    %and3A_321 = vector.broadcast %and3A_320 : i32 to vector<16xi32>
    %and3A_322 = arith.andi %get3A_319, %and3A_321 : vector<16xi32>
    %swap3A_323 = arith.constant 0 : i32
    %swap3A_324 = arith.index_cast %swap3A_323 : i32 to index
    %swap3A_325 = arith.constant 0 : index
    %swap3A_326 = tpu.vector_load %arg8[%swap3A_324, %swap3A_325] {strides = array<i32>} : memref<1x32xi32, #tpu.memory_space<vmem>>, vector<16xi32>,
    tpu.vector_store %arg8[%swap3A_324, %swap3A_325], %and3A_322 {strides = array<i32>} : memref<1x32xi32, #tpu.memory_space<vmem>>, vector<16xi32>,
    %get3A_327 = arith.constant 9984 : index
    %get3A_328 = tpu.vector_load %arg5[%get3A_327] {strides = array<i32>} : memref<10000xi32, #tpu.memory_space<vmem>>, vector<16xi32>,
    %and3A_329 = arith.constant 65535 : i32
    %and3A_330 = vector.broadcast %and3A_329 : i32 to vector<16xi32>
    %and3A_331 = arith.andi %get3A_328, %and3A_330 : vector<16xi32>
    %swap3A_332 = arith.constant 0 : i32
    %swap3A_333 = arith.index_cast %swap3A_332 : i32 to index
    %swap3A_334 = arith.constant 16 : index
    %swap3A_335 = tpu.vector_load %arg8[%swap3A_333, %swap3A_334] {strides = array<i32>} : memref<1x32xi32, #tpu.memory_space<vmem>>, vector<16xi32>,
    tpu.vector_store %arg8[%swap3A_333, %swap3A_334], %and3A_331 {strides = array<i32>} : memref<1x32xi32, #tpu.memory_space<vmem>>, vector<16xi32>,
    %dma_start3A_336 = arith.constant 0 : i32
    %dma_start3A_337 = arith.constant 0 : i32
    %dma_start3A_338 = arith.constant 0 : i32
    %dma_start3A_339 = tpu.memref_slice %arg11[%dma_start3A_337, %dma_start3A_338] : memref<112x128xf32, #tpu.memory_space<vmem>> -> memref<32x128xf32, #tpu.memory_space<vmem>>
    %dma_start3A_340 = arith.constant 0 : i32
    %dma_start3A_341 = tpu.memref_slice %arg8[%dma_start3A_336, %dma_start3A_340] : memref<1x32xi32, #tpu.memory_space<vmem>> -> memref<1x32xi32, #tpu.memory_space<vmem>>
    %dma_start3A_342 = tpu.memref_squeeze %dma_start3A_341 : memref<1x32xi32, #tpu.memory_space<vmem>> -> memref<32xi32, #tpu.memory_space<vmem>>
    %dma_start3A_343 = arith.constant 0 : i32
    %dma_start3A_344 = arith.constant 0 : i32
    %dma_start3A_345 = tpu.memref_slice %arg2[%dma_start3A_343, %dma_start3A_344] : memref<10000x128xf32, #tpu.memory_space<hbm>> -> memref<10000x128xf32, #tpu.memory_space<hbm>>
    tpu.enqueue_indirect_dma source(%dma_start3A_345 : memref<10000x128xf32, #tpu.memory_space<hbm>>) target(%dma_start3A_339 : memref<32x128xf32, #tpu.memory_space<vmem>>) offsets(%dma_start3A_342 : memref<32xi32, #tpu.memory_space<vmem>>) semaphore(%arg14 : memref<!tpu.dma_semaphore, #tpu.memory_space<semaphore_mem>>)
    %dma_wait3A_346 = arith.constant 0 : i32
    %dma_wait3A_347 = arith.constant 0 : i32
    %dma_wait3A_348 = arith.constant 0 : i32
    %dma_wait3A_349 = tpu.memref_slice %arg11[%dma_wait3A_347, %dma_wait3A_348] : memref<112x128xf32, #tpu.memory_space<vmem>> -> memref<32x128xf32, #tpu.memory_space<vmem>>
    %dma_wait3A_350 = arith.constant 0 : i32
    %dma_wait3A_351 = tpu.memref_slice %arg8[%dma_wait3A_346, %dma_wait3A_350] : memref<1x32xi32, #tpu.memory_space<vmem>> -> memref<1x32xi32, #tpu.memory_space<vmem>>
    %dma_wait3A_352 = tpu.memref_squeeze %dma_wait3A_351 : memref<1x32xi32, #tpu.memory_space<vmem>> -> memref<32xi32, #tpu.memory_space<vmem>>
    %dma_wait3A_353 = arith.constant 0 : i32
    %dma_wait3A_354 = arith.constant 0 : i32
    %dma_wait3A_355 = tpu.memref_slice %arg2[%dma_wait3A_353, %dma_wait3A_354] : memref<10000x128xf32, #tpu.memory_space<hbm>> -> memref<10000x128xf32, #tpu.memory_space<hbm>>
    tpu.wait_indirect_dma semaphore(%arg14 : memref<!tpu.dma_semaphore, #tpu.memory_space<semaphore_mem>>) src(%dma_wait3A_355 : memref<10000x128xf32, #tpu.memory_space<hbm>>) dst(%dma_wait3A_349 : memref<32x128xf32, #tpu.memory_space<vmem>>)
    %get3A_356 = arith.constant 9968 : index
    %get3A_357 = tpu.vector_load %arg5[%get3A_356] {strides = array<i32>} : memref<10000xi32, #tpu.memory_space<vmem>>, vector<16xi32>,
    %shift_right_logical3A_358 = arith.constant 16 : i32
    %shift_right_logical3A_359 = vector.broadcast %shift_right_logical3A_358 : i32 to vector<16xi32>
    %shift_right_logical3A_360 = arith.shrui %get3A_357, %shift_right_logical3A_359 : vector<16xi32>
    %swap3A_361 = arith.constant 0 : i32
    %swap3A_362 = arith.index_cast %swap3A_361 : i32 to index
    %swap3A_363 = arith.constant 0 : index
    %swap3A_364 = tpu.vector_load %arg9[%swap3A_362, %swap3A_363] {strides = array<i32>} : memref<1x32xi32, #tpu.memory_space<vmem>>, vector<16xi32>,
    tpu.vector_store %arg9[%swap3A_362, %swap3A_363], %shift_right_logical3A_360 {strides = array<i32>} : memref<1x32xi32, #tpu.memory_space<vmem>>, vector<16xi32>,
    %get3A_365 = arith.constant 9984 : index
    %get3A_366 = tpu.vector_load %arg5[%get3A_365] {strides = array<i32>} : memref<10000xi32, #tpu.memory_space<vmem>>, vector<16xi32>,
    %shift_right_logical3A_367 = arith.constant 16 : i32
    %shift_right_logical3A_368 = vector.broadcast %shift_right_logical3A_367 : i32 to vector<16xi32>
    %shift_right_logical3A_369 = arith.shrui %get3A_366, %shift_right_logical3A_368 : vector<16xi32>
    %swap3A_370 = arith.constant 0 : i32
    %swap3A_371 = arith.index_cast %swap3A_370 : i32 to index
    %swap3A_372 = arith.constant 16 : index
    %swap3A_373 = tpu.vector_load %arg9[%swap3A_371, %swap3A_372] {strides = array<i32>} : memref<1x32xi32, #tpu.memory_space<vmem>>, vector<16xi32>,
    tpu.vector_store %arg9[%swap3A_371, %swap3A_372], %shift_right_logical3A_369 {strides = array<i32>} : memref<1x32xi32, #tpu.memory_space<vmem>>, vector<16xi32>,
    %run_scoped3A_374 = arith.constant 0 : i32
    "tpu.region"() ({
      %run_scoped3A_380 = tpu.sem_alloc : memref<!tpu.dma_semaphore, #tpu.memory_space<semaphore_mem>>
      %dma_start3A_381 = arith.constant 0 : i32
      %dma_start3A_382 = arith.constant 0 : i32
      %dma_start3A_383 = tpu.memref_slice %arg11[%dma_start3A_381, %dma_start3A_382] : memref<112x128xf32, #tpu.memory_space<vmem>> -> memref<32x128xf32, #tpu.memory_space<vmem>>
      %dma_start3A_384 = arith.constant 0 : i32
      %dma_start3A_385 = tpu.memref_slice %arg9[%run_scoped3A_374, %dma_start3A_384] : memref<1x32xi32, #tpu.memory_space<vmem>> -> memref<1x32xi32, #tpu.memory_space<vmem>>
      %dma_start3A_386 = tpu.memref_squeeze %dma_start3A_385 : memref<1x32xi32, #tpu.memory_space<vmem>> -> memref<32xi32, #tpu.memory_space<vmem>>
      %dma_start3A_387 = arith.constant 0 : i32
      %dma_start3A_388 = arith.constant 0 : i32
      %dma_start3A_389 = tpu.memref_slice %arg12[%dma_start3A_387, %dma_start3A_388] : memref<10240x128xf32, #tpu.memory_space<vmem_shared>> -> memref<10240x128xf32, #tpu.memory_space<vmem_shared>>
      tpu.enqueue_indirect_dma source(%dma_start3A_383 : memref<32x128xf32, #tpu.memory_space<vmem>>) target(%dma_start3A_389 : memref<10240x128xf32, #tpu.memory_space<vmem_shared>>) offsets(%dma_start3A_386 : memref<32xi32, #tpu.memory_space<vmem>>) semaphore(%run_scoped3A_380 : memref<!tpu.dma_semaphore, #tpu.memory_space<semaphore_mem>>) {add = true}
      %dma_wait3A_390 = arith.constant 0 : i32
      %dma_wait3A_391 = arith.constant 0 : i32
      %dma_wait3A_392 = tpu.memref_slice %arg11[%dma_wait3A_390, %dma_wait3A_391] : memref<112x128xf32, #tpu.memory_space<vmem>> -> memref<32x128xf32, #tpu.memory_space<vmem>>
      %dma_wait3A_393 = arith.constant 0 : i32
      %dma_wait3A_394 = tpu.memref_slice %arg9[%run_scoped3A_374, %dma_wait3A_393] : memref<1x32xi32, #tpu.memory_space<vmem>> -> memref<1x32xi32, #tpu.memory_space<vmem>>
      %dma_wait3A_395 = tpu.memref_squeeze %dma_wait3A_394 : memref<1x32xi32, #tpu.memory_space<vmem>> -> memref<32xi32, #tpu.memory_space<vmem>>
      %dma_wait3A_396 = arith.constant 0 : i32
      %dma_wait3A_397 = arith.constant 0 : i32
      %dma_wait3A_398 = tpu.memref_slice %arg12[%dma_wait3A_396, %dma_wait3A_397] : memref<10240x128xf32, #tpu.memory_space<vmem_shared>> -> memref<10240x128xf32, #tpu.memory_space<vmem_shared>>
      tpu.wait_indirect_dma semaphore(%run_scoped3A_380 : memref<!tpu.dma_semaphore, #tpu.memory_space<semaphore_mem>>) src(%dma_wait3A_392 : memref<32x128xf32, #tpu.memory_space<vmem>>) dst(%dma_wait3A_398 : memref<10240x128xf32, #tpu.memory_space<vmem_shared>>)
      tpu.yield
    }) : () -> ()
    %barrier3A_375 = arith.constant 0 : index
    tpu.barrier barrier_id(%barrier3A_375)
    %mul3A_376 = arith.constant 640 : i32
    %mul3A_377 = arith.muli %arg1, %mul3A_376 : i32
    %mul3A_378 = arith.constant 640 : i32
    %mul3A_379 = arith.muli %arg1, %mul3A_378 : i32
    "tpu.region"() ({
      %run_scoped3A_380 = tpu.sem_alloc : memref<!tpu.dma_semaphore, #tpu.memory_space<semaphore_mem>>
      %dma_start3A_381 = arith.constant 0 : i32
      %dma_start3A_382 = tpu.memref_slice %arg4[%arg0, %mul3A_379, %dma_start3A_381] : memref<2x10240x128xf32, #tpu.memory_space<hbm>> -> memref<1x640x128xf32, #tpu.memory_space<hbm>>
      %dma_start3A_383 = tpu.memref_squeeze %dma_start3A_382 : memref<1x640x128xf32, #tpu.memory_space<hbm>> -> memref<640x128xf32, #tpu.memory_space<hbm>>
      %dma_start3A_384 = arith.constant 0 : i32
      %dma_start3A_385 = tpu.memref_slice %arg12[%mul3A_377, %dma_start3A_384] : memref<10240x128xf32, #tpu.memory_space<vmem_shared>> -> memref<640x128xf32, #tpu.memory_space<vmem_shared>>
      tpu.enqueue_dma source(%dma_start3A_385 : memref<640x128xf32, #tpu.memory_space<vmem_shared>>) target(%dma_start3A_383 : memref<640x128xf32, #tpu.memory_space<hbm>>) target_semaphore(%run_scoped3A_380 : memref<!tpu.dma_semaphore, #tpu.memory_space<semaphore_mem>>)
      %dma_wait3A_386 = arith.constant 0 : i32
      %dma_wait3A_387 = tpu.memref_slice %arg4[%arg0, %mul3A_379, %dma_wait3A_386] : memref<2x10240x128xf32, #tpu.memory_space<hbm>> -> memref<1x640x128xf32, #tpu.memory_space<hbm>>
      %dma_wait3A_388 = tpu.memref_squeeze %dma_wait3A_387 : memref<1x640x128xf32, #tpu.memory_space<hbm>> -> memref<640x128xf32, #tpu.memory_space<hbm>>
      %dma_wait3A_389 = arith.constant 0 : i32
      %dma_wait3A_390 = tpu.memref_slice %arg12[%mul3A_377, %dma_wait3A_389] : memref<10240x128xf32, #tpu.memory_space<vmem_shared>> -> memref<640x128xf32, #tpu.memory_space<vmem_shared>>
      tpu.wait_dma2 semaphore(%run_scoped3A_380 : memref<!tpu.dma_semaphore, #tpu.memory_space<semaphore_mem>>) src(%dma_wait3A_390 : memref<640x128xf32, #tpu.memory_space<vmem_shared>>) dst(%dma_wait3A_388 : memref<640x128xf32, #tpu.memory_space<hbm>>)
      tpu.yield
    }) : () -> ()
    return
  }
}

#map = affine_map<(d0, d1) -> (0, 0)>
#map1 = affine_map<(d0, d1) -> (0, 0, 0)>
module attributes {stable_mosaic.version = 14 : i64} {
  func.func @_sc_agg(%arg0: i32, %arg1: i32, %arg2: memref<10000x128xf32, #tpu.memory_space<hbm>>, %arg3: memref<32x10000xi32, #tpu.memory_space<hbm>>, %arg4: memref<2x10240x128xf32, #tpu.memory_space<hbm>>, %arg5: memref<10000xi32, #tpu.memory_space<vmem>>, %arg6: memref<2x112xi32, #tpu.memory_space<vmem>>, %arg7: memref<1x112xi32, #tpu.memory_space<vmem>>, %arg8: memref<1x32xi32, #tpu.memory_space<vmem>>, %arg9: memref<1x32xi32, #tpu.memory_space<vmem>>, %arg10: memref<112x128xf32, #tpu.memory_space<vmem>>, %arg11: memref<112x128xf32, #tpu.memory_space<vmem>>, %arg12: memref<10240x128xf32, #tpu.memory_space<vmem_shared>>, %arg13: memref<!tpu.dma_semaphore, #tpu.memory_space<semaphore_mem>>, %arg14: memref<!tpu.dma_semaphore, #tpu.memory_space<semaphore_mem>>) attributes {dimension_semantics = [#tpu.dimension_semantics<core_parallel>, #tpu.dimension_semantics<subcore_parallel>], iteration_bounds = array<i64: 2, 16>, scalar_prefetch = 0 : i64, scratch_operands = 10 : i64, tpu.core_type = #tpu.core_type<sc_vector_subcore>, window_params = [{transform_indices = #map}, {transform_indices = #map}, {transform_indices = #map1}]} {
    %mul3A = arith.constant 16 : i32
    %mul3A_0 = arith.muli %arg0, %mul3A : i32
    %add3A = arith.addi %mul3A_0, %arg1 : i32
    "tpu.region"() ({
      %run_scoped3A_380 = tpu.sem_alloc : memref<!tpu.dma_semaphore, #tpu.memory_space<semaphore_mem>>
      %dma_start3A_381 = arith.constant 0 : i32
      %dma_start3A_382 = tpu.memref_slice %arg3[%add3A, %dma_start3A_381] : memref<32x10000xi32, #tpu.memory_space<hbm>> -> memref<1x10000xi32, #tpu.memory_space<hbm>>
      %dma_start3A_383 = tpu.memref_squeeze %dma_start3A_382 : memref<1x10000xi32, #tpu.memory_space<hbm>> -> memref<10000xi32, #tpu.memory_space<hbm>>
      %dma_start3A_384 = arith.constant 0 : i32
      %dma_start3A_385 = tpu.memref_slice %arg3[%add3A, %dma_start3A_384] : memref<32x10000xi32, #tpu.memory_space<hbm>> -> memref<1x10000xi32, #tpu.memory_space<hbm>>
      %dma_start3A_386 = tpu.memref_squeeze %dma_start3A_385 : memref<1x10000xi32, #tpu.memory_space<hbm>> -> memref<10000xi32, #tpu.memory_space<hbm>>
      tpu.enqueue_dma source(%dma_start3A_386 : memref<10000xi32, #tpu.memory_space<hbm>>) target(%arg5 : memref<10000xi32, #tpu.memory_space<vmem>>) target_semaphore(%run_scoped3A_380 : memref<!tpu.dma_semaphore, #tpu.memory_space<semaphore_mem>>)
      %dma_wait3A_387 = arith.constant 0 : i32
      %dma_wait3A_388 = tpu.memref_slice %arg3[%add3A, %dma_wait3A_387] : memref<32x10000xi32, #tpu.memory_space<hbm>> -> memref<1x10000xi32, #tpu.memory_space<hbm>>
      %dma_wait3A_389 = tpu.memref_squeeze %dma_wait3A_388 : memref<1x10000xi32, #tpu.memory_space<hbm>> -> memref<10000xi32, #tpu.memory_space<hbm>>
      %dma_wait3A_390 = arith.constant 0 : i32
      %dma_wait3A_391 = tpu.memref_slice %arg3[%add3A, %dma_wait3A_390] : memref<32x10000xi32, #tpu.memory_space<hbm>> -> memref<1x10000xi32, #tpu.memory_space<hbm>>
      %dma_wait3A_392 = tpu.memref_squeeze %dma_wait3A_391 : memref<1x10000xi32, #tpu.memory_space<hbm>> -> memref<10000xi32, #tpu.memory_space<hbm>>
      tpu.wait_dma2 semaphore(%run_scoped3A_380 : memref<!tpu.dma_semaphore, #tpu.memory_space<semaphore_mem>>) src(%dma_wait3A_392 : memref<10000xi32, #tpu.memory_space<hbm>>) dst(%arg5 : memref<10000xi32, #tpu.memory_space<vmem>>)
      tpu.yield
    }) : () -> ()
    %scan3A = arith.constant 0 : i32
    %scan3A_1 = arith.constant 0 : i32
    %scan3A_2 = arith.constant 80 : i32
    %scan3A_3 = arith.addi %scan3A_1, %scan3A_2 : i32
    %scan3A_4 = arith.constant 1 : i32
    scf.for %scan3A_380 = %scan3A_1 to %scan3A_3 step %scan3A_4  : i32 {
      %broadcast_in_dim3A = arith.constant 0.000000e+00 : f32
      %broadcast_in_dim3A_381 = vector.broadcast %broadcast_in_dim3A : f32 to vector<16xf32>
      %swap3A_382 = arith.index_cast %scan3A_380 : i32 to index
      %swap3A_383 = arith.constant 0 : index
      %swap3A_384 = tpu.vector_load %arg10[%swap3A_382, %swap3A_383] {strides = array<i32>} : memref<112x128xf32, #tpu.memory_space<vmem>>, vector<16xf32>,
      tpu.vector_store %arg10[%swap3A_382, %swap3A_383], %broadcast_in_dim3A_381 {strides = array<i32>} : memref<112x128xf32, #tpu.memory_space<vmem>>, vector<16xf32>,
      %broadcast_in_dim3A_385 = arith.constant 0.000000e+00 : f32
      %broadcast_in_dim3A_386 = vector.broadcast %broadcast_in_dim3A_385 : f32 to vector<16xf32>
      %swap3A_387 = arith.index_cast %scan3A_380 : i32 to index
      %swap3A_388 = arith.constant 16 : index
      %swap3A_389 = tpu.vector_load %arg10[%swap3A_387, %swap3A_388] {strides = array<i32>} : memref<112x128xf32, #tpu.memory_space<vmem>>, vector<16xf32>,
      tpu.vector_store %arg10[%swap3A_387, %swap3A_388], %broadcast_in_dim3A_386 {strides = array<i32>} : memref<112x128xf32, #tpu.memory_space<vmem>>, vector<16xf32>,
      %broadcast_in_dim3A_390 = arith.constant 0.000000e+00 : f32
      %broadcast_in_dim3A_391 = vector.broadcast %broadcast_in_dim3A_390 : f32 to vector<16xf32>
      %swap3A_392 = arith.index_cast %scan3A_380 : i32 to index
      %swap3A_393 = arith.constant 32 : index
      %swap3A_394 = tpu.vector_load %arg10[%swap3A_392, %swap3A_393] {strides = array<i32>} : memref<112x128xf32, #tpu.memory_space<vmem>>, vector<16xf32>,
      tpu.vector_store %arg10[%swap3A_392, %swap3A_393], %broadcast_in_dim3A_391 {strides = array<i32>} : memref<112x128xf32, #tpu.memory_space<vmem>>, vector<16xf32>,
      %broadcast_in_dim3A_395 = arith.constant 0.000000e+00 : f32
      %broadcast_in_dim3A_396 = vector.broadcast %broadcast_in_dim3A_395 : f32 to vector<16xf32>
      %swap3A_397 = arith.index_cast %scan3A_380 : i32 to index
      %swap3A_398 = arith.constant 48 : index
      %swap3A_399 = tpu.vector_load %arg10[%swap3A_397, %swap3A_398] {strides = array<i32>} : memref<112x128xf32, #tpu.memory_space<vmem>>, vector<16xf32>,
      tpu.vector_store %arg10[%swap3A_397, %swap3A_398], %broadcast_in_dim3A_396 {strides = array<i32>} : memref<112x128xf32, #tpu.memory_space<vmem>>, vector<16xf32>,
      %broadcast_in_dim3A_400 = arith.constant 0.000000e+00 : f32
      %broadcast_in_dim3A_401 = vector.broadcast %broadcast_in_dim3A_400 : f32 to vector<16xf32>
      %swap3A_402 = arith.index_cast %scan3A_380 : i32 to index
      %swap3A_403 = arith.constant 64 : index
      %swap3A_404 = tpu.vector_load %arg10[%swap3A_402, %swap3A_403] {strides = array<i32>} : memref<112x128xf32, #tpu.memory_space<vmem>>, vector<16xf32>,
      tpu.vector_store %arg10[%swap3A_402, %swap3A_403], %broadcast_in_dim3A_401 {strides = array<i32>} : memref<112x128xf32, #tpu.memory_space<vmem>>, vector<16xf32>,
      %broadcast_in_dim3A_405 = arith.constant 0.000000e+00 : f32
      %broadcast_in_dim3A_406 = vector.broadcast %broadcast_in_dim3A_405 : f32 to vector<16xf32>
      %swap3A_407 = arith.index_cast %scan3A_380 : i32 to index
      %swap3A_408 = arith.constant 80 : index
      %swap3A_409 = tpu.vector_load %arg10[%swap3A_407, %swap3A_408] {strides = array<i32>} : memref<112x128xf32, #tpu.memory_space<vmem>>, vector<16xf32>,
      tpu.vector_store %arg10[%swap3A_407, %swap3A_408], %broadcast_in_dim3A_406 {strides = array<i32>} : memref<112x128xf32, #tpu.memory_space<vmem>>, vector<16xf32>,
      %broadcast_in_dim3A_410 = arith.constant 0.000000e+00 : f32
      %broadcast_in_dim3A_411 = vector.broadcast %broadcast_in_dim3A_410 : f32 to vector<16xf32>
      %swap3A_412 = arith.index_cast %scan3A_380 : i32 to index
      %swap3A_413 = arith.constant 96 : index
      %swap3A_414 = tpu.vector_load %arg10[%swap3A_412, %swap3A_413] {strides = array<i32>} : memref<112x128xf32, #tpu.memory_space<vmem>>, vector<16xf32>,
      tpu.vector_store %arg10[%swap3A_412, %swap3A_413], %broadcast_in_dim3A_411 {strides = array<i32>} : memref<112x128xf32, #tpu.memory_space<vmem>>, vector<16xf32>,
      %broadcast_in_dim3A_415 = arith.constant 0.000000e+00 : f32
      %broadcast_in_dim3A_416 = vector.broadcast %broadcast_in_dim3A_415 : f32 to vector<16xf32>
      %swap3A_417 = arith.index_cast %scan3A_380 : i32 to index
      %swap3A_418 = arith.constant 112 : index
      %swap3A_419 = tpu.vector_load %arg10[%swap3A_417, %swap3A_418] {strides = array<i32>} : memref<112x128xf32, #tpu.memory_space<vmem>>, vector<16xf32>,
      tpu.vector_store %arg10[%swap3A_417, %swap3A_418], %broadcast_in_dim3A_416 {strides = array<i32>} : memref<112x128xf32, #tpu.memory_space<vmem>>, vector<16xf32>,
    }
    %scan3A_5 = arith.constant 80 : i32
    %mul3A_6 = arith.constant 640 : i32
    %mul3A_7 = arith.muli %arg1, %mul3A_6 : i32
    %add3A_8 = arith.constant 0 : i32
    %add3A_9 = arith.addi %mul3A_7, %add3A_8 : i32
    "tpu.region"() ({
      %run_scoped3A_380 = tpu.sem_alloc : memref<!tpu.dma_semaphore, #tpu.memory_space<semaphore_mem>>
      %dma_start3A_381 = arith.constant 0 : i32
      %dma_start3A_382 = arith.constant 0 : i32
      %dma_start3A_383 = tpu.memref_slice %arg10[%dma_start3A_381, %dma_start3A_382] : memref<112x128xf32, #tpu.memory_space<vmem>> -> memref<80x128xf32, #tpu.memory_space<vmem>>
      %dma_start3A_384 = arith.constant 0 : i32
      %dma_start3A_385 = tpu.memref_slice %arg12[%add3A_9, %dma_start3A_384] : memref<10240x128xf32, #tpu.memory_space<vmem_shared>> -> memref<80x128xf32, #tpu.memory_space<vmem_shared>>
      %dma_start3A_386 = arith.constant 0 : i32
      %dma_start3A_387 = tpu.memref_slice %arg12[%add3A_9, %dma_start3A_386] : memref<10240x128xf32, #tpu.memory_space<vmem_shared>> -> memref<80x128xf32, #tpu.memory_space<vmem_shared>>
      %dma_start3A_388 = arith.constant 0 : i32
      %dma_start3A_389 = arith.constant 0 : i32
      %dma_start3A_390 = tpu.memref_slice %arg10[%dma_start3A_388, %dma_start3A_389] : memref<112x128xf32, #tpu.memory_space<vmem>> -> memref<80x128xf32, #tpu.memory_space<vmem>>
      tpu.enqueue_dma source(%dma_start3A_390 : memref<80x128xf32, #tpu.memory_space<vmem>>) target(%dma_start3A_387 : memref<80x128xf32, #tpu.memory_space<vmem_shared>>) target_semaphore(%run_scoped3A_380 : memref<!tpu.dma_semaphore, #tpu.memory_space<semaphore_mem>>)
      %dma_wait3A_391 = arith.constant 0 : i32
      %dma_wait3A_392 = arith.constant 0 : i32
      %dma_wait3A_393 = tpu.memref_slice %arg10[%dma_wait3A_391, %dma_wait3A_392] : memref<112x128xf32, #tpu.memory_space<vmem>> -> memref<80x128xf32, #tpu.memory_space<vmem>>
      %dma_wait3A_394 = arith.constant 0 : i32
      %dma_wait3A_395 = tpu.memref_slice %arg12[%add3A_9, %dma_wait3A_394] : memref<10240x128xf32, #tpu.memory_space<vmem_shared>> -> memref<80x128xf32, #tpu.memory_space<vmem_shared>>
      %dma_wait3A_396 = arith.constant 0 : i32
      %dma_wait3A_397 = tpu.memref_slice %arg12[%add3A_9, %dma_wait3A_396] : memref<10240x128xf32, #tpu.memory_space<vmem_shared>> -> memref<80x128xf32, #tpu.memory_space<vmem_shared>>
      %dma_wait3A_398 = arith.constant 0 : i32
      %dma_wait3A_399 = arith.constant 0 : i32
      %dma_wait3A_400 = tpu.memref_slice %arg10[%dma_wait3A_398, %dma_wait3A_399] : memref<112x128xf32, #tpu.memory_space<vmem>> -> memref<80x128xf32, #tpu.memory_space<vmem>>
      tpu.wait_dma2 semaphore(%run_scoped3A_380 : memref<!tpu.dma_semaphore, #tpu.memory_space<semaphore_mem>>) src(%dma_wait3A_400 : memref<80x128xf32, #tpu.memory_space<vmem>>) dst(%dma_wait3A_397 : memref<80x128xf32, #tpu.memory_space<vmem_shared>>)
      tpu.yield
    }) : () -> ()
    %mul3A_10 = arith.constant 640 : i32
    %mul3A_11 = arith.muli %arg1, %mul3A_10 : i32
    %add3A_12 = arith.constant 80 : i32
    %add3A_13 = arith.addi %mul3A_11, %add3A_12 : i32
    "tpu.region"() ({
      %run_scoped3A_380 = tpu.sem_alloc : memref<!tpu.dma_semaphore, #tpu.memory_space<semaphore_mem>>
      %dma_start3A_381 = arith.constant 0 : i32
      %dma_start3A_382 = arith.constant 0 : i32
      %dma_start3A_383 = tpu.memref_slice %arg10[%dma_start3A_381, %dma_start3A_382] : memref<112x128xf32, #tpu.memory_space<vmem>> -> memref<80x128xf32, #tpu.memory_space<vmem>>
      %dma_start3A_384 = arith.constant 0 : i32
      %dma_start3A_385 = tpu.memref_slice %arg12[%add3A_13, %dma_start3A_384] : memref<10240x128xf32, #tpu.memory_space<vmem_shared>> -> memref<80x128xf32, #tpu.memory_space<vmem_shared>>
      %dma_start3A_386 = arith.constant 0 : i32
      %dma_start3A_387 = tpu.memref_slice %arg12[%add3A_13, %dma_start3A_386] : memref<10240x128xf32, #tpu.memory_space<vmem_shared>> -> memref<80x128xf32, #tpu.memory_space<vmem_shared>>
      %dma_start3A_388 = arith.constant 0 : i32
      %dma_start3A_389 = arith.constant 0 : i32
      %dma_start3A_390 = tpu.memref_slice %arg10[%dma_start3A_388, %dma_start3A_389] : memref<112x128xf32, #tpu.memory_space<vmem>> -> memref<80x128xf32, #tpu.memory_space<vmem>>
      tpu.enqueue_dma source(%dma_start3A_390 : memref<80x128xf32, #tpu.memory_space<vmem>>) target(%dma_start3A_387 : memref<80x128xf32, #tpu.memory_space<vmem_shared>>) target_semaphore(%run_scoped3A_380 : memref<!tpu.dma_semaphore, #tpu.memory_space<semaphore_mem>>)
      %dma_wait3A_391 = arith.constant 0 : i32
      %dma_wait3A_392 = arith.constant 0 : i32
      %dma_wait3A_393 = tpu.memref_slice %arg10[%dma_wait3A_391, %dma_wait3A_392] : memref<112x128xf32, #tpu.memory_space<vmem>> -> memref<80x128xf32, #tpu.memory_space<vmem>>
      %dma_wait3A_394 = arith.constant 0 : i32
      %dma_wait3A_395 = tpu.memref_slice %arg12[%add3A_13, %dma_wait3A_394] : memref<10240x128xf32, #tpu.memory_space<vmem_shared>> -> memref<80x128xf32, #tpu.memory_space<vmem_shared>>
      %dma_wait3A_396 = arith.constant 0 : i32
      %dma_wait3A_397 = tpu.memref_slice %arg12[%add3A_13, %dma_wait3A_396] : memref<10240x128xf32, #tpu.memory_space<vmem_shared>> -> memref<80x128xf32, #tpu.memory_space<vmem_shared>>
      %dma_wait3A_398 = arith.constant 0 : i32
      %dma_wait3A_399 = arith.constant 0 : i32
      %dma_wait3A_400 = tpu.memref_slice %arg10[%dma_wait3A_398, %dma_wait3A_399] : memref<112x128xf32, #tpu.memory_space<vmem>> -> memref<80x128xf32, #tpu.memory_space<vmem>>
      tpu.wait_dma2 semaphore(%run_scoped3A_380 : memref<!tpu.dma_semaphore, #tpu.memory_space<semaphore_mem>>) src(%dma_wait3A_400 : memref<80x128xf32, #tpu.memory_space<vmem>>) dst(%dma_wait3A_397 : memref<80x128xf32, #tpu.memory_space<vmem_shared>>)
      tpu.yield
    }) : () -> ()
    %mul3A_14 = arith.constant 640 : i32
    %mul3A_15 = arith.muli %arg1, %mul3A_14 : i32
    %add3A_16 = arith.constant 160 : i32
    %add3A_17 = arith.addi %mul3A_15, %add3A_16 : i32
    "tpu.region"() ({
      %run_scoped3A_380 = tpu.sem_alloc : memref<!tpu.dma_semaphore, #tpu.memory_space<semaphore_mem>>
      %dma_start3A_381 = arith.constant 0 : i32
      %dma_start3A_382 = arith.constant 0 : i32
      %dma_start3A_383 = tpu.memref_slice %arg10[%dma_start3A_381, %dma_start3A_382] : memref<112x128xf32, #tpu.memory_space<vmem>> -> memref<80x128xf32, #tpu.memory_space<vmem>>
      %dma_start3A_384 = arith.constant 0 : i32
      %dma_start3A_385 = tpu.memref_slice %arg12[%add3A_17, %dma_start3A_384] : memref<10240x128xf32, #tpu.memory_space<vmem_shared>> -> memref<80x128xf32, #tpu.memory_space<vmem_shared>>
      %dma_start3A_386 = arith.constant 0 : i32
      %dma_start3A_387 = tpu.memref_slice %arg12[%add3A_17, %dma_start3A_386] : memref<10240x128xf32, #tpu.memory_space<vmem_shared>> -> memref<80x128xf32, #tpu.memory_space<vmem_shared>>
      %dma_start3A_388 = arith.constant 0 : i32
      %dma_start3A_389 = arith.constant 0 : i32
      %dma_start3A_390 = tpu.memref_slice %arg10[%dma_start3A_388, %dma_start3A_389] : memref<112x128xf32, #tpu.memory_space<vmem>> -> memref<80x128xf32, #tpu.memory_space<vmem>>
      tpu.enqueue_dma source(%dma_start3A_390 : memref<80x128xf32, #tpu.memory_space<vmem>>) target(%dma_start3A_387 : memref<80x128xf32, #tpu.memory_space<vmem_shared>>) target_semaphore(%run_scoped3A_380 : memref<!tpu.dma_semaphore, #tpu.memory_space<semaphore_mem>>)
      %dma_wait3A_391 = arith.constant 0 : i32
      %dma_wait3A_392 = arith.constant 0 : i32
      %dma_wait3A_393 = tpu.memref_slice %arg10[%dma_wait3A_391, %dma_wait3A_392] : memref<112x128xf32, #tpu.memory_space<vmem>> -> memref<80x128xf32, #tpu.memory_space<vmem>>
      %dma_wait3A_394 = arith.constant 0 : i32
      %dma_wait3A_395 = tpu.memref_slice %arg12[%add3A_17, %dma_wait3A_394] : memref<10240x128xf32, #tpu.memory_space<vmem_shared>> -> memref<80x128xf32, #tpu.memory_space<vmem_shared>>
      %dma_wait3A_396 = arith.constant 0 : i32
      %dma_wait3A_397 = tpu.memref_slice %arg12[%add3A_17, %dma_wait3A_396] : memref<10240x128xf32, #tpu.memory_space<vmem_shared>> -> memref<80x128xf32, #tpu.memory_space<vmem_shared>>
      %dma_wait3A_398 = arith.constant 0 : i32
      %dma_wait3A_399 = arith.constant 0 : i32
      %dma_wait3A_400 = tpu.memref_slice %arg10[%dma_wait3A_398, %dma_wait3A_399] : memref<112x128xf32, #tpu.memory_space<vmem>> -> memref<80x128xf32, #tpu.memory_space<vmem>>
      tpu.wait_dma2 semaphore(%run_scoped3A_380 : memref<!tpu.dma_semaphore, #tpu.memory_space<semaphore_mem>>) src(%dma_wait3A_400 : memref<80x128xf32, #tpu.memory_space<vmem>>) dst(%dma_wait3A_397 : memref<80x128xf32, #tpu.memory_space<vmem_shared>>)
      tpu.yield
    }) : () -> ()
    %mul3A_18 = arith.constant 640 : i32
    %mul3A_19 = arith.muli %arg1, %mul3A_18 : i32
    %add3A_20 = arith.constant 240 : i32
    %add3A_21 = arith.addi %mul3A_19, %add3A_20 : i32
    "tpu.region"() ({
      %run_scoped3A_380 = tpu.sem_alloc : memref<!tpu.dma_semaphore, #tpu.memory_space<semaphore_mem>>
      %dma_start3A_381 = arith.constant 0 : i32
      %dma_start3A_382 = arith.constant 0 : i32
      %dma_start3A_383 = tpu.memref_slice %arg10[%dma_start3A_381, %dma_start3A_382] : memref<112x128xf32, #tpu.memory_space<vmem>> -> memref<80x128xf32, #tpu.memory_space<vmem>>
      %dma_start3A_384 = arith.constant 0 : i32
      %dma_start3A_385 = tpu.memref_slice %arg12[%add3A_21, %dma_start3A_384] : memref<10240x128xf32, #tpu.memory_space<vmem_shared>> -> memref<80x128xf32, #tpu.memory_space<vmem_shared>>
      %dma_start3A_386 = arith.constant 0 : i32
      %dma_start3A_387 = tpu.memref_slice %arg12[%add3A_21, %dma_start3A_386] : memref<10240x128xf32, #tpu.memory_space<vmem_shared>> -> memref<80x128xf32, #tpu.memory_space<vmem_shared>>
      %dma_start3A_388 = arith.constant 0 : i32
      %dma_start3A_389 = arith.constant 0 : i32
      %dma_start3A_390 = tpu.memref_slice %arg10[%dma_start3A_388, %dma_start3A_389] : memref<112x128xf32, #tpu.memory_space<vmem>> -> memref<80x128xf32, #tpu.memory_space<vmem>>
      tpu.enqueue_dma source(%dma_start3A_390 : memref<80x128xf32, #tpu.memory_space<vmem>>) target(%dma_start3A_387 : memref<80x128xf32, #tpu.memory_space<vmem_shared>>) target_semaphore(%run_scoped3A_380 : memref<!tpu.dma_semaphore, #tpu.memory_space<semaphore_mem>>)
      %dma_wait3A_391 = arith.constant 0 : i32
      %dma_wait3A_392 = arith.constant 0 : i32
      %dma_wait3A_393 = tpu.memref_slice %arg10[%dma_wait3A_391, %dma_wait3A_392] : memref<112x128xf32, #tpu.memory_space<vmem>> -> memref<80x128xf32, #tpu.memory_space<vmem>>
      %dma_wait3A_394 = arith.constant 0 : i32
      %dma_wait3A_395 = tpu.memref_slice %arg12[%add3A_21, %dma_wait3A_394] : memref<10240x128xf32, #tpu.memory_space<vmem_shared>> -> memref<80x128xf32, #tpu.memory_space<vmem_shared>>
      %dma_wait3A_396 = arith.constant 0 : i32
      %dma_wait3A_397 = tpu.memref_slice %arg12[%add3A_21, %dma_wait3A_396] : memref<10240x128xf32, #tpu.memory_space<vmem_shared>> -> memref<80x128xf32, #tpu.memory_space<vmem_shared>>
      %dma_wait3A_398 = arith.constant 0 : i32
      %dma_wait3A_399 = arith.constant 0 : i32
      %dma_wait3A_400 = tpu.memref_slice %arg10[%dma_wait3A_398, %dma_wait3A_399] : memref<112x128xf32, #tpu.memory_space<vmem>> -> memref<80x128xf32, #tpu.memory_space<vmem>>
      tpu.wait_dma2 semaphore(%run_scoped3A_380 : memref<!tpu.dma_semaphore, #tpu.memory_space<semaphore_mem>>) src(%dma_wait3A_400 : memref<80x128xf32, #tpu.memory_space<vmem>>) dst(%dma_wait3A_397 : memref<80x128xf32, #tpu.memory_space<vmem_shared>>)
      tpu.yield
    }) : () -> ()
    %mul3A_22 = arith.constant 640 : i32
    %mul3A_23 = arith.muli %arg1, %mul3A_22 : i32
    %add3A_24 = arith.constant 320 : i32
    %add3A_25 = arith.addi %mul3A_23, %add3A_24 : i32
    "tpu.region"() ({
      %run_scoped3A_380 = tpu.sem_alloc : memref<!tpu.dma_semaphore, #tpu.memory_space<semaphore_mem>>
      %dma_start3A_381 = arith.constant 0 : i32
      %dma_start3A_382 = arith.constant 0 : i32
      %dma_start3A_383 = tpu.memref_slice %arg10[%dma_start3A_381, %dma_start3A_382] : memref<112x128xf32, #tpu.memory_space<vmem>> -> memref<80x128xf32, #tpu.memory_space<vmem>>
      %dma_start3A_384 = arith.constant 0 : i32
      %dma_start3A_385 = tpu.memref_slice %arg12[%add3A_25, %dma_start3A_384] : memref<10240x128xf32, #tpu.memory_space<vmem_shared>> -> memref<80x128xf32, #tpu.memory_space<vmem_shared>>
      %dma_start3A_386 = arith.constant 0 : i32
      %dma_start3A_387 = tpu.memref_slice %arg12[%add3A_25, %dma_start3A_386] : memref<10240x128xf32, #tpu.memory_space<vmem_shared>> -> memref<80x128xf32, #tpu.memory_space<vmem_shared>>
      %dma_start3A_388 = arith.constant 0 : i32
      %dma_start3A_389 = arith.constant 0 : i32
      %dma_start3A_390 = tpu.memref_slice %arg10[%dma_start3A_388, %dma_start3A_389] : memref<112x128xf32, #tpu.memory_space<vmem>> -> memref<80x128xf32, #tpu.memory_space<vmem>>
      tpu.enqueue_dma source(%dma_start3A_390 : memref<80x128xf32, #tpu.memory_space<vmem>>) target(%dma_start3A_387 : memref<80x128xf32, #tpu.memory_space<vmem_shared>>) target_semaphore(%run_scoped3A_380 : memref<!tpu.dma_semaphore, #tpu.memory_space<semaphore_mem>>)
      %dma_wait3A_391 = arith.constant 0 : i32
      %dma_wait3A_392 = arith.constant 0 : i32
      %dma_wait3A_393 = tpu.memref_slice %arg10[%dma_wait3A_391, %dma_wait3A_392] : memref<112x128xf32, #tpu.memory_space<vmem>> -> memref<80x128xf32, #tpu.memory_space<vmem>>
      %dma_wait3A_394 = arith.constant 0 : i32
      %dma_wait3A_395 = tpu.memref_slice %arg12[%add3A_25, %dma_wait3A_394] : memref<10240x128xf32, #tpu.memory_space<vmem_shared>> -> memref<80x128xf32, #tpu.memory_space<vmem_shared>>
      %dma_wait3A_396 = arith.constant 0 : i32
      %dma_wait3A_397 = tpu.memref_slice %arg12[%add3A_25, %dma_wait3A_396] : memref<10240x128xf32, #tpu.memory_space<vmem_shared>> -> memref<80x128xf32, #tpu.memory_space<vmem_shared>>
      %dma_wait3A_398 = arith.constant 0 : i32
      %dma_wait3A_399 = arith.constant 0 : i32
      %dma_wait3A_400 = tpu.memref_slice %arg10[%dma_wait3A_398, %dma_wait3A_399] : memref<112x128xf32, #tpu.memory_space<vmem>> -> memref<80x128xf32, #tpu.memory_space<vmem>>
      tpu.wait_dma2 semaphore(%run_scoped3A_380 : memref<!tpu.dma_semaphore, #tpu.memory_space<semaphore_mem>>) src(%dma_wait3A_400 : memref<80x128xf32, #tpu.memory_space<vmem>>) dst(%dma_wait3A_397 : memref<80x128xf32, #tpu.memory_space<vmem_shared>>)
      tpu.yield
    }) : () -> ()
    %mul3A_26 = arith.constant 640 : i32
    %mul3A_27 = arith.muli %arg1, %mul3A_26 : i32
    %add3A_28 = arith.constant 400 : i32
    %add3A_29 = arith.addi %mul3A_27, %add3A_28 : i32
    "tpu.region"() ({
      %run_scoped3A_380 = tpu.sem_alloc : memref<!tpu.dma_semaphore, #tpu.memory_space<semaphore_mem>>
      %dma_start3A_381 = arith.constant 0 : i32
      %dma_start3A_382 = arith.constant 0 : i32
      %dma_start3A_383 = tpu.memref_slice %arg10[%dma_start3A_381, %dma_start3A_382] : memref<112x128xf32, #tpu.memory_space<vmem>> -> memref<80x128xf32, #tpu.memory_space<vmem>>
      %dma_start3A_384 = arith.constant 0 : i32
      %dma_start3A_385 = tpu.memref_slice %arg12[%add3A_29, %dma_start3A_384] : memref<10240x128xf32, #tpu.memory_space<vmem_shared>> -> memref<80x128xf32, #tpu.memory_space<vmem_shared>>
      %dma_start3A_386 = arith.constant 0 : i32
      %dma_start3A_387 = tpu.memref_slice %arg12[%add3A_29, %dma_start3A_386] : memref<10240x128xf32, #tpu.memory_space<vmem_shared>> -> memref<80x128xf32, #tpu.memory_space<vmem_shared>>
      %dma_start3A_388 = arith.constant 0 : i32
      %dma_start3A_389 = arith.constant 0 : i32
      %dma_start3A_390 = tpu.memref_slice %arg10[%dma_start3A_388, %dma_start3A_389] : memref<112x128xf32, #tpu.memory_space<vmem>> -> memref<80x128xf32, #tpu.memory_space<vmem>>
      tpu.enqueue_dma source(%dma_start3A_390 : memref<80x128xf32, #tpu.memory_space<vmem>>) target(%dma_start3A_387 : memref<80x128xf32, #tpu.memory_space<vmem_shared>>) target_semaphore(%run_scoped3A_380 : memref<!tpu.dma_semaphore, #tpu.memory_space<semaphore_mem>>)
      %dma_wait3A_391 = arith.constant 0 : i32
      %dma_wait3A_392 = arith.constant 0 : i32
      %dma_wait3A_393 = tpu.memref_slice %arg10[%dma_wait3A_391, %dma_wait3A_392] : memref<112x128xf32, #tpu.memory_space<vmem>> -> memref<80x128xf32, #tpu.memory_space<vmem>>
      %dma_wait3A_394 = arith.constant 0 : i32
      %dma_wait3A_395 = tpu.memref_slice %arg12[%add3A_29, %dma_wait3A_394] : memref<10240x128xf32, #tpu.memory_space<vmem_shared>> -> memref<80x128xf32, #tpu.memory_space<vmem_shared>>
      %dma_wait3A_396 = arith.constant 0 : i32
      %dma_wait3A_397 = tpu.memref_slice %arg12[%add3A_29, %dma_wait3A_396] : memref<10240x128xf32, #tpu.memory_space<vmem_shared>> -> memref<80x128xf32, #tpu.memory_space<vmem_shared>>
      %dma_wait3A_398 = arith.constant 0 : i32
      %dma_wait3A_399 = arith.constant 0 : i32
      %dma_wait3A_400 = tpu.memref_slice %arg10[%dma_wait3A_398, %dma_wait3A_399] : memref<112x128xf32, #tpu.memory_space<vmem>> -> memref<80x128xf32, #tpu.memory_space<vmem>>
      tpu.wait_dma2 semaphore(%run_scoped3A_380 : memref<!tpu.dma_semaphore, #tpu.memory_space<semaphore_mem>>) src(%dma_wait3A_400 : memref<80x128xf32, #tpu.memory_space<vmem>>) dst(%dma_wait3A_397 : memref<80x128xf32, #tpu.memory_space<vmem_shared>>)
      tpu.yield
    }) : () -> ()
    %mul3A_30 = arith.constant 640 : i32
    %mul3A_31 = arith.muli %arg1, %mul3A_30 : i32
    %add3A_32 = arith.constant 480 : i32
    %add3A_33 = arith.addi %mul3A_31, %add3A_32 : i32
    "tpu.region"() ({
      %run_scoped3A_380 = tpu.sem_alloc : memref<!tpu.dma_semaphore, #tpu.memory_space<semaphore_mem>>
      %dma_start3A_381 = arith.constant 0 : i32
      %dma_start3A_382 = arith.constant 0 : i32
      %dma_start3A_383 = tpu.memref_slice %arg10[%dma_start3A_381, %dma_start3A_382] : memref<112x128xf32, #tpu.memory_space<vmem>> -> memref<80x128xf32, #tpu.memory_space<vmem>>
      %dma_start3A_384 = arith.constant 0 : i32
      %dma_start3A_385 = tpu.memref_slice %arg12[%add3A_33, %dma_start3A_384] : memref<10240x128xf32, #tpu.memory_space<vmem_shared>> -> memref<80x128xf32, #tpu.memory_space<vmem_shared>>
      %dma_start3A_386 = arith.constant 0 : i32
      %dma_start3A_387 = tpu.memref_slice %arg12[%add3A_33, %dma_start3A_386] : memref<10240x128xf32, #tpu.memory_space<vmem_shared>> -> memref<80x128xf32, #tpu.memory_space<vmem_shared>>
      %dma_start3A_388 = arith.constant 0 : i32
      %dma_start3A_389 = arith.constant 0 : i32
      %dma_start3A_390 = tpu.memref_slice %arg10[%dma_start3A_388, %dma_start3A_389] : memref<112x128xf32, #tpu.memory_space<vmem>> -> memref<80x128xf32, #tpu.memory_space<vmem>>
      tpu.enqueue_dma source(%dma_start3A_390 : memref<80x128xf32, #tpu.memory_space<vmem>>) target(%dma_start3A_387 : memref<80x128xf32, #tpu.memory_space<vmem_shared>>) target_semaphore(%run_scoped3A_380 : memref<!tpu.dma_semaphore, #tpu.memory_space<semaphore_mem>>)
      %dma_wait3A_391 = arith.constant 0 : i32
      %dma_wait3A_392 = arith.constant 0 : i32
      %dma_wait3A_393 = tpu.memref_slice %arg10[%dma_wait3A_391, %dma_wait3A_392] : memref<112x128xf32, #tpu.memory_space<vmem>> -> memref<80x128xf32, #tpu.memory_space<vmem>>
      %dma_wait3A_394 = arith.constant 0 : i32
      %dma_wait3A_395 = tpu.memref_slice %arg12[%add3A_33, %dma_wait3A_394] : memref<10240x128xf32, #tpu.memory_space<vmem_shared>> -> memref<80x128xf32, #tpu.memory_space<vmem_shared>>
      %dma_wait3A_396 = arith.constant 0 : i32
      %dma_wait3A_397 = tpu.memref_slice %arg12[%add3A_33, %dma_wait3A_396] : memref<10240x128xf32, #tpu.memory_space<vmem_shared>> -> memref<80x128xf32, #tpu.memory_space<vmem_shared>>
      %dma_wait3A_398 = arith.constant 0 : i32
      %dma_wait3A_399 = arith.constant 0 : i32
      %dma_wait3A_400 = tpu.memref_slice %arg10[%dma_wait3A_398, %dma_wait3A_399] : memref<112x128xf32, #tpu.memory_space<vmem>> -> memref<80x128xf32, #tpu.memory_space<vmem>>
      tpu.wait_dma2 semaphore(%run_scoped3A_380 : memref<!tpu.dma_semaphore, #tpu.memory_space<semaphore_mem>>) src(%dma_wait3A_400 : memref<80x128xf32, #tpu.memory_space<vmem>>) dst(%dma_wait3A_397 : memref<80x128xf32, #tpu.memory_space<vmem_shared>>)
      tpu.yield
    }) : () -> ()
    %mul3A_34 = arith.constant 640 : i32
    %mul3A_35 = arith.muli %arg1, %mul3A_34 : i32
    %add3A_36 = arith.constant 560 : i32
    %add3A_37 = arith.addi %mul3A_35, %add3A_36 : i32
    "tpu.region"() ({
      %run_scoped3A_380 = tpu.sem_alloc : memref<!tpu.dma_semaphore, #tpu.memory_space<semaphore_mem>>
      %dma_start3A_381 = arith.constant 0 : i32
      %dma_start3A_382 = arith.constant 0 : i32
      %dma_start3A_383 = tpu.memref_slice %arg10[%dma_start3A_381, %dma_start3A_382] : memref<112x128xf32, #tpu.memory_space<vmem>> -> memref<80x128xf32, #tpu.memory_space<vmem>>
      %dma_start3A_384 = arith.constant 0 : i32
      %dma_start3A_385 = tpu.memref_slice %arg12[%add3A_37, %dma_start3A_384] : memref<10240x128xf32, #tpu.memory_space<vmem_shared>> -> memref<80x128xf32, #tpu.memory_space<vmem_shared>>
      %dma_start3A_386 = arith.constant 0 : i32
      %dma_start3A_387 = tpu.memref_slice %arg12[%add3A_37, %dma_start3A_386] : memref<10240x128xf32, #tpu.memory_space<vmem_shared>> -> memref<80x128xf32, #tpu.memory_space<vmem_shared>>
      %dma_start3A_388 = arith.constant 0 : i32
      %dma_start3A_389 = arith.constant 0 : i32
      %dma_start3A_390 = tpu.memref_slice %arg10[%dma_start3A_388, %dma_start3A_389] : memref<112x128xf32, #tpu.memory_space<vmem>> -> memref<80x128xf32, #tpu.memory_space<vmem>>
      tpu.enqueue_dma source(%dma_start3A_390 : memref<80x128xf32, #tpu.memory_space<vmem>>) target(%dma_start3A_387 : memref<80x128xf32, #tpu.memory_space<vmem_shared>>) target_semaphore(%run_scoped3A_380 : memref<!tpu.dma_semaphore, #tpu.memory_space<semaphore_mem>>)
      %dma_wait3A_391 = arith.constant 0 : i32
      %dma_wait3A_392 = arith.constant 0 : i32
      %dma_wait3A_393 = tpu.memref_slice %arg10[%dma_wait3A_391, %dma_wait3A_392] : memref<112x128xf32, #tpu.memory_space<vmem>> -> memref<80x128xf32, #tpu.memory_space<vmem>>
      %dma_wait3A_394 = arith.constant 0 : i32
      %dma_wait3A_395 = tpu.memref_slice %arg12[%add3A_37, %dma_wait3A_394] : memref<10240x128xf32, #tpu.memory_space<vmem_shared>> -> memref<80x128xf32, #tpu.memory_space<vmem_shared>>
      %dma_wait3A_396 = arith.constant 0 : i32
      %dma_wait3A_397 = tpu.memref_slice %arg12[%add3A_37, %dma_wait3A_396] : memref<10240x128xf32, #tpu.memory_space<vmem_shared>> -> memref<80x128xf32, #tpu.memory_space<vmem_shared>>
      %dma_wait3A_398 = arith.constant 0 : i32
      %dma_wait3A_399 = arith.constant 0 : i32
      %dma_wait3A_400 = tpu.memref_slice %arg10[%dma_wait3A_398, %dma_wait3A_399] : memref<112x128xf32, #tpu.memory_space<vmem>> -> memref<80x128xf32, #tpu.memory_space<vmem>>
      tpu.wait_dma2 semaphore(%run_scoped3A_380 : memref<!tpu.dma_semaphore, #tpu.memory_space<semaphore_mem>>) src(%dma_wait3A_400 : memref<80x128xf32, #tpu.memory_space<vmem>>) dst(%dma_wait3A_397 : memref<80x128xf32, #tpu.memory_space<vmem_shared>>)
      tpu.yield
    }) : () -> ()
    %barrier3A = arith.constant 0 : index
    tpu.barrier barrier_id(%barrier3A)
    %get3A = arith.constant 0 : index
    %get3A_38 = tpu.vector_load %arg5[%get3A] {strides = array<i32>} : memref<10000xi32, #tpu.memory_space<vmem>>, vector<16xi32>,
    %and3A = arith.constant 65535 : i32
    %and3A_39 = vector.broadcast %and3A : i32 to vector<16xi32>
    %and3A_40 = arith.andi %get3A_38, %and3A_39 : vector<16xi32>
    %swap3A = arith.constant 0 : i32
    %swap3A_41 = arith.index_cast %swap3A : i32 to index
    %swap3A_42 = arith.constant 0 : index
    %swap3A_43 = tpu.vector_load %arg6[%swap3A_41, %swap3A_42] {strides = array<i32>} : memref<2x112xi32, #tpu.memory_space<vmem>>, vector<16xi32>,
    tpu.vector_store %arg6[%swap3A_41, %swap3A_42], %and3A_40 {strides = array<i32>} : memref<2x112xi32, #tpu.memory_space<vmem>>, vector<16xi32>,
    %get3A_44 = arith.constant 16 : index
    %get3A_45 = tpu.vector_load %arg5[%get3A_44] {strides = array<i32>} : memref<10000xi32, #tpu.memory_space<vmem>>, vector<16xi32>,
    %and3A_46 = arith.constant 65535 : i32
    %and3A_47 = vector.broadcast %and3A_46 : i32 to vector<16xi32>
    %and3A_48 = arith.andi %get3A_45, %and3A_47 : vector<16xi32>
    %swap3A_49 = arith.constant 0 : i32
    %swap3A_50 = arith.index_cast %swap3A_49 : i32 to index
    %swap3A_51 = arith.constant 16 : index
    %swap3A_52 = tpu.vector_load %arg6[%swap3A_50, %swap3A_51] {strides = array<i32>} : memref<2x112xi32, #tpu.memory_space<vmem>>, vector<16xi32>,
    tpu.vector_store %arg6[%swap3A_50, %swap3A_51], %and3A_48 {strides = array<i32>} : memref<2x112xi32, #tpu.memory_space<vmem>>, vector<16xi32>,
    %get3A_53 = arith.constant 32 : index
    %get3A_54 = tpu.vector_load %arg5[%get3A_53] {strides = array<i32>} : memref<10000xi32, #tpu.memory_space<vmem>>, vector<16xi32>,
    %and3A_55 = arith.constant 65535 : i32
    %and3A_56 = vector.broadcast %and3A_55 : i32 to vector<16xi32>
    %and3A_57 = arith.andi %get3A_54, %and3A_56 : vector<16xi32>
    %swap3A_58 = arith.constant 0 : i32
    %swap3A_59 = arith.index_cast %swap3A_58 : i32 to index
    %swap3A_60 = arith.constant 32 : index
    %swap3A_61 = tpu.vector_load %arg6[%swap3A_59, %swap3A_60] {strides = array<i32>} : memref<2x112xi32, #tpu.memory_space<vmem>>, vector<16xi32>,
    tpu.vector_store %arg6[%swap3A_59, %swap3A_60], %and3A_57 {strides = array<i32>} : memref<2x112xi32, #tpu.memory_space<vmem>>, vector<16xi32>,
    %get3A_62 = arith.constant 48 : index
    %get3A_63 = tpu.vector_load %arg5[%get3A_62] {strides = array<i32>} : memref<10000xi32, #tpu.memory_space<vmem>>, vector<16xi32>,
    %and3A_64 = arith.constant 65535 : i32
    %and3A_65 = vector.broadcast %and3A_64 : i32 to vector<16xi32>
    %and3A_66 = arith.andi %get3A_63, %and3A_65 : vector<16xi32>
    %swap3A_67 = arith.constant 0 : i32
    %swap3A_68 = arith.index_cast %swap3A_67 : i32 to index
    %swap3A_69 = arith.constant 48 : index
    %swap3A_70 = tpu.vector_load %arg6[%swap3A_68, %swap3A_69] {strides = array<i32>} : memref<2x112xi32, #tpu.memory_space<vmem>>, vector<16xi32>,
    tpu.vector_store %arg6[%swap3A_68, %swap3A_69], %and3A_66 {strides = array<i32>} : memref<2x112xi32, #tpu.memory_space<vmem>>, vector<16xi32>,
    %get3A_71 = arith.constant 64 : index
    %get3A_72 = tpu.vector_load %arg5[%get3A_71] {strides = array<i32>} : memref<10000xi32, #tpu.memory_space<vmem>>, vector<16xi32>,
    %and3A_73 = arith.constant 65535 : i32
    %and3A_74 = vector.broadcast %and3A_73 : i32 to vector<16xi32>
    %and3A_75 = arith.andi %get3A_72, %and3A_74 : vector<16xi32>
    %swap3A_76 = arith.constant 0 : i32
    %swap3A_77 = arith.index_cast %swap3A_76 : i32 to index
    %swap3A_78 = arith.constant 64 : index
    %swap3A_79 = tpu.vector_load %arg6[%swap3A_77, %swap3A_78] {strides = array<i32>} : memref<2x112xi32, #tpu.memory_space<vmem>>, vector<16xi32>,
    tpu.vector_store %arg6[%swap3A_77, %swap3A_78], %and3A_75 {strides = array<i32>} : memref<2x112xi32, #tpu.memory_space<vmem>>, vector<16xi32>,
    %get3A_80 = arith.constant 80 : index
    %get3A_81 = tpu.vector_load %arg5[%get3A_80] {strides = array<i32>} : memref<10000xi32, #tpu.memory_space<vmem>>, vector<16xi32>,
    %and3A_82 = arith.constant 65535 : i32
    %and3A_83 = vector.broadcast %and3A_82 : i32 to vector<16xi32>
    %and3A_84 = arith.andi %get3A_81, %and3A_83 : vector<16xi32>
    %swap3A_85 = arith.constant 0 : i32
    %swap3A_86 = arith.index_cast %swap3A_85 : i32 to index
    %swap3A_87 = arith.constant 80 : index
    %swap3A_88 = tpu.vector_load %arg6[%swap3A_86, %swap3A_87] {strides = array<i32>} : memref<2x112xi32, #tpu.memory_space<vmem>>, vector<16xi32>,
    tpu.vector_store %arg6[%swap3A_86, %swap3A_87], %and3A_84 {strides = array<i32>} : memref<2x112xi32, #tpu.memory_space<vmem>>, vector<16xi32>,
    %get3A_89 = arith.constant 96 : index
    %get3A_90 = tpu.vector_load %arg5[%get3A_89] {strides = array<i32>} : memref<10000xi32, #tpu.memory_space<vmem>>, vector<16xi32>,
    %and3A_91 = arith.constant 65535 : i32
    %and3A_92 = vector.broadcast %and3A_91 : i32 to vector<16xi32>
    %and3A_93 = arith.andi %get3A_90, %and3A_92 : vector<16xi32>
    %swap3A_94 = arith.constant 0 : i32
    %swap3A_95 = arith.index_cast %swap3A_94 : i32 to index
    %swap3A_96 = arith.constant 96 : index
    %swap3A_97 = tpu.vector_load %arg6[%swap3A_95, %swap3A_96] {strides = array<i32>} : memref<2x112xi32, #tpu.memory_space<vmem>>, vector<16xi32>,
    tpu.vector_store %arg6[%swap3A_95, %swap3A_96], %and3A_93 {strides = array<i32>} : memref<2x112xi32, #tpu.memory_space<vmem>>, vector<16xi32>,
    %dma_start3A = arith.constant 0 : i32
    %dma_start3A_98 = arith.constant 0 : i32
    %dma_start3A_99 = tpu.memref_slice %arg6[%dma_start3A, %dma_start3A_98] : memref<2x112xi32, #tpu.memory_space<vmem>> -> memref<1x112xi32, #tpu.memory_space<vmem>>
    %dma_start3A_100 = tpu.memref_squeeze %dma_start3A_99 : memref<1x112xi32, #tpu.memory_space<vmem>> -> memref<112xi32, #tpu.memory_space<vmem>>
    %dma_start3A_101 = arith.constant 0 : i32
    %dma_start3A_102 = arith.constant 0 : i32
    %dma_start3A_103 = tpu.memref_slice %arg2[%dma_start3A_101, %dma_start3A_102] : memref<10000x128xf32, #tpu.memory_space<hbm>> -> memref<10000x128xf32, #tpu.memory_space<hbm>>
    tpu.enqueue_indirect_dma source(%dma_start3A_103 : memref<10000x128xf32, #tpu.memory_space<hbm>>) target(%arg10 : memref<112x128xf32, #tpu.memory_space<vmem>>) offsets(%dma_start3A_100 : memref<112xi32, #tpu.memory_space<vmem>>) semaphore(%arg13 : memref<!tpu.dma_semaphore, #tpu.memory_space<semaphore_mem>>)
    %get3A_104 = arith.constant 112 : index
    %get3A_105 = tpu.vector_load %arg5[%get3A_104] {strides = array<i32>} : memref<10000xi32, #tpu.memory_space<vmem>>, vector<16xi32>,
    %and3A_106 = arith.constant 65535 : i32
    %and3A_107 = vector.broadcast %and3A_106 : i32 to vector<16xi32>
    %and3A_108 = arith.andi %get3A_105, %and3A_107 : vector<16xi32>
    %swap3A_109 = arith.constant 1 : i32
    %swap3A_110 = arith.index_cast %swap3A_109 : i32 to index
    %swap3A_111 = arith.constant 0 : index
    %swap3A_112 = tpu.vector_load %arg6[%swap3A_110, %swap3A_111] {strides = array<i32>} : memref<2x112xi32, #tpu.memory_space<vmem>>, vector<16xi32>,
    tpu.vector_store %arg6[%swap3A_110, %swap3A_111], %and3A_108 {strides = array<i32>} : memref<2x112xi32, #tpu.memory_space<vmem>>, vector<16xi32>,
    %get3A_113 = arith.constant 128 : index
    %get3A_114 = tpu.vector_load %arg5[%get3A_113] {strides = array<i32>} : memref<10000xi32, #tpu.memory_space<vmem>>, vector<16xi32>,
    %and3A_115 = arith.constant 65535 : i32
    %and3A_116 = vector.broadcast %and3A_115 : i32 to vector<16xi32>
    %and3A_117 = arith.andi %get3A_114, %and3A_116 : vector<16xi32>
    %swap3A_118 = arith.constant 1 : i32
    %swap3A_119 = arith.index_cast %swap3A_118 : i32 to index
    %swap3A_120 = arith.constant 16 : index
    %swap3A_121 = tpu.vector_load %arg6[%swap3A_119, %swap3A_120] {strides = array<i32>} : memref<2x112xi32, #tpu.memory_space<vmem>>, vector<16xi32>,
    tpu.vector_store %arg6[%swap3A_119, %swap3A_120], %and3A_117 {strides = array<i32>} : memref<2x112xi32, #tpu.memory_space<vmem>>, vector<16xi32>,
    %get3A_122 = arith.constant 144 : index
    %get3A_123 = tpu.vector_load %arg5[%get3A_122] {strides = array<i32>} : memref<10000xi32, #tpu.memory_space<vmem>>, vector<16xi32>,
    %and3A_124 = arith.constant 65535 : i32
    %and3A_125 = vector.broadcast %and3A_124 : i32 to vector<16xi32>
    %and3A_126 = arith.andi %get3A_123, %and3A_125 : vector<16xi32>
    %swap3A_127 = arith.constant 1 : i32
    %swap3A_128 = arith.index_cast %swap3A_127 : i32 to index
    %swap3A_129 = arith.constant 32 : index
    %swap3A_130 = tpu.vector_load %arg6[%swap3A_128, %swap3A_129] {strides = array<i32>} : memref<2x112xi32, #tpu.memory_space<vmem>>, vector<16xi32>,
    tpu.vector_store %arg6[%swap3A_128, %swap3A_129], %and3A_126 {strides = array<i32>} : memref<2x112xi32, #tpu.memory_space<vmem>>, vector<16xi32>,
    %get3A_131 = arith.constant 160 : index
    %get3A_132 = tpu.vector_load %arg5[%get3A_131] {strides = array<i32>} : memref<10000xi32, #tpu.memory_space<vmem>>, vector<16xi32>,
    %and3A_133 = arith.constant 65535 : i32
    %and3A_134 = vector.broadcast %and3A_133 : i32 to vector<16xi32>
    %and3A_135 = arith.andi %get3A_132, %and3A_134 : vector<16xi32>
    %swap3A_136 = arith.constant 1 : i32
    %swap3A_137 = arith.index_cast %swap3A_136 : i32 to index
    %swap3A_138 = arith.constant 48 : index
    %swap3A_139 = tpu.vector_load %arg6[%swap3A_137, %swap3A_138] {strides = array<i32>} : memref<2x112xi32, #tpu.memory_space<vmem>>, vector<16xi32>,
    tpu.vector_store %arg6[%swap3A_137, %swap3A_138], %and3A_135 {strides = array<i32>} : memref<2x112xi32, #tpu.memory_space<vmem>>, vector<16xi32>,
    %get3A_140 = arith.constant 176 : index
    %get3A_141 = tpu.vector_load %arg5[%get3A_140] {strides = array<i32>} : memref<10000xi32, #tpu.memory_space<vmem>>, vector<16xi32>,
    %and3A_142 = arith.constant 65535 : i32
    %and3A_143 = vector.broadcast %and3A_142 : i32 to vector<16xi32>
    %and3A_144 = arith.andi %get3A_141, %and3A_143 : vector<16xi32>
    %swap3A_145 = arith.constant 1 : i32
    %swap3A_146 = arith.index_cast %swap3A_145 : i32 to index
    %swap3A_147 = arith.constant 64 : index
    %swap3A_148 = tpu.vector_load %arg6[%swap3A_146, %swap3A_147] {strides = array<i32>} : memref<2x112xi32, #tpu.memory_space<vmem>>, vector<16xi32>,
    tpu.vector_store %arg6[%swap3A_146, %swap3A_147], %and3A_144 {strides = array<i32>} : memref<2x112xi32, #tpu.memory_space<vmem>>, vector<16xi32>,
    %get3A_149 = arith.constant 192 : index
    %get3A_150 = tpu.vector_load %arg5[%get3A_149] {strides = array<i32>} : memref<10000xi32, #tpu.memory_space<vmem>>, vector<16xi32>,
    %and3A_151 = arith.constant 65535 : i32
    %and3A_152 = vector.broadcast %and3A_151 : i32 to vector<16xi32>
    %and3A_153 = arith.andi %get3A_150, %and3A_152 : vector<16xi32>
    %swap3A_154 = arith.constant 1 : i32
    %swap3A_155 = arith.index_cast %swap3A_154 : i32 to index
    %swap3A_156 = arith.constant 80 : index
    %swap3A_157 = tpu.vector_load %arg6[%swap3A_155, %swap3A_156] {strides = array<i32>} : memref<2x112xi32, #tpu.memory_space<vmem>>, vector<16xi32>,
    tpu.vector_store %arg6[%swap3A_155, %swap3A_156], %and3A_153 {strides = array<i32>} : memref<2x112xi32, #tpu.memory_space<vmem>>, vector<16xi32>,
    %get3A_158 = arith.constant 208 : index
    %get3A_159 = tpu.vector_load %arg5[%get3A_158] {strides = array<i32>} : memref<10000xi32, #tpu.memory_space<vmem>>, vector<16xi32>,
    %and3A_160 = arith.constant 65535 : i32
    %and3A_161 = vector.broadcast %and3A_160 : i32 to vector<16xi32>
    %and3A_162 = arith.andi %get3A_159, %and3A_161 : vector<16xi32>
    %swap3A_163 = arith.constant 1 : i32
    %swap3A_164 = arith.index_cast %swap3A_163 : i32 to index
    %swap3A_165 = arith.constant 96 : index
    %swap3A_166 = tpu.vector_load %arg6[%swap3A_164, %swap3A_165] {strides = array<i32>} : memref<2x112xi32, #tpu.memory_space<vmem>>, vector<16xi32>,
    tpu.vector_store %arg6[%swap3A_164, %swap3A_165], %and3A_162 {strides = array<i32>} : memref<2x112xi32, #tpu.memory_space<vmem>>, vector<16xi32>,
    %dma_start3A_167 = arith.constant 1 : i32
    %dma_start3A_168 = arith.constant 0 : i32
    %dma_start3A_169 = tpu.memref_slice %arg6[%dma_start3A_167, %dma_start3A_168] : memref<2x112xi32, #tpu.memory_space<vmem>> -> memref<1x112xi32, #tpu.memory_space<vmem>>
    %dma_start3A_170 = tpu.memref_squeeze %dma_start3A_169 : memref<1x112xi32, #tpu.memory_space<vmem>> -> memref<112xi32, #tpu.memory_space<vmem>>
    %dma_start3A_171 = arith.constant 0 : i32
    %dma_start3A_172 = arith.constant 0 : i32
    %dma_start3A_173 = tpu.memref_slice %arg2[%dma_start3A_171, %dma_start3A_172] : memref<10000x128xf32, #tpu.memory_space<hbm>> -> memref<10000x128xf32, #tpu.memory_space<hbm>>
    tpu.enqueue_indirect_dma source(%dma_start3A_173 : memref<10000x128xf32, #tpu.memory_space<hbm>>) target(%arg11 : memref<112x128xf32, #tpu.memory_space<vmem>>) offsets(%dma_start3A_170 : memref<112xi32, #tpu.memory_space<vmem>>) semaphore(%arg14 : memref<!tpu.dma_semaphore, #tpu.memory_space<semaphore_mem>>)
    %scan3A_174 = arith.constant 0 : i32
    %scan3A_175 = arith.constant 0 : i32
    %scan3A_176 = arith.constant 44 : i32
    %scan3A_177 = arith.addi %scan3A_175, %scan3A_176 : i32
    %scan3A_178 = arith.constant 1 : i32
    scf.for %scan3A_380 = %scan3A_175 to %scan3A_177 step %scan3A_178  : i32 {
      %mul3A_381 = arith.constant 2 : i32
      %mul3A_382 = arith.muli %mul3A_381, %scan3A_380 : i32
      %add3A_383 = arith.constant 0 : i32
      %add3A_384 = arith.addi %mul3A_382, %add3A_383 : i32
      %dma_wait3A_385 = arith.constant 0 : i32
      %dma_wait3A_386 = arith.constant 0 : i32
      %dma_wait3A_387 = tpu.memref_slice %arg6[%dma_wait3A_385, %dma_wait3A_386] : memref<2x112xi32, #tpu.memory_space<vmem>> -> memref<1x112xi32, #tpu.memory_space<vmem>>
      %dma_wait3A_388 = tpu.memref_squeeze %dma_wait3A_387 : memref<1x112xi32, #tpu.memory_space<vmem>> -> memref<112xi32, #tpu.memory_space<vmem>>
      %dma_wait3A_389 = arith.constant 0 : i32
      %dma_wait3A_390 = arith.constant 0 : i32
      %dma_wait3A_391 = tpu.memref_slice %arg2[%dma_wait3A_389, %dma_wait3A_390] : memref<10000x128xf32, #tpu.memory_space<hbm>> -> memref<10000x128xf32, #tpu.memory_space<hbm>>
      tpu.wait_indirect_dma semaphore(%arg13 : memref<!tpu.dma_semaphore, #tpu.memory_space<semaphore_mem>>) src(%dma_wait3A_391 : memref<10000x128xf32, #tpu.memory_space<hbm>>) dst(%arg10 : memref<112x128xf32, #tpu.memory_space<vmem>>)
      %mul3A_392 = arith.constant 112 : i32
      %mul3A_393 = arith.muli %add3A_384, %mul3A_392 : i32
      %add3A_394 = arith.constant 0 : i32
      %add3A_395 = arith.addi %mul3A_393, %add3A_394 : i32
      %get3A_396 = arith.index_cast %add3A_395 : i32 to index
      %get3A_397 = tpu.vector_load %arg5[%get3A_396] {strides = array<i32>} : memref<10000xi32, #tpu.memory_space<vmem>>, vector<16xi32>,
      %shift_right_logical3A_398 = arith.constant 16 : i32
      %shift_right_logical3A_399 = vector.broadcast %shift_right_logical3A_398 : i32 to vector<16xi32>
      %shift_right_logical3A_400 = arith.shrui %get3A_397, %shift_right_logical3A_399 : vector<16xi32>
      %swap3A_401 = arith.constant 0 : i32
      %swap3A_402 = arith.index_cast %swap3A_401 : i32 to index
      %swap3A_403 = arith.constant 0 : index
      %swap3A_404 = tpu.vector_load %arg7[%swap3A_402, %swap3A_403] {strides = array<i32>} : memref<1x112xi32, #tpu.memory_space<vmem>>, vector<16xi32>,
      tpu.vector_store %arg7[%swap3A_402, %swap3A_403], %shift_right_logical3A_400 {strides = array<i32>} : memref<1x112xi32, #tpu.memory_space<vmem>>, vector<16xi32>,
      %mul3A_405 = arith.constant 112 : i32
      %mul3A_406 = arith.muli %add3A_384, %mul3A_405 : i32
      %add3A_407 = arith.constant 16 : i32
      %add3A_408 = arith.addi %mul3A_406, %add3A_407 : i32
      %get3A_409 = arith.index_cast %add3A_408 : i32 to index
      %get3A_410 = tpu.vector_load %arg5[%get3A_409] {strides = array<i32>} : memref<10000xi32, #tpu.memory_space<vmem>>, vector<16xi32>,
      %shift_right_logical3A_411 = arith.constant 16 : i32
      %shift_right_logical3A_412 = vector.broadcast %shift_right_logical3A_411 : i32 to vector<16xi32>
      %shift_right_logical3A_413 = arith.shrui %get3A_410, %shift_right_logical3A_412 : vector<16xi32>
      %swap3A_414 = arith.constant 0 : i32
      %swap3A_415 = arith.index_cast %swap3A_414 : i32 to index
      %swap3A_416 = arith.constant 16 : index
      %swap3A_417 = tpu.vector_load %arg7[%swap3A_415, %swap3A_416] {strides = array<i32>} : memref<1x112xi32, #tpu.memory_space<vmem>>, vector<16xi32>,
      tpu.vector_store %arg7[%swap3A_415, %swap3A_416], %shift_right_logical3A_413 {strides = array<i32>} : memref<1x112xi32, #tpu.memory_space<vmem>>, vector<16xi32>,
      %mul3A_418 = arith.constant 112 : i32
      %mul3A_419 = arith.muli %add3A_384, %mul3A_418 : i32
      %add3A_420 = arith.constant 32 : i32
      %add3A_421 = arith.addi %mul3A_419, %add3A_420 : i32
      %get3A_422 = arith.index_cast %add3A_421 : i32 to index
      %get3A_423 = tpu.vector_load %arg5[%get3A_422] {strides = array<i32>} : memref<10000xi32, #tpu.memory_space<vmem>>, vector<16xi32>,
      %shift_right_logical3A_424 = arith.constant 16 : i32
      %shift_right_logical3A_425 = vector.broadcast %shift_right_logical3A_424 : i32 to vector<16xi32>
      %shift_right_logical3A_426 = arith.shrui %get3A_423, %shift_right_logical3A_425 : vector<16xi32>
      %swap3A_427 = arith.constant 0 : i32
      %swap3A_428 = arith.index_cast %swap3A_427 : i32 to index
      %swap3A_429 = arith.constant 32 : index
      %swap3A_430 = tpu.vector_load %arg7[%swap3A_428, %swap3A_429] {strides = array<i32>} : memref<1x112xi32, #tpu.memory_space<vmem>>, vector<16xi32>,
      tpu.vector_store %arg7[%swap3A_428, %swap3A_429], %shift_right_logical3A_426 {strides = array<i32>} : memref<1x112xi32, #tpu.memory_space<vmem>>, vector<16xi32>,
      %mul3A_431 = arith.constant 112 : i32
      %mul3A_432 = arith.muli %add3A_384, %mul3A_431 : i32
      %add3A_433 = arith.constant 48 : i32
      %add3A_434 = arith.addi %mul3A_432, %add3A_433 : i32
      %get3A_435 = arith.index_cast %add3A_434 : i32 to index
      %get3A_436 = tpu.vector_load %arg5[%get3A_435] {strides = array<i32>} : memref<10000xi32, #tpu.memory_space<vmem>>, vector<16xi32>,
      %shift_right_logical3A_437 = arith.constant 16 : i32
      %shift_right_logical3A_438 = vector.broadcast %shift_right_logical3A_437 : i32 to vector<16xi32>
      %shift_right_logical3A_439 = arith.shrui %get3A_436, %shift_right_logical3A_438 : vector<16xi32>
      %swap3A_440 = arith.constant 0 : i32
      %swap3A_441 = arith.index_cast %swap3A_440 : i32 to index
      %swap3A_442 = arith.constant 48 : index
      %swap3A_443 = tpu.vector_load %arg7[%swap3A_441, %swap3A_442] {strides = array<i32>} : memref<1x112xi32, #tpu.memory_space<vmem>>, vector<16xi32>,
      tpu.vector_store %arg7[%swap3A_441, %swap3A_442], %shift_right_logical3A_439 {strides = array<i32>} : memref<1x112xi32, #tpu.memory_space<vmem>>, vector<16xi32>,
      %mul3A_444 = arith.constant 112 : i32
      %mul3A_445 = arith.muli %add3A_384, %mul3A_444 : i32
      %add3A_446 = arith.constant 64 : i32
      %add3A_447 = arith.addi %mul3A_445, %add3A_446 : i32
      %get3A_448 = arith.index_cast %add3A_447 : i32 to index
      %get3A_449 = tpu.vector_load %arg5[%get3A_448] {strides = array<i32>} : memref<10000xi32, #tpu.memory_space<vmem>>, vector<16xi32>,
      %shift_right_logical3A_450 = arith.constant 16 : i32
      %shift_right_logical3A_451 = vector.broadcast %shift_right_logical3A_450 : i32 to vector<16xi32>
      %shift_right_logical3A_452 = arith.shrui %get3A_449, %shift_right_logical3A_451 : vector<16xi32>
      %swap3A_453 = arith.constant 0 : i32
      %swap3A_454 = arith.index_cast %swap3A_453 : i32 to index
      %swap3A_455 = arith.constant 64 : index
      %swap3A_456 = tpu.vector_load %arg7[%swap3A_454, %swap3A_455] {strides = array<i32>} : memref<1x112xi32, #tpu.memory_space<vmem>>, vector<16xi32>,
      tpu.vector_store %arg7[%swap3A_454, %swap3A_455], %shift_right_logical3A_452 {strides = array<i32>} : memref<1x112xi32, #tpu.memory_space<vmem>>, vector<16xi32>,
      %mul3A_457 = arith.constant 112 : i32
      %mul3A_458 = arith.muli %add3A_384, %mul3A_457 : i32
      %add3A_459 = arith.constant 80 : i32
      %add3A_460 = arith.addi %mul3A_458, %add3A_459 : i32
      %get3A_461 = arith.index_cast %add3A_460 : i32 to index
      %get3A_462 = tpu.vector_load %arg5[%get3A_461] {strides = array<i32>} : memref<10000xi32, #tpu.memory_space<vmem>>, vector<16xi32>,
      %shift_right_logical3A_463 = arith.constant 16 : i32
      %shift_right_logical3A_464 = vector.broadcast %shift_right_logical3A_463 : i32 to vector<16xi32>
      %shift_right_logical3A_465 = arith.shrui %get3A_462, %shift_right_logical3A_464 : vector<16xi32>
      %swap3A_466 = arith.constant 0 : i32
      %swap3A_467 = arith.index_cast %swap3A_466 : i32 to index
      %swap3A_468 = arith.constant 80 : index
      %swap3A_469 = tpu.vector_load %arg7[%swap3A_467, %swap3A_468] {strides = array<i32>} : memref<1x112xi32, #tpu.memory_space<vmem>>, vector<16xi32>,
      tpu.vector_store %arg7[%swap3A_467, %swap3A_468], %shift_right_logical3A_465 {strides = array<i32>} : memref<1x112xi32, #tpu.memory_space<vmem>>, vector<16xi32>,
      %mul3A_470 = arith.constant 112 : i32
      %mul3A_471 = arith.muli %add3A_384, %mul3A_470 : i32
      %add3A_472 = arith.constant 96 : i32
      %add3A_473 = arith.addi %mul3A_471, %add3A_472 : i32
      %get3A_474 = arith.index_cast %add3A_473 : i32 to index
      %get3A_475 = tpu.vector_load %arg5[%get3A_474] {strides = array<i32>} : memref<10000xi32, #tpu.memory_space<vmem>>, vector<16xi32>,
      %shift_right_logical3A_476 = arith.constant 16 : i32
      %shift_right_logical3A_477 = vector.broadcast %shift_right_logical3A_476 : i32 to vector<16xi32>
      %shift_right_logical3A_478 = arith.shrui %get3A_475, %shift_right_logical3A_477 : vector<16xi32>
      %swap3A_479 = arith.constant 0 : i32
      %swap3A_480 = arith.index_cast %swap3A_479 : i32 to index
      %swap3A_481 = arith.constant 96 : index
      %swap3A_482 = tpu.vector_load %arg7[%swap3A_480, %swap3A_481] {strides = array<i32>} : memref<1x112xi32, #tpu.memory_space<vmem>>, vector<16xi32>,
      tpu.vector_store %arg7[%swap3A_480, %swap3A_481], %shift_right_logical3A_478 {strides = array<i32>} : memref<1x112xi32, #tpu.memory_space<vmem>>, vector<16xi32>,
      %run_scoped3A_483 = arith.constant 0 : i32
      "tpu.region"() ({
        %run_scoped3A_594 = tpu.sem_alloc : memref<!tpu.dma_semaphore, #tpu.memory_space<semaphore_mem>>
        %dma_start3A_595 = arith.constant 0 : i32
        %dma_start3A_596 = tpu.memref_slice %arg7[%run_scoped3A_483, %dma_start3A_595] : memref<1x112xi32, #tpu.memory_space<vmem>> -> memref<1x112xi32, #tpu.memory_space<vmem>>
        %dma_start3A_597 = tpu.memref_squeeze %dma_start3A_596 : memref<1x112xi32, #tpu.memory_space<vmem>> -> memref<112xi32, #tpu.memory_space<vmem>>
        %dma_start3A_598 = arith.constant 0 : i32
        %dma_start3A_599 = arith.constant 0 : i32
        %dma_start3A_600 = tpu.memref_slice %arg12[%dma_start3A_598, %dma_start3A_599] : memref<10240x128xf32, #tpu.memory_space<vmem_shared>> -> memref<10240x128xf32, #tpu.memory_space<vmem_shared>>
        tpu.enqueue_indirect_dma source(%arg10 : memref<112x128xf32, #tpu.memory_space<vmem>>) target(%dma_start3A_600 : memref<10240x128xf32, #tpu.memory_space<vmem_shared>>) offsets(%dma_start3A_597 : memref<112xi32, #tpu.memory_space<vmem>>) semaphore(%run_scoped3A_594 : memref<!tpu.dma_semaphore, #tpu.memory_space<semaphore_mem>>) {add = true}
        %dma_wait3A_601 = arith.constant 0 : i32
        %dma_wait3A_602 = tpu.memref_slice %arg7[%run_scoped3A_483, %dma_wait3A_601] : memref<1x112xi32, #tpu.memory_space<vmem>> -> memref<1x112xi32, #tpu.memory_space<vmem>>
        %dma_wait3A_603 = tpu.memref_squeeze %dma_wait3A_602 : memref<1x112xi32, #tpu.memory_space<vmem>> -> memref<112xi32, #tpu.memory_space<vmem>>
        %dma_wait3A_604 = arith.constant 0 : i32
        %dma_wait3A_605 = arith.constant 0 : i32
        %dma_wait3A_606 = tpu.memref_slice %arg12[%dma_wait3A_604, %dma_wait3A_605] : memref<10240x128xf32, #tpu.memory_space<vmem_shared>> -> memref<10240x128xf32, #tpu.memory_space<vmem_shared>>
        tpu.wait_indirect_dma semaphore(%run_scoped3A_594 : memref<!tpu.dma_semaphore, #tpu.memory_space<semaphore_mem>>) src(%arg10 : memref<112x128xf32, #tpu.memory_space<vmem>>) dst(%dma_wait3A_606 : memref<10240x128xf32, #tpu.memory_space<vmem_shared>>)
        tpu.yield
      }) : () -> ()
      %lt3A = arith.constant 43 : i32
      %lt3A_484 = arith.cmpi slt, %scan3A_380, %lt3A : i32
      %convert_element_type3A = arith.extui %lt3A_484 : i1 to i32
      %cond3A = arith.constant 0 : i32
      %cond3A_485 = arith.cmpi ne, %convert_element_type3A, %cond3A : i32
      scf.if %cond3A_485 {
        %add3A_594 = arith.constant 2 : i32
        %add3A_595 = arith.addi %add3A_384, %add3A_594 : i32
        %mul3A_596 = arith.constant 112 : i32
        %mul3A_597 = arith.muli %add3A_595, %mul3A_596 : i32
        %add3A_598 = arith.constant 0 : i32
        %add3A_599 = arith.addi %mul3A_597, %add3A_598 : i32
        %get3A_600 = arith.index_cast %add3A_599 : i32 to index
        %get3A_601 = tpu.vector_load %arg5[%get3A_600] {strides = array<i32>} : memref<10000xi32, #tpu.memory_space<vmem>>, vector<16xi32>,
        %and3A_602 = arith.constant 65535 : i32
        %and3A_603 = vector.broadcast %and3A_602 : i32 to vector<16xi32>
        %and3A_604 = arith.andi %get3A_601, %and3A_603 : vector<16xi32>
        %swap3A_605 = arith.constant 0 : i32
        %swap3A_606 = arith.index_cast %swap3A_605 : i32 to index
        %swap3A_607 = arith.constant 0 : index
        %swap3A_608 = tpu.vector_load %arg6[%swap3A_606, %swap3A_607] {strides = array<i32>} : memref<2x112xi32, #tpu.memory_space<vmem>>, vector<16xi32>,
        tpu.vector_store %arg6[%swap3A_606, %swap3A_607], %and3A_604 {strides = array<i32>} : memref<2x112xi32, #tpu.memory_space<vmem>>, vector<16xi32>,
        %mul3A_609 = arith.constant 112 : i32
        %mul3A_610 = arith.muli %add3A_595, %mul3A_609 : i32
        %add3A_611 = arith.constant 16 : i32
        %add3A_612 = arith.addi %mul3A_610, %add3A_611 : i32
        %get3A_613 = arith.index_cast %add3A_612 : i32 to index
        %get3A_614 = tpu.vector_load %arg5[%get3A_613] {strides = array<i32>} : memref<10000xi32, #tpu.memory_space<vmem>>, vector<16xi32>,
        %and3A_615 = arith.constant 65535 : i32
        %and3A_616 = vector.broadcast %and3A_615 : i32 to vector<16xi32>
        %and3A_617 = arith.andi %get3A_614, %and3A_616 : vector<16xi32>
        %swap3A_618 = arith.constant 0 : i32
        %swap3A_619 = arith.index_cast %swap3A_618 : i32 to index
        %swap3A_620 = arith.constant 16 : index
        %swap3A_621 = tpu.vector_load %arg6[%swap3A_619, %swap3A_620] {strides = array<i32>} : memref<2x112xi32, #tpu.memory_space<vmem>>, vector<16xi32>,
        tpu.vector_store %arg6[%swap3A_619, %swap3A_620], %and3A_617 {strides = array<i32>} : memref<2x112xi32, #tpu.memory_space<vmem>>, vector<16xi32>,
        %mul3A_622 = arith.constant 112 : i32
        %mul3A_623 = arith.muli %add3A_595, %mul3A_622 : i32
        %add3A_624 = arith.constant 32 : i32
        %add3A_625 = arith.addi %mul3A_623, %add3A_624 : i32
        %get3A_626 = arith.index_cast %add3A_625 : i32 to index
        %get3A_627 = tpu.vector_load %arg5[%get3A_626] {strides = array<i32>} : memref<10000xi32, #tpu.memory_space<vmem>>, vector<16xi32>,
        %and3A_628 = arith.constant 65535 : i32
        %and3A_629 = vector.broadcast %and3A_628 : i32 to vector<16xi32>
        %and3A_630 = arith.andi %get3A_627, %and3A_629 : vector<16xi32>
        %swap3A_631 = arith.constant 0 : i32
        %swap3A_632 = arith.index_cast %swap3A_631 : i32 to index
        %swap3A_633 = arith.constant 32 : index
        %swap3A_634 = tpu.vector_load %arg6[%swap3A_632, %swap3A_633] {strides = array<i32>} : memref<2x112xi32, #tpu.memory_space<vmem>>, vector<16xi32>,
        tpu.vector_store %arg6[%swap3A_632, %swap3A_633], %and3A_630 {strides = array<i32>} : memref<2x112xi32, #tpu.memory_space<vmem>>, vector<16xi32>,
        %mul3A_635 = arith.constant 112 : i32
        %mul3A_636 = arith.muli %add3A_595, %mul3A_635 : i32
        %add3A_637 = arith.constant 48 : i32
        %add3A_638 = arith.addi %mul3A_636, %add3A_637 : i32
        %get3A_639 = arith.index_cast %add3A_638 : i32 to index
        %get3A_640 = tpu.vector_load %arg5[%get3A_639] {strides = array<i32>} : memref<10000xi32, #tpu.memory_space<vmem>>, vector<16xi32>,
        %and3A_641 = arith.constant 65535 : i32
        %and3A_642 = vector.broadcast %and3A_641 : i32 to vector<16xi32>
        %and3A_643 = arith.andi %get3A_640, %and3A_642 : vector<16xi32>
        %swap3A_644 = arith.constant 0 : i32
        %swap3A_645 = arith.index_cast %swap3A_644 : i32 to index
        %swap3A_646 = arith.constant 48 : index
        %swap3A_647 = tpu.vector_load %arg6[%swap3A_645, %swap3A_646] {strides = array<i32>} : memref<2x112xi32, #tpu.memory_space<vmem>>, vector<16xi32>,
        tpu.vector_store %arg6[%swap3A_645, %swap3A_646], %and3A_643 {strides = array<i32>} : memref<2x112xi32, #tpu.memory_space<vmem>>, vector<16xi32>,
        %mul3A_648 = arith.constant 112 : i32
        %mul3A_649 = arith.muli %add3A_595, %mul3A_648 : i32
        %add3A_650 = arith.constant 64 : i32
        %add3A_651 = arith.addi %mul3A_649, %add3A_650 : i32
        %get3A_652 = arith.index_cast %add3A_651 : i32 to index
        %get3A_653 = tpu.vector_load %arg5[%get3A_652] {strides = array<i32>} : memref<10000xi32, #tpu.memory_space<vmem>>, vector<16xi32>,
        %and3A_654 = arith.constant 65535 : i32
        %and3A_655 = vector.broadcast %and3A_654 : i32 to vector<16xi32>
        %and3A_656 = arith.andi %get3A_653, %and3A_655 : vector<16xi32>
        %swap3A_657 = arith.constant 0 : i32
        %swap3A_658 = arith.index_cast %swap3A_657 : i32 to index
        %swap3A_659 = arith.constant 64 : index
        %swap3A_660 = tpu.vector_load %arg6[%swap3A_658, %swap3A_659] {strides = array<i32>} : memref<2x112xi32, #tpu.memory_space<vmem>>, vector<16xi32>,
        tpu.vector_store %arg6[%swap3A_658, %swap3A_659], %and3A_656 {strides = array<i32>} : memref<2x112xi32, #tpu.memory_space<vmem>>, vector<16xi32>,
        %mul3A_661 = arith.constant 112 : i32
        %mul3A_662 = arith.muli %add3A_595, %mul3A_661 : i32
        %add3A_663 = arith.constant 80 : i32
        %add3A_664 = arith.addi %mul3A_662, %add3A_663 : i32
        %get3A_665 = arith.index_cast %add3A_664 : i32 to index
        %get3A_666 = tpu.vector_load %arg5[%get3A_665] {strides = array<i32>} : memref<10000xi32, #tpu.memory_space<vmem>>, vector<16xi32>,
        %and3A_667 = arith.constant 65535 : i32
        %and3A_668 = vector.broadcast %and3A_667 : i32 to vector<16xi32>
        %and3A_669 = arith.andi %get3A_666, %and3A_668 : vector<16xi32>
        %swap3A_670 = arith.constant 0 : i32
        %swap3A_671 = arith.index_cast %swap3A_670 : i32 to index
        %swap3A_672 = arith.constant 80 : index
        %swap3A_673 = tpu.vector_load %arg6[%swap3A_671, %swap3A_672] {strides = array<i32>} : memref<2x112xi32, #tpu.memory_space<vmem>>, vector<16xi32>,
        tpu.vector_store %arg6[%swap3A_671, %swap3A_672], %and3A_669 {strides = array<i32>} : memref<2x112xi32, #tpu.memory_space<vmem>>, vector<16xi32>,
        %mul3A_674 = arith.constant 112 : i32
        %mul3A_675 = arith.muli %add3A_595, %mul3A_674 : i32
        %add3A_676 = arith.constant 96 : i32
        %add3A_677 = arith.addi %mul3A_675, %add3A_676 : i32
        %get3A_678 = arith.index_cast %add3A_677 : i32 to index
        %get3A_679 = tpu.vector_load %arg5[%get3A_678] {strides = array<i32>} : memref<10000xi32, #tpu.memory_space<vmem>>, vector<16xi32>,
        %and3A_680 = arith.constant 65535 : i32
        %and3A_681 = vector.broadcast %and3A_680 : i32 to vector<16xi32>
        %and3A_682 = arith.andi %get3A_679, %and3A_681 : vector<16xi32>
        %swap3A_683 = arith.constant 0 : i32
        %swap3A_684 = arith.index_cast %swap3A_683 : i32 to index
        %swap3A_685 = arith.constant 96 : index
        %swap3A_686 = tpu.vector_load %arg6[%swap3A_684, %swap3A_685] {strides = array<i32>} : memref<2x112xi32, #tpu.memory_space<vmem>>, vector<16xi32>,
        tpu.vector_store %arg6[%swap3A_684, %swap3A_685], %and3A_682 {strides = array<i32>} : memref<2x112xi32, #tpu.memory_space<vmem>>, vector<16xi32>,
        %dma_start3A_687 = arith.constant 0 : i32
        %dma_start3A_688 = arith.constant 0 : i32
        %dma_start3A_689 = tpu.memref_slice %arg6[%dma_start3A_687, %dma_start3A_688] : memref<2x112xi32, #tpu.memory_space<vmem>> -> memref<1x112xi32, #tpu.memory_space<vmem>>
        %dma_start3A_690 = tpu.memref_squeeze %dma_start3A_689 : memref<1x112xi32, #tpu.memory_space<vmem>> -> memref<112xi32, #tpu.memory_space<vmem>>
        %dma_start3A_691 = arith.constant 0 : i32
        %dma_start3A_692 = arith.constant 0 : i32
        %dma_start3A_693 = tpu.memref_slice %arg2[%dma_start3A_691, %dma_start3A_692] : memref<10000x128xf32, #tpu.memory_space<hbm>> -> memref<10000x128xf32, #tpu.memory_space<hbm>>
        tpu.enqueue_indirect_dma source(%dma_start3A_693 : memref<10000x128xf32, #tpu.memory_space<hbm>>) target(%arg10 : memref<112x128xf32, #tpu.memory_space<vmem>>) offsets(%dma_start3A_690 : memref<112xi32, #tpu.memory_space<vmem>>) semaphore(%arg13 : memref<!tpu.dma_semaphore, #tpu.memory_space<semaphore_mem>>)
      } else {
      }
      %mul3A_486 = arith.constant 2 : i32
      %mul3A_487 = arith.muli %mul3A_486, %scan3A_380 : i32
      %add3A_488 = arith.constant 1 : i32
      %add3A_489 = arith.addi %mul3A_487, %add3A_488 : i32
      %dma_wait3A_490 = arith.constant 1 : i32
      %dma_wait3A_491 = arith.constant 0 : i32
      %dma_wait3A_492 = tpu.memref_slice %arg6[%dma_wait3A_490, %dma_wait3A_491] : memref<2x112xi32, #tpu.memory_space<vmem>> -> memref<1x112xi32, #tpu.memory_space<vmem>>
      %dma_wait3A_493 = tpu.memref_squeeze %dma_wait3A_492 : memref<1x112xi32, #tpu.memory_space<vmem>> -> memref<112xi32, #tpu.memory_space<vmem>>
      %dma_wait3A_494 = arith.constant 0 : i32
      %dma_wait3A_495 = arith.constant 0 : i32
      %dma_wait3A_496 = tpu.memref_slice %arg2[%dma_wait3A_494, %dma_wait3A_495] : memref<10000x128xf32, #tpu.memory_space<hbm>> -> memref<10000x128xf32, #tpu.memory_space<hbm>>
      tpu.wait_indirect_dma semaphore(%arg14 : memref<!tpu.dma_semaphore, #tpu.memory_space<semaphore_mem>>) src(%dma_wait3A_496 : memref<10000x128xf32, #tpu.memory_space<hbm>>) dst(%arg11 : memref<112x128xf32, #tpu.memory_space<vmem>>)
      %mul3A_497 = arith.constant 112 : i32
      %mul3A_498 = arith.muli %add3A_489, %mul3A_497 : i32
      %add3A_499 = arith.constant 0 : i32
      %add3A_500 = arith.addi %mul3A_498, %add3A_499 : i32
      %get3A_501 = arith.index_cast %add3A_500 : i32 to index
      %get3A_502 = tpu.vector_load %arg5[%get3A_501] {strides = array<i32>} : memref<10000xi32, #tpu.memory_space<vmem>>, vector<16xi32>,
      %shift_right_logical3A_503 = arith.constant 16 : i32
      %shift_right_logical3A_504 = vector.broadcast %shift_right_logical3A_503 : i32 to vector<16xi32>
      %shift_right_logical3A_505 = arith.shrui %get3A_502, %shift_right_logical3A_504 : vector<16xi32>
      %swap3A_506 = arith.constant 0 : i32
      %swap3A_507 = arith.index_cast %swap3A_506 : i32 to index
      %swap3A_508 = arith.constant 0 : index
      %swap3A_509 = tpu.vector_load %arg7[%swap3A_507, %swap3A_508] {strides = array<i32>} : memref<1x112xi32, #tpu.memory_space<vmem>>, vector<16xi32>,
      tpu.vector_store %arg7[%swap3A_507, %swap3A_508], %shift_right_logical3A_505 {strides = array<i32>} : memref<1x112xi32, #tpu.memory_space<vmem>>, vector<16xi32>,
      %mul3A_510 = arith.constant 112 : i32
      %mul3A_511 = arith.muli %add3A_489, %mul3A_510 : i32
      %add3A_512 = arith.constant 16 : i32
      %add3A_513 = arith.addi %mul3A_511, %add3A_512 : i32
      %get3A_514 = arith.index_cast %add3A_513 : i32 to index
      %get3A_515 = tpu.vector_load %arg5[%get3A_514] {strides = array<i32>} : memref<10000xi32, #tpu.memory_space<vmem>>, vector<16xi32>,
      %shift_right_logical3A_516 = arith.constant 16 : i32
      %shift_right_logical3A_517 = vector.broadcast %shift_right_logical3A_516 : i32 to vector<16xi32>
      %shift_right_logical3A_518 = arith.shrui %get3A_515, %shift_right_logical3A_517 : vector<16xi32>
      %swap3A_519 = arith.constant 0 : i32
      %swap3A_520 = arith.index_cast %swap3A_519 : i32 to index
      %swap3A_521 = arith.constant 16 : index
      %swap3A_522 = tpu.vector_load %arg7[%swap3A_520, %swap3A_521] {strides = array<i32>} : memref<1x112xi32, #tpu.memory_space<vmem>>, vector<16xi32>,
      tpu.vector_store %arg7[%swap3A_520, %swap3A_521], %shift_right_logical3A_518 {strides = array<i32>} : memref<1x112xi32, #tpu.memory_space<vmem>>, vector<16xi32>,
      %mul3A_523 = arith.constant 112 : i32
      %mul3A_524 = arith.muli %add3A_489, %mul3A_523 : i32
      %add3A_525 = arith.constant 32 : i32
      %add3A_526 = arith.addi %mul3A_524, %add3A_525 : i32
      %get3A_527 = arith.index_cast %add3A_526 : i32 to index
      %get3A_528 = tpu.vector_load %arg5[%get3A_527] {strides = array<i32>} : memref<10000xi32, #tpu.memory_space<vmem>>, vector<16xi32>,
      %shift_right_logical3A_529 = arith.constant 16 : i32
      %shift_right_logical3A_530 = vector.broadcast %shift_right_logical3A_529 : i32 to vector<16xi32>
      %shift_right_logical3A_531 = arith.shrui %get3A_528, %shift_right_logical3A_530 : vector<16xi32>
      %swap3A_532 = arith.constant 0 : i32
      %swap3A_533 = arith.index_cast %swap3A_532 : i32 to index
      %swap3A_534 = arith.constant 32 : index
      %swap3A_535 = tpu.vector_load %arg7[%swap3A_533, %swap3A_534] {strides = array<i32>} : memref<1x112xi32, #tpu.memory_space<vmem>>, vector<16xi32>,
      tpu.vector_store %arg7[%swap3A_533, %swap3A_534], %shift_right_logical3A_531 {strides = array<i32>} : memref<1x112xi32, #tpu.memory_space<vmem>>, vector<16xi32>,
      %mul3A_536 = arith.constant 112 : i32
      %mul3A_537 = arith.muli %add3A_489, %mul3A_536 : i32
      %add3A_538 = arith.constant 48 : i32
      %add3A_539 = arith.addi %mul3A_537, %add3A_538 : i32
      %get3A_540 = arith.index_cast %add3A_539 : i32 to index
      %get3A_541 = tpu.vector_load %arg5[%get3A_540] {strides = array<i32>} : memref<10000xi32, #tpu.memory_space<vmem>>, vector<16xi32>,
      %shift_right_logical3A_542 = arith.constant 16 : i32
      %shift_right_logical3A_543 = vector.broadcast %shift_right_logical3A_542 : i32 to vector<16xi32>
      %shift_right_logical3A_544 = arith.shrui %get3A_541, %shift_right_logical3A_543 : vector<16xi32>
      %swap3A_545 = arith.constant 0 : i32
      %swap3A_546 = arith.index_cast %swap3A_545 : i32 to index
      %swap3A_547 = arith.constant 48 : index
      %swap3A_548 = tpu.vector_load %arg7[%swap3A_546, %swap3A_547] {strides = array<i32>} : memref<1x112xi32, #tpu.memory_space<vmem>>, vector<16xi32>,
      tpu.vector_store %arg7[%swap3A_546, %swap3A_547], %shift_right_logical3A_544 {strides = array<i32>} : memref<1x112xi32, #tpu.memory_space<vmem>>, vector<16xi32>,
      %mul3A_549 = arith.constant 112 : i32
      %mul3A_550 = arith.muli %add3A_489, %mul3A_549 : i32
      %add3A_551 = arith.constant 64 : i32
      %add3A_552 = arith.addi %mul3A_550, %add3A_551 : i32
      %get3A_553 = arith.index_cast %add3A_552 : i32 to index
      %get3A_554 = tpu.vector_load %arg5[%get3A_553] {strides = array<i32>} : memref<10000xi32, #tpu.memory_space<vmem>>, vector<16xi32>,
      %shift_right_logical3A_555 = arith.constant 16 : i32
      %shift_right_logical3A_556 = vector.broadcast %shift_right_logical3A_555 : i32 to vector<16xi32>
      %shift_right_logical3A_557 = arith.shrui %get3A_554, %shift_right_logical3A_556 : vector<16xi32>
      %swap3A_558 = arith.constant 0 : i32
      %swap3A_559 = arith.index_cast %swap3A_558 : i32 to index
      %swap3A_560 = arith.constant 64 : index
      %swap3A_561 = tpu.vector_load %arg7[%swap3A_559, %swap3A_560] {strides = array<i32>} : memref<1x112xi32, #tpu.memory_space<vmem>>, vector<16xi32>,
      tpu.vector_store %arg7[%swap3A_559, %swap3A_560], %shift_right_logical3A_557 {strides = array<i32>} : memref<1x112xi32, #tpu.memory_space<vmem>>, vector<16xi32>,
      %mul3A_562 = arith.constant 112 : i32
      %mul3A_563 = arith.muli %add3A_489, %mul3A_562 : i32
      %add3A_564 = arith.constant 80 : i32
      %add3A_565 = arith.addi %mul3A_563, %add3A_564 : i32
      %get3A_566 = arith.index_cast %add3A_565 : i32 to index
      %get3A_567 = tpu.vector_load %arg5[%get3A_566] {strides = array<i32>} : memref<10000xi32, #tpu.memory_space<vmem>>, vector<16xi32>,
      %shift_right_logical3A_568 = arith.constant 16 : i32
      %shift_right_logical3A_569 = vector.broadcast %shift_right_logical3A_568 : i32 to vector<16xi32>
      %shift_right_logical3A_570 = arith.shrui %get3A_567, %shift_right_logical3A_569 : vector<16xi32>
      %swap3A_571 = arith.constant 0 : i32
      %swap3A_572 = arith.index_cast %swap3A_571 : i32 to index
      %swap3A_573 = arith.constant 80 : index
      %swap3A_574 = tpu.vector_load %arg7[%swap3A_572, %swap3A_573] {strides = array<i32>} : memref<1x112xi32, #tpu.memory_space<vmem>>, vector<16xi32>,
      tpu.vector_store %arg7[%swap3A_572, %swap3A_573], %shift_right_logical3A_570 {strides = array<i32>} : memref<1x112xi32, #tpu.memory_space<vmem>>, vector<16xi32>,
      %mul3A_575 = arith.constant 112 : i32
      %mul3A_576 = arith.muli %add3A_489, %mul3A_575 : i32
      %add3A_577 = arith.constant 96 : i32
      %add3A_578 = arith.addi %mul3A_576, %add3A_577 : i32
      %get3A_579 = arith.index_cast %add3A_578 : i32 to index
      %get3A_580 = tpu.vector_load %arg5[%get3A_579] {strides = array<i32>} : memref<10000xi32, #tpu.memory_space<vmem>>, vector<16xi32>,
      %shift_right_logical3A_581 = arith.constant 16 : i32
      %shift_right_logical3A_582 = vector.broadcast %shift_right_logical3A_581 : i32 to vector<16xi32>
      %shift_right_logical3A_583 = arith.shrui %get3A_580, %shift_right_logical3A_582 : vector<16xi32>
      %swap3A_584 = arith.constant 0 : i32
      %swap3A_585 = arith.index_cast %swap3A_584 : i32 to index
      %swap3A_586 = arith.constant 96 : index
      %swap3A_587 = tpu.vector_load %arg7[%swap3A_585, %swap3A_586] {strides = array<i32>} : memref<1x112xi32, #tpu.memory_space<vmem>>, vector<16xi32>,
      tpu.vector_store %arg7[%swap3A_585, %swap3A_586], %shift_right_logical3A_583 {strides = array<i32>} : memref<1x112xi32, #tpu.memory_space<vmem>>, vector<16xi32>,
      %run_scoped3A_588 = arith.constant 0 : i32
      "tpu.region"() ({
        %run_scoped3A_594 = tpu.sem_alloc : memref<!tpu.dma_semaphore, #tpu.memory_space<semaphore_mem>>
        %dma_start3A_595 = arith.constant 0 : i32
        %dma_start3A_596 = tpu.memref_slice %arg7[%run_scoped3A_588, %dma_start3A_595] : memref<1x112xi32, #tpu.memory_space<vmem>> -> memref<1x112xi32, #tpu.memory_space<vmem>>
        %dma_start3A_597 = tpu.memref_squeeze %dma_start3A_596 : memref<1x112xi32, #tpu.memory_space<vmem>> -> memref<112xi32, #tpu.memory_space<vmem>>
        %dma_start3A_598 = arith.constant 0 : i32
        %dma_start3A_599 = arith.constant 0 : i32
        %dma_start3A_600 = tpu.memref_slice %arg12[%dma_start3A_598, %dma_start3A_599] : memref<10240x128xf32, #tpu.memory_space<vmem_shared>> -> memref<10240x128xf32, #tpu.memory_space<vmem_shared>>
        tpu.enqueue_indirect_dma source(%arg11 : memref<112x128xf32, #tpu.memory_space<vmem>>) target(%dma_start3A_600 : memref<10240x128xf32, #tpu.memory_space<vmem_shared>>) offsets(%dma_start3A_597 : memref<112xi32, #tpu.memory_space<vmem>>) semaphore(%run_scoped3A_594 : memref<!tpu.dma_semaphore, #tpu.memory_space<semaphore_mem>>) {add = true}
        %dma_wait3A_601 = arith.constant 0 : i32
        %dma_wait3A_602 = tpu.memref_slice %arg7[%run_scoped3A_588, %dma_wait3A_601] : memref<1x112xi32, #tpu.memory_space<vmem>> -> memref<1x112xi32, #tpu.memory_space<vmem>>
        %dma_wait3A_603 = tpu.memref_squeeze %dma_wait3A_602 : memref<1x112xi32, #tpu.memory_space<vmem>> -> memref<112xi32, #tpu.memory_space<vmem>>
        %dma_wait3A_604 = arith.constant 0 : i32
        %dma_wait3A_605 = arith.constant 0 : i32
        %dma_wait3A_606 = tpu.memref_slice %arg12[%dma_wait3A_604, %dma_wait3A_605] : memref<10240x128xf32, #tpu.memory_space<vmem_shared>> -> memref<10240x128xf32, #tpu.memory_space<vmem_shared>>
        tpu.wait_indirect_dma semaphore(%run_scoped3A_594 : memref<!tpu.dma_semaphore, #tpu.memory_space<semaphore_mem>>) src(%arg11 : memref<112x128xf32, #tpu.memory_space<vmem>>) dst(%dma_wait3A_606 : memref<10240x128xf32, #tpu.memory_space<vmem_shared>>)
        tpu.yield
      }) : () -> ()
      %lt3A_589 = arith.constant 43 : i32
      %lt3A_590 = arith.cmpi slt, %scan3A_380, %lt3A_589 : i32
      %convert_element_type3A_591 = arith.extui %lt3A_590 : i1 to i32
      %cond3A_592 = arith.constant 0 : i32
      %cond3A_593 = arith.cmpi ne, %convert_element_type3A_591, %cond3A_592 : i32
      scf.if %cond3A_593 {
        %add3A_594 = arith.constant 2 : i32
        %add3A_595 = arith.addi %add3A_489, %add3A_594 : i32
        %mul3A_596 = arith.constant 112 : i32
        %mul3A_597 = arith.muli %add3A_595, %mul3A_596 : i32
        %add3A_598 = arith.constant 0 : i32
        %add3A_599 = arith.addi %mul3A_597, %add3A_598 : i32
        %get3A_600 = arith.index_cast %add3A_599 : i32 to index
        %get3A_601 = tpu.vector_load %arg5[%get3A_600] {strides = array<i32>} : memref<10000xi32, #tpu.memory_space<vmem>>, vector<16xi32>,
        %and3A_602 = arith.constant 65535 : i32
        %and3A_603 = vector.broadcast %and3A_602 : i32 to vector<16xi32>
        %and3A_604 = arith.andi %get3A_601, %and3A_603 : vector<16xi32>
        %swap3A_605 = arith.constant 1 : i32
        %swap3A_606 = arith.index_cast %swap3A_605 : i32 to index
        %swap3A_607 = arith.constant 0 : index
        %swap3A_608 = tpu.vector_load %arg6[%swap3A_606, %swap3A_607] {strides = array<i32>} : memref<2x112xi32, #tpu.memory_space<vmem>>, vector<16xi32>,
        tpu.vector_store %arg6[%swap3A_606, %swap3A_607], %and3A_604 {strides = array<i32>} : memref<2x112xi32, #tpu.memory_space<vmem>>, vector<16xi32>,
        %mul3A_609 = arith.constant 112 : i32
        %mul3A_610 = arith.muli %add3A_595, %mul3A_609 : i32
        %add3A_611 = arith.constant 16 : i32
        %add3A_612 = arith.addi %mul3A_610, %add3A_611 : i32
        %get3A_613 = arith.index_cast %add3A_612 : i32 to index
        %get3A_614 = tpu.vector_load %arg5[%get3A_613] {strides = array<i32>} : memref<10000xi32, #tpu.memory_space<vmem>>, vector<16xi32>,
        %and3A_615 = arith.constant 65535 : i32
        %and3A_616 = vector.broadcast %and3A_615 : i32 to vector<16xi32>
        %and3A_617 = arith.andi %get3A_614, %and3A_616 : vector<16xi32>
        %swap3A_618 = arith.constant 1 : i32
        %swap3A_619 = arith.index_cast %swap3A_618 : i32 to index
        %swap3A_620 = arith.constant 16 : index
        %swap3A_621 = tpu.vector_load %arg6[%swap3A_619, %swap3A_620] {strides = array<i32>} : memref<2x112xi32, #tpu.memory_space<vmem>>, vector<16xi32>,
        tpu.vector_store %arg6[%swap3A_619, %swap3A_620], %and3A_617 {strides = array<i32>} : memref<2x112xi32, #tpu.memory_space<vmem>>, vector<16xi32>,
        %mul3A_622 = arith.constant 112 : i32
        %mul3A_623 = arith.muli %add3A_595, %mul3A_622 : i32
        %add3A_624 = arith.constant 32 : i32
        %add3A_625 = arith.addi %mul3A_623, %add3A_624 : i32
        %get3A_626 = arith.index_cast %add3A_625 : i32 to index
        %get3A_627 = tpu.vector_load %arg5[%get3A_626] {strides = array<i32>} : memref<10000xi32, #tpu.memory_space<vmem>>, vector<16xi32>,
        %and3A_628 = arith.constant 65535 : i32
        %and3A_629 = vector.broadcast %and3A_628 : i32 to vector<16xi32>
        %and3A_630 = arith.andi %get3A_627, %and3A_629 : vector<16xi32>
        %swap3A_631 = arith.constant 1 : i32
        %swap3A_632 = arith.index_cast %swap3A_631 : i32 to index
        %swap3A_633 = arith.constant 32 : index
        %swap3A_634 = tpu.vector_load %arg6[%swap3A_632, %swap3A_633] {strides = array<i32>} : memref<2x112xi32, #tpu.memory_space<vmem>>, vector<16xi32>,
        tpu.vector_store %arg6[%swap3A_632, %swap3A_633], %and3A_630 {strides = array<i32>} : memref<2x112xi32, #tpu.memory_space<vmem>>, vector<16xi32>,
        %mul3A_635 = arith.constant 112 : i32
        %mul3A_636 = arith.muli %add3A_595, %mul3A_635 : i32
        %add3A_637 = arith.constant 48 : i32
        %add3A_638 = arith.addi %mul3A_636, %add3A_637 : i32
        %get3A_639 = arith.index_cast %add3A_638 : i32 to index
        %get3A_640 = tpu.vector_load %arg5[%get3A_639] {strides = array<i32>} : memref<10000xi32, #tpu.memory_space<vmem>>, vector<16xi32>,
        %and3A_641 = arith.constant 65535 : i32
        %and3A_642 = vector.broadcast %and3A_641 : i32 to vector<16xi32>
        %and3A_643 = arith.andi %get3A_640, %and3A_642 : vector<16xi32>
        %swap3A_644 = arith.constant 1 : i32
        %swap3A_645 = arith.index_cast %swap3A_644 : i32 to index
        %swap3A_646 = arith.constant 48 : index
        %swap3A_647 = tpu.vector_load %arg6[%swap3A_645, %swap3A_646] {strides = array<i32>} : memref<2x112xi32, #tpu.memory_space<vmem>>, vector<16xi32>,
        tpu.vector_store %arg6[%swap3A_645, %swap3A_646], %and3A_643 {strides = array<i32>} : memref<2x112xi32, #tpu.memory_space<vmem>>, vector<16xi32>,
        %mul3A_648 = arith.constant 112 : i32
        %mul3A_649 = arith.muli %add3A_595, %mul3A_648 : i32
        %add3A_650 = arith.constant 64 : i32
        %add3A_651 = arith.addi %mul3A_649, %add3A_650 : i32
        %get3A_652 = arith.index_cast %add3A_651 : i32 to index
        %get3A_653 = tpu.vector_load %arg5[%get3A_652] {strides = array<i32>} : memref<10000xi32, #tpu.memory_space<vmem>>, vector<16xi32>,
        %and3A_654 = arith.constant 65535 : i32
        %and3A_655 = vector.broadcast %and3A_654 : i32 to vector<16xi32>
        %and3A_656 = arith.andi %get3A_653, %and3A_655 : vector<16xi32>
        %swap3A_657 = arith.constant 1 : i32
        %swap3A_658 = arith.index_cast %swap3A_657 : i32 to index
        %swap3A_659 = arith.constant 64 : index
        %swap3A_660 = tpu.vector_load %arg6[%swap3A_658, %swap3A_659] {strides = array<i32>} : memref<2x112xi32, #tpu.memory_space<vmem>>, vector<16xi32>,
        tpu.vector_store %arg6[%swap3A_658, %swap3A_659], %and3A_656 {strides = array<i32>} : memref<2x112xi32, #tpu.memory_space<vmem>>, vector<16xi32>,
        %mul3A_661 = arith.constant 112 : i32
        %mul3A_662 = arith.muli %add3A_595, %mul3A_661 : i32
        %add3A_663 = arith.constant 80 : i32
        %add3A_664 = arith.addi %mul3A_662, %add3A_663 : i32
        %get3A_665 = arith.index_cast %add3A_664 : i32 to index
        %get3A_666 = tpu.vector_load %arg5[%get3A_665] {strides = array<i32>} : memref<10000xi32, #tpu.memory_space<vmem>>, vector<16xi32>,
        %and3A_667 = arith.constant 65535 : i32
        %and3A_668 = vector.broadcast %and3A_667 : i32 to vector<16xi32>
        %and3A_669 = arith.andi %get3A_666, %and3A_668 : vector<16xi32>
        %swap3A_670 = arith.constant 1 : i32
        %swap3A_671 = arith.index_cast %swap3A_670 : i32 to index
        %swap3A_672 = arith.constant 80 : index
        %swap3A_673 = tpu.vector_load %arg6[%swap3A_671, %swap3A_672] {strides = array<i32>} : memref<2x112xi32, #tpu.memory_space<vmem>>, vector<16xi32>,
        tpu.vector_store %arg6[%swap3A_671, %swap3A_672], %and3A_669 {strides = array<i32>} : memref<2x112xi32, #tpu.memory_space<vmem>>, vector<16xi32>,
        %mul3A_674 = arith.constant 112 : i32
        %mul3A_675 = arith.muli %add3A_595, %mul3A_674 : i32
        %add3A_676 = arith.constant 96 : i32
        %add3A_677 = arith.addi %mul3A_675, %add3A_676 : i32
        %get3A_678 = arith.index_cast %add3A_677 : i32 to index
        %get3A_679 = tpu.vector_load %arg5[%get3A_678] {strides = array<i32>} : memref<10000xi32, #tpu.memory_space<vmem>>, vector<16xi32>,
        %and3A_680 = arith.constant 65535 : i32
        %and3A_681 = vector.broadcast %and3A_680 : i32 to vector<16xi32>
        %and3A_682 = arith.andi %get3A_679, %and3A_681 : vector<16xi32>
        %swap3A_683 = arith.constant 1 : i32
        %swap3A_684 = arith.index_cast %swap3A_683 : i32 to index
        %swap3A_685 = arith.constant 96 : index
        %swap3A_686 = tpu.vector_load %arg6[%swap3A_684, %swap3A_685] {strides = array<i32>} : memref<2x112xi32, #tpu.memory_space<vmem>>, vector<16xi32>,
        tpu.vector_store %arg6[%swap3A_684, %swap3A_685], %and3A_682 {strides = array<i32>} : memref<2x112xi32, #tpu.memory_space<vmem>>, vector<16xi32>,
        %dma_start3A_687 = arith.constant 1 : i32
        %dma_start3A_688 = arith.constant 0 : i32
        %dma_start3A_689 = tpu.memref_slice %arg6[%dma_start3A_687, %dma_start3A_688] : memref<2x112xi32, #tpu.memory_space<vmem>> -> memref<1x112xi32, #tpu.memory_space<vmem>>
        %dma_start3A_690 = tpu.memref_squeeze %dma_start3A_689 : memref<1x112xi32, #tpu.memory_space<vmem>> -> memref<112xi32, #tpu.memory_space<vmem>>
        %dma_start3A_691 = arith.constant 0 : i32
        %dma_start3A_692 = arith.constant 0 : i32
        %dma_start3A_693 = tpu.memref_slice %arg2[%dma_start3A_691, %dma_start3A_692] : memref<10000x128xf32, #tpu.memory_space<hbm>> -> memref<10000x128xf32, #tpu.memory_space<hbm>>
        tpu.enqueue_indirect_dma source(%dma_start3A_693 : memref<10000x128xf32, #tpu.memory_space<hbm>>) target(%arg11 : memref<112x128xf32, #tpu.memory_space<vmem>>) offsets(%dma_start3A_690 : memref<112xi32, #tpu.memory_space<vmem>>) semaphore(%arg14 : memref<!tpu.dma_semaphore, #tpu.memory_space<semaphore_mem>>)
      } else {
      }
    }
    %scan3A_179 = arith.constant 44 : i32
    %get3A_180 = arith.constant 9856 : index
    %get3A_181 = tpu.vector_load %arg5[%get3A_180] {strides = array<i32>} : memref<10000xi32, #tpu.memory_space<vmem>>, vector<16xi32>,
    %and3A_182 = arith.constant 65535 : i32
    %and3A_183 = vector.broadcast %and3A_182 : i32 to vector<16xi32>
    %and3A_184 = arith.andi %get3A_181, %and3A_183 : vector<16xi32>
    %swap3A_185 = arith.constant 0 : i32
    %swap3A_186 = arith.index_cast %swap3A_185 : i32 to index
    %swap3A_187 = arith.constant 0 : index
    %swap3A_188 = tpu.vector_load %arg6[%swap3A_186, %swap3A_187] {strides = array<i32>} : memref<2x112xi32, #tpu.memory_space<vmem>>, vector<16xi32>,
    tpu.vector_store %arg6[%swap3A_186, %swap3A_187], %and3A_184 {strides = array<i32>} : memref<2x112xi32, #tpu.memory_space<vmem>>, vector<16xi32>,
    %get3A_189 = arith.constant 9872 : index
    %get3A_190 = tpu.vector_load %arg5[%get3A_189] {strides = array<i32>} : memref<10000xi32, #tpu.memory_space<vmem>>, vector<16xi32>,
    %and3A_191 = arith.constant 65535 : i32
    %and3A_192 = vector.broadcast %and3A_191 : i32 to vector<16xi32>
    %and3A_193 = arith.andi %get3A_190, %and3A_192 : vector<16xi32>
    %swap3A_194 = arith.constant 0 : i32
    %swap3A_195 = arith.index_cast %swap3A_194 : i32 to index
    %swap3A_196 = arith.constant 16 : index
    %swap3A_197 = tpu.vector_load %arg6[%swap3A_195, %swap3A_196] {strides = array<i32>} : memref<2x112xi32, #tpu.memory_space<vmem>>, vector<16xi32>,
    tpu.vector_store %arg6[%swap3A_195, %swap3A_196], %and3A_193 {strides = array<i32>} : memref<2x112xi32, #tpu.memory_space<vmem>>, vector<16xi32>,
    %get3A_198 = arith.constant 9888 : index
    %get3A_199 = tpu.vector_load %arg5[%get3A_198] {strides = array<i32>} : memref<10000xi32, #tpu.memory_space<vmem>>, vector<16xi32>,
    %and3A_200 = arith.constant 65535 : i32
    %and3A_201 = vector.broadcast %and3A_200 : i32 to vector<16xi32>
    %and3A_202 = arith.andi %get3A_199, %and3A_201 : vector<16xi32>
    %swap3A_203 = arith.constant 0 : i32
    %swap3A_204 = arith.index_cast %swap3A_203 : i32 to index
    %swap3A_205 = arith.constant 32 : index
    %swap3A_206 = tpu.vector_load %arg6[%swap3A_204, %swap3A_205] {strides = array<i32>} : memref<2x112xi32, #tpu.memory_space<vmem>>, vector<16xi32>,
    tpu.vector_store %arg6[%swap3A_204, %swap3A_205], %and3A_202 {strides = array<i32>} : memref<2x112xi32, #tpu.memory_space<vmem>>, vector<16xi32>,
    %get3A_207 = arith.constant 9904 : index
    %get3A_208 = tpu.vector_load %arg5[%get3A_207] {strides = array<i32>} : memref<10000xi32, #tpu.memory_space<vmem>>, vector<16xi32>,
    %and3A_209 = arith.constant 65535 : i32
    %and3A_210 = vector.broadcast %and3A_209 : i32 to vector<16xi32>
    %and3A_211 = arith.andi %get3A_208, %and3A_210 : vector<16xi32>
    %swap3A_212 = arith.constant 0 : i32
    %swap3A_213 = arith.index_cast %swap3A_212 : i32 to index
    %swap3A_214 = arith.constant 48 : index
    %swap3A_215 = tpu.vector_load %arg6[%swap3A_213, %swap3A_214] {strides = array<i32>} : memref<2x112xi32, #tpu.memory_space<vmem>>, vector<16xi32>,
    tpu.vector_store %arg6[%swap3A_213, %swap3A_214], %and3A_211 {strides = array<i32>} : memref<2x112xi32, #tpu.memory_space<vmem>>, vector<16xi32>,
    %get3A_216 = arith.constant 9920 : index
    %get3A_217 = tpu.vector_load %arg5[%get3A_216] {strides = array<i32>} : memref<10000xi32, #tpu.memory_space<vmem>>, vector<16xi32>,
    %and3A_218 = arith.constant 65535 : i32
    %and3A_219 = vector.broadcast %and3A_218 : i32 to vector<16xi32>
    %and3A_220 = arith.andi %get3A_217, %and3A_219 : vector<16xi32>
    %swap3A_221 = arith.constant 0 : i32
    %swap3A_222 = arith.index_cast %swap3A_221 : i32 to index
    %swap3A_223 = arith.constant 64 : index
    %swap3A_224 = tpu.vector_load %arg6[%swap3A_222, %swap3A_223] {strides = array<i32>} : memref<2x112xi32, #tpu.memory_space<vmem>>, vector<16xi32>,
    tpu.vector_store %arg6[%swap3A_222, %swap3A_223], %and3A_220 {strides = array<i32>} : memref<2x112xi32, #tpu.memory_space<vmem>>, vector<16xi32>,
    %get3A_225 = arith.constant 9936 : index
    %get3A_226 = tpu.vector_load %arg5[%get3A_225] {strides = array<i32>} : memref<10000xi32, #tpu.memory_space<vmem>>, vector<16xi32>,
    %and3A_227 = arith.constant 65535 : i32
    %and3A_228 = vector.broadcast %and3A_227 : i32 to vector<16xi32>
    %and3A_229 = arith.andi %get3A_226, %and3A_228 : vector<16xi32>
    %swap3A_230 = arith.constant 0 : i32
    %swap3A_231 = arith.index_cast %swap3A_230 : i32 to index
    %swap3A_232 = arith.constant 80 : index
    %swap3A_233 = tpu.vector_load %arg6[%swap3A_231, %swap3A_232] {strides = array<i32>} : memref<2x112xi32, #tpu.memory_space<vmem>>, vector<16xi32>,
    tpu.vector_store %arg6[%swap3A_231, %swap3A_232], %and3A_229 {strides = array<i32>} : memref<2x112xi32, #tpu.memory_space<vmem>>, vector<16xi32>,
    %get3A_234 = arith.constant 9952 : index
    %get3A_235 = tpu.vector_load %arg5[%get3A_234] {strides = array<i32>} : memref<10000xi32, #tpu.memory_space<vmem>>, vector<16xi32>,
    %and3A_236 = arith.constant 65535 : i32
    %and3A_237 = vector.broadcast %and3A_236 : i32 to vector<16xi32>
    %and3A_238 = arith.andi %get3A_235, %and3A_237 : vector<16xi32>
    %swap3A_239 = arith.constant 0 : i32
    %swap3A_240 = arith.index_cast %swap3A_239 : i32 to index
    %swap3A_241 = arith.constant 96 : index
    %swap3A_242 = tpu.vector_load %arg6[%swap3A_240, %swap3A_241] {strides = array<i32>} : memref<2x112xi32, #tpu.memory_space<vmem>>, vector<16xi32>,
    tpu.vector_store %arg6[%swap3A_240, %swap3A_241], %and3A_238 {strides = array<i32>} : memref<2x112xi32, #tpu.memory_space<vmem>>, vector<16xi32>,
    %dma_start3A_243 = arith.constant 0 : i32
    %dma_start3A_244 = arith.constant 0 : i32
    %dma_start3A_245 = tpu.memref_slice %arg6[%dma_start3A_243, %dma_start3A_244] : memref<2x112xi32, #tpu.memory_space<vmem>> -> memref<1x112xi32, #tpu.memory_space<vmem>>
    %dma_start3A_246 = tpu.memref_squeeze %dma_start3A_245 : memref<1x112xi32, #tpu.memory_space<vmem>> -> memref<112xi32, #tpu.memory_space<vmem>>
    %dma_start3A_247 = arith.constant 0 : i32
    %dma_start3A_248 = arith.constant 0 : i32
    %dma_start3A_249 = tpu.memref_slice %arg2[%dma_start3A_247, %dma_start3A_248] : memref<10000x128xf32, #tpu.memory_space<hbm>> -> memref<10000x128xf32, #tpu.memory_space<hbm>>
    tpu.enqueue_indirect_dma source(%dma_start3A_249 : memref<10000x128xf32, #tpu.memory_space<hbm>>) target(%arg10 : memref<112x128xf32, #tpu.memory_space<vmem>>) offsets(%dma_start3A_246 : memref<112xi32, #tpu.memory_space<vmem>>) semaphore(%arg13 : memref<!tpu.dma_semaphore, #tpu.memory_space<semaphore_mem>>)
    %dma_wait3A = arith.constant 0 : i32
    %dma_wait3A_250 = arith.constant 0 : i32
    %dma_wait3A_251 = tpu.memref_slice %arg6[%dma_wait3A, %dma_wait3A_250] : memref<2x112xi32, #tpu.memory_space<vmem>> -> memref<1x112xi32, #tpu.memory_space<vmem>>
    %dma_wait3A_252 = tpu.memref_squeeze %dma_wait3A_251 : memref<1x112xi32, #tpu.memory_space<vmem>> -> memref<112xi32, #tpu.memory_space<vmem>>
    %dma_wait3A_253 = arith.constant 0 : i32
    %dma_wait3A_254 = arith.constant 0 : i32
    %dma_wait3A_255 = tpu.memref_slice %arg2[%dma_wait3A_253, %dma_wait3A_254] : memref<10000x128xf32, #tpu.memory_space<hbm>> -> memref<10000x128xf32, #tpu.memory_space<hbm>>
    tpu.wait_indirect_dma semaphore(%arg13 : memref<!tpu.dma_semaphore, #tpu.memory_space<semaphore_mem>>) src(%dma_wait3A_255 : memref<10000x128xf32, #tpu.memory_space<hbm>>) dst(%arg10 : memref<112x128xf32, #tpu.memory_space<vmem>>)
    %get3A_256 = arith.constant 9856 : index
    %get3A_257 = tpu.vector_load %arg5[%get3A_256] {strides = array<i32>} : memref<10000xi32, #tpu.memory_space<vmem>>, vector<16xi32>,
    %shift_right_logical3A = arith.constant 16 : i32
    %shift_right_logical3A_258 = vector.broadcast %shift_right_logical3A : i32 to vector<16xi32>
    %shift_right_logical3A_259 = arith.shrui %get3A_257, %shift_right_logical3A_258 : vector<16xi32>
    %swap3A_260 = arith.constant 0 : i32
    %swap3A_261 = arith.index_cast %swap3A_260 : i32 to index
    %swap3A_262 = arith.constant 0 : index
    %swap3A_263 = tpu.vector_load %arg7[%swap3A_261, %swap3A_262] {strides = array<i32>} : memref<1x112xi32, #tpu.memory_space<vmem>>, vector<16xi32>,
    tpu.vector_store %arg7[%swap3A_261, %swap3A_262], %shift_right_logical3A_259 {strides = array<i32>} : memref<1x112xi32, #tpu.memory_space<vmem>>, vector<16xi32>,
    %get3A_264 = arith.constant 9872 : index
    %get3A_265 = tpu.vector_load %arg5[%get3A_264] {strides = array<i32>} : memref<10000xi32, #tpu.memory_space<vmem>>, vector<16xi32>,
    %shift_right_logical3A_266 = arith.constant 16 : i32
    %shift_right_logical3A_267 = vector.broadcast %shift_right_logical3A_266 : i32 to vector<16xi32>
    %shift_right_logical3A_268 = arith.shrui %get3A_265, %shift_right_logical3A_267 : vector<16xi32>
    %swap3A_269 = arith.constant 0 : i32
    %swap3A_270 = arith.index_cast %swap3A_269 : i32 to index
    %swap3A_271 = arith.constant 16 : index
    %swap3A_272 = tpu.vector_load %arg7[%swap3A_270, %swap3A_271] {strides = array<i32>} : memref<1x112xi32, #tpu.memory_space<vmem>>, vector<16xi32>,
    tpu.vector_store %arg7[%swap3A_270, %swap3A_271], %shift_right_logical3A_268 {strides = array<i32>} : memref<1x112xi32, #tpu.memory_space<vmem>>, vector<16xi32>,
    %get3A_273 = arith.constant 9888 : index
    %get3A_274 = tpu.vector_load %arg5[%get3A_273] {strides = array<i32>} : memref<10000xi32, #tpu.memory_space<vmem>>, vector<16xi32>,
    %shift_right_logical3A_275 = arith.constant 16 : i32
    %shift_right_logical3A_276 = vector.broadcast %shift_right_logical3A_275 : i32 to vector<16xi32>
    %shift_right_logical3A_277 = arith.shrui %get3A_274, %shift_right_logical3A_276 : vector<16xi32>
    %swap3A_278 = arith.constant 0 : i32
    %swap3A_279 = arith.index_cast %swap3A_278 : i32 to index
    %swap3A_280 = arith.constant 32 : index
    %swap3A_281 = tpu.vector_load %arg7[%swap3A_279, %swap3A_280] {strides = array<i32>} : memref<1x112xi32, #tpu.memory_space<vmem>>, vector<16xi32>,
    tpu.vector_store %arg7[%swap3A_279, %swap3A_280], %shift_right_logical3A_277 {strides = array<i32>} : memref<1x112xi32, #tpu.memory_space<vmem>>, vector<16xi32>,
    %get3A_282 = arith.constant 9904 : index
    %get3A_283 = tpu.vector_load %arg5[%get3A_282] {strides = array<i32>} : memref<10000xi32, #tpu.memory_space<vmem>>, vector<16xi32>,
    %shift_right_logical3A_284 = arith.constant 16 : i32
    %shift_right_logical3A_285 = vector.broadcast %shift_right_logical3A_284 : i32 to vector<16xi32>
    %shift_right_logical3A_286 = arith.shrui %get3A_283, %shift_right_logical3A_285 : vector<16xi32>
    %swap3A_287 = arith.constant 0 : i32
    %swap3A_288 = arith.index_cast %swap3A_287 : i32 to index
    %swap3A_289 = arith.constant 48 : index
    %swap3A_290 = tpu.vector_load %arg7[%swap3A_288, %swap3A_289] {strides = array<i32>} : memref<1x112xi32, #tpu.memory_space<vmem>>, vector<16xi32>,
    tpu.vector_store %arg7[%swap3A_288, %swap3A_289], %shift_right_logical3A_286 {strides = array<i32>} : memref<1x112xi32, #tpu.memory_space<vmem>>, vector<16xi32>,
    %get3A_291 = arith.constant 9920 : index
    %get3A_292 = tpu.vector_load %arg5[%get3A_291] {strides = array<i32>} : memref<10000xi32, #tpu.memory_space<vmem>>, vector<16xi32>,
    %shift_right_logical3A_293 = arith.constant 16 : i32
    %shift_right_logical3A_294 = vector.broadcast %shift_right_logical3A_293 : i32 to vector<16xi32>
    %shift_right_logical3A_295 = arith.shrui %get3A_292, %shift_right_logical3A_294 : vector<16xi32>
    %swap3A_296 = arith.constant 0 : i32
    %swap3A_297 = arith.index_cast %swap3A_296 : i32 to index
    %swap3A_298 = arith.constant 64 : index
    %swap3A_299 = tpu.vector_load %arg7[%swap3A_297, %swap3A_298] {strides = array<i32>} : memref<1x112xi32, #tpu.memory_space<vmem>>, vector<16xi32>,
    tpu.vector_store %arg7[%swap3A_297, %swap3A_298], %shift_right_logical3A_295 {strides = array<i32>} : memref<1x112xi32, #tpu.memory_space<vmem>>, vector<16xi32>,
    %get3A_300 = arith.constant 9936 : index
    %get3A_301 = tpu.vector_load %arg5[%get3A_300] {strides = array<i32>} : memref<10000xi32, #tpu.memory_space<vmem>>, vector<16xi32>,
    %shift_right_logical3A_302 = arith.constant 16 : i32
    %shift_right_logical3A_303 = vector.broadcast %shift_right_logical3A_302 : i32 to vector<16xi32>
    %shift_right_logical3A_304 = arith.shrui %get3A_301, %shift_right_logical3A_303 : vector<16xi32>
    %swap3A_305 = arith.constant 0 : i32
    %swap3A_306 = arith.index_cast %swap3A_305 : i32 to index
    %swap3A_307 = arith.constant 80 : index
    %swap3A_308 = tpu.vector_load %arg7[%swap3A_306, %swap3A_307] {strides = array<i32>} : memref<1x112xi32, #tpu.memory_space<vmem>>, vector<16xi32>,
    tpu.vector_store %arg7[%swap3A_306, %swap3A_307], %shift_right_logical3A_304 {strides = array<i32>} : memref<1x112xi32, #tpu.memory_space<vmem>>, vector<16xi32>,
    %get3A_309 = arith.constant 9952 : index
    %get3A_310 = tpu.vector_load %arg5[%get3A_309] {strides = array<i32>} : memref<10000xi32, #tpu.memory_space<vmem>>, vector<16xi32>,
    %shift_right_logical3A_311 = arith.constant 16 : i32
    %shift_right_logical3A_312 = vector.broadcast %shift_right_logical3A_311 : i32 to vector<16xi32>
    %shift_right_logical3A_313 = arith.shrui %get3A_310, %shift_right_logical3A_312 : vector<16xi32>
    %swap3A_314 = arith.constant 0 : i32
    %swap3A_315 = arith.index_cast %swap3A_314 : i32 to index
    %swap3A_316 = arith.constant 96 : index
    %swap3A_317 = tpu.vector_load %arg7[%swap3A_315, %swap3A_316] {strides = array<i32>} : memref<1x112xi32, #tpu.memory_space<vmem>>, vector<16xi32>,
    tpu.vector_store %arg7[%swap3A_315, %swap3A_316], %shift_right_logical3A_313 {strides = array<i32>} : memref<1x112xi32, #tpu.memory_space<vmem>>, vector<16xi32>,
    %run_scoped3A = arith.constant 0 : i32
    "tpu.region"() ({
      %run_scoped3A_380 = tpu.sem_alloc : memref<!tpu.dma_semaphore, #tpu.memory_space<semaphore_mem>>
      %dma_start3A_381 = arith.constant 0 : i32
      %dma_start3A_382 = tpu.memref_slice %arg7[%run_scoped3A, %dma_start3A_381] : memref<1x112xi32, #tpu.memory_space<vmem>> -> memref<1x112xi32, #tpu.memory_space<vmem>>
      %dma_start3A_383 = tpu.memref_squeeze %dma_start3A_382 : memref<1x112xi32, #tpu.memory_space<vmem>> -> memref<112xi32, #tpu.memory_space<vmem>>
      %dma_start3A_384 = arith.constant 0 : i32
      %dma_start3A_385 = arith.constant 0 : i32
      %dma_start3A_386 = tpu.memref_slice %arg12[%dma_start3A_384, %dma_start3A_385] : memref<10240x128xf32, #tpu.memory_space<vmem_shared>> -> memref<10240x128xf32, #tpu.memory_space<vmem_shared>>
      tpu.enqueue_indirect_dma source(%arg10 : memref<112x128xf32, #tpu.memory_space<vmem>>) target(%dma_start3A_386 : memref<10240x128xf32, #tpu.memory_space<vmem_shared>>) offsets(%dma_start3A_383 : memref<112xi32, #tpu.memory_space<vmem>>) semaphore(%run_scoped3A_380 : memref<!tpu.dma_semaphore, #tpu.memory_space<semaphore_mem>>) {add = true}
      %dma_wait3A_387 = arith.constant 0 : i32
      %dma_wait3A_388 = tpu.memref_slice %arg7[%run_scoped3A, %dma_wait3A_387] : memref<1x112xi32, #tpu.memory_space<vmem>> -> memref<1x112xi32, #tpu.memory_space<vmem>>
      %dma_wait3A_389 = tpu.memref_squeeze %dma_wait3A_388 : memref<1x112xi32, #tpu.memory_space<vmem>> -> memref<112xi32, #tpu.memory_space<vmem>>
      %dma_wait3A_390 = arith.constant 0 : i32
      %dma_wait3A_391 = arith.constant 0 : i32
      %dma_wait3A_392 = tpu.memref_slice %arg12[%dma_wait3A_390, %dma_wait3A_391] : memref<10240x128xf32, #tpu.memory_space<vmem_shared>> -> memref<10240x128xf32, #tpu.memory_space<vmem_shared>>
      tpu.wait_indirect_dma semaphore(%run_scoped3A_380 : memref<!tpu.dma_semaphore, #tpu.memory_space<semaphore_mem>>) src(%arg10 : memref<112x128xf32, #tpu.memory_space<vmem>>) dst(%dma_wait3A_392 : memref<10240x128xf32, #tpu.memory_space<vmem_shared>>)
      tpu.yield
    }) : () -> ()
    %get3A_318 = arith.constant 9968 : index
    %get3A_319 = tpu.vector_load %arg5[%get3A_318] {strides = array<i32>} : memref<10000xi32, #tpu.memory_space<vmem>>, vector<16xi32>,
    %and3A_320 = arith.constant 65535 : i32
    %and3A_321 = vector.broadcast %and3A_320 : i32 to vector<16xi32>
    %and3A_322 = arith.andi %get3A_319, %and3A_321 : vector<16xi32>
    %swap3A_323 = arith.constant 0 : i32
    %swap3A_324 = arith.index_cast %swap3A_323 : i32 to index
    %swap3A_325 = arith.constant 0 : index
    %swap3A_326 = tpu.vector_load %arg8[%swap3A_324, %swap3A_325] {strides = array<i32>} : memref<1x32xi32, #tpu.memory_space<vmem>>, vector<16xi32>,
    tpu.vector_store %arg8[%swap3A_324, %swap3A_325], %and3A_322 {strides = array<i32>} : memref<1x32xi32, #tpu.memory_space<vmem>>, vector<16xi32>,
    %get3A_327 = arith.constant 9984 : index
    %get3A_328 = tpu.vector_load %arg5[%get3A_327] {strides = array<i32>} : memref<10000xi32, #tpu.memory_space<vmem>>, vector<16xi32>,
    %and3A_329 = arith.constant 65535 : i32
    %and3A_330 = vector.broadcast %and3A_329 : i32 to vector<16xi32>
    %and3A_331 = arith.andi %get3A_328, %and3A_330 : vector<16xi32>
    %swap3A_332 = arith.constant 0 : i32
    %swap3A_333 = arith.index_cast %swap3A_332 : i32 to index
    %swap3A_334 = arith.constant 16 : index
    %swap3A_335 = tpu.vector_load %arg8[%swap3A_333, %swap3A_334] {strides = array<i32>} : memref<1x32xi32, #tpu.memory_space<vmem>>, vector<16xi32>,
    tpu.vector_store %arg8[%swap3A_333, %swap3A_334], %and3A_331 {strides = array<i32>} : memref<1x32xi32, #tpu.memory_space<vmem>>, vector<16xi32>,
    %dma_start3A_336 = arith.constant 0 : i32
    %dma_start3A_337 = arith.constant 0 : i32
    %dma_start3A_338 = arith.constant 0 : i32
    %dma_start3A_339 = tpu.memref_slice %arg11[%dma_start3A_337, %dma_start3A_338] : memref<112x128xf32, #tpu.memory_space<vmem>> -> memref<32x128xf32, #tpu.memory_space<vmem>>
    %dma_start3A_340 = arith.constant 0 : i32
    %dma_start3A_341 = tpu.memref_slice %arg8[%dma_start3A_336, %dma_start3A_340] : memref<1x32xi32, #tpu.memory_space<vmem>> -> memref<1x32xi32, #tpu.memory_space<vmem>>
    %dma_start3A_342 = tpu.memref_squeeze %dma_start3A_341 : memref<1x32xi32, #tpu.memory_space<vmem>> -> memref<32xi32, #tpu.memory_space<vmem>>
    %dma_start3A_343 = arith.constant 0 : i32
    %dma_start3A_344 = arith.constant 0 : i32
    %dma_start3A_345 = tpu.memref_slice %arg2[%dma_start3A_343, %dma_start3A_344] : memref<10000x128xf32, #tpu.memory_space<hbm>> -> memref<10000x128xf32, #tpu.memory_space<hbm>>
    tpu.enqueue_indirect_dma source(%dma_start3A_345 : memref<10000x128xf32, #tpu.memory_space<hbm>>) target(%dma_start3A_339 : memref<32x128xf32, #tpu.memory_space<vmem>>) offsets(%dma_start3A_342 : memref<32xi32, #tpu.memory_space<vmem>>) semaphore(%arg14 : memref<!tpu.dma_semaphore, #tpu.memory_space<semaphore_mem>>)
    %dma_wait3A_346 = arith.constant 0 : i32
    %dma_wait3A_347 = arith.constant 0 : i32
    %dma_wait3A_348 = arith.constant 0 : i32
    %dma_wait3A_349 = tpu.memref_slice %arg11[%dma_wait3A_347, %dma_wait3A_348] : memref<112x128xf32, #tpu.memory_space<vmem>> -> memref<32x128xf32, #tpu.memory_space<vmem>>
    %dma_wait3A_350 = arith.constant 0 : i32
    %dma_wait3A_351 = tpu.memref_slice %arg8[%dma_wait3A_346, %dma_wait3A_350] : memref<1x32xi32, #tpu.memory_space<vmem>> -> memref<1x32xi32, #tpu.memory_space<vmem>>
    %dma_wait3A_352 = tpu.memref_squeeze %dma_wait3A_351 : memref<1x32xi32, #tpu.memory_space<vmem>> -> memref<32xi32, #tpu.memory_space<vmem>>
    %dma_wait3A_353 = arith.constant 0 : i32
    %dma_wait3A_354 = arith.constant 0 : i32
    %dma_wait3A_355 = tpu.memref_slice %arg2[%dma_wait3A_353, %dma_wait3A_354] : memref<10000x128xf32, #tpu.memory_space<hbm>> -> memref<10000x128xf32, #tpu.memory_space<hbm>>
    tpu.wait_indirect_dma semaphore(%arg14 : memref<!tpu.dma_semaphore, #tpu.memory_space<semaphore_mem>>) src(%dma_wait3A_355 : memref<10000x128xf32, #tpu.memory_space<hbm>>) dst(%dma_wait3A_349 : memref<32x128xf32, #tpu.memory_space<vmem>>)
    %get3A_356 = arith.constant 9968 : index
    %get3A_357 = tpu.vector_load %arg5[%get3A_356] {strides = array<i32>} : memref<10000xi32, #tpu.memory_space<vmem>>, vector<16xi32>,
    %shift_right_logical3A_358 = arith.constant 16 : i32
    %shift_right_logical3A_359 = vector.broadcast %shift_right_logical3A_358 : i32 to vector<16xi32>
    %shift_right_logical3A_360 = arith.shrui %get3A_357, %shift_right_logical3A_359 : vector<16xi32>
    %swap3A_361 = arith.constant 0 : i32
    %swap3A_362 = arith.index_cast %swap3A_361 : i32 to index
    %swap3A_363 = arith.constant 0 : index
    %swap3A_364 = tpu.vector_load %arg9[%swap3A_362, %swap3A_363] {strides = array<i32>} : memref<1x32xi32, #tpu.memory_space<vmem>>, vector<16xi32>,
    tpu.vector_store %arg9[%swap3A_362, %swap3A_363], %shift_right_logical3A_360 {strides = array<i32>} : memref<1x32xi32, #tpu.memory_space<vmem>>, vector<16xi32>,
    %get3A_365 = arith.constant 9984 : index
    %get3A_366 = tpu.vector_load %arg5[%get3A_365] {strides = array<i32>} : memref<10000xi32, #tpu.memory_space<vmem>>, vector<16xi32>,
    %shift_right_logical3A_367 = arith.constant 16 : i32
    %shift_right_logical3A_368 = vector.broadcast %shift_right_logical3A_367 : i32 to vector<16xi32>
    %shift_right_logical3A_369 = arith.shrui %get3A_366, %shift_right_logical3A_368 : vector<16xi32>
    %swap3A_370 = arith.constant 0 : i32
    %swap3A_371 = arith.index_cast %swap3A_370 : i32 to index
    %swap3A_372 = arith.constant 16 : index
    %swap3A_373 = tpu.vector_load %arg9[%swap3A_371, %swap3A_372] {strides = array<i32>} : memref<1x32xi32, #tpu.memory_space<vmem>>, vector<16xi32>,
    tpu.vector_store %arg9[%swap3A_371, %swap3A_372], %shift_right_logical3A_369 {strides = array<i32>} : memref<1x32xi32, #tpu.memory_space<vmem>>, vector<16xi32>,
    %run_scoped3A_374 = arith.constant 0 : i32
    "tpu.region"() ({
      %run_scoped3A_380 = tpu.sem_alloc : memref<!tpu.dma_semaphore, #tpu.memory_space<semaphore_mem>>
      %dma_start3A_381 = arith.constant 0 : i32
      %dma_start3A_382 = arith.constant 0 : i32
      %dma_start3A_383 = tpu.memref_slice %arg11[%dma_start3A_381, %dma_start3A_382] : memref<112x128xf32, #tpu.memory_space<vmem>> -> memref<32x128xf32, #tpu.memory_space<vmem>>
      %dma_start3A_384 = arith.constant 0 : i32
      %dma_start3A_385 = tpu.memref_slice %arg9[%run_scoped3A_374, %dma_start3A_384] : memref<1x32xi32, #tpu.memory_space<vmem>> -> memref<1x32xi32, #tpu.memory_space<vmem>>
      %dma_start3A_386 = tpu.memref_squeeze %dma_start3A_385 : memref<1x32xi32, #tpu.memory_space<vmem>> -> memref<32xi32, #tpu.memory_space<vmem>>
      %dma_start3A_387 = arith.constant 0 : i32
      %dma_start3A_388 = arith.constant 0 : i32
      %dma_start3A_389 = tpu.memref_slice %arg12[%dma_start3A_387, %dma_start3A_388] : memref<10240x128xf32, #tpu.memory_space<vmem_shared>> -> memref<10240x128xf32, #tpu.memory_space<vmem_shared>>
      tpu.enqueue_indirect_dma source(%dma_start3A_383 : memref<32x128xf32, #tpu.memory_space<vmem>>) target(%dma_start3A_389 : memref<10240x128xf32, #tpu.memory_space<vmem_shared>>) offsets(%dma_start3A_386 : memref<32xi32, #tpu.memory_space<vmem>>) semaphore(%run_scoped3A_380 : memref<!tpu.dma_semaphore, #tpu.memory_space<semaphore_mem>>) {add = true}
      %dma_wait3A_390 = arith.constant 0 : i32
      %dma_wait3A_391 = arith.constant 0 : i32
      %dma_wait3A_392 = tpu.memref_slice %arg11[%dma_wait3A_390, %dma_wait3A_391] : memref<112x128xf32, #tpu.memory_space<vmem>> -> memref<32x128xf32, #tpu.memory_space<vmem>>
      %dma_wait3A_393 = arith.constant 0 : i32
      %dma_wait3A_394 = tpu.memref_slice %arg9[%run_scoped3A_374, %dma_wait3A_393] : memref<1x32xi32, #tpu.memory_space<vmem>> -> memref<1x32xi32, #tpu.memory_space<vmem>>
      %dma_wait3A_395 = tpu.memref_squeeze %dma_wait3A_394 : memref<1x32xi32, #tpu.memory_space<vmem>> -> memref<32xi32, #tpu.memory_space<vmem>>
      %dma_wait3A_396 = arith.constant 0 : i32
      %dma_wait3A_397 = arith.constant 0 : i32
      %dma_wait3A_398 = tpu.memref_slice %arg12[%dma_wait3A_396, %dma_wait3A_397] : memref<10240x128xf32, #tpu.memory_space<vmem_shared>> -> memref<10240x128xf32, #tpu.memory_space<vmem_shared>>
      tpu.wait_indirect_dma semaphore(%run_scoped3A_380 : memref<!tpu.dma_semaphore, #tpu.memory_space<semaphore_mem>>) src(%dma_wait3A_392 : memref<32x128xf32, #tpu.memory_space<vmem>>) dst(%dma_wait3A_398 : memref<10240x128xf32, #tpu.memory_space<vmem_shared>>)
      tpu.yield
    }) : () -> ()
    %barrier3A_375 = arith.constant 0 : index
    tpu.barrier barrier_id(%barrier3A_375)
    %mul3A_376 = arith.constant 640 : i32
    %mul3A_377 = arith.muli %arg1, %mul3A_376 : i32
    %mul3A_378 = arith.constant 640 : i32
    %mul3A_379 = arith.muli %arg1, %mul3A_378 : i32
    "tpu.region"() ({
      %run_scoped3A_380 = tpu.sem_alloc : memref<!tpu.dma_semaphore, #tpu.memory_space<semaphore_mem>>
      %dma_start3A_381 = arith.constant 0 : i32
      %dma_start3A_382 = tpu.memref_slice %arg4[%arg0, %mul3A_379, %dma_start3A_381] : memref<2x10240x128xf32, #tpu.memory_space<hbm>> -> memref<1x640x128xf32, #tpu.memory_space<hbm>>
      %dma_start3A_383 = tpu.memref_squeeze %dma_start3A_382 : memref<1x640x128xf32, #tpu.memory_space<hbm>> -> memref<640x128xf32, #tpu.memory_space<hbm>>
      %dma_start3A_384 = arith.constant 0 : i32
      %dma_start3A_385 = tpu.memref_slice %arg12[%mul3A_377, %dma_start3A_384] : memref<10240x128xf32, #tpu.memory_space<vmem_shared>> -> memref<640x128xf32, #tpu.memory_space<vmem_shared>>
      tpu.enqueue_dma source(%dma_start3A_385 : memref<640x128xf32, #tpu.memory_space<vmem_shared>>) target(%dma_start3A_383 : memref<640x128xf32, #tpu.memory_space<hbm>>) target_semaphore(%run_scoped3A_380 : memref<!tpu.dma_semaphore, #tpu.memory_space<semaphore_mem>>)
      %dma_wait3A_386 = arith.constant 0 : i32
      %dma_wait3A_387 = tpu.memref_slice %arg4[%arg0, %mul3A_379, %dma_wait3A_386] : memref<2x10240x128xf32, #tpu.memory_space<hbm>> -> memref<1x640x128xf32, #tpu.memory_space<hbm>>
      %dma_wait3A_388 = tpu.memref_squeeze %dma_wait3A_387 : memref<1x640x128xf32, #tpu.memory_space<hbm>> -> memref<640x128xf32, #tpu.memory_space<hbm>>
      %dma_wait3A_389 = arith.constant 0 : i32
      %dma_wait3A_390 = tpu.memref_slice %arg12[%mul3A_377, %dma_wait3A_389] : memref<10240x128xf32, #tpu.memory_space<vmem_shared>> -> memref<640x128xf32, #tpu.memory_space<vmem_shared>>
      tpu.wait_dma2 semaphore(%run_scoped3A_380 : memref<!tpu.dma_semaphore, #tpu.memory_space<semaphore_mem>>) src(%dma_wait3A_390 : memref<640x128xf32, #tpu.memory_space<vmem_shared>>) dst(%dma_wait3A_388 : memref<640x128xf32, #tpu.memory_space<hbm>>)
      tpu.yield
    }) : () -> ()
    return
  }
}

module attributes {stable_mosaic.version = 14 : i64} {
  func.func @_tc_first_body(%arg0: i32, %arg1: memref<2000x128xf32, #tpu.memory_space<vmem>>, %arg2: memref<128x128xf32, #tpu.memory_space<vmem>>, %arg3: memref<2000x2xf32, #tpu.memory_space<vmem>>, %arg4: memref<2000x128xf32, #tpu.memory_space<vmem>>) attributes {dimension_semantics = [#tpu.dimension_semantics<arbitrary>], iteration_bounds = array<i64: 5>, scalar_prefetch = 0 : i64, scratch_operands = 0 : i64, tpu.core_type = #tpu.core_type<tc>, window_params = [{transform_indices = @transform_0, window_bounds = array<i64: 2000, 128>}, {pipeline_mode = #tpu.pipeline_mode<synchronous>, transform_indices = @transform_1, window_bounds = array<i64: 128, 128>}, {transform_indices = @transform_2, window_bounds = array<i64: 2000, 2>}, {transform_indices = @transform_3, window_bounds = array<i64: 2000, 128>}]} {
    %get3A = arith.constant 0 : index
    %get3A_0 = arith.constant 0 : index
    %get3A_1 = vector.load %arg3[%get3A, %get3A_0] : memref<2000x2xf32, #tpu.memory_space<vmem>>, vector<2000x2xf32>
    %slice3A = vector.extract_strided_slice %get3A_1 {offsets = [0, 0], sizes = [2000, 1], strides = [1, 1]} : vector<2000x2xf32> to vector<2000x1xf32>
    %slice3A_2 = vector.extract_strided_slice %get3A_1 {offsets = [0, 1], sizes = [2000, 1], strides = [1, 1]} : vector<2000x2xf32> to vector<2000x1xf32>
    %add3A = arith.addf %slice3A, %slice3A_2 : vector<2000x1xf32>
    %add3A_3 = arith.constant 1.000000e+00 : f32
    %add3A_4 = vector.broadcast %add3A_3 : f32 to vector<2000x1xf32>
    %add3A_5 = arith.addf %add3A, %add3A_4 : vector<2000x1xf32>
    %rsqrt3A = math.rsqrt %add3A_5 : vector<2000x1xf32>
    %get3A_6 = arith.constant 0 : index
    %get3A_7 = arith.constant 0 : index
    %get3A_8 = vector.load %arg1[%get3A_6, %get3A_7] : memref<2000x128xf32, #tpu.memory_space<vmem>>, vector<2000x128xf32>
    %get3A_9 = arith.constant 0 : index
    %get3A_10 = arith.constant 0 : index
    %get3A_11 = vector.load %arg2[%get3A_9, %get3A_10] : memref<128x128xf32, #tpu.memory_space<vmem>>, vector<128x128xf32>
    %dot_general3A = arith.constant dense<0.000000e+00> : vector<2000x128xf32>
    %dot_general3A_12 = tpu.matmul %get3A_8, %get3A_11, %dot_general3A {dimension_numbers = #tpu.dot_dimension_numbers<[1], [0], [0], [1], [0, 0, 1, 1], [], []>, transpose_lhs_hint = false} : vector<2000x128xf32>, vector<128x128xf32>, vector<2000x128xf32> -> vector<2000x128xf32>
    %mul3A = vector.broadcast %rsqrt3A : vector<2000x1xf32> to vector<2000x128xf32>
    %mul3A_13 = arith.mulf %mul3A, %dot_general3A_12 : vector<2000x128xf32>
    %swap3A = arith.constant 0 : index
    %swap3A_14 = arith.constant 0 : index
    %swap3A_15 = vector.load %arg4[%swap3A, %swap3A_14] : memref<2000x128xf32, #tpu.memory_space<vmem>>, vector<2000x128xf32>
    tpu.vector_store %arg4[%swap3A, %swap3A_14], %mul3A_13 {strides = array<i32>} : memref<2000x128xf32, #tpu.memory_space<vmem>>, vector<2000x128xf32>,
    return
  }
  func.func @transform_0(%arg0: i32) -> (i32, i32) {
    %c0_i32 = arith.constant 0 : i32
    %c0_i32_0 = arith.constant 0 : i32
    return %arg0, %c0_i32 : i32, i32
  }
  func.func @transform_1(%arg0: i32) -> (i32, i32) {
    %c0_i32 = arith.constant 0 : i32
    %c0_i32_0 = arith.constant 0 : i32
    %c0_i32_1 = arith.constant 0 : i32
    return %c0_i32, %c0_i32_0 : i32, i32
  }
  func.func @transform_2(%arg0: i32) -> (i32, i32) {
    %c0_i32 = arith.constant 0 : i32
    %c0_i32_0 = arith.constant 0 : i32
    return %arg0, %c0_i32 : i32, i32
  }
  func.func @transform_3(%arg0: i32) -> (i32, i32) {
    %c0_i32 = arith.constant 0 : i32
    %c0_i32_0 = arith.constant 0 : i32
    return %arg0, %c0_i32 : i32, i32
  }
}

module attributes {stable_mosaic.version = 14 : i64} {
  func.func @_tc_mid_body(%arg0: i32, %arg1: memref<2x2000x128xf32, #tpu.memory_space<vmem>>, %arg2: memref<2000x128xf32, #tpu.memory_space<vmem>>, %arg3: memref<2000x2xf32, #tpu.memory_space<vmem>>, %arg4: memref<1x128xf32, #tpu.memory_space<vmem>>, %arg5: memref<128x128xf32, #tpu.memory_space<vmem>>, %arg6: memref<2000x128xf32, #tpu.memory_space<vmem>>) attributes {dimension_semantics = [#tpu.dimension_semantics<arbitrary>], iteration_bounds = array<i64: 5>, scalar_prefetch = 0 : i64, scratch_operands = 0 : i64, tpu.core_type = #tpu.core_type<tc>, window_params = [{transform_indices = @transform_0, window_bounds = array<i64: 2, 2000, 128>}, {transform_indices = @transform_1, window_bounds = array<i64: 2000, 128>}, {transform_indices = @transform_2, window_bounds = array<i64: 2000, 2>}, {pipeline_mode = #tpu.pipeline_mode<synchronous>, transform_indices = @transform_3, window_bounds = array<i64: 1, 128>}, {pipeline_mode = #tpu.pipeline_mode<synchronous>, transform_indices = @transform_4, window_bounds = array<i64: 128, 128>}, {transform_indices = @transform_5, window_bounds = array<i64: 2000, 128>}]} {
    %get3A = arith.constant 0 : index
    %get3A_0 = arith.constant 0 : index
    %get3A_1 = vector.load %arg3[%get3A, %get3A_0] : memref<2000x2xf32, #tpu.memory_space<vmem>>, vector<2000x2xf32>
    %slice3A = vector.extract_strided_slice %get3A_1 {offsets = [0, 0], sizes = [2000, 1], strides = [1, 1]} : vector<2000x2xf32> to vector<2000x1xf32>
    %slice3A_2 = vector.extract_strided_slice %get3A_1 {offsets = [0, 1], sizes = [2000, 1], strides = [1, 1]} : vector<2000x2xf32> to vector<2000x1xf32>
    %add3A = arith.addf %slice3A, %slice3A_2 : vector<2000x1xf32>
    %add3A_3 = arith.constant 1.000000e+00 : f32
    %add3A_4 = vector.broadcast %add3A_3 : f32 to vector<2000x1xf32>
    %add3A_5 = arith.addf %add3A, %add3A_4 : vector<2000x1xf32>
    %rsqrt3A = math.rsqrt %add3A_5 : vector<2000x1xf32>
    %get3A_6 = arith.constant 0 : index
    %get3A_7 = arith.constant 0 : index
    %get3A_8 = arith.constant 0 : index
    %get3A_9 = vector.load %arg1[%get3A_6, %get3A_7, %get3A_8] : memref<2x2000x128xf32, #tpu.memory_space<vmem>>, vector<2x2000x128xf32>
    %slice3A_10 = vector.extract_strided_slice %get3A_9 {offsets = [0, 0, 0], sizes = [1, 2000, 128], strides = [1, 1, 1]} : vector<2x2000x128xf32> to vector<1x2000x128xf32>
    %squeeze3A = vector.shape_cast %slice3A_10 : vector<1x2000x128xf32> to vector<2000x128xf32>
    %slice3A_11 = vector.extract_strided_slice %get3A_9 {offsets = [1, 0, 0], sizes = [1, 2000, 128], strides = [1, 1, 1]} : vector<2x2000x128xf32> to vector<1x2000x128xf32>
    %squeeze3A_12 = vector.shape_cast %slice3A_11 : vector<1x2000x128xf32> to vector<2000x128xf32>
    %add3A_13 = arith.addf %squeeze3A, %squeeze3A_12 : vector<2000x128xf32>
    %get3A_14 = arith.constant 0 : index
    %get3A_15 = arith.constant 0 : index
    %get3A_16 = vector.load %arg2[%get3A_14, %get3A_15] : memref<2000x128xf32, #tpu.memory_space<vmem>>, vector<2000x128xf32>
    %add3A_17 = arith.addf %add3A_13, %get3A_16 : vector<2000x128xf32>
    %mul3A = vector.broadcast %rsqrt3A : vector<2000x1xf32> to vector<2000x128xf32>
    %mul3A_18 = arith.mulf %mul3A, %add3A_17 : vector<2000x128xf32>
    %get3A_19 = arith.constant 0 : index
    %get3A_20 = arith.constant 0 : index
    %get3A_21 = vector.load %arg4[%get3A_19, %get3A_20] : memref<1x128xf32, #tpu.memory_space<vmem>>, vector<1x128xf32>
    %add3A_22 = vector.broadcast %get3A_21 : vector<1x128xf32> to vector<2000x128xf32>
    %add3A_23 = arith.addf %mul3A_18, %add3A_22 : vector<2000x128xf32>
    %max3A = arith.constant 0.000000e+00 : f32
    %max3A_24 = vector.broadcast %max3A : f32 to vector<2000x128xf32>
    %max3A_25 = arith.maximumf %add3A_23, %max3A_24 : vector<2000x128xf32>
    %get3A_26 = arith.constant 0 : index
    %get3A_27 = arith.constant 0 : index
    %get3A_28 = vector.load %arg5[%get3A_26, %get3A_27] : memref<128x128xf32, #tpu.memory_space<vmem>>, vector<128x128xf32>
    %dot_general3A = arith.constant dense<0.000000e+00> : vector<2000x128xf32>
    %dot_general3A_29 = tpu.matmul %max3A_25, %get3A_28, %dot_general3A {dimension_numbers = #tpu.dot_dimension_numbers<[1], [0], [0], [1], [0, 0, 1, 1], [], []>, transpose_lhs_hint = false} : vector<2000x128xf32>, vector<128x128xf32>, vector<2000x128xf32> -> vector<2000x128xf32>
    %mul3A_30 = vector.broadcast %rsqrt3A : vector<2000x1xf32> to vector<2000x128xf32>
    %mul3A_31 = arith.mulf %mul3A_30, %dot_general3A_29 : vector<2000x128xf32>
    %swap3A = arith.constant 0 : index
    %swap3A_32 = arith.constant 0 : index
    %swap3A_33 = vector.load %arg6[%swap3A, %swap3A_32] : memref<2000x128xf32, #tpu.memory_space<vmem>>, vector<2000x128xf32>
    tpu.vector_store %arg6[%swap3A, %swap3A_32], %mul3A_31 {strides = array<i32>} : memref<2000x128xf32, #tpu.memory_space<vmem>>, vector<2000x128xf32>,
    return
  }
  func.func @transform_0(%arg0: i32) -> (i32, i32, i32) {
    %c0_i32 = arith.constant 0 : i32
    %c0_i32_0 = arith.constant 0 : i32
    %c0_i32_1 = arith.constant 0 : i32
    return %c0_i32, %arg0, %c0_i32_0 : i32, i32, i32
  }
  func.func @transform_1(%arg0: i32) -> (i32, i32) {
    %c0_i32 = arith.constant 0 : i32
    %c0_i32_0 = arith.constant 0 : i32
    return %arg0, %c0_i32 : i32, i32
  }
  func.func @transform_2(%arg0: i32) -> (i32, i32) {
    %c0_i32 = arith.constant 0 : i32
    %c0_i32_0 = arith.constant 0 : i32
    return %arg0, %c0_i32 : i32, i32
  }
  func.func @transform_3(%arg0: i32) -> (i32, i32) {
    %c0_i32 = arith.constant 0 : i32
    %c0_i32_0 = arith.constant 0 : i32
    %c0_i32_1 = arith.constant 0 : i32
    return %c0_i32, %c0_i32_0 : i32, i32
  }
  func.func @transform_4(%arg0: i32) -> (i32, i32) {
    %c0_i32 = arith.constant 0 : i32
    %c0_i32_0 = arith.constant 0 : i32
    %c0_i32_1 = arith.constant 0 : i32
    return %c0_i32, %c0_i32_0 : i32, i32
  }
  func.func @transform_5(%arg0: i32) -> (i32, i32) {
    %c0_i32 = arith.constant 0 : i32
    %c0_i32_0 = arith.constant 0 : i32
    return %arg0, %c0_i32 : i32, i32
  }
}

module attributes {stable_mosaic.version = 14 : i64} {
  func.func @_tc_last_body(%arg0: i32, %arg1: memref<2x2000x128xf32, #tpu.memory_space<vmem>>, %arg2: memref<2000x128xf32, #tpu.memory_space<vmem>>, %arg3: memref<2000x2xf32, #tpu.memory_space<vmem>>, %arg4: memref<1x128xf32, #tpu.memory_space<vmem>>, %arg5: memref<2000x128xf32, #tpu.memory_space<vmem>>) attributes {dimension_semantics = [#tpu.dimension_semantics<arbitrary>], iteration_bounds = array<i64: 5>, scalar_prefetch = 0 : i64, scratch_operands = 0 : i64, tpu.core_type = #tpu.core_type<tc>, window_params = [{transform_indices = @transform_0, window_bounds = array<i64: 2, 2000, 128>}, {transform_indices = @transform_1, window_bounds = array<i64: 2000, 128>}, {transform_indices = @transform_2, window_bounds = array<i64: 2000, 2>}, {pipeline_mode = #tpu.pipeline_mode<synchronous>, transform_indices = @transform_3, window_bounds = array<i64: 1, 128>}, {transform_indices = @transform_4, window_bounds = array<i64: 2000, 128>}]} {
    %get3A = arith.constant 0 : index
    %get3A_0 = arith.constant 0 : index
    %get3A_1 = vector.load %arg3[%get3A, %get3A_0] : memref<2000x2xf32, #tpu.memory_space<vmem>>, vector<2000x2xf32>
    %slice3A = vector.extract_strided_slice %get3A_1 {offsets = [0, 0], sizes = [2000, 1], strides = [1, 1]} : vector<2000x2xf32> to vector<2000x1xf32>
    %slice3A_2 = vector.extract_strided_slice %get3A_1 {offsets = [0, 1], sizes = [2000, 1], strides = [1, 1]} : vector<2000x2xf32> to vector<2000x1xf32>
    %add3A = arith.addf %slice3A, %slice3A_2 : vector<2000x1xf32>
    %add3A_3 = arith.constant 1.000000e+00 : f32
    %add3A_4 = vector.broadcast %add3A_3 : f32 to vector<2000x1xf32>
    %add3A_5 = arith.addf %add3A, %add3A_4 : vector<2000x1xf32>
    %rsqrt3A = math.rsqrt %add3A_5 : vector<2000x1xf32>
    %get3A_6 = arith.constant 0 : index
    %get3A_7 = arith.constant 0 : index
    %get3A_8 = arith.constant 0 : index
    %get3A_9 = vector.load %arg1[%get3A_6, %get3A_7, %get3A_8] : memref<2x2000x128xf32, #tpu.memory_space<vmem>>, vector<2x2000x128xf32>
    %slice3A_10 = vector.extract_strided_slice %get3A_9 {offsets = [0, 0, 0], sizes = [1, 2000, 128], strides = [1, 1, 1]} : vector<2x2000x128xf32> to vector<1x2000x128xf32>
    %squeeze3A = vector.shape_cast %slice3A_10 : vector<1x2000x128xf32> to vector<2000x128xf32>
    %slice3A_11 = vector.extract_strided_slice %get3A_9 {offsets = [1, 0, 0], sizes = [1, 2000, 128], strides = [1, 1, 1]} : vector<2x2000x128xf32> to vector<1x2000x128xf32>
    %squeeze3A_12 = vector.shape_cast %slice3A_11 : vector<1x2000x128xf32> to vector<2000x128xf32>
    %add3A_13 = arith.addf %squeeze3A, %squeeze3A_12 : vector<2000x128xf32>
    %get3A_14 = arith.constant 0 : index
    %get3A_15 = arith.constant 0 : index
    %get3A_16 = vector.load %arg2[%get3A_14, %get3A_15] : memref<2000x128xf32, #tpu.memory_space<vmem>>, vector<2000x128xf32>
    %add3A_17 = arith.addf %add3A_13, %get3A_16 : vector<2000x128xf32>
    %mul3A = vector.broadcast %rsqrt3A : vector<2000x1xf32> to vector<2000x128xf32>
    %mul3A_18 = arith.mulf %mul3A, %add3A_17 : vector<2000x128xf32>
    %get3A_19 = arith.constant 0 : index
    %get3A_20 = arith.constant 0 : index
    %get3A_21 = vector.load %arg4[%get3A_19, %get3A_20] : memref<1x128xf32, #tpu.memory_space<vmem>>, vector<1x128xf32>
    %add3A_22 = vector.broadcast %get3A_21 : vector<1x128xf32> to vector<2000x128xf32>
    %add3A_23 = arith.addf %mul3A_18, %add3A_22 : vector<2000x128xf32>
    %swap3A = arith.constant 0 : index
    %swap3A_24 = arith.constant 0 : index
    %swap3A_25 = vector.load %arg5[%swap3A, %swap3A_24] : memref<2000x128xf32, #tpu.memory_space<vmem>>, vector<2000x128xf32>
    tpu.vector_store %arg5[%swap3A, %swap3A_24], %add3A_23 {strides = array<i32>} : memref<2000x128xf32, #tpu.memory_space<vmem>>, vector<2000x128xf32>,
    return
  }
  func.func @transform_0(%arg0: i32) -> (i32, i32, i32) {
    %c0_i32 = arith.constant 0 : i32
    %c0_i32_0 = arith.constant 0 : i32
    %c0_i32_1 = arith.constant 0 : i32
    return %c0_i32, %arg0, %c0_i32_0 : i32, i32, i32
  }
  func.func @transform_1(%arg0: i32) -> (i32, i32) {
    %c0_i32 = arith.constant 0 : i32
    %c0_i32_0 = arith.constant 0 : i32
    return %arg0, %c0_i32 : i32, i32
  }
  func.func @transform_2(%arg0: i32) -> (i32, i32) {
    %c0_i32 = arith.constant 0 : i32
    %c0_i32_0 = arith.constant 0 : i32
    return %arg0, %c0_i32 : i32, i32
  }
  func.func @transform_3(%arg0: i32) -> (i32, i32) {
    %c0_i32 = arith.constant 0 : i32
    %c0_i32_0 = arith.constant 0 : i32
    %c0_i32_1 = arith.constant 0 : i32
    return %c0_i32, %c0_i32_0 : i32, i32
  }
  func.func @transform_4(%arg0: i32) -> (i32, i32) {
    %c0_i32 = arith.constant 0 : i32
    %c0_i32_0 = arith.constant 0 : i32
    return %arg0, %c0_i32 : i32, i32
  }
}

</mosaic_0001>

<sc_bundles>
// kernel: kernel.11.cloned.1.call-start
scs
__scs_entry_jumppad:
0x0: {  	(pc) =	sbr.rel $0x88, $3  }
0x1: {  	(tag) =	ssettag $0x0;
	lr =	simm.s32 $0x1  }
0x2: {  	[smem:$0x3F9B] =	sst lr;
	_ =	strace $0xD0000000  }
0x3: {  	_ = 	snop  }
0x4: {  	_ = 	snop  }
0x5: {  	_ = 	snop  }
0x6: {  	_ = 	snop  }
0x7: {  	_ = 	snop  }
__scs_overlays_trampoline_lowered:
0x8: {  	[smem:$0x3FAA] =	sst s0  }
0x9: {  	[smem:$0x3FAB] =	sst s1  }
0xa: {  	[smem:$0x3FAC] =	sst s2  }
0xb: {  	[smem:$0x3FAD] =	sst s3  }
0xc: {  	[smem:$0x3FAE] =	sst s4  }
0xd: {  	[smem:$0x3FAF] =	sst s5  }
0xe: {  	[smem:$0x3FB0] =	sst s6  }
0xf: {  	[smem:$0x3FB1] =	sst s7  }
0x10: {  	[smem:$0x3FB2] =	sst s8  }
0x11: {  	[smem:$0x3FB3] =	sst s9;
	s0 =	simm.s32 @!p0 $0x0  }
0x12: {  	s1 =	sld [smem:$0x3F99];
	s0 =	simm.s32 @p0 $0x1  }
0x13: {  	[smem:$0x3FB4] =	sst s0;
	s0 =	simm.s32 @!p1 $0x0  }
0x14: {  	s2 =	sld [smem:$0x3F98];
	s0 =	simm.s32 @p1 $0x1  }
0x15: {  	[smem:$0x3FB5] =	sst s0;
	s0 =	simm.s32 @!p2 $0x0  }
0x16: {  	s3 =	sld [smem:$0x3FDB];
	s0 =	simm.s32 @p2 $0x1  }
0x17: {  	s4 =	simm.s32 $0x1BF5;
	[smem:$0x3FB7] =	sst s0  }
0x18: {  	s0 =	sld [smem:$0x3F9A];
	_ =	swait.ge [sflag:s4], $0x0  }
0x19: {  	s7 =	sld [smem:$0x3F9B]  }
0x1a: {  	s8 =	sadd.s32 $0xFFFFE003, lr  }
0x1b: {  	s9 =	sadd.s32 $0xFFFFFEF7, lr;
	s5 =	simm.s32 $0xFFFFFFFF;
	p2 =	slt.u32 s8, $0xFFFFF086  }
0x1c: {  	p1 =	slt.u32 s9, $0xF7A;
	s5 =	simm.s32 @!p2 $0x0  }
0x1d: {  	s5 =	simm.s32 @p1 $0x1;
	p0 =	seq.s32 s7, s2  }
0x1e: {  	s7 =	smul.u32 @!p0 $0xF7A, s2;
	p2 =	seq.s32 @!p0 s5, $0x0  }
0x1f: {  	s9 =	smul.u32 $0xF7A, s1;
	s8 =	simm.s32 @!p0 $0x1BF5;
	p2 =	por !p2, p0  }
0x20: {  	[sflag:s8] =	ssyncset.s32 @!p0 $0xFFFFF086;
	s6 =	sadd.s32 @!p0 s3, s7;
	s7 =	simm.s32 @!p0 $0x108  }
0x21: {  	s3 =	sadd.s32 s3, s9;
	s6 =	sadd.s32 @!p0 $0x88, s6;
	s7 =	simm.s32 @p2 $0x1082  }
0x22: {  	[simem:s7], [sflag:s8] =	dma.local @!p0 [hbm:s6], $0xF7A  }
0x23: {  	s9 =	sor.u32 $0xD0000000, s2;
	s6 =	simm.s32 $0x108;
	_ =	swait.ge @!p0 [sflag:s8], $0x0  }
0x24: {  	s3 =	sadd.s32 $0x88, s3;
	s6 =	simm.s32 @!p1 $0x1082;
	[sflag:s4] =	ssyncset.s32 $0xFFFFF086  }
0x25: {  	[simem:s6], [sflag:s4] =	dma.local [hbm:s3], $0xF7A  }
0x26: {  	[smem:$0x3F9B] =	sst s1;
	(tag) =	ssettag s2;
	_ =	strace s9  }
0x27: {  	s1 =	sld [smem:$0x3FAB]  }
0x28: {  	s2 =	sld [smem:$0x3FAC]  }
0x29: {  	s4 =	sld [smem:$0x3FAE]  }
0x2a: {  	p0 =	seq.s32 s5, $0x0;
	s5 =	sld [smem:$0x3FAF]  }
0x2b: {  	s6 =	sld [smem:$0x3FB0]  }
0x2c: {  	s7 =	sld [smem:$0x3FB1]  }
0x2d: {  	s3 =	simm.s32 $0x108;
	s8 =	sld [smem:$0x3FB2]  }
0x2e: {  	s3 =	simm.s32 @!p0 $0x1082;
	s9 =	sld [smem:$0x3FB3]  }
0x2f: {  	lr =	sadd.s32 s0, s3;
	s0 =	sld [smem:$0x3FAA]  }
0x30: {  	s3 =	sld [smem:$0x3FAD]  }
0x31: {  	[smem:$0x3FB6] =	sst s10  }
0x32: {  	s10 =	sld [smem:$0x3FB4];
	_ =	sdelay $0x3  }
0x33: {  	p0 =	seq.s32 s10, $0x1;
	s10 =	sld [smem:$0x3FB6];
	_ =	sdelay $0x3  }
0x34: {  	[smem:$0x3FB6] =	sst s10  }
0x35: {  	s10 =	sld [smem:$0x3FB5];
	_ =	sdelay $0x3  }
0x36: {  	p1 =	seq.s32 s10, $0x1;
	s10 =	sld [smem:$0x3FB6];
	_ =	sdelay $0x3  }
0x37: {  	[smem:$0x3FB6] =	sst s10  }
0x38: {  	s10 =	sld [smem:$0x3FB7]  }
0x39: {  	_ = 	snop;
	(pc) =	sbr.ind lr, $3  }
0x3a: {  	_ = 	snop  }
0x3b: {  	_ = 	snop  }
0x3c: {  	p2 =	seq.s32 s10, $0x1;
	s10 =	sld [smem:$0x3FB6]  }
0x3d: {  	_ =	shalt  }
0x3e: {  	_ =	shalt  }
0x3f: {  	_ =	shalt  }
0x40: {  	_ =	shalt  }
0x41: {  	_ =	shalt  }
0x42: {  	_ =	shalt  }
0x43: {  	_ =	shalt  }
0x44: {  	_ =	shalt  }
0x45: {  	_ =	shalt  }
0x46: {  	_ =	shalt  }
0x47: {  	_ =	shalt  }
0x48: {  	_ =	shalt  }
0x49: {  	_ =	shalt  }
0x4a: {  	_ =	shalt  }
0x4b: {  	_ =	shalt  }
0x4c: {  	_ =	shalt  }
0x4d: {  	_ =	shalt  }
0x4e: {  	_ =	shalt  }
0x4f: {  	_ =	shalt  }
0x50: {  	_ =	shalt  }
0x51: {  	_ =	shalt  }
0x52: {  	_ =	shalt  }
0x53: {  	_ =	shalt  }
0x54: {  	_ =	shalt  }
0x55: {  	_ =	shalt  }
0x56: {  	_ =	shalt  }
0x57: {  	_ =	shalt  }
0x58: {  	_ =	shalt  }
0x59: {  	_ =	shalt  }
0x5a: {  	_ =	shalt  }
0x5b: {  	_ =	shalt  }
0x5c: {  	_ =	shalt  }
0x5d: {  	_ =	shalt  }
0x5e: {  	_ =	shalt  }
0x5f: {  	_ =	shalt  }
0x60: {  	_ =	shalt  }
0x61: {  	_ =	shalt  }
0x62: {  	_ =	shalt  }
0x63: {  	_ =	shalt  }
0x64: {  	_ =	shalt  }
0x65: {  	_ =	shalt  }
0x66: {  	_ =	shalt  }
0x67: {  	_ =	shalt  }
0x68: {  	_ =	shalt  }
0x69: {  	_ =	shalt  }
0x6a: {  	_ =	shalt  }
0x6b: {  	_ =	shalt  }
0x6c: {  	_ =	shalt  }
0x6d: {  	_ =	shalt  }
0x6e: {  	_ =	shalt  }
0x6f: {  	_ =	shalt  }
0x70: {  	_ =	shalt  }
0x71: {  	_ =	shalt  }
0x72: {  	_ =	shalt  }
0x73: {  	_ =	shalt  }
0x74: {  	_ =	shalt  }
0x75: {  	_ =	shalt  }
0x76: {  	_ =	shalt  }
0x77: {  	_ =	shalt  }
0x78: {  	_ =	shalt  }
0x79: {  	_ =	shalt  }
0x7a: {  	_ =	shalt  }
0x7b: {  	_ =	shalt  }
0x7c: {  	_ =	shalt  }
0x7d: {  	_ =	shalt  }
0x7e: {  	_ =	shalt  }
0x7f: {  	_ =	shalt  }
0x80: {  	_ =	shalt  }
0x81: {  	_ =	shalt  }
0x82: {  	_ =	shalt  }
0x83: {  	_ =	shalt  }
0x84: {  	_ =	shalt  }
0x85: {  	_ =	shalt  }
0x86: {  	_ =	shalt  }
0x87: {  	_ =	shalt  }
.Lfunc_end0:
.L_simem_size_0:
called_computation.1_lowered:
.L_overlay_start_0:
0x88: {  	s2 =	sld [smem:$0x3FD9]  }
0x89: {  	s3 =	sld [smem:$0x3FFE];
	_ =	sdelay $0x1  }
0x8a: {  	s1 =	srdreg.scid  }
0x8b: {  	s0 =	sand.u32 $0x1, s1  }
0x8c: {  	s17 =	sshll.u32 s0, $0xA;
	s2 =	sadd.s32 s3, s2  }
0x8d: {  	s2 =	sadd.s32 s2, s17  }
0x8e: {  	[smem:$0x3FC2] =	sst s2  }
0x8f: {  	_ = 	snop  }
0x90: {  	s2 =	sld [smem:$0x3FD0];
	(tm) =	ssettm $0x1  }
0x91: {  	s18 =	sld [smem:$0x3FFB];
	_ =	sdelay $0x3  }
0x92: {  	_ =	strace s18  }
0x93: {  	s3 =	sld [smem:$0x3FFC];
	_ =	sdelay $0x3  }
0x94: {  	_ =	strace s3  }
0x95: {  	s3 =	sld [smem:$0x3FFD];
	_ =	sdelay $0x3  }
0x96: {  	_ =	strace s3  }
0x97: {  	_ =	strace $0x8FFFFFFF  }
0x98: {  	s19 =	sld [smem:$0x3FDB];
	_ =	sdelay $0x1  }
0x99: {  	s4 =	simm.s32 $_scs_section_size  }
0x9a: {  	s5 =	simm.s32 $_size__tile_overlayer_lowered;
	s6 =	simm.s32 $_tile_overlayer_lowered  }
0x9b: {  	s22 =	simm.s32 $0x1BFF;
	s21 =	sshll.u32 s6, $0x1;
	s3 =	sadd.s32 s4, s19  }
0x9c: {  	s7 =	simm.s32 $0x0;
	s20 =	sshll.u32 s5, $0x1;
	s5 =	sadd.s32 s21, s3  }
0x9d: {  	[timem:s7], [sflag:s22] =	dma.local [hbm:s5], s20  }
0x9e: {  	_ =	swait.ge [sflag:s22], s20  }
0x9f: {  	s4 =	ssub.s32 $0x0, s20;
	[sflag:s22] =	ssyncset.done $0x0  }
0xa0: {  	[sflag:s22] =	ssyncadd.s32 s4;
	_ =	sdelay $0x1  }
0xa1: {  	s23 =	simm.s32 $0x1B8B  }
0xa2: {  	_ =	swait.ge [sflag:s23], $0x1  }
0xa3: {  	[sflag:s23] =	ssyncset.done $0x0  }
0xa4: {  	s25 =	simm.s32 $0x1B8E;
	s24 =	sld [smem:$0x3FFE];
	[sflag:s23] =	ssyncadd.s32 $0xFFFFFFFF  }
0xa5: {  	s26 =	simm.s32 $execute0_lowered;
	[smem:$0x3FD2] =	sst s25  }
0xa6: {  	s5 =	sshll.u32 s26, $0x1;
	_ =	strace $0x80000049;
	[dreg:$0x1] =	wrdreg $0xFFFFFFFF  }
0xa7: {  	s28 =	simm.s32 $_size_execute0_lowered;
	s3 =	sadd.s32 s3, s5;
	[dreg:$0x0] =	wrdreg $0x0  }
0xa8: {  	s5 =	sshll.u32 s28, $0x1;
	[dreg:$0x2] =	wrdreg s3  }
0xa9: {  	[dreg:$0x3] =	wrdreg s5  }
0xaa: {  	[dreg:$0x4] =	wrdreg $0xC0  }
0xab: {  	_ =	task [dreg:s7], $0x5FFFF  }
0xac: {  	[dreg:$0x1] =	wrdreg $0xFFFFFFFF  }
0xad: {  	[dreg:$0x0] =	wrdreg $0x60  }
0xae: {  	[dreg:$0x2] =	wrdreg s2  }
0xaf: {  	[dreg:$0x3] =	wrdreg s24  }
0xb0: {  	[dreg:$0x4] =	wrdreg $0x9A000  }
0xb1: {  	[dreg:$0x5] =	wrdreg $0x9  }
0xb2: {  	_ =	task.clear_ibuf [dreg:s7], $0x6FFFF;
	_ =	strace $0x90000049  }
0xb3: {  	s29 =	simm.s32 $0x9;
	_ =	strace $0x8000004B  }
0xb4: {  	_ =	swait.ge [sflag:s29], $0x1  }
0xb5: {  	[sflag:s29] =	ssyncadd.s32 $0xFFFFFFFF  }
0xb6: {  	_ =	strace $0x9000004B  }
0xb7: {  	_ =	sfence  }
0xb8: {  	s30 =	sld [smem:$0x0];
	_ =	sdelay $0x2  }
0xb9: {  	s31 =	sshll.u32 s1, $0xD;
	s1 =	sshrl.u32 s1, $0x2  }
0xba: {  	s3 =	sand.u32 $0x4000, s31;
	s1 =	sadd.s32 s1, s30  }
0xbb: {  	s0 =	sor.u32 s3, s0;
	s1 =	sshll.u32 s1, $0x11  }
0xbc: {  	s0 =	sor.u32 s1, s0  }
0xbd: {  	s0 =	sadd.s32 $0x8F2B, s0  }
0xbe: {  	[sflag:s0] =	ssyncadd.remote.s32 $0x1  }
0xbf: {  	_ =	sfence.sel $0xFFFF  }
0xc0: {  	[dreg:$0x0] =	wrdreg $0xFFFFFFFF;
	(pc) =	sbr.abs _section_cstart, $3  }
0xc1: {  	[dreg:$0x1] =	wrdreg $0xFFFFFFFF  }
0xc2: {  	_ =	task.clear_ibuf [dreg:s7], $0x2FFFF;
	_ =	strace $0x9FFFFFFF  }
0xc3: {  	(tm) =	ssettm $0x7FFFFFFF  }
tec
execute0_lowered:
.L_overlay_start_1:
0x0: {  	(tag) =	ssettag $0x1  }
0x1: {  	s0 =	srdreg.scid  }
0x2: {  	s1 =	rddreg [dreg:$0x0];
	s24 =	stileid.u32  }
0x3: {  	s4 =	rddreg [dreg:$0x1];
	s8 =	simm.s32 $0x0;
	s18 =	simm.s32 $0x3  }
0x4: {  	s19 =	simm.s32 $0x2A00;
	s20 =	simm.s32 $0x70;
	s21 =	simm.s32 $0x2780  }
0x5: {  	s22 =	simm.s32 $0x2800;
	s23 =	simm.s32 $0x6200;
	s28 =	simm.s32 $0x2  }
0x6: {  	s31 =	simm.s32 $0x0;
	s2 =	sand.u32 $0x1, s0;
	s25 =	smul.u32 $0x14000, s24  }
0x7: {  	s6 =	sshll.u32 s24, $0x7;
	[smem:$0x7FF] =	sst s8;
	s29 =	smul.u32 $0x50000, s24  }
0x8: {  	s3 =	sshll.u32 s2, $0x4;
	s7 =	smul.u32 $0x140000, s2;
	s6 =	sand.u32 $0x380, s6  }
0x9: {  	s2 =	ssub.s32 $0x2, s2;
	s5 =	sor.u32 s24, s3;
	s3 =	rddreg [dreg:$0x2]  }
0xa: {  	_ =	strace $0x8000004A;
	s30 =	sshrl.u32 s2, $0x1;
	s5 =	sshrl.u32 s5, $0x3  }
0xb: {  	s24 =	simm.s32 $0x1;
	s26 =	sadd.s32 s25, s7;
	s5 =	smul.u32 $0x13C00, s5  }
0xc: {  	s7 =	sshrl.u32 s29, $0x2;
	s2 =	ssub.s32 s2, s30;
	s25 =	simm.s32 $0x2880  }
0xd: {  	s15 =	smax.u32 s2, $0x1;
	s5 =	sor.u32 s6, s5;
	s6 =	sshrl.u32 s26, $0x3  }
.Ltmp0:
0xe: {  	s26 =	simm.s32 $0x20;
	s5 =	sshrl.u32 s5, $0x3;
	(pc) =	sbr.rel .LBB2_1-.Ltmp0, $4  }
0xf: {  	s5 =	sadd.s32 s5, s4;
	s4 =	sadd.s32 s6, s4;
	s6 =	sadd.s32 s7, s3  }
0x10: {  	s5 =	sadd.s32 $0x2A00, s5;
	s7 =	sadd.s32 $0x2800, s6;
	s8 =	sadd.s32 $0x5000, s6  }
0x11: {  	s9 =	sadd.s32 $0x7800, s6;
	s10 =	sadd.s32 $0xA000, s6;
	s11 =	sadd.s32 $0xC800, s6  }
0x12: {  	v0 =	vimm.f32 $0.0e+00;
	s12 =	sadd.s32 $0xF000, s6;
	s13 =	sadd.s32 $0x11800, s6;
	s14 =	sadd.s32 $0xC800, s4  }
.LBB2_6:
0x13: {  	v1 =	vld [tilespmem:$0x2680]  }
0x14: {  	v2 =	vld [tilespmem:$0x2690]  }
0x15: {  	v3 =	vld [tilespmem:$0x26A0]  }
0x16: {  	v4 =	vld [tilespmem:$0x26B0]  }
0x17: {  	v5 =	vld [tilespmem:$0x26C0]  }
0x18: {  	v6 =	vld [tilespmem:$0x26D0];
	v1 =	vand.u32 $0xFFFF, v1  }
0x19: {  	[tilespmem:$0x2780] =	vst v1;
	v1 =	vand.u32 $0xFFFF, v2;
	v2 =	vld [tilespmem:$0x26E0]  }
0x1a: {  	[tilespmem:$0x2790] =	vst v1;
	v1 =	vand.u32 $0xFFFF, v3  }
0x1b: {  	[tilespmem:$0x27A0] =	vst v1;
	v1 =	vand.u32 $0xFFFF, v4  }
0x1c: {  	[tilespmem:$0x27B0] =	vst v1;
	v1 =	vand.u32 $0xFFFF, v5  }
0x1d: {  	[tilespmem:$0x27C0] =	vst v1;
	v1 =	vand.u32 $0xFFFF, v6  }
0x1e: {  	[tilespmem:$0x27D0] =	vst v1;
	v1 =	vand.u32 $0xFFFF, v2  }
0x1f: {  	[tilespmem:$0x27E0] =	vst v1  }
0x20: {  	[tilespmem:s19], [sflag:$0x1] =	stream.indirect.gather [hbm4b:s1+s20], $0x80, s21, s20, $0xb8;
	[tilespmem:$0x1DA00] =	vst v63  }
0x21: {  	_ =	swait.ge [sflag:s24], $0x3800  }
0x22: {  	[sflag:s24] =	ssyncset.done $0x0  }
0x23: {  	[sflag:s24] =	ssyncadd.s32 $0xFFFFC800  }
0x24: {  	v1 =	vld [tilespmem:$0x2680]  }
0x25: {  	v2 =	vld [tilespmem:$0x2690]  }
0x26: {  	v3 =	vld [tilespmem:$0x26A0]  }
0x27: {  	v61 =	vld [tilespmem:$0x26B0]  }
0x28: {  	v62 =	vld [tilespmem:$0x26C0]  }
0x29: {  	v63 =	vld [tilespmem:$0x26D0];
	v1 =	vshrl.u32 v1, $0x10  }
0x2a: {  	[tilespmem:$0x2880] =	vst v1;
	v1 =	vshrl.u32 v2, $0x10;
	v2 =	vld [tilespmem:$0x26E0]  }
0x2b: {  	[tilespmem:$0x2890] =	vst v1;
	v1 =	vshrl.u32 v3, $0x10  }
0x2c: {  	[tilespmem:$0x28A0] =	vst v1;
	v1 =	vshrl.u32 v61, $0x10  }
0x2d: {  	[tilespmem:$0x28B0] =	vst v1;
	v1 =	vshrl.u32 v62, $0x10  }
0x2e: {  	[tilespmem:$0x28C0] =	vst v1;
	v1 =	vshrl.u32 v63, $0x10  }
0x2f: {  	[tilespmem:$0x28D0] =	vst v1;
	v1 =	vshrl.u32 v2, $0x10  }
0x30: {  	[tilespmem:$0x28E0] =	vst v1  }
0x31: {  	[spmem:s3] =	stream.indirect.scatter.add.f32 [tilespmem:s19], [sflag:$0x3], $0x80, s25, s20, $0xb8;
	[tilespmem:$0x1DA00] =	vst v63  }
0x32: {  	_ =	swait.ge [sflag:s18], $0x3800  }
0x33: {  	[sflag:s18] =	ssyncset.done $0x0  }
0x34: {  	[sflag:s18] =	ssyncadd.s32 $0xFFFFC800  }
0x35: {  	v1 =	vld [tilespmem:$0x26F0]  }
0x36: {  	v2 =	vld [tilespmem:$0x2700];
	_ =	sdelay $0x3  }
0x37: {  	v1 =	vand.u32 $0xFFFF, v1  }
0x38: {  	[tilespmem:$0x2900] =	vst v1;
	v1 =	vand.u32 $0xFFFF, v2  }
0x39: {  	s0 =	simm.s32 $0x2900;
	[tilespmem:$0x2910] =	vst v1  }
0x3a: {  	[tilespmem:s23], [sflag:$0x2] =	stream.indirect.gather [hbm4b:s1+s26], $0x80, s0, s26, $0xb8;
	[tilespmem:$0x1DA00] =	vst v63  }
0x3b: {  	_ =	swait.ge [sflag:s28], $0x1000  }
0x3c: {  	[sflag:s28] =	ssyncset.done $0x0  }
0x3d: {  	[sflag:s28] =	ssyncadd.s32 $0xFFFFF000  }
0x3e: {  	v1 =	vld [tilespmem:$0x26F0]  }
0x3f: {  	v2 =	vld [tilespmem:$0x2700];
	_ =	sdelay $0x3  }
0x40: {  	v1 =	vshrl.u32 v1, $0x10  }
0x41: {  	[tilespmem:$0x2980] =	vst v1;
	v1 =	vshrl.u32 v2, $0x10  }
0x42: {  	s29 =	simm.s32 $0x2980;
	[tilespmem:$0x2990] =	vst v1  }
0x43: {  	[spmem:s3] =	stream.indirect.scatter.add.f32 [tilespmem:s23], [sflag:$0x3], $0x80, s29, s26, $0xb8;
	[tilespmem:$0x1DA00] =	vst v63  }
0x44: {  	s30 =	stileid.u32;
	_ =	swait.ge [sflag:s18], $0x1000  }
0x45: {  	s2 =	sshrl.u32 s6, $0x3;
	s31 =	sadd.s32 $0x1, s31;
	[sflag:s18] =	ssyncset.done $0x0  }
0x46: {  	p0 =	sne.s32 s31, s15;
	s0 =	sshll.u32 s30, $0x6;
	[sflag:s18] =	ssyncadd.s32 $0xFFFFF000  }
.Ltmp1:
0x47: {  	s0 =	sor.u32 $0x1C03, s0;
	[bflag:$0x0] =	sbarrier.arrive $0xFFFF;
	(pc) =	sbr.rel @!p0 .LBB2_7-.Ltmp1, $4  }
0x48: {  	[hbm:s14], [sflag:s0] =	dma.local [spmem:s2], $0x2800  }
0x49: {  	_ =	swait.ge [sflag:s18], $0x2800  }
0x4a: {  	[sflag:s18] =	ssyncset.done $0x0  }
0x4b: {  	[sflag:s18] =	ssyncadd.s32 $0xFFFFD800  }
.LBB2_1:
0x4c: {  	s0 =	simm.s32 $0x0;
	s2 =	simm.s32 $0x80;
	s4 =	simm.s32 $0x400  }
0x4d: {  	[tilespmem:s0], [sflag:$0x3] =	stream.strided.gather [hbm4b:s5+s2], $0x2780, s4, s2, $0x38;
	[tilespmem:$0x1DA00] =	vst v63  }
0x4e: {  	_ =	swait.ge [sflag:s18], $0x2780  }
0x4f: {  	[sflag:s18] =	ssyncset.done $0x0  }
0x50: {  	s2 =	simm.s32 $0x0;
	s4 =	simm.s32 $0x200;
	[sflag:s18] =	ssyncadd.s32 $0xFFFFD880  }
.LBB2_2:
0x51: {  	p0 =	sne.s32 s4, $0x9E00;
	[tilespmem:s2+$0x2A70] =	vst v0  }
0x52: {  	[tilespmem:s2+$0x2A00] =	vst v0  }
0x53: {  	[tilespmem:s2+$0x2A10] =	vst v0  }
.Ltmp2:
0x54: {  	[tilespmem:s2+$0x2A20] =	vst v0;
	(pc) =	sbr.rel @p0 .LBB2_2-.Ltmp2, $4  }
0x55: {  	[tilespmem:s2+$0x2A30] =	vst v0  }
0x56: {  	[tilespmem:s2+$0x2A40] =	vst v0  }
0x57: {  	[tilespmem:s2+$0x2A50] =	vst v0  }
0x58: {  	[tilespmem:s2+$0x2A60] =	vst v0;
	s2 =	sshra.s32 s4, $0x2;
	s4 =	sadd.s32 $0x200, s4  }
0x59: {  	[tilespmem:s2+$0x2A70] =	vst v0  }
0x5a: {  	[tilespmem:s2+$0x2A00] =	vst v0  }
0x5b: {  	[tilespmem:s2+$0x2A10] =	vst v0  }
0x5c: {  	[tilespmem:s2+$0x2A20] =	vst v0  }
0x5d: {  	[tilespmem:s2+$0x2A30] =	vst v0  }
0x5e: {  	[tilespmem:s2+$0x2A40] =	vst v0  }
0x5f: {  	[tilespmem:s2+$0x2A50] =	vst v0  }
0x60: {  	[tilespmem:s2+$0x2A60] =	vst v0  }
0x61: {  	[spmem:s6] =	stream.linear.scatter [tilespmem:s19], [sflag:$0x3], $0x2800, $0x38;
	[tilespmem:$0x1DA00] =	vst v63  }
0x62: {  	_ =	swait.ge [sflag:s18], $0x2800  }
0x63: {  	[sflag:s18] =	ssyncset.done $0x0  }
0x64: {  	[sflag:s18] =	ssyncadd.s32 $0xFFFFD800  }
0x65: {  	[spmem:s7] =	stream.linear.scatter [tilespmem:s19], [sflag:$0x3], $0x2800, $0x38;
	[tilespmem:$0x1DA00] =	vst v63  }
0x66: {  	_ =	swait.ge [sflag:s18], $0x2800  }
0x67: {  	[sflag:s18] =	ssyncset.done $0x0  }
0x68: {  	[sflag:s18] =	ssyncadd.s32 $0xFFFFD800  }
0x69: {  	[spmem:s8] =	stream.linear.scatter [tilespmem:s19], [sflag:$0x3], $0x2800, $0x38;
	[tilespmem:$0x1DA00] =	vst v63  }
0x6a: {  	_ =	swait.ge [sflag:s18], $0x2800  }
0x6b: {  	[sflag:s18] =	ssyncset.done $0x0  }
0x6c: {  	[sflag:s18] =	ssyncadd.s32 $0xFFFFD800  }
0x6d: {  	[spmem:s9] =	stream.linear.scatter [tilespmem:s19], [sflag:$0x3], $0x2800, $0x38;
	[tilespmem:$0x1DA00] =	vst v63  }
0x6e: {  	_ =	swait.ge [sflag:s18], $0x2800  }
0x6f: {  	[sflag:s18] =	ssyncset.done $0x0  }
0x70: {  	[sflag:s18] =	ssyncadd.s32 $0xFFFFD800  }
0x71: {  	[spmem:s10] =	stream.linear.scatter [tilespmem:s19], [sflag:$0x3], $0x2800, $0x38;
	[tilespmem:$0x1DA00] =	vst v63  }
0x72: {  	_ =	swait.ge [sflag:s18], $0x2800  }
0x73: {  	[sflag:s18] =	ssyncset.done $0x0  }
0x74: {  	[sflag:s18] =	ssyncadd.s32 $0xFFFFD800  }
0x75: {  	[spmem:s11] =	stream.linear.scatter [tilespmem:s19], [sflag:$0x3], $0x2800, $0x38;
	[tilespmem:$0x1DA00] =	vst v63  }
0x76: {  	_ =	swait.ge [sflag:s18], $0x2800  }
0x77: {  	[sflag:s18] =	ssyncset.done $0x0  }
0x78: {  	[sflag:s18] =	ssyncadd.s32 $0xFFFFD800  }
0x79: {  	[spmem:s12] =	stream.linear.scatter [tilespmem:s19], [sflag:$0x3], $0x2800, $0x38;
	[tilespmem:$0x1DA00] =	vst v63  }
0x7a: {  	_ =	swait.ge [sflag:s18], $0x2800  }
0x7b: {  	[sflag:s18] =	ssyncset.done $0x0  }
0x7c: {  	[sflag:s18] =	ssyncadd.s32 $0xFFFFD800  }
0x7d: {  	[spmem:s13] =	stream.linear.scatter [tilespmem:s19], [sflag:$0x3], $0x2800, $0x38;
	[tilespmem:$0x1DA00] =	vst v63  }
0x7e: {  	_ =	swait.ge [sflag:s18], $0x2800  }
0x7f: {  	[sflag:s18] =	ssyncset.done $0x0  }
0x80: {  	[sflag:s18] =	ssyncadd.s32 $0xFFFFD800  }
0x81: {  	[bflag:$0x0] =	sbarrier.arrive $0xFFFF  }
0x82: {  	v1 =	vld [tilespmem:$0x0]  }
0x83: {  	v2 =	vld [tilespmem:$0x10]  }
0x84: {  	v3 =	vld [tilespmem:$0x20]  }
0x85: {  	v4 =	vld [tilespmem:$0x30]  }
0x86: {  	v5 =	vld [tilespmem:$0x40]  }
0x87: {  	v6 =	vld [tilespmem:$0x50];
	v1 =	vand.u32 $0xFFFF, v1  }
0x88: {  	[tilespmem:$0x2780] =	vst v1;
	v1 =	vand.u32 $0xFFFF, v2;
	v2 =	vld [tilespmem:$0x60]  }
0x89: {  	[tilespmem:$0x2790] =	vst v1;
	v1 =	vand.u32 $0xFFFF, v3  }
0x8a: {  	[tilespmem:$0x27A0] =	vst v1;
	v1 =	vand.u32 $0xFFFF, v4  }
0x8b: {  	[tilespmem:$0x27B0] =	vst v1;
	v1 =	vand.u32 $0xFFFF, v5  }
0x8c: {  	[tilespmem:$0x27C0] =	vst v1;
	v1 =	vand.u32 $0xFFFF, v6  }
0x8d: {  	[tilespmem:$0x27D0] =	vst v1;
	v1 =	vand.u32 $0xFFFF, v2  }
0x8e: {  	[tilespmem:$0x27E0] =	vst v1  }
0x8f: {  	[tilespmem:s19], [sflag:$0x1] =	stream.indirect.gather [hbm4b:s1+s20], $0x80, s21, s20, $0xb8;
	[tilespmem:$0x1DA00] =	vst v63  }
0x90: {  	v1 =	vld [tilespmem:$0x70]  }
0x91: {  	v2 =	vld [tilespmem:$0x80]  }
0x92: {  	v3 =	vld [tilespmem:$0x90]  }
0x93: {  	v61 =	vld [tilespmem:$0xA0]  }
0x94: {  	v62 =	vld [tilespmem:$0xB0]  }
0x95: {  	v63 =	vld [tilespmem:$0xC0];
	v1 =	vand.u32 $0xFFFF, v1  }
0x96: {  	[tilespmem:$0x2800] =	vst v1;
	v1 =	vand.u32 $0xFFFF, v2;
	v2 =	vld [tilespmem:$0xD0]  }
0x97: {  	[tilespmem:$0x2810] =	vst v1;
	v1 =	vand.u32 $0xFFFF, v3  }
0x98: {  	[tilespmem:$0x2820] =	vst v1;
	v1 =	vand.u32 $0xFFFF, v61  }
0x99: {  	[tilespmem:$0x2830] =	vst v1;
	v1 =	vand.u32 $0xFFFF, v62  }
0x9a: {  	[tilespmem:$0x2840] =	vst v1;
	v1 =	vand.u32 $0xFFFF, v63  }
0x9b: {  	[tilespmem:$0x2850] =	vst v1;
	v1 =	vand.u32 $0xFFFF, v2  }
0x9c: {  	s2 =	simm.s32 $0x0;
	s4 =	simm.s32 $0xE0;
	[tilespmem:$0x2860] =	vst v1  }
0x9d: {  	[tilespmem:s23], [sflag:$0x2] =	stream.indirect.gather [hbm4b:s1+s20], $0x80, s22, s20, $0xb8;
	[tilespmem:$0x1DA00] =	vst v63  }
.LBB2_4:
0x9e: {  	_ =	swait.ge [sflag:s24], $0x3800  }
0x9f: {  	[sflag:s24] =	ssyncset.done $0x0  }
0xa0: {  	[sflag:s24] =	ssyncadd.s32 $0xFFFFC800  }
0xa1: {  	v1 =	vld [tilespmem:s4+$0xFFFFFF20];
	_ =	sdelay $0x4  }
0xa2: {  	v1 =	vshrl.u32 v1, $0x10  }
0xa3: {  	[tilespmem:$0x2880] =	vst v1  }
0xa4: {  	v1 =	vld [tilespmem:s4+$0xFFFFFF30];
	_ =	sdelay $0x4  }
0xa5: {  	v1 =	vshrl.u32 v1, $0x10  }
0xa6: {  	[tilespmem:$0x2890] =	vst v1  }
0xa7: {  	v1 =	vld [tilespmem:s4+$0xFFFFFF40];
	_ =	sdelay $0x4  }
0xa8: {  	v1 =	vshrl.u32 v1, $0x10  }
0xa9: {  	[tilespmem:$0x28A0] =	vst v1  }
0xaa: {  	v1 =	vld [tilespmem:s4+$0xFFFFFF50];
	_ =	sdelay $0x4  }
0xab: {  	v1 =	vshrl.u32 v1, $0x10  }
0xac: {  	[tilespmem:$0x28B0] =	vst v1  }
0xad: {  	v1 =	vld [tilespmem:s4+$0xFFFFFF60];
	_ =	sdelay $0x4  }
0xae: {  	v1 =	vshrl.u32 v1, $0x10  }
0xaf: {  	[tilespmem:$0x28C0] =	vst v1  }
0xb0: {  	v1 =	vld [tilespmem:s4+$0xFFFFFF70];
	_ =	sdelay $0x4  }
0xb1: {  	v1 =	vshrl.u32 v1, $0x10  }
0xb2: {  	[tilespmem:$0x28D0] =	vst v1  }
0xb3: {  	v1 =	vld [tilespmem:s4+$0xFFFFFF80];
	_ =	sdelay $0x4  }
0xb4: {  	v1 =	vshrl.u32 v1, $0x10  }
0xb5: {  	[tilespmem:$0x28E0] =	vst v1  }
0xb6: {  	[spmem:s3] =	stream.indirect.scatter.add.f32 [tilespmem:s19], [sflag:$0x3], $0x80, s25, s20, $0xb8;
	[tilespmem:$0x1DA00] =	vst v63  }
0xb7: {  	_ =	swait.ge [sflag:s18], $0x3800  }
0xb8: {  	[sflag:s18] =	ssyncset.done $0x0  }
0xb9: {  	p0 =	seq.s32 s2, $0x25A0;
	[sflag:s18] =	ssyncadd.s32 $0xFFFFC800  }
0xba: {  	v1 =	vld @!p0 [tilespmem:s4+$0x0];
	_ =	sdelay $0x4  }
0xbb: {  	v1 =	vand.u32 @!p0 $0xFFFF, v1  }
0xbc: {  	[tilespmem:$0x2780] =	vst @!p0 v1  }
0xbd: {  	v1 =	vld @!p0 [tilespmem:s4+$0x10];
	_ =	sdelay $0x4  }
0xbe: {  	s16 =	sand.u32 @!p0 $0x3F80, s2;
	s17 =	sand.u32 @!p0 $0x60, s2;
	v1 =	vand.u32 @!p0 $0xFFFF, v1  }
0xbf: {  	s0 =	sor.u32 @!p0 s17, s16;
	[tilespmem:$0x2790] =	vst @!p0 v1  }
0xc0: {  	v1 =	vld @!p0 [tilespmem:s0+$0x100];
	_ =	sdelay $0x4  }
0xc1: {  	v1 =	vand.u32 @!p0 $0xFFFF, v1  }
0xc2: {  	[tilespmem:$0x27A0] =	vst @!p0 v1  }
0xc3: {  	v1 =	vld @!p0 [tilespmem:s4+$0x30];
	_ =	sdelay $0x4  }
0xc4: {  	v1 =	vand.u32 @!p0 $0xFFFF, v1  }
0xc5: {  	[tilespmem:$0x27B0] =	vst @!p0 v1  }
0xc6: {  	v1 =	vld @!p0 [tilespmem:s4+$0x40];
	_ =	sdelay $0x4  }
0xc7: {  	v1 =	vand.u32 @!p0 $0xFFFF, v1  }
0xc8: {  	[tilespmem:$0x27C0] =	vst @!p0 v1  }
0xc9: {  	v1 =	vld @!p0 [tilespmem:s4+$0x50];
	_ =	sdelay $0x4  }
0xca: {  	v1 =	vand.u32 @!p0 $0xFFFF, v1  }
0xcb: {  	[tilespmem:$0x27D0] =	vst @!p0 v1  }
0xcc: {  	v1 =	vld @!p0 [tilespmem:s4+$0x60];
	_ =	sdelay $0x4  }
0xcd: {  	v1 =	vand.u32 @!p0 $0xFFFF, v1  }
0xce: {  	s29 =	simm.s32 @!p0 $0x2780;
	s30 =	simm.s32 @!p0 $0x2A00;
	s0 =	simm.s32 @!p0 $0x70;
	[tilespmem:$0x27E0] =	vst @!p0 v1  }
0xcf: {  	[tilespmem:s30], [sflag:$0x1] =	stream.indirect.gather @!p0 [hbm4b:s1+s0], $0x80, s29, s0, $0xb8;
	[tilespmem:$0x1DA00] =	vst v63  }
0xd0: {  	_ =	swait.ge [sflag:s28], $0x3800  }
0xd1: {  	[sflag:s28] =	ssyncset.done $0x0  }
0xd2: {  	[sflag:s28] =	ssyncadd.s32 $0xFFFFC800  }
0xd3: {  	v1 =	vld [tilespmem:s4+$0xFFFFFF90];
	_ =	sdelay $0x4  }
0xd4: {  	s17 =	simm.s32 @p0 $0x20;
	s16 =	simm.s32 @p0 $0x2580;
	v1 =	vshrl.u32 v1, $0x10  }
0xd5: {  	s16 =	sadd.s32 s17, s16;
	[tilespmem:$0x2880] =	vst v1  }
0xd6: {  	v1 =	vld [tilespmem:s16+$0x80];
	_ =	sdelay $0x4  }
0xd7: {  	v1 =	vshrl.u32 v1, $0x10  }
0xd8: {  	[tilespmem:$0x2890] =	vst v1  }
0xd9: {  	v1 =	vld [tilespmem:s4+$0xFFFFFFB0];
	_ =	sdelay $0x4  }
0xda: {  	v1 =	vshrl.u32 v1, $0x10  }
0xdb: {  	[tilespmem:$0x28A0] =	vst v1  }
0xdc: {  	v1 =	vld [tilespmem:s4+$0xFFFFFFC0];
	_ =	sdelay $0x4  }
0xdd: {  	v1 =	vshrl.u32 v1, $0x10  }
0xde: {  	[tilespmem:$0x28B0] =	vst v1  }
0xdf: {  	v1 =	vld [tilespmem:s4+$0xFFFFFFD0];
	_ =	sdelay $0x4  }
0xe0: {  	v1 =	vshrl.u32 v1, $0x10  }
0xe1: {  	[tilespmem:$0x28C0] =	vst v1  }
0xe2: {  	v1 =	vld [tilespmem:s4+$0xFFFFFFE0];
	_ =	sdelay $0x4  }
0xe3: {  	v1 =	vshrl.u32 v1, $0x10  }
0xe4: {  	[tilespmem:$0x28D0] =	vst v1  }
0xe5: {  	v1 =	vld [tilespmem:s4+$0xFFFFFFF0];
	_ =	sdelay $0x4  }
0xe6: {  	v1 =	vshrl.u32 v1, $0x10  }
.Ltmp3:
0xe7: {  	[tilespmem:$0x28E0] =	vst v1;
	(pc) =	sbr.rel @p0 .LBB2_6-.Ltmp3, $4  }
0xe8: {  	[spmem:s3] =	stream.indirect.scatter.add.f32 [tilespmem:s23], [sflag:$0x3], $0x80, s25, s20, $0xb8;
	[tilespmem:$0x1DA00] =	vst v63  }
0xe9: {  	_ =	swait.ge [sflag:s18], $0x3800  }
0xea: {  	[sflag:s18] =	ssyncset.done $0x0  }
0xeb: {  	[sflag:s18] =	ssyncadd.s32 $0xFFFFC800  }
0xec: {  	v1 =	vld [tilespmem:s4+$0x70];
	_ =	sdelay $0x4  }
0xed: {  	v1 =	vand.u32 $0xFFFF, v1  }
0xee: {  	[tilespmem:$0x2800] =	vst v1  }
0xef: {  	v1 =	vld [tilespmem:s4+$0x80];
	_ =	sdelay $0x4  }
0xf0: {  	v1 =	vand.u32 $0xFFFF, v1  }
0xf1: {  	[tilespmem:$0x2810] =	vst v1  }
0xf2: {  	v1 =	vld [tilespmem:s4+$0x90];
	_ =	sdelay $0x4  }
0xf3: {  	v1 =	vand.u32 $0xFFFF, v1  }
0xf4: {  	[tilespmem:$0x2820] =	vst v1  }
0xf5: {  	v1 =	vld [tilespmem:s16+$0x180];
	_ =	sdelay $0x4  }
0xf6: {  	v1 =	vand.u32 $0xFFFF, v1  }
0xf7: {  	[tilespmem:$0x2830] =	vst v1  }
0xf8: {  	v1 =	vld [tilespmem:s4+$0xB0];
	_ =	sdelay $0x4  }
0xf9: {  	v1 =	vand.u32 $0xFFFF, v1  }
0xfa: {  	[tilespmem:$0x2840] =	vst v1  }
0xfb: {  	v1 =	vld [tilespmem:s4+$0xC0];
	_ =	sdelay $0x4  }
0xfc: {  	v1 =	vand.u32 $0xFFFF, v1  }
0xfd: {  	[tilespmem:$0x2850] =	vst v1  }
0xfe: {  	v1 =	vld [tilespmem:s4+$0xD0];
	_ =	sdelay $0x2  }
.Ltmp4:
0xff: {  	_ = 	snop;
	(pc) =	sbr.rel .LBB2_4-.Ltmp4, $4  }
0x100: {  	_ = 	snop  }
0x101: {  	v1 =	vand.u32 $0xFFFF, v1  }
0x102: {  	s2 =	sadd.s32 $0xE0, s2;
	s4 =	sadd.s32 $0xE0, s4;
	[tilespmem:$0x2860] =	vst v1  }
0x103: {  	[tilespmem:s23], [sflag:$0x2] =	stream.indirect.gather [hbm4b:s1+s20], $0x80, s22, s20, $0xb8;
	[tilespmem:$0x1DA00] =	vst v63  }
.LBB2_7:
0x104: {  	_ =	sfence.sel $0x180000  }
0x105: {  	[bflag:$0x0] =	sbarrier.arrive $0xFFFF  }
0x106: {  	_ =	strace $0x9000004A  }
0x107: {  	s0 =	stileid.u32;
	[bflag:$0x2] =	sbarrier.arrive $0xFFFF  }
0x108: {  	p0 =	sne.s32 s0, $0x0;
	s0 =	rddreg [dreg:$0x3]  }
0x109: {  	s0 =	sadd.s32 @!p0 $0x100000, s0  }
0x10a: {  	[sflag:s0] =	ssyncadd.tile.s32 @!p0 $0x1;
	_ =	shalt  }
.Lfunc_end2:
_tile_overlayer_lowered:
.L_overlay_start_2:
0x10b: {  	(tag) =	ssettag $0x2  }
0x10c: {  	s0 =	rddreg [dreg:$0x0];
	s2 =	stileid.u32  }
0x10d: {  	s1 =	rddreg [dreg:$0x1];
	p0 =	sne.s32 s2, $0x0  }
0x10e: {  	s3 =	rddreg [dreg:$0x2];
	[bflag:$0x3] =	sbarrier.arrive $0xFFFF;
	s2 =	simm.s32 @!p0 $0x1C03  }
0x10f: {  	[timem:s3], [sflag:s2] =	dma.local @!p0 [hbm:s0], s1  }
0x110: {  	s0 =	simm.s32 @!p0 $0x3  }
0x111: {  	_ =	swait.ge @!p0 [sflag:s0], s1  }
0x112: {  	s1 =	ssub.s32 @!p0 $0x0, s1;
	[sflag:s0] =	ssyncset.done @!p0 $0x0  }
0x113: {  	[sflag:s0] =	ssyncadd.s32 @!p0 s1  }
0x114: {  	[bflag:$0x3] =	sbarrier.arrive $0xFFFF  }
0x115: {  	_ =	shalt  }

// kernel: kernel.14.cloned.1.call-start
scs
__scs_entry_jumppad:
0x0: {  	(pc) =	sbr.rel $0x88, $3  }
0x1: {  	(tag) =	ssettag $0x0;
	lr =	simm.s32 $0x1  }
0x2: {  	[smem:$0x3F9B] =	sst lr;
	_ =	strace $0xD0000000  }
0x3: {  	_ = 	snop  }
0x4: {  	_ = 	snop  }
0x5: {  	_ = 	snop  }
0x6: {  	_ = 	snop  }
0x7: {  	_ = 	snop  }
__scs_overlays_trampoline_lowered:
0x8: {  	[smem:$0x3FAA] =	sst s0  }
0x9: {  	[smem:$0x3FAB] =	sst s1  }
0xa: {  	[smem:$0x3FAC] =	sst s2  }
0xb: {  	[smem:$0x3FAD] =	sst s3  }
0xc: {  	[smem:$0x3FAE] =	sst s4  }
0xd: {  	[smem:$0x3FAF] =	sst s5  }
0xe: {  	[smem:$0x3FB0] =	sst s6  }
0xf: {  	[smem:$0x3FB1] =	sst s7  }
0x10: {  	[smem:$0x3FB2] =	sst s8  }
0x11: {  	[smem:$0x3FB3] =	sst s9;
	s0 =	simm.s32 @!p0 $0x0  }
0x12: {  	s1 =	sld [smem:$0x3F99];
	s0 =	simm.s32 @p0 $0x1  }
0x13: {  	[smem:$0x3FB4] =	sst s0;
	s0 =	simm.s32 @!p1 $0x0  }
0x14: {  	s2 =	sld [smem:$0x3F98];
	s0 =	simm.s32 @p1 $0x1  }
0x15: {  	[smem:$0x3FB5] =	sst s0;
	s0 =	simm.s32 @!p2 $0x0  }
0x16: {  	s3 =	sld [smem:$0x3FDB];
	s0 =	simm.s32 @p2 $0x1  }
0x17: {  	s4 =	simm.s32 $0x1BF5;
	[smem:$0x3FB7] =	sst s0  }
0x18: {  	s0 =	sld [smem:$0x3F9A];
	_ =	swait.ge [sflag:s4], $0x0  }
0x19: {  	s7 =	sld [smem:$0x3F9B]  }
0x1a: {  	s8 =	sadd.s32 $0xFFFFE003, lr  }
0x1b: {  	s9 =	sadd.s32 $0xFFFFFEF7, lr;
	s5 =	simm.s32 $0xFFFFFFFF;
	p2 =	slt.u32 s8, $0xFFFFF086  }
0x1c: {  	p1 =	slt.u32 s9, $0xF7A;
	s5 =	simm.s32 @!p2 $0x0  }
0x1d: {  	s5 =	simm.s32 @p1 $0x1;
	p0 =	seq.s32 s7, s2  }
0x1e: {  	s7 =	smul.u32 @!p0 $0xF7A, s2;
	p2 =	seq.s32 @!p0 s5, $0x0  }
0x1f: {  	s9 =	smul.u32 $0xF7A, s1;
	s8 =	simm.s32 @!p0 $0x1BF5;
	p2 =	por !p2, p0  }
0x20: {  	[sflag:s8] =	ssyncset.s32 @!p0 $0xFFFFF086;
	s6 =	sadd.s32 @!p0 s3, s7;
	s7 =	simm.s32 @!p0 $0x108  }
0x21: {  	s3 =	sadd.s32 s3, s9;
	s6 =	sadd.s32 @!p0 $0x88, s6;
	s7 =	simm.s32 @p2 $0x1082  }
0x22: {  	[simem:s7], [sflag:s8] =	dma.local @!p0 [hbm:s6], $0xF7A  }
0x23: {  	s9 =	sor.u32 $0xD0000000, s2;
	s6 =	simm.s32 $0x108;
	_ =	swait.ge @!p0 [sflag:s8], $0x0  }
0x24: {  	s3 =	sadd.s32 $0x88, s3;
	s6 =	simm.s32 @!p1 $0x1082;
	[sflag:s4] =	ssyncset.s32 $0xFFFFF086  }
0x25: {  	[simem:s6], [sflag:s4] =	dma.local [hbm:s3], $0xF7A  }
0x26: {  	[smem:$0x3F9B] =	sst s1;
	(tag) =	ssettag s2;
	_ =	strace s9  }
0x27: {  	s1 =	sld [smem:$0x3FAB]  }
0x28: {  	s2 =	sld [smem:$0x3FAC]  }
0x29: {  	s4 =	sld [smem:$0x3FAE]  }
0x2a: {  	p0 =	seq.s32 s5, $0x0;
	s5 =	sld [smem:$0x3FAF]  }
0x2b: {  	s6 =	sld [smem:$0x3FB0]  }
0x2c: {  	s7 =	sld [smem:$0x3FB1]  }
0x2d: {  	s3 =	simm.s32 $0x108;
	s8 =	sld [smem:$0x3FB2]  }
0x2e: {  	s3 =	simm.s32 @!p0 $0x1082;
	s9 =	sld [smem:$0x3FB3]  }
0x2f: {  	lr =	sadd.s32 s0, s3;
	s0 =	sld [smem:$0x3FAA]  }
0x30: {  	s3 =	sld [smem:$0x3FAD]  }
0x31: {  	[smem:$0x3FB6] =	sst s10  }
0x32: {  	s10 =	sld [smem:$0x3FB4];
	_ =	sdelay $0x3  }
0x33: {  	p0 =	seq.s32 s10, $0x1;
	s10 =	sld [smem:$0x3FB6];
	_ =	sdelay $0x3  }
0x34: {  	[smem:$0x3FB6] =	sst s10  }
0x35: {  	s10 =	sld [smem:$0x3FB5];
	_ =	sdelay $0x3  }
0x36: {  	p1 =	seq.s32 s10, $0x1;
	s10 =	sld [smem:$0x3FB6];
	_ =	sdelay $0x3  }
0x37: {  	[smem:$0x3FB6] =	sst s10  }
0x38: {  	s10 =	sld [smem:$0x3FB7]  }
0x39: {  	_ = 	snop;
	(pc) =	sbr.ind lr, $3  }
0x3a: {  	_ = 	snop  }
0x3b: {  	_ = 	snop  }
0x3c: {  	p2 =	seq.s32 s10, $0x1;
	s10 =	sld [smem:$0x3FB6]  }
0x3d: {  	_ =	shalt  }
0x3e: {  	_ =	shalt  }
0x3f: {  	_ =	shalt  }
0x40: {  	_ =	shalt  }
0x41: {  	_ =	shalt  }
0x42: {  	_ =	shalt  }
0x43: {  	_ =	shalt  }
0x44: {  	_ =	shalt  }
0x45: {  	_ =	shalt  }
0x46: {  	_ =	shalt  }
0x47: {  	_ =	shalt  }
0x48: {  	_ =	shalt  }
0x49: {  	_ =	shalt  }
0x4a: {  	_ =	shalt  }
0x4b: {  	_ =	shalt  }
0x4c: {  	_ =	shalt  }
0x4d: {  	_ =	shalt  }
0x4e: {  	_ =	shalt  }
0x4f: {  	_ =	shalt  }
0x50: {  	_ =	shalt  }
0x51: {  	_ =	shalt  }
0x52: {  	_ =	shalt  }
0x53: {  	_ =	shalt  }
0x54: {  	_ =	shalt  }
0x55: {  	_ =	shalt  }
0x56: {  	_ =	shalt  }
0x57: {  	_ =	shalt  }
0x58: {  	_ =	shalt  }
0x59: {  	_ =	shalt  }
0x5a: {  	_ =	shalt  }
0x5b: {  	_ =	shalt  }
0x5c: {  	_ =	shalt  }
0x5d: {  	_ =	shalt  }
0x5e: {  	_ =	shalt  }
0x5f: {  	_ =	shalt  }
0x60: {  	_ =	shalt  }
0x61: {  	_ =	shalt  }
0x62: {  	_ =	shalt  }
0x63: {  	_ =	shalt  }
0x64: {  	_ =	shalt  }
0x65: {  	_ =	shalt  }
0x66: {  	_ =	shalt  }
0x67: {  	_ =	shalt  }
0x68: {  	_ =	shalt  }
0x69: {  	_ =	shalt  }
0x6a: {  	_ =	shalt  }
0x6b: {  	_ =	shalt  }
0x6c: {  	_ =	shalt  }
0x6d: {  	_ =	shalt  }
0x6e: {  	_ =	shalt  }
0x6f: {  	_ =	shalt  }
0x70: {  	_ =	shalt  }
0x71: {  	_ =	shalt  }
0x72: {  	_ =	shalt  }
0x73: {  	_ =	shalt  }
0x74: {  	_ =	shalt  }
0x75: {  	_ =	shalt  }
0x76: {  	_ =	shalt  }
0x77: {  	_ =	shalt  }
0x78: {  	_ =	shalt  }
0x79: {  	_ =	shalt  }
0x7a: {  	_ =	shalt  }
0x7b: {  	_ =	shalt  }
0x7c: {  	_ =	shalt  }
0x7d: {  	_ =	shalt  }
0x7e: {  	_ =	shalt  }
0x7f: {  	_ =	shalt  }
0x80: {  	_ =	shalt  }
0x81: {  	_ =	shalt  }
0x82: {  	_ =	shalt  }
0x83: {  	_ =	shalt  }
0x84: {  	_ =	shalt  }
0x85: {  	_ =	shalt  }
0x86: {  	_ =	shalt  }
0x87: {  	_ =	shalt  }
.Lfunc_end0:
.L_simem_size_0:
called_computation.2_lowered:
.L_overlay_start_0:
0x88: {  	s2 =	sld [smem:$0x3FD9]  }
0x89: {  	s3 =	sld [smem:$0x3FFE];
	_ =	sdelay $0x1  }
0x8a: {  	s1 =	srdreg.scid  }
0x8b: {  	s0 =	sand.u32 $0x1, s1  }
0x8c: {  	s17 =	sshll.u32 s0, $0xA;
	s2 =	sadd.s32 s3, s2  }
0x8d: {  	s2 =	sadd.s32 s2, s17  }
0x8e: {  	[smem:$0x3FC2] =	sst s2  }
0x8f: {  	_ = 	snop  }
0x90: {  	s2 =	sld [smem:$0x3FD0];
	(tm) =	ssettm $0x1  }
0x91: {  	s18 =	sld [smem:$0x3FFB];
	_ =	sdelay $0x3  }
0x92: {  	_ =	strace s18  }
0x93: {  	s3 =	sld [smem:$0x3FFC];
	_ =	sdelay $0x3  }
0x94: {  	_ =	strace s3  }
0x95: {  	s3 =	sld [smem:$0x3FFD];
	_ =	sdelay $0x3  }
0x96: {  	_ =	strace s3  }
0x97: {  	_ =	strace $0x8FFFFFFF  }
0x98: {  	s19 =	sld [smem:$0x3FDB];
	_ =	sdelay $0x1  }
0x99: {  	s4 =	simm.s32 $_scs_section_size  }
0x9a: {  	s5 =	simm.s32 $_size__tile_overlayer_lowered;
	s6 =	simm.s32 $_tile_overlayer_lowered  }
0x9b: {  	s22 =	simm.s32 $0x1BFF;
	s21 =	sshll.u32 s6, $0x1;
	s3 =	sadd.s32 s4, s19  }
0x9c: {  	s7 =	simm.s32 $0x0;
	s20 =	sshll.u32 s5, $0x1;
	s5 =	sadd.s32 s21, s3  }
0x9d: {  	[timem:s7], [sflag:s22] =	dma.local [hbm:s5], s20  }
0x9e: {  	_ =	swait.ge [sflag:s22], s20  }
0x9f: {  	s4 =	ssub.s32 $0x0, s20;
	[sflag:s22] =	ssyncset.done $0x0  }
0xa0: {  	[sflag:s22] =	ssyncadd.s32 s4;
	_ =	sdelay $0x1  }
0xa1: {  	s23 =	simm.s32 $0x1B8B  }
0xa2: {  	_ =	swait.ge [sflag:s23], $0x1  }
0xa3: {  	[sflag:s23] =	ssyncset.done $0x0  }
0xa4: {  	s25 =	simm.s32 $0x1B8E;
	s24 =	sld [smem:$0x3FFE];
	[sflag:s23] =	ssyncadd.s32 $0xFFFFFFFF  }
0xa5: {  	s26 =	simm.s32 $execute0_lowered;
	[smem:$0x3FD2] =	sst s25  }
0xa6: {  	s5 =	sshll.u32 s26, $0x1;
	_ =	strace $0x8000004C;
	[dreg:$0x1] =	wrdreg $0xFFFFFFFF  }
0xa7: {  	s28 =	simm.s32 $_size_execute0_lowered;
	s3 =	sadd.s32 s3, s5;
	[dreg:$0x0] =	wrdreg $0x0  }
0xa8: {  	s5 =	sshll.u32 s28, $0x1;
	[dreg:$0x2] =	wrdreg s3  }
0xa9: {  	[dreg:$0x3] =	wrdreg s5  }
0xaa: {  	[dreg:$0x4] =	wrdreg $0xC0  }
0xab: {  	_ =	task [dreg:s7], $0x5FFFF  }
0xac: {  	[dreg:$0x1] =	wrdreg $0xFFFFFFFF  }
0xad: {  	[dreg:$0x0] =	wrdreg $0x60  }
0xae: {  	[dreg:$0x2] =	wrdreg s2  }
0xaf: {  	[dreg:$0x3] =	wrdreg s24  }
0xb0: {  	[dreg:$0x4] =	wrdreg $0x9A000  }
0xb1: {  	[dreg:$0x5] =	wrdreg $0x9  }
0xb2: {  	_ =	task.clear_ibuf [dreg:s7], $0x6FFFF;
	_ =	strace $0x9000004C  }
0xb3: {  	s29 =	simm.s32 $0x9;
	_ =	strace $0x8000004E  }
0xb4: {  	_ =	swait.ge [sflag:s29], $0x1  }
0xb5: {  	[sflag:s29] =	ssyncadd.s32 $0xFFFFFFFF  }
0xb6: {  	_ =	strace $0x9000004E  }
0xb7: {  	_ =	sfence  }
0xb8: {  	s30 =	sld [smem:$0x0];
	_ =	sdelay $0x2  }
0xb9: {  	s31 =	sshll.u32 s1, $0xD;
	s1 =	sshrl.u32 s1, $0x2  }
0xba: {  	s3 =	sand.u32 $0x4000, s31;
	s1 =	sadd.s32 s1, s30  }
0xbb: {  	s0 =	sor.u32 s3, s0;
	s1 =	sshll.u32 s1, $0x11  }
0xbc: {  	s0 =	sor.u32 s1, s0  }
0xbd: {  	s0 =	sadd.s32 $0x8F2B, s0  }
0xbe: {  	[sflag:s0] =	ssyncadd.remote.s32 $0x1  }
0xbf: {  	_ =	sfence.sel $0xFFFF  }
0xc0: {  	[dreg:$0x0] =	wrdreg $0xFFFFFFFF;
	(pc) =	sbr.abs _section_cstart, $3  }
0xc1: {  	[dreg:$0x1] =	wrdreg $0xFFFFFFFF  }
0xc2: {  	_ =	task.clear_ibuf [dreg:s7], $0x2FFFF;
	_ =	strace $0x9FFFFFFF  }
0xc3: {  	(tm) =	ssettm $0x7FFFFFFF  }
tec
execute0_lowered:
.L_overlay_start_1:
0x0: {  	(tag) =	ssettag $0x1  }
0x1: {  	s0 =	srdreg.scid  }
0x2: {  	s1 =	rddreg [dreg:$0x0];
	s24 =	stileid.u32  }
0x3: {  	s4 =	rddreg [dreg:$0x1];
	s8 =	simm.s32 $0x0;
	s18 =	simm.s32 $0x3  }
0x4: {  	s19 =	simm.s32 $0x2A00;
	s20 =	simm.s32 $0x70;
	s21 =	simm.s32 $0x2780  }
0x5: {  	s22 =	simm.s32 $0x2800;
	s23 =	simm.s32 $0x6200;
	s28 =	simm.s32 $0x2  }
0x6: {  	s31 =	simm.s32 $0x0;
	s2 =	sand.u32 $0x1, s0;
	s25 =	smul.u32 $0x14000, s24  }
0x7: {  	s6 =	sshll.u32 s24, $0x7;
	[smem:$0x7FF] =	sst s8;
	s29 =	smul.u32 $0x50000, s24  }
0x8: {  	s3 =	sshll.u32 s2, $0x4;
	s7 =	smul.u32 $0x140000, s2;
	s6 =	sand.u32 $0x380, s6  }
0x9: {  	s2 =	ssub.s32 $0x2, s2;
	s5 =	sor.u32 s24, s3;
	s3 =	rddreg [dreg:$0x2]  }
0xa: {  	_ =	strace $0x8000004D;
	s30 =	sshrl.u32 s2, $0x1;
	s5 =	sshrl.u32 s5, $0x3  }
0xb: {  	s24 =	simm.s32 $0x1;
	s26 =	sadd.s32 s25, s7;
	s5 =	smul.u32 $0x13C00, s5  }
0xc: {  	s7 =	sshrl.u32 s29, $0x2;
	s2 =	ssub.s32 s2, s30;
	s25 =	simm.s32 $0x2880  }
0xd: {  	s15 =	smax.u32 s2, $0x1;
	s5 =	sor.u32 s6, s5;
	s6 =	sshrl.u32 s26, $0x3  }
.Ltmp0:
0xe: {  	s26 =	simm.s32 $0x20;
	s5 =	sshrl.u32 s5, $0x3;
	(pc) =	sbr.rel .LBB2_1-.Ltmp0, $4  }
0xf: {  	s5 =	sadd.s32 s5, s4;
	s4 =	sadd.s32 s6, s4;
	s6 =	sadd.s32 s7, s3  }
0x10: {  	s5 =	sadd.s32 $0x2A00, s5;
	s7 =	sadd.s32 $0x2800, s6;
	s8 =	sadd.s32 $0x5000, s6  }
0x11: {  	s9 =	sadd.s32 $0x7800, s6;
	s10 =	sadd.s32 $0xA000, s6;
	s11 =	sadd.s32 $0xC800, s6  }
0x12: {  	v0 =	vimm.f32 $0.0e+00;
	s12 =	sadd.s32 $0xF000, s6;
	s13 =	sadd.s32 $0x11800, s6;
	s14 =	sadd.s32 $0xC800, s4  }
.LBB2_6:
0x13: {  	v1 =	vld [tilespmem:$0x2680]  }
0x14: {  	v2 =	vld [tilespmem:$0x2690]  }
0x15: {  	v3 =	vld [tilespmem:$0x26A0]  }
0x16: {  	v4 =	vld [tilespmem:$0x26B0]  }
0x17: {  	v5 =	vld [tilespmem:$0x26C0]  }
0x18: {  	v6 =	vld [tilespmem:$0x26D0];
	v1 =	vand.u32 $0xFFFF, v1  }
0x19: {  	[tilespmem:$0x2780] =	vst v1;
	v1 =	vand.u32 $0xFFFF, v2;
	v2 =	vld [tilespmem:$0x26E0]  }
0x1a: {  	[tilespmem:$0x2790] =	vst v1;
	v1 =	vand.u32 $0xFFFF, v3  }
0x1b: {  	[tilespmem:$0x27A0] =	vst v1;
	v1 =	vand.u32 $0xFFFF, v4  }
0x1c: {  	[tilespmem:$0x27B0] =	vst v1;
	v1 =	vand.u32 $0xFFFF, v5  }
0x1d: {  	[tilespmem:$0x27C0] =	vst v1;
	v1 =	vand.u32 $0xFFFF, v6  }
0x1e: {  	[tilespmem:$0x27D0] =	vst v1;
	v1 =	vand.u32 $0xFFFF, v2  }
0x1f: {  	[tilespmem:$0x27E0] =	vst v1  }
0x20: {  	[tilespmem:s19], [sflag:$0x1] =	stream.indirect.gather [hbm4b:s1+s20], $0x80, s21, s20, $0xb8;
	[tilespmem:$0x1DA00] =	vst v63  }
0x21: {  	_ =	swait.ge [sflag:s24], $0x3800  }
0x22: {  	[sflag:s24] =	ssyncset.done $0x0  }
0x23: {  	[sflag:s24] =	ssyncadd.s32 $0xFFFFC800  }
0x24: {  	v1 =	vld [tilespmem:$0x2680]  }
0x25: {  	v2 =	vld [tilespmem:$0x2690]  }
0x26: {  	v3 =	vld [tilespmem:$0x26A0]  }
0x27: {  	v61 =	vld [tilespmem:$0x26B0]  }
0x28: {  	v62 =	vld [tilespmem:$0x26C0]  }
0x29: {  	v63 =	vld [tilespmem:$0x26D0];
	v1 =	vshrl.u32 v1, $0x10  }
0x2a: {  	[tilespmem:$0x2880] =	vst v1;
	v1 =	vshrl.u32 v2, $0x10;
	v2 =	vld [tilespmem:$0x26E0]  }
0x2b: {  	[tilespmem:$0x2890] =	vst v1;
	v1 =	vshrl.u32 v3, $0x10  }
0x2c: {  	[tilespmem:$0x28A0] =	vst v1;
	v1 =	vshrl.u32 v61, $0x10  }
0x2d: {  	[tilespmem:$0x28B0] =	vst v1;
	v1 =	vshrl.u32 v62, $0x10  }
0x2e: {  	[tilespmem:$0x28C0] =	vst v1;
	v1 =	vshrl.u32 v63, $0x10  }
0x2f: {  	[tilespmem:$0x28D0] =	vst v1;
	v1 =	vshrl.u32 v2, $0x10  }
0x30: {  	[tilespmem:$0x28E0] =	vst v1  }
0x31: {  	[spmem:s3] =	stream.indirect.scatter.add.f32 [tilespmem:s19], [sflag:$0x3], $0x80, s25, s20, $0xb8;
	[tilespmem:$0x1DA00] =	vst v63  }
0x32: {  	_ =	swait.ge [sflag:s18], $0x3800  }
0x33: {  	[sflag:s18] =	ssyncset.done $0x0  }
0x34: {  	[sflag:s18] =	ssyncadd.s32 $0xFFFFC800  }
0x35: {  	v1 =	vld [tilespmem:$0x26F0]  }
0x36: {  	v2 =	vld [tilespmem:$0x2700];
	_ =	sdelay $0x3  }
0x37: {  	v1 =	vand.u32 $0xFFFF, v1  }
0x38: {  	[tilespmem:$0x2900] =	vst v1;
	v1 =	vand.u32 $0xFFFF, v2  }
0x39: {  	s0 =	simm.s32 $0x2900;
	[tilespmem:$0x2910] =	vst v1  }
0x3a: {  	[tilespmem:s23], [sflag:$0x2] =	stream.indirect.gather [hbm4b:s1+s26], $0x80, s0, s26, $0xb8;
	[tilespmem:$0x1DA00] =	vst v63  }
0x3b: {  	_ =	swait.ge [sflag:s28], $0x1000  }
0x3c: {  	[sflag:s28] =	ssyncset.done $0x0  }
0x3d: {  	[sflag:s28] =	ssyncadd.s32 $0xFFFFF000  }
0x3e: {  	v1 =	vld [tilespmem:$0x26F0]  }
0x3f: {  	v2 =	vld [tilespmem:$0x2700];
	_ =	sdelay $0x3  }
0x40: {  	v1 =	vshrl.u32 v1, $0x10  }
0x41: {  	[tilespmem:$0x2980] =	vst v1;
	v1 =	vshrl.u32 v2, $0x10  }
0x42: {  	s29 =	simm.s32 $0x2980;
	[tilespmem:$0x2990] =	vst v1  }
0x43: {  	[spmem:s3] =	stream.indirect.scatter.add.f32 [tilespmem:s23], [sflag:$0x3], $0x80, s29, s26, $0xb8;
	[tilespmem:$0x1DA00] =	vst v63  }
0x44: {  	s30 =	stileid.u32;
	_ =	swait.ge [sflag:s18], $0x1000  }
0x45: {  	s2 =	sshrl.u32 s6, $0x3;
	s31 =	sadd.s32 $0x1, s31;
	[sflag:s18] =	ssyncset.done $0x0  }
0x46: {  	p0 =	sne.s32 s31, s15;
	s0 =	sshll.u32 s30, $0x6;
	[sflag:s18] =	ssyncadd.s32 $0xFFFFF000  }
.Ltmp1:
0x47: {  	s0 =	sor.u32 $0x1C03, s0;
	[bflag:$0x0] =	sbarrier.arrive $0xFFFF;
	(pc) =	sbr.rel @!p0 .LBB2_7-.Ltmp1, $4  }
0x48: {  	[hbm:s14], [sflag:s0] =	dma.local [spmem:s2], $0x2800  }
0x49: {  	_ =	swait.ge [sflag:s18], $0x2800  }
0x4a: {  	[sflag:s18] =	ssyncset.done $0x0  }
0x4b: {  	[sflag:s18] =	ssyncadd.s32 $0xFFFFD800  }
.LBB2_1:
0x4c: {  	s0 =	simm.s32 $0x0;
	s2 =	simm.s32 $0x80;
	s4 =	simm.s32 $0x400  }
0x4d: {  	[tilespmem:s0], [sflag:$0x3] =	stream.strided.gather [hbm4b:s5+s2], $0x2780, s4, s2, $0x38;
	[tilespmem:$0x1DA00] =	vst v63  }
0x4e: {  	_ =	swait.ge [sflag:s18], $0x2780  }
0x4f: {  	[sflag:s18] =	ssyncset.done $0x0  }
0x50: {  	s2 =	simm.s32 $0x0;
	s4 =	simm.s32 $0x200;
	[sflag:s18] =	ssyncadd.s32 $0xFFFFD880  }
.LBB2_2:
0x51: {  	p0 =	sne.s32 s4, $0x9E00;
	[tilespmem:s2+$0x2A70] =	vst v0  }
0x52: {  	[tilespmem:s2+$0x2A00] =	vst v0  }
0x53: {  	[tilespmem:s2+$0x2A10] =	vst v0  }
.Ltmp2:
0x54: {  	[tilespmem:s2+$0x2A20] =	vst v0;
	(pc) =	sbr.rel @p0 .LBB2_2-.Ltmp2, $4  }
0x55: {  	[tilespmem:s2+$0x2A30] =	vst v0  }
0x56: {  	[tilespmem:s2+$0x2A40] =	vst v0  }
0x57: {  	[tilespmem:s2+$0x2A50] =	vst v0  }
0x58: {  	[tilespmem:s2+$0x2A60] =	vst v0;
	s2 =	sshra.s32 s4, $0x2;
	s4 =	sadd.s32 $0x200, s4  }
0x59: {  	[tilespmem:s2+$0x2A70] =	vst v0  }
0x5a: {  	[tilespmem:s2+$0x2A00] =	vst v0  }
0x5b: {  	[tilespmem:s2+$0x2A10] =	vst v0  }
0x5c: {  	[tilespmem:s2+$0x2A20] =	vst v0  }
0x5d: {  	[tilespmem:s2+$0x2A30] =	vst v0  }
0x5e: {  	[tilespmem:s2+$0x2A40] =	vst v0  }
0x5f: {  	[tilespmem:s2+$0x2A50] =	vst v0  }
0x60: {  	[tilespmem:s2+$0x2A60] =	vst v0  }
0x61: {  	[spmem:s6] =	stream.linear.scatter [tilespmem:s19], [sflag:$0x3], $0x2800, $0x38;
	[tilespmem:$0x1DA00] =	vst v63  }
0x62: {  	_ =	swait.ge [sflag:s18], $0x2800  }
0x63: {  	[sflag:s18] =	ssyncset.done $0x0  }
0x64: {  	[sflag:s18] =	ssyncadd.s32 $0xFFFFD800  }
0x65: {  	[spmem:s7] =	stream.linear.scatter [tilespmem:s19], [sflag:$0x3], $0x2800, $0x38;
	[tilespmem:$0x1DA00] =	vst v63  }
0x66: {  	_ =	swait.ge [sflag:s18], $0x2800  }
0x67: {  	[sflag:s18] =	ssyncset.done $0x0  }
0x68: {  	[sflag:s18] =	ssyncadd.s32 $0xFFFFD800  }
0x69: {  	[spmem:s8] =	stream.linear.scatter [tilespmem:s19], [sflag:$0x3], $0x2800, $0x38;
	[tilespmem:$0x1DA00] =	vst v63  }
0x6a: {  	_ =	swait.ge [sflag:s18], $0x2800  }
0x6b: {  	[sflag:s18] =	ssyncset.done $0x0  }
0x6c: {  	[sflag:s18] =	ssyncadd.s32 $0xFFFFD800  }
0x6d: {  	[spmem:s9] =	stream.linear.scatter [tilespmem:s19], [sflag:$0x3], $0x2800, $0x38;
	[tilespmem:$0x1DA00] =	vst v63  }
0x6e: {  	_ =	swait.ge [sflag:s18], $0x2800  }
0x6f: {  	[sflag:s18] =	ssyncset.done $0x0  }
0x70: {  	[sflag:s18] =	ssyncadd.s32 $0xFFFFD800  }
0x71: {  	[spmem:s10] =	stream.linear.scatter [tilespmem:s19], [sflag:$0x3], $0x2800, $0x38;
	[tilespmem:$0x1DA00] =	vst v63  }
0x72: {  	_ =	swait.ge [sflag:s18], $0x2800  }
0x73: {  	[sflag:s18] =	ssyncset.done $0x0  }
0x74: {  	[sflag:s18] =	ssyncadd.s32 $0xFFFFD800  }
0x75: {  	[spmem:s11] =	stream.linear.scatter [tilespmem:s19], [sflag:$0x3], $0x2800, $0x38;
	[tilespmem:$0x1DA00] =	vst v63  }
0x76: {  	_ =	swait.ge [sflag:s18], $0x2800  }
0x77: {  	[sflag:s18] =	ssyncset.done $0x0  }
0x78: {  	[sflag:s18] =	ssyncadd.s32 $0xFFFFD800  }
0x79: {  	[spmem:s12] =	stream.linear.scatter [tilespmem:s19], [sflag:$0x3], $0x2800, $0x38;
	[tilespmem:$0x1DA00] =	vst v63  }
0x7a: {  	_ =	swait.ge [sflag:s18], $0x2800  }
0x7b: {  	[sflag:s18] =	ssyncset.done $0x0  }
0x7c: {  	[sflag:s18] =	ssyncadd.s32 $0xFFFFD800  }
0x7d: {  	[spmem:s13] =	stream.linear.scatter [tilespmem:s19], [sflag:$0x3], $0x2800, $0x38;
	[tilespmem:$0x1DA00] =	vst v63  }
0x7e: {  	_ =	swait.ge [sflag:s18], $0x2800  }
0x7f: {  	[sflag:s18] =	ssyncset.done $0x0  }
0x80: {  	[sflag:s18] =	ssyncadd.s32 $0xFFFFD800  }
0x81: {  	[bflag:$0x0] =	sbarrier.arrive $0xFFFF  }
0x82: {  	v1 =	vld [tilespmem:$0x0]  }
0x83: {  	v2 =	vld [tilespmem:$0x10]  }
0x84: {  	v3 =	vld [tilespmem:$0x20]  }
0x85: {  	v4 =	vld [tilespmem:$0x30]  }
0x86: {  	v5 =	vld [tilespmem:$0x40]  }
0x87: {  	v6 =	vld [tilespmem:$0x50];
	v1 =	vand.u32 $0xFFFF, v1  }
0x88: {  	[tilespmem:$0x2780] =	vst v1;
	v1 =	vand.u32 $0xFFFF, v2;
	v2 =	vld [tilespmem:$0x60]  }
0x89: {  	[tilespmem:$0x2790] =	vst v1;
	v1 =	vand.u32 $0xFFFF, v3  }
0x8a: {  	[tilespmem:$0x27A0] =	vst v1;
	v1 =	vand.u32 $0xFFFF, v4  }
0x8b: {  	[tilespmem:$0x27B0] =	vst v1;
	v1 =	vand.u32 $0xFFFF, v5  }
0x8c: {  	[tilespmem:$0x27C0] =	vst v1;
	v1 =	vand.u32 $0xFFFF, v6  }
0x8d: {  	[tilespmem:$0x27D0] =	vst v1;
	v1 =	vand.u32 $0xFFFF, v2  }
0x8e: {  	[tilespmem:$0x27E0] =	vst v1  }
0x8f: {  	[tilespmem:s19], [sflag:$0x1] =	stream.indirect.gather [hbm4b:s1+s20], $0x80, s21, s20, $0xb8;
	[tilespmem:$0x1DA00] =	vst v63  }
0x90: {  	v1 =	vld [tilespmem:$0x70]  }
0x91: {  	v2 =	vld [tilespmem:$0x80]  }
0x92: {  	v3 =	vld [tilespmem:$0x90]  }
0x93: {  	v61 =	vld [tilespmem:$0xA0]  }
0x94: {  	v62 =	vld [tilespmem:$0xB0]  }
0x95: {  	v63 =	vld [tilespmem:$0xC0];
	v1 =	vand.u32 $0xFFFF, v1  }
0x96: {  	[tilespmem:$0x2800] =	vst v1;
	v1 =	vand.u32 $0xFFFF, v2;
	v2 =	vld [tilespmem:$0xD0]  }
0x97: {  	[tilespmem:$0x2810] =	vst v1;
	v1 =	vand.u32 $0xFFFF, v3  }
0x98: {  	[tilespmem:$0x2820] =	vst v1;
	v1 =	vand.u32 $0xFFFF, v61  }
0x99: {  	[tilespmem:$0x2830] =	vst v1;
	v1 =	vand.u32 $0xFFFF, v62  }
0x9a: {  	[tilespmem:$0x2840] =	vst v1;
	v1 =	vand.u32 $0xFFFF, v63  }
0x9b: {  	[tilespmem:$0x2850] =	vst v1;
	v1 =	vand.u32 $0xFFFF, v2  }
0x9c: {  	s2 =	simm.s32 $0x0;
	s4 =	simm.s32 $0xE0;
	[tilespmem:$0x2860] =	vst v1  }
0x9d: {  	[tilespmem:s23], [sflag:$0x2] =	stream.indirect.gather [hbm4b:s1+s20], $0x80, s22, s20, $0xb8;
	[tilespmem:$0x1DA00] =	vst v63  }
.LBB2_4:
0x9e: {  	_ =	swait.ge [sflag:s24], $0x3800  }
0x9f: {  	[sflag:s24] =	ssyncset.done $0x0  }
0xa0: {  	[sflag:s24] =	ssyncadd.s32 $0xFFFFC800  }
0xa1: {  	v1 =	vld [tilespmem:s4+$0xFFFFFF20];
	_ =	sdelay $0x4  }
0xa2: {  	v1 =	vshrl.u32 v1, $0x10  }
0xa3: {  	[tilespmem:$0x2880] =	vst v1  }
0xa4: {  	v1 =	vld [tilespmem:s4+$0xFFFFFF30];
	_ =	sdelay $0x4  }
0xa5: {  	v1 =	vshrl.u32 v1, $0x10  }
0xa6: {  	[tilespmem:$0x2890] =	vst v1  }
0xa7: {  	v1 =	vld [tilespmem:s4+$0xFFFFFF40];
	_ =	sdelay $0x4  }
0xa8: {  	v1 =	vshrl.u32 v1, $0x10  }
0xa9: {  	[tilespmem:$0x28A0] =	vst v1  }
0xaa: {  	v1 =	vld [tilespmem:s4+$0xFFFFFF50];
	_ =	sdelay $0x4  }
0xab: {  	v1 =	vshrl.u32 v1, $0x10  }
0xac: {  	[tilespmem:$0x28B0] =	vst v1  }
0xad: {  	v1 =	vld [tilespmem:s4+$0xFFFFFF60];
	_ =	sdelay $0x4  }
0xae: {  	v1 =	vshrl.u32 v1, $0x10  }
0xaf: {  	[tilespmem:$0x28C0] =	vst v1  }
0xb0: {  	v1 =	vld [tilespmem:s4+$0xFFFFFF70];
	_ =	sdelay $0x4  }
0xb1: {  	v1 =	vshrl.u32 v1, $0x10  }
0xb2: {  	[tilespmem:$0x28D0] =	vst v1  }
0xb3: {  	v1 =	vld [tilespmem:s4+$0xFFFFFF80];
	_ =	sdelay $0x4  }
0xb4: {  	v1 =	vshrl.u32 v1, $0x10  }
0xb5: {  	[tilespmem:$0x28E0] =	vst v1  }
0xb6: {  	[spmem:s3] =	stream.indirect.scatter.add.f32 [tilespmem:s19], [sflag:$0x3], $0x80, s25, s20, $0xb8;
	[tilespmem:$0x1DA00] =	vst v63  }
0xb7: {  	_ =	swait.ge [sflag:s18], $0x3800  }
0xb8: {  	[sflag:s18] =	ssyncset.done $0x0  }
0xb9: {  	p0 =	seq.s32 s2, $0x25A0;
	[sflag:s18] =	ssyncadd.s32 $0xFFFFC800  }
0xba: {  	v1 =	vld @!p0 [tilespmem:s4+$0x0];
	_ =	sdelay $0x4  }
0xbb: {  	v1 =	vand.u32 @!p0 $0xFFFF, v1  }
0xbc: {  	[tilespmem:$0x2780] =	vst @!p0 v1  }
0xbd: {  	v1 =	vld @!p0 [tilespmem:s4+$0x10];
	_ =	sdelay $0x4  }
0xbe: {  	s16 =	sand.u32 @!p0 $0x3F80, s2;
	s17 =	sand.u32 @!p0 $0x60, s2;
	v1 =	vand.u32 @!p0 $0xFFFF, v1  }
0xbf: {  	s0 =	sor.u32 @!p0 s17, s16;
	[tilespmem:$0x2790] =	vst @!p0 v1  }
0xc0: {  	v1 =	vld @!p0 [tilespmem:s0+$0x100];
	_ =	sdelay $0x4  }
0xc1: {  	v1 =	vand.u32 @!p0 $0xFFFF, v1  }
0xc2: {  	[tilespmem:$0x27A0] =	vst @!p0 v1  }
0xc3: {  	v1 =	vld @!p0 [tilespmem:s4+$0x30];
	_ =	sdelay $0x4  }
0xc4: {  	v1 =	vand.u32 @!p0 $0xFFFF, v1  }
0xc5: {  	[tilespmem:$0x27B0] =	vst @!p0 v1  }
0xc6: {  	v1 =	vld @!p0 [tilespmem:s4+$0x40];
	_ =	sdelay $0x4  }
0xc7: {  	v1 =	vand.u32 @!p0 $0xFFFF, v1  }
0xc8: {  	[tilespmem:$0x27C0] =	vst @!p0 v1  }
0xc9: {  	v1 =	vld @!p0 [tilespmem:s4+$0x50];
	_ =	sdelay $0x4  }
0xca: {  	v1 =	vand.u32 @!p0 $0xFFFF, v1  }
0xcb: {  	[tilespmem:$0x27D0] =	vst @!p0 v1  }
0xcc: {  	v1 =	vld @!p0 [tilespmem:s4+$0x60];
	_ =	sdelay $0x4  }
0xcd: {  	v1 =	vand.u32 @!p0 $0xFFFF, v1  }
0xce: {  	s29 =	simm.s32 @!p0 $0x2780;
	s30 =	simm.s32 @!p0 $0x2A00;
	s0 =	simm.s32 @!p0 $0x70;
	[tilespmem:$0x27E0] =	vst @!p0 v1  }
0xcf: {  	[tilespmem:s30], [sflag:$0x1] =	stream.indirect.gather @!p0 [hbm4b:s1+s0], $0x80, s29, s0, $0xb8;
	[tilespmem:$0x1DA00] =	vst v63  }
0xd0: {  	_ =	swait.ge [sflag:s28], $0x3800  }
0xd1: {  	[sflag:s28] =	ssyncset.done $0x0  }
0xd2: {  	[sflag:s28] =	ssyncadd.s32 $0xFFFFC800  }
0xd3: {  	v1 =	vld [tilespmem:s4+$0xFFFFFF90];
	_ =	sdelay $0x4  }
0xd4: {  	s17 =	simm.s32 @p0 $0x20;
	s16 =	simm.s32 @p0 $0x2580;
	v1 =	vshrl.u32 v1, $0x10  }
0xd5: {  	s16 =	sadd.s32 s17, s16;
	[tilespmem:$0x2880] =	vst v1  }
0xd6: {  	v1 =	vld [tilespmem:s16+$0x80];
	_ =	sdelay $0x4  }
0xd7: {  	v1 =	vshrl.u32 v1, $0x10  }
0xd8: {  	[tilespmem:$0x2890] =	vst v1  }
0xd9: {  	v1 =	vld [tilespmem:s4+$0xFFFFFFB0];
	_ =	sdelay $0x4  }
0xda: {  	v1 =	vshrl.u32 v1, $0x10  }
0xdb: {  	[tilespmem:$0x28A0] =	vst v1  }
0xdc: {  	v1 =	vld [tilespmem:s4+$0xFFFFFFC0];
	_ =	sdelay $0x4  }
0xdd: {  	v1 =	vshrl.u32 v1, $0x10  }
0xde: {  	[tilespmem:$0x28B0] =	vst v1  }
0xdf: {  	v1 =	vld [tilespmem:s4+$0xFFFFFFD0];
	_ =	sdelay $0x4  }
0xe0: {  	v1 =	vshrl.u32 v1, $0x10  }
0xe1: {  	[tilespmem:$0x28C0] =	vst v1  }
0xe2: {  	v1 =	vld [tilespmem:s4+$0xFFFFFFE0];
	_ =	sdelay $0x4  }
0xe3: {  	v1 =	vshrl.u32 v1, $0x10  }
0xe4: {  	[tilespmem:$0x28D0] =	vst v1  }
0xe5: {  	v1 =	vld [tilespmem:s4+$0xFFFFFFF0];
	_ =	sdelay $0x4  }
0xe6: {  	v1 =	vshrl.u32 v1, $0x10  }
.Ltmp3:
0xe7: {  	[tilespmem:$0x28E0] =	vst v1;
	(pc) =	sbr.rel @p0 .LBB2_6-.Ltmp3, $4  }
0xe8: {  	[spmem:s3] =	stream.indirect.scatter.add.f32 [tilespmem:s23], [sflag:$0x3], $0x80, s25, s20, $0xb8;
	[tilespmem:$0x1DA00] =	vst v63  }
0xe9: {  	_ =	swait.ge [sflag:s18], $0x3800  }
0xea: {  	[sflag:s18] =	ssyncset.done $0x0  }
0xeb: {  	[sflag:s18] =	ssyncadd.s32 $0xFFFFC800  }
0xec: {  	v1 =	vld [tilespmem:s4+$0x70];
	_ =	sdelay $0x4  }
0xed: {  	v1 =	vand.u32 $0xFFFF, v1  }
0xee: {  	[tilespmem:$0x2800] =	vst v1  }
0xef: {  	v1 =	vld [tilespmem:s4+$0x80];
	_ =	sdelay $0x4  }
0xf0: {  	v1 =	vand.u32 $0xFFFF, v1  }
0xf1: {  	[tilespmem:$0x2810] =	vst v1  }
0xf2: {  	v1 =	vld [tilespmem:s4+$0x90];
	_ =	sdelay $0x4  }
0xf3: {  	v1 =	vand.u32 $0xFFFF, v1  }
0xf4: {  	[tilespmem:$0x2820] =	vst v1  }
0xf5: {  	v1 =	vld [tilespmem:s16+$0x180];
	_ =	sdelay $0x4  }
0xf6: {  	v1 =	vand.u32 $0xFFFF, v1  }
0xf7: {  	[tilespmem:$0x2830] =	vst v1  }
0xf8: {  	v1 =	vld [tilespmem:s4+$0xB0];
	_ =	sdelay $0x4  }
0xf9: {  	v1 =	vand.u32 $0xFFFF, v1  }
0xfa: {  	[tilespmem:$0x2840] =	vst v1  }
0xfb: {  	v1 =	vld [tilespmem:s4+$0xC0];
	_ =	sdelay $0x4  }
0xfc: {  	v1 =	vand.u32 $0xFFFF, v1  }
0xfd: {  	[tilespmem:$0x2850] =	vst v1  }
0xfe: {  	v1 =	vld [tilespmem:s4+$0xD0];
	_ =	sdelay $0x2  }
.Ltmp4:
0xff: {  	_ = 	snop;
	(pc) =	sbr.rel .LBB2_4-.Ltmp4, $4  }
0x100: {  	_ = 	snop  }
0x101: {  	v1 =	vand.u32 $0xFFFF, v1  }
0x102: {  	s2 =	sadd.s32 $0xE0, s2;
	s4 =	sadd.s32 $0xE0, s4;
	[tilespmem:$0x2860] =	vst v1  }
0x103: {  	[tilespmem:s23], [sflag:$0x2] =	stream.indirect.gather [hbm4b:s1+s20], $0x80, s22, s20, $0xb8;
	[tilespmem:$0x1DA00] =	vst v63  }
.LBB2_7:
0x104: {  	_ =	sfence.sel $0x180000  }
0x105: {  	[bflag:$0x0] =	sbarrier.arrive $0xFFFF  }
0x106: {  	_ =	strace $0x9000004D  }
0x107: {  	s0 =	stileid.u32;
	[bflag:$0x2] =	sbarrier.arrive $0xFFFF  }
0x108: {  	p0 =	sne.s32 s0, $0x0;
	s0 =	rddreg [dreg:$0x3]  }
0x109: {  	s0 =	sadd.s32 @!p0 $0x100000, s0  }
0x10a: {  	[sflag:s0] =	ssyncadd.tile.s32 @!p0 $0x1;
	_ =	shalt  }
.Lfunc_end2:
_tile_overlayer_lowered:
.L_overlay_start_2:
0x10b: {  	(tag) =	ssettag $0x2  }
0x10c: {  	s0 =	rddreg [dreg:$0x0];
	s2 =	stileid.u32  }
0x10d: {  	s1 =	rddreg [dreg:$0x1];
	p0 =	sne.s32 s2, $0x0  }
0x10e: {  	s3 =	rddreg [dreg:$0x2];
	[bflag:$0x3] =	sbarrier.arrive $0xFFFF;
	s2 =	simm.s32 @!p0 $0x1C03  }
0x10f: {  	[timem:s3], [sflag:s2] =	dma.local @!p0 [hbm:s0], s1  }
0x110: {  	s0 =	simm.s32 @!p0 $0x3  }
0x111: {  	_ =	swait.ge @!p0 [sflag:s0], s1  }
0x112: {  	s1 =	ssub.s32 @!p0 $0x0, s1;
	[sflag:s0] =	ssyncset.done @!p0 $0x0  }
0x113: {  	[sflag:s0] =	ssyncadd.s32 @!p0 s1  }
0x114: {  	[bflag:$0x3] =	sbarrier.arrive $0xFFFF  }
0x115: {  	_ =	shalt  }

// kernel: kernel.8.cloned.1.call-start
scs
__scs_entry_jumppad:
0x0: {  	(pc) =	sbr.rel $0x88, $3  }
0x1: {  	(tag) =	ssettag $0x0;
	lr =	simm.s32 $0x1  }
0x2: {  	[smem:$0x3F9B] =	sst lr;
	_ =	strace $0xD0000000  }
0x3: {  	_ = 	snop  }
0x4: {  	_ = 	snop  }
0x5: {  	_ = 	snop  }
0x6: {  	_ = 	snop  }
0x7: {  	_ = 	snop  }
__scs_overlays_trampoline_lowered:
0x8: {  	[smem:$0x3FAA] =	sst s0  }
0x9: {  	[smem:$0x3FAB] =	sst s1  }
0xa: {  	[smem:$0x3FAC] =	sst s2  }
0xb: {  	[smem:$0x3FAD] =	sst s3  }
0xc: {  	[smem:$0x3FAE] =	sst s4  }
0xd: {  	[smem:$0x3FAF] =	sst s5  }
0xe: {  	[smem:$0x3FB0] =	sst s6  }
0xf: {  	[smem:$0x3FB1] =	sst s7  }
0x10: {  	[smem:$0x3FB2] =	sst s8  }
0x11: {  	[smem:$0x3FB3] =	sst s9;
	s0 =	simm.s32 @!p0 $0x0  }
0x12: {  	s1 =	sld [smem:$0x3F99];
	s0 =	simm.s32 @p0 $0x1  }
0x13: {  	[smem:$0x3FB4] =	sst s0;
	s0 =	simm.s32 @!p1 $0x0  }
0x14: {  	s2 =	sld [smem:$0x3F98];
	s0 =	simm.s32 @p1 $0x1  }
0x15: {  	[smem:$0x3FB5] =	sst s0;
	s0 =	simm.s32 @!p2 $0x0  }
0x16: {  	s3 =	sld [smem:$0x3FDB];
	s0 =	simm.s32 @p2 $0x1  }
0x17: {  	s4 =	simm.s32 $0x1BF5;
	[smem:$0x3FB7] =	sst s0  }
0x18: {  	s0 =	sld [smem:$0x3F9A];
	_ =	swait.ge [sflag:s4], $0x0  }
0x19: {  	s7 =	sld [smem:$0x3F9B]  }
0x1a: {  	s8 =	sadd.s32 $0xFFFFE003, lr  }
0x1b: {  	s9 =	sadd.s32 $0xFFFFFEF7, lr;
	s5 =	simm.s32 $0xFFFFFFFF;
	p2 =	slt.u32 s8, $0xFFFFF086  }
0x1c: {  	p1 =	slt.u32 s9, $0xF7A;
	s5 =	simm.s32 @!p2 $0x0  }
0x1d: {  	s5 =	simm.s32 @p1 $0x1;
	p0 =	seq.s32 s7, s2  }
0x1e: {  	s7 =	smul.u32 @!p0 $0xF7A, s2;
	p2 =	seq.s32 @!p0 s5, $0x0  }
0x1f: {  	s9 =	smul.u32 $0xF7A, s1;
	s8 =	simm.s32 @!p0 $0x1BF5;
	p2 =	por !p2, p0  }
0x20: {  	[sflag:s8] =	ssyncset.s32 @!p0 $0xFFFFF086;
	s6 =	sadd.s32 @!p0 s3, s7;
	s7 =	simm.s32 @!p0 $0x108  }
0x21: {  	s3 =	sadd.s32 s3, s9;
	s6 =	sadd.s32 @!p0 $0x88, s6;
	s7 =	simm.s32 @p2 $0x1082  }
0x22: {  	[simem:s7], [sflag:s8] =	dma.local @!p0 [hbm:s6], $0xF7A  }
0x23: {  	s9 =	sor.u32 $0xD0000000, s2;
	s6 =	simm.s32 $0x108;
	_ =	swait.ge @!p0 [sflag:s8], $0x0  }
0x24: {  	s3 =	sadd.s32 $0x88, s3;
	s6 =	simm.s32 @!p1 $0x1082;
	[sflag:s4] =	ssyncset.s32 $0xFFFFF086  }
0x25: {  	[simem:s6], [sflag:s4] =	dma.local [hbm:s3], $0xF7A  }
0x26: {  	[smem:$0x3F9B] =	sst s1;
	(tag) =	ssettag s2;
	_ =	strace s9  }
0x27: {  	s1 =	sld [smem:$0x3FAB]  }
0x28: {  	s2 =	sld [smem:$0x3FAC]  }
0x29: {  	s4 =	sld [smem:$0x3FAE]  }
0x2a: {  	p0 =	seq.s32 s5, $0x0;
	s5 =	sld [smem:$0x3FAF]  }
0x2b: {  	s6 =	sld [smem:$0x3FB0]  }
0x2c: {  	s7 =	sld [smem:$0x3FB1]  }
0x2d: {  	s3 =	simm.s32 $0x108;
	s8 =	sld [smem:$0x3FB2]  }
0x2e: {  	s3 =	simm.s32 @!p0 $0x1082;
	s9 =	sld [smem:$0x3FB3]  }
0x2f: {  	lr =	sadd.s32 s0, s3;
	s0 =	sld [smem:$0x3FAA]  }
0x30: {  	s3 =	sld [smem:$0x3FAD]  }
0x31: {  	[smem:$0x3FB6] =	sst s10  }
0x32: {  	s10 =	sld [smem:$0x3FB4];
	_ =	sdelay $0x3  }
0x33: {  	p0 =	seq.s32 s10, $0x1;
	s10 =	sld [smem:$0x3FB6];
	_ =	sdelay $0x3  }
0x34: {  	[smem:$0x3FB6] =	sst s10  }
0x35: {  	s10 =	sld [smem:$0x3FB5];
	_ =	sdelay $0x3  }
0x36: {  	p1 =	seq.s32 s10, $0x1;
	s10 =	sld [smem:$0x3FB6];
	_ =	sdelay $0x3  }
0x37: {  	[smem:$0x3FB6] =	sst s10  }
0x38: {  	s10 =	sld [smem:$0x3FB7]  }
0x39: {  	_ = 	snop;
	(pc) =	sbr.ind lr, $3  }
0x3a: {  	_ = 	snop  }
0x3b: {  	_ = 	snop  }
0x3c: {  	p2 =	seq.s32 s10, $0x1;
	s10 =	sld [smem:$0x3FB6]  }
0x3d: {  	_ =	shalt  }
0x3e: {  	_ =	shalt  }
0x3f: {  	_ =	shalt  }
0x40: {  	_ =	shalt  }
0x41: {  	_ =	shalt  }
0x42: {  	_ =	shalt  }
0x43: {  	_ =	shalt  }
0x44: {  	_ =	shalt  }
0x45: {  	_ =	shalt  }
0x46: {  	_ =	shalt  }
0x47: {  	_ =	shalt  }
0x48: {  	_ =	shalt  }
0x49: {  	_ =	shalt  }
0x4a: {  	_ =	shalt  }
0x4b: {  	_ =	shalt  }
0x4c: {  	_ =	shalt  }
0x4d: {  	_ =	shalt  }
0x4e: {  	_ =	shalt  }
0x4f: {  	_ =	shalt  }
0x50: {  	_ =	shalt  }
0x51: {  	_ =	shalt  }
0x52: {  	_ =	shalt  }
0x53: {  	_ =	shalt  }
0x54: {  	_ =	shalt  }
0x55: {  	_ =	shalt  }
0x56: {  	_ =	shalt  }
0x57: {  	_ =	shalt  }
0x58: {  	_ =	shalt  }
0x59: {  	_ =	shalt  }
0x5a: {  	_ =	shalt  }
0x5b: {  	_ =	shalt  }
0x5c: {  	_ =	shalt  }
0x5d: {  	_ =	shalt  }
0x5e: {  	_ =	shalt  }
0x5f: {  	_ =	shalt  }
0x60: {  	_ =	shalt  }
0x61: {  	_ =	shalt  }
0x62: {  	_ =	shalt  }
0x63: {  	_ =	shalt  }
0x64: {  	_ =	shalt  }
0x65: {  	_ =	shalt  }
0x66: {  	_ =	shalt  }
0x67: {  	_ =	shalt  }
0x68: {  	_ =	shalt  }
0x69: {  	_ =	shalt  }
0x6a: {  	_ =	shalt  }
0x6b: {  	_ =	shalt  }
0x6c: {  	_ =	shalt  }
0x6d: {  	_ =	shalt  }
0x6e: {  	_ =	shalt  }
0x6f: {  	_ =	shalt  }
0x70: {  	_ =	shalt  }
0x71: {  	_ =	shalt  }
0x72: {  	_ =	shalt  }
0x73: {  	_ =	shalt  }
0x74: {  	_ =	shalt  }
0x75: {  	_ =	shalt  }
0x76: {  	_ =	shalt  }
0x77: {  	_ =	shalt  }
0x78: {  	_ =	shalt  }
0x79: {  	_ =	shalt  }
0x7a: {  	_ =	shalt  }
0x7b: {  	_ =	shalt  }
0x7c: {  	_ =	shalt  }
0x7d: {  	_ =	shalt  }
0x7e: {  	_ =	shalt  }
0x7f: {  	_ =	shalt  }
0x80: {  	_ =	shalt  }
0x81: {  	_ =	shalt  }
0x82: {  	_ =	shalt  }
0x83: {  	_ =	shalt  }
0x84: {  	_ =	shalt  }
0x85: {  	_ =	shalt  }
0x86: {  	_ =	shalt  }
0x87: {  	_ =	shalt  }
.Lfunc_end0:
.L_simem_size_0:
called_computation_lowered:
.L_overlay_start_0:
0x88: {  	s2 =	sld [smem:$0x3FD9]  }
0x89: {  	s3 =	sld [smem:$0x3FFE];
	_ =	sdelay $0x1  }
0x8a: {  	s1 =	srdreg.scid  }
0x8b: {  	s0 =	sand.u32 $0x1, s1  }
0x8c: {  	s17 =	sshll.u32 s0, $0xA;
	s2 =	sadd.s32 s3, s2  }
0x8d: {  	s2 =	sadd.s32 s2, s17  }
0x8e: {  	[smem:$0x3FC2] =	sst s2  }
0x8f: {  	_ = 	snop  }
0x90: {  	s2 =	sld [smem:$0x3FD0];
	(tm) =	ssettm $0x1  }
0x91: {  	s18 =	sld [smem:$0x3FFB];
	_ =	sdelay $0x3  }
0x92: {  	_ =	strace s18  }
0x93: {  	s3 =	sld [smem:$0x3FFC];
	_ =	sdelay $0x3  }
0x94: {  	_ =	strace s3  }
0x95: {  	s3 =	sld [smem:$0x3FFD];
	_ =	sdelay $0x3  }
0x96: {  	_ =	strace s3  }
0x97: {  	_ =	strace $0x8FFFFFFF  }
0x98: {  	s19 =	sld [smem:$0x3FDB];
	_ =	sdelay $0x1  }
0x99: {  	s4 =	simm.s32 $_scs_section_size  }
0x9a: {  	s5 =	simm.s32 $_size__tile_overlayer_lowered;
	s6 =	simm.s32 $_tile_overlayer_lowered  }
0x9b: {  	s22 =	simm.s32 $0x1BFF;
	s21 =	sshll.u32 s6, $0x1;
	s3 =	sadd.s32 s4, s19  }
0x9c: {  	s7 =	simm.s32 $0x0;
	s20 =	sshll.u32 s5, $0x1;
	s5 =	sadd.s32 s21, s3  }
0x9d: {  	[timem:s7], [sflag:s22] =	dma.local [hbm:s5], s20  }
0x9e: {  	_ =	swait.ge [sflag:s22], s20  }
0x9f: {  	s4 =	ssub.s32 $0x0, s20;
	[sflag:s22] =	ssyncset.done $0x0  }
0xa0: {  	[sflag:s22] =	ssyncadd.s32 s4;
	_ =	sdelay $0x1  }
0xa1: {  	s23 =	simm.s32 $0x1B8B  }
0xa2: {  	_ =	swait.ge [sflag:s23], $0x1  }
0xa3: {  	[sflag:s23] =	ssyncset.done $0x0  }
0xa4: {  	s25 =	simm.s32 $0x1B8E;
	s24 =	sld [smem:$0x3FFE];
	[sflag:s23] =	ssyncadd.s32 $0xFFFFFFFF  }
0xa5: {  	s26 =	simm.s32 $execute0_lowered;
	[smem:$0x3FD2] =	sst s25  }
0xa6: {  	s5 =	sshll.u32 s26, $0x1;
	_ =	strace $0x80000046;
	[dreg:$0x1] =	wrdreg $0xFFFFFFFF  }
0xa7: {  	s28 =	simm.s32 $_size_execute0_lowered;
	s3 =	sadd.s32 s3, s5;
	[dreg:$0x0] =	wrdreg $0x0  }
0xa8: {  	s5 =	sshll.u32 s28, $0x1;
	[dreg:$0x2] =	wrdreg s3  }
0xa9: {  	[dreg:$0x3] =	wrdreg s5  }
0xaa: {  	[dreg:$0x4] =	wrdreg $0xC0  }
0xab: {  	_ =	task [dreg:s7], $0x5FFFF  }
0xac: {  	[dreg:$0x1] =	wrdreg $0xFFFFFFFF  }
0xad: {  	[dreg:$0x0] =	wrdreg $0x60  }
0xae: {  	[dreg:$0x2] =	wrdreg s2  }
0xaf: {  	[dreg:$0x3] =	wrdreg s24  }
0xb0: {  	[dreg:$0x4] =	wrdreg $0x7A000  }
0xb1: {  	[dreg:$0x5] =	wrdreg $0x9  }
0xb2: {  	_ =	task.clear_ibuf [dreg:s7], $0x6FFFF;
	_ =	strace $0x90000046  }
0xb3: {  	s29 =	simm.s32 $0x9;
	_ =	strace $0x80000048  }
0xb4: {  	_ =	swait.ge [sflag:s29], $0x1  }
0xb5: {  	[sflag:s29] =	ssyncadd.s32 $0xFFFFFFFF  }
0xb6: {  	_ =	strace $0x90000048  }
0xb7: {  	_ =	sfence  }
0xb8: {  	s30 =	sld [smem:$0x0];
	_ =	sdelay $0x2  }
0xb9: {  	s31 =	sshll.u32 s1, $0xD;
	s1 =	sshrl.u32 s1, $0x2  }
0xba: {  	s3 =	sand.u32 $0x4000, s31;
	s1 =	sadd.s32 s1, s30  }
0xbb: {  	s0 =	sor.u32 s3, s0;
	s1 =	sshll.u32 s1, $0x11  }
0xbc: {  	s0 =	sor.u32 s1, s0  }
0xbd: {  	s0 =	sadd.s32 $0x8F2B, s0  }
0xbe: {  	[sflag:s0] =	ssyncadd.remote.s32 $0x1  }
0xbf: {  	_ =	sfence.sel $0xFFFF  }
0xc0: {  	[dreg:$0x0] =	wrdreg $0xFFFFFFFF;
	(pc) =	sbr.abs _section_cstart, $3  }
0xc1: {  	[dreg:$0x1] =	wrdreg $0xFFFFFFFF  }
0xc2: {  	_ =	task.clear_ibuf [dreg:s7], $0x2FFFF;
	_ =	strace $0x9FFFFFFF  }
0xc3: {  	(tm) =	ssettm $0x7FFFFFFF  }
tec
execute0_lowered:
.L_overlay_start_1:
0x0: {  	(tag) =	ssettag $0x1  }
0x1: {  	s3 =	rddreg [dreg:$0x0]  }
0x2: {  	s4 =	rddreg [dreg:$0x1]  }
0x3: {  	s5 =	rddreg [dreg:$0x2]  }
0x4: {  	s2 =	srdreg.scid;
	s1 =	stileid.u32  }
0x5: {  	s0 =	rddreg [dreg:$0x3];
	s12 =	simm.s32 $0x1400;
	s13 =	simm.s32 $0x14000  }
0x6: {  	s14 =	simm.s32 $0x4F80;
	s15 =	simm.s32 $0x100;
	s16 =	simm.s32 $0x7780  }
0x7: {  	s17 =	simm.s32 $0x0;
	s6 =	sand.u32 $0x1, s2;
	s7 =	smul.u32 $0x500, s1  }
0x8: {  	s2 =	simm.s32 $0x0;
	s28 =	sshrl.u32 s1, $0x3;
	s29 =	sshll.u32 s1, $0x7  }
0x9: {  	s11 =	smul.u32 $0x5000, s1;
	s8 =	sshll.u32 s6, $0x7;
	s9 =	sshll.u32 s6, $0x4  }
0xa: {  	[smem:$0x7FF] =	sst s2;
	s6 =	ssub.s32 $0x2, s6;
	s25 =	sor.u32 s1, s9  }
0xb: {  	s7 =	sor.u32 s8, s7;
	_ =	strace $0x80000047;
	s8 =	sshrl.u32 s25, $0x3  }
0xc: {  	s10 =	sshrl.u32 s6, $0x1;
	s9 =	sand.u32 $0x380, s29;
	s26 =	smul.u32 $0x13C00, s8  }
0xd: {  	s31 =	sshrl.u32 s11, $0x2;
	s7 =	sshrl.u32 s7, $0x3;
	s8 =	smul.u32 $0x50000, s28  }
0xe: {  	s11 =	simm.s32 $0x2780;
	s10 =	ssub.s32 s6, s10;
	s7 =	sadd.s32 s7, s4  }
0xf: {  	s4 =	sor.u32 s9, s26;
	s30 =	sshrl.u32 s8, $0x2;
	s8 =	simm.s32 $0x80  }
0x10: {  	s4 =	sshrl.u32 s4, $0x3;
	s6 =	sadd.s32 s30, s5;
	s5 =	sadd.s32 s31, s5  }
0x11: {  	s3 =	sadd.s32 s3, s4;
	s4 =	sadd.s32 s9, s6;
	s6 =	sadd.s32 $0x2000, s7  }
0x12: {  	v0 =	vimm.f32 $0.0e+00;
	v1 =	vimm.f32 $1.000000000e+00;
	s7 =	smax.u32 s10, $0x1;
	s9 =	simm.s32 $0x400;
	s10 =	simm.s32 $0x1  }
.LBB2_1:
0x13: {  	[tilespmem:s2], [sflag:$0x1] =	stream.strided.gather [hbm4b:s3+s8], $0x2780, s9, s8, $0x38;
	[tilespmem:$0xA200] =	vst v63  }
0x14: {  	_ =	swait.ge [sflag:s10], $0x2780  }
0x15: {  	[sflag:s10] =	ssyncset.done $0x0  }
0x16: {  	s18 =	simm.s32 $0x0;
	[sflag:s10] =	ssyncadd.s32 $0xFFFFD880  }
.LBB2_2:
0x17: {  	p0 =	sne.s32 s18, $0x9FC0  }
.Ltmp0:
0x18: {  	_ = 	snop;
	(pc) =	sbr.rel @p0 .LBB2_2-.Ltmp0, $3  }
0x19: {  	_ =	sdelay $0x1  }
0x1a: {  	s19 =	sshra.s32 s18, $0x2  }
0x1b: {  	s18 =	sadd.s32 $0x40, s18;
	[tilespmem:s19+$0x2780] =	vst v0  }
0x1c: {  	s19 =	simm.s32 $0x0;
	s18 =	simm.s32 $0x40  }
.LBB2_4:
0x1d: {  	p0 =	sne.s32 s18, $0x9C00;
	v2 =	vld [tilespmem:s19+$0x0];
	_ =	sdelay $0x3  }
.Ltmp1:
0x1e: {  	(pc) =	sbr.rel @p0 .LBB2_4-.Ltmp1, $2  }
0x1f: {  	_ =	sdelay $0x2  }
0x20: {  	s19 =	sshra.s32 s18, $0x2;
	s18 =	sadd.s32 $0x40, s18;
	[tilespmem:v2+s11+$0x0] =	vst.idx.add.f32.msk $0xffff, v1  }
0x21: {  	v2 =	vld [tilespmem:s19+$0x0];
	_ =	sdelay $0x7  }
0x22: {  	[tilespmem:v2+s11+$0x0] =	vst.idx.add.f32.msk $0xffff, v1  }
0x23: {  	[spmem:s4] =	stream.strided.scatter [tilespmem:s11], [sflag:$0x1], $0x2800, s9, s8, $0x38;
	[tilespmem:$0xA200] =	vst v63  }
0x24: {  	_ =	swait.ge [sflag:s10], $0x2800  }
0x25: {  	[sflag:s10] =	ssyncset.done $0x0  }
0x26: {  	[sflag:s10] =	ssyncadd.s32 $0xFFFFD800  }
0x27: {  	[bflag:$0x0] =	sbarrier.arrive $0xFFFF  }
0x28: {  	[tilespmem:s14], [sflag:$0x1] =	stream.strided.gather [spmem:s5], $0x2800, s13, s12, $0x38;
	[tilespmem:$0xA200] =	vst v63  }
0x29: {  	s18 =	simm.s32 $0x0;
	_ =	swait.ge [sflag:s10], $0x2800  }
0x2a: {  	s30 =	sand.u32 $0x70, s18;
	s18 =	sand.u32 $0x1C00, s18;
	[sflag:s10] =	ssyncset.done $0x0  }
0x2b: {  	s18 =	sor.u32 s30, s18;
	[sflag:s10] =	ssyncadd.s32 $0xFFFFD800  }
0x2c: {  	v2 =	vld [tilespmem:s18+$0x5000]  }
0x2d: {  	v3 =	vld [tilespmem:s18+$0x4F80];
	_ =	sdelay $0x1  }
0x2e: {  	v4 =	vld [tilespmem:s18+$0x5080];
	_ =	sdelay $0x1  }
0x2f: {  	v5 =	vld [tilespmem:s18+$0x5100]  }
0x30: {  	v2 =	vadd.f32 v2, v3  }
0x31: {  	v3 =	vld [tilespmem:s18+$0x5180]  }
0x32: {  	v2 =	vadd.f32 v4, v2  }
0x33: {  	v56 =	vld [tilespmem:s18+$0x5200]  }
0x34: {  	v2 =	vadd.f32 v5, v2  }
0x35: {  	v57 =	vld [tilespmem:s18+$0x5280]  }
0x36: {  	v2 =	vadd.f32 v3, v2  }
0x37: {  	v3 =	vld [tilespmem:s18+$0x5300]  }
0x38: {  	v2 =	vadd.f32 v56, v2  }
0x39: {  	v58 =	vld [tilespmem:s18+$0x6380]  }
0x3a: {  	v2 =	vadd.f32 v57, v2  }
0x3b: {  	v59 =	vld [tilespmem:s18+$0x6400]  }
0x3c: {  	v2 =	vadd.f32 v3, v2  }
0x3d: {  	v3 =	vld [tilespmem:s18+$0x6480]  }
0x3e: {  	v2 =	vadd.f32 v58, v2  }
0x3f: {  	v60 =	vld [tilespmem:s18+$0x6500]  }
0x40: {  	v2 =	vadd.f32 v59, v2  }
0x41: {  	v61 =	vld [tilespmem:s18+$0x6580]  }
0x42: {  	v2 =	vadd.f32 v3, v2  }
0x43: {  	v3 =	vld [tilespmem:s18+$0x6600]  }
0x44: {  	v2 =	vadd.f32 v60, v2  }
0x45: {  	v62 =	vld [tilespmem:s18+$0x6680]  }
0x46: {  	v2 =	vadd.f32 v61, v2  }
0x47: {  	v63 =	vld [tilespmem:s18+$0x6700]  }
0x48: {  	v2 =	vadd.f32 v3, v2;
	_ =	sdelay $0x1  }
0x49: {  	v2 =	vadd.f32 v62, v2;
	_ =	sdelay $0x1  }
0x4a: {  	s31 =	simm.s32 $0x10;
	s20 =	simm.s32 $0x80;
	v2 =	vadd.f32 v63, v2  }
0x4b: {  	s19 =	sand.u32 $0x70, s31;
	s21 =	sand.u32 $0x1C00, s20;
	s18 =	simm.s32 $0x7780  }
0x4c: {  	s19 =	sor.u32 s19, s21;
	s21 =	simm.s32 $0x20;
	[tilespmem:s18+$0x0] =	vst v2  }
.LBB2_6:
0x4d: {  	p0 =	sne.s32 s21, $0x270;
	v2 =	vld [tilespmem:s19+$0x5000]  }
0x4e: {  	v3 =	vld [tilespmem:s19+$0x4F80];
	_ =	sdelay $0x1  }
0x4f: {  	v4 =	vld [tilespmem:s19+$0x5080];
	_ =	sdelay $0x1  }
0x50: {  	v5 =	vld [tilespmem:s19+$0x5100]  }
0x51: {  	v2 =	vadd.f32 v2, v3  }
0x52: {  	v3 =	vld [tilespmem:s19+$0x5180]  }
0x53: {  	v2 =	vadd.f32 v4, v2  }
0x54: {  	v4 =	vld [tilespmem:s19+$0x5200]  }
0x55: {  	v2 =	vadd.f32 v5, v2  }
0x56: {  	v5 =	vld [tilespmem:s19+$0x5280]  }
0x57: {  	v2 =	vadd.f32 v3, v2  }
0x58: {  	v3 =	vld [tilespmem:s19+$0x5300]  }
0x59: {  	v2 =	vadd.f32 v4, v2  }
0x5a: {  	v4 =	vld [tilespmem:s19+$0x6380]  }
0x5b: {  	v2 =	vadd.f32 v5, v2  }
0x5c: {  	v5 =	vld [tilespmem:s19+$0x6400]  }
0x5d: {  	v2 =	vadd.f32 v3, v2  }
0x5e: {  	v3 =	vld [tilespmem:s19+$0x6480]  }
0x5f: {  	v2 =	vadd.f32 v4, v2  }
0x60: {  	v4 =	vld [tilespmem:s19+$0x6500]  }
0x61: {  	v2 =	vadd.f32 v5, v2  }
0x62: {  	v5 =	vld [tilespmem:s19+$0x6580]  }
0x63: {  	v2 =	vadd.f32 v3, v2  }
0x64: {  	v3 =	vld [tilespmem:s19+$0x6600]  }
0x65: {  	v2 =	vadd.f32 v4, v2  }
0x66: {  	v4 =	vld [tilespmem:s19+$0x6680]  }
0x67: {  	v2 =	vadd.f32 v5, v2  }
0x68: {  	v5 =	vld [tilespmem:s19+$0x6700]  }
0x69: {  	v2 =	vadd.f32 v3, v2;
	_ =	sdelay $0x1  }
.Ltmp2:
0x6a: {  	v2 =	vadd.f32 v4, v2;
	(pc) =	sbr.rel @p0 .LBB2_6-.Ltmp2, $4  }
0x6b: {  	_ = 	snop  }
0x6c: {  	s20 =	sadd.s32 $0x80, s20;
	v2 =	vadd.f32 v5, v2  }
0x6d: {  	s18 =	sadd.s32 $0x10, s18;
	s22 =	sand.u32 $0x1C00, s20;
	s19 =	sand.u32 $0x70, s21  }
0x6e: {  	s21 =	sadd.s32 $0x10, s21;
	s19 =	sor.u32 s19, s22;
	[tilespmem:s18+$0x0] =	vst v2  }
0x6f: {  	v2 =	vld [tilespmem:s19+$0x5000]  }
0x70: {  	v3 =	vld [tilespmem:s19+$0x4F80];
	_ =	sdelay $0x1  }
0x71: {  	v4 =	vld [tilespmem:s19+$0x5080];
	_ =	sdelay $0x1  }
0x72: {  	v5 =	vld [tilespmem:s19+$0x5100]  }
0x73: {  	v2 =	vadd.f32 v2, v3  }
0x74: {  	v3 =	vld [tilespmem:s19+$0x5180]  }
0x75: {  	v2 =	vadd.f32 v4, v2  }
0x76: {  	v56 =	vld [tilespmem:s19+$0x5200]  }
0x77: {  	v2 =	vadd.f32 v5, v2  }
0x78: {  	v57 =	vld [tilespmem:s19+$0x5280]  }
0x79: {  	v2 =	vadd.f32 v3, v2  }
0x7a: {  	v3 =	vld [tilespmem:s19+$0x5300]  }
0x7b: {  	v2 =	vadd.f32 v56, v2  }
0x7c: {  	v58 =	vld [tilespmem:s19+$0x6380]  }
0x7d: {  	v2 =	vadd.f32 v57, v2  }
0x7e: {  	v59 =	vld [tilespmem:s19+$0x6400]  }
0x7f: {  	v2 =	vadd.f32 v3, v2  }
0x80: {  	v3 =	vld [tilespmem:s19+$0x6480]  }
0x81: {  	v2 =	vadd.f32 v58, v2  }
0x82: {  	v60 =	vld [tilespmem:s19+$0x6500]  }
0x83: {  	v2 =	vadd.f32 v59, v2  }
0x84: {  	v61 =	vld [tilespmem:s19+$0x6580]  }
0x85: {  	v2 =	vadd.f32 v3, v2  }
0x86: {  	v3 =	vld [tilespmem:s19+$0x6600]  }
0x87: {  	v2 =	vadd.f32 v60, v2  }
0x88: {  	v62 =	vld [tilespmem:s19+$0x6680]  }
0x89: {  	v2 =	vadd.f32 v61, v2  }
0x8a: {  	v63 =	vld [tilespmem:s19+$0x6700]  }
0x8b: {  	v2 =	vadd.f32 v3, v2;
	_ =	sdelay $0x1  }
0x8c: {  	v2 =	vadd.f32 v62, v2;
	_ =	sdelay $0x1  }
0x8d: {  	s17 =	sadd.s32 $0x1, s17;
	v2 =	vadd.f32 v63, v2  }
0x8e: {  	s18 =	sadd.s32 $0x10, s18;
	p0 =	sne.s32 s17, s7  }
.Ltmp3:
0x8f: {  	[tilespmem:s18+$0x0] =	vst v2;
	(pc) =	sbr.rel @p0 .LBB2_1-.Ltmp3, $4  }
0x90: {  	[hbm4b:s6+s8] =	stream.strided.scatter [tilespmem:s16], [sflag:$0x1], $0x280, s15, s8, $0x38;
	[tilespmem:$0xA200] =	vst v63  }
0x91: {  	_ =	swait.ge [sflag:s10], $0x280  }
0x92: {  	[sflag:s10] =	ssyncset.done $0x0  }
0x93: {  	[sflag:s10] =	ssyncadd.s32 $0xFFFFFD80  }
0x94: {  	_ =	sfence.sel $0x180000  }
0x95: {  	[bflag:$0x0] =	sbarrier.arrive $0xFFFF  }
0x96: {  	p0 =	sne.s32 s1, $0x0;
	_ =	strace $0x90000047  }
0x97: {  	s0 =	sadd.s32 @!p0 $0x100000, s0;
	[bflag:$0x2] =	sbarrier.arrive $0xFFFF  }
0x98: {  	[sflag:s0] =	ssyncadd.tile.s32 @!p0 $0x1;
	_ =	shalt  }
.Lfunc_end2:
_tile_overlayer_lowered:
.L_overlay_start_2:
0x99: {  	(tag) =	ssettag $0x2  }
0x9a: {  	s0 =	rddreg [dreg:$0x0];
	s2 =	stileid.u32  }
0x9b: {  	s1 =	rddreg [dreg:$0x1];
	p0 =	sne.s32 s2, $0x0  }
0x9c: {  	s3 =	rddreg [dreg:$0x2];
	[bflag:$0x3] =	sbarrier.arrive $0xFFFF;
	s2 =	simm.s32 @!p0 $0x1C01  }
0x9d: {  	[timem:s3], [sflag:s2] =	dma.local @!p0 [hbm:s0], s1  }
0x9e: {  	s0 =	simm.s32 @!p0 $0x1  }
0x9f: {  	_ =	swait.ge @!p0 [sflag:s0], s1  }
0xa0: {  	s1 =	ssub.s32 @!p0 $0x0, s1;
	[sflag:s0] =	ssyncset.done @!p0 $0x0  }
0xa1: {  	[sflag:s0] =	ssyncadd.s32 @!p0 s1  }
0xa2: {  	[bflag:$0x3] =	sbarrier.arrive $0xFFFF  }
0xa3: {  	_ =	shalt  }

</sc_bundles>
